<compile_context>
chip_gen: v7x
topology: tpu7x:2x2x1
jax: 0.10.2.dev20260603
libtpu: 0.0.44.dev20260713+nightly
codegen_flags: <defaults>
</compile_context>

<pallas_src>
import functools

import jax
import jax.numpy as jnp
from jax import lax
from jax.experimental import pallas as pl
from jax.experimental.pallas import tpu as pltpu
from jax.experimental.pallas import tpu_sc as plsc

N = 10000
E = 640000
D = 128
NLAYERS = 5
G = 64
NC, NS = 2, 16
NW = NC * NS
K = 128
EPW = 20480
EP = EPW * NW
NCHUNK = EPW // K
CH = 16
NGRP = NCHUNK // CH
AGG_ROWS = 10240
ZROWS = AGG_ROWS // NS

BR = 1000
RB = N // BR


def _sc_aggregate(h, srci, dsti, zrows):
    mesh = plsc.VectorSubcoreMesh(core_axis_name="c", subcore_axis_name="s")

    @functools.partial(
        pl.kernel,
        out_type=jax.ShapeDtypeStruct((NC, AGG_ROWS, D), jnp.float32),
        mesh=mesh,
        scratch_types=[
            pltpu.VMEM((CH, K), jnp.int32),
            pltpu.VMEM((CH, K), jnp.int32),
            pltpu.VMEM((K, D), jnp.float32),
            pltpu.VMEM_SHARED((AGG_ROWS, D), jnp.float32),
            pltpu.SemaphoreType.DMA,
        ],
    )
    def agg_kernel(h_hbm, srci_hbm, dsti_hbm, z_hbm, out_hbm,
                   srci_v, dsti_v, rows_v, agg_sh, sem):
        c = lax.axis_index("c")
        s = lax.axis_index("s")
        wid = c * NS + s

        pltpu.sync_copy(z_hbm, agg_sh.at[pl.ds(s * ZROWS, ZROWS)])
        plsc.subcore_barrier()

        def group(g, carry):
            pltpu.sync_copy(srci_hbm.at[wid].at[pl.ds(g * CH, CH)], srci_v)
            pltpu.sync_copy(dsti_hbm.at[wid].at[pl.ds(g * CH, CH)], dsti_v)

            def body(j, carry):
                pltpu.async_copy(h_hbm.at[srci_v.at[j]], rows_v, sem).wait()
                pltpu.sync_copy(rows_v, agg_sh.at[dsti_v.at[j]], add=True)
                return carry

            return lax.fori_loop(0, CH, body, carry)

        lax.fori_loop(0, NGRP, group, 0)
        plsc.subcore_barrier()

        pltpu.sync_copy(agg_sh.at[pl.ds(s * ZROWS, ZROWS)],
                        out_hbm.at[c].at[pl.ds(s * ZROWS, ZROWS)])

    return agg_kernel(h, srci, dsti, zrows)


def _mlp_kernel(h_ref, p0_ref, p1_ref, w1_ref, b1_ref, w2_ref, b2_ref,
                z_ref, st_ref):
    zin = h_ref[...] + p0_ref[...] + p1_ref[...]
    t = jnp.dot(zin, w1_ref[...], preferred_element_type=jnp.float32)
    t = jnp.maximum(t + b1_ref[...], 0.0)
    t = jnp.dot(t, w2_ref[...], preferred_element_type=jnp.float32)
    t = jnp.maximum(t + b2_ref[...], 0.0)
    z_ref[...] = t

    @pl.when(pl.program_id(0) == 0)
    def _():
        st_ref[...] = jnp.zeros_like(st_ref)

    su = jnp.sum(t, axis=0)
    ss = jnp.sum(t * t, axis=0)
    st_ref[...] += jnp.concatenate(
        [su[None, :], ss[None, :], jnp.zeros((6, D), jnp.float32)], axis=0)


def _mlp_pass(h, p0, p1, w1, b1, w2, b2):
    return pl.pallas_call(
        _mlp_kernel,
        grid=(RB,),
        in_specs=[
            pl.BlockSpec((BR, D), lambda r: (r, 0)),
            pl.BlockSpec((BR, D), lambda r: (r, 0)),
            pl.BlockSpec((BR, D), lambda r: (r, 0)),
            pl.BlockSpec((D, D), lambda r: (0, 0)),
            pl.BlockSpec((1, D), lambda r: (0, 0)),
            pl.BlockSpec((D, D), lambda r: (0, 0)),
            pl.BlockSpec((1, D), lambda r: (0, 0)),
        ],
        out_specs=[
            pl.BlockSpec((BR, D), lambda r: (r, 0)),
            pl.BlockSpec((8, D), lambda r: (0, 0)),
        ],
        out_shape=[
            jax.ShapeDtypeStruct((N, D), jnp.float32),
            jax.ShapeDtypeStruct((8, D), jnp.float32),
        ],
    )(h, p0, p1, w1, b1.reshape(1, D), w2, b2.reshape(1, D))


def _bn_kernel(residual, z_ref, st_ref, g_ref, be_ref, h_ref, o_ref):
    su = st_ref[0:1, :]
    ss = st_ref[1:2, :]
    mu = su * (1.0 / N)
    var = ss * (1.0 / N) - mu * mu
    zn = (z_ref[...] - mu) * lax.rsqrt(var + 1e-5) * g_ref[...] + be_ref[...]
    if residual:
        o_ref[...] = h_ref[...] + zn
    else:
        o_ref[...] = zn


def _bn_pass(z, st, gamma, beta, h, residual):
    return pl.pallas_call(
        functools.partial(_bn_kernel, residual),
        grid=(RB,),
        in_specs=[
            pl.BlockSpec((BR, D), lambda r: (r, 0)),
            pl.BlockSpec((8, D), lambda r: (0, 0)),
            pl.BlockSpec((1, D), lambda r: (0, 0)),
            pl.BlockSpec((1, D), lambda r: (0, 0)),
            pl.BlockSpec((BR, D), lambda r: (r, 0)),
        ],
        out_specs=pl.BlockSpec((BR, D), lambda r: (r, 0)),
        out_shape=jax.ShapeDtypeStruct((N, D), jnp.float32),
    )(z, st, gamma.reshape(1, D), beta.reshape(1, D), h)


def _pool_kernel(h_ref, b_ref, sum_ref, cnt_ref, max_ref):
    @pl.when(pl.program_id(0) == 0)
    def _():
        sum_ref[...] = jnp.zeros_like(sum_ref)
        cnt_ref[...] = jnp.zeros_like(cnt_ref)
        max_ref[...] = jnp.full_like(max_ref, -jnp.inf)

    hb = h_ref[...]
    bcol = b_ref[...]
    bmin = jnp.min(bcol)
    bmax = jnp.max(bcol)
    for g in range(G):
        @pl.when(jnp.logical_and(g >= bmin, g <= bmax))
        def _(g=g):
            rowmask = bcol == g
            msum = jnp.sum(jnp.where(rowmask, hb, 0.0), axis=0)
            mcnt = jnp.sum(jnp.where(rowmask, jnp.ones_like(hb), 0.0), axis=0)
            mmax = jnp.max(jnp.where(rowmask, hb, -jnp.inf), axis=0)
            sum_ref[g:g + 1, :] += msum[None, :]
            cnt_ref[g:g + 1, :] += mcnt[None, :]
            max_ref[g:g + 1, :] = jnp.maximum(max_ref[g:g + 1, :],
                                              mmax[None, :])


def _pool_pass(h, batch2):
    return pl.pallas_call(
        _pool_kernel,
        grid=(RB,),
        in_specs=[
            pl.BlockSpec((BR, D), lambda r: (r, 0)),
            pl.BlockSpec((BR, 1), lambda r: (r, 0)),
        ],
        out_specs=[
            pl.BlockSpec((G, D), lambda r: (0, 0)),
            pl.BlockSpec((G, D), lambda r: (0, 0)),
            pl.BlockSpec((G, D), lambda r: (0, 0)),
        ],
        out_shape=[
            jax.ShapeDtypeStruct((G, D), jnp.float32),
            jax.ShapeDtypeStruct((G, D), jnp.float32),
            jax.ShapeDtypeStruct((G, D), jnp.float32),
        ],
    )(h, batch2)


def _proj_kernel(sum_ref, cnt_ref, max_ref, wa_ref, wb_ref, bp_ref, o_ref):
    mean = sum_ref[...] / jnp.maximum(cnt_ref[...], 1.0)
    o_ref[...] = (jnp.dot(mean, wa_ref[...], preferred_element_type=jnp.float32)
                  + jnp.dot(max_ref[...], wb_ref[...],
                            preferred_element_type=jnp.float32)
                  + bp_ref[...])


def _proj_pass(seg_sum, seg_cnt, seg_max, Wp, bp):
    return pl.pallas_call(
        _proj_kernel,
        out_shape=jax.ShapeDtypeStruct((G, D), jnp.float32),
    )(seg_sum, seg_cnt, seg_max, Wp[:D], Wp[D:], bp.reshape(1, D))


def kernel(x, edge_index, batch, W1, b1, W2, b2, bn_gamma, bn_beta, Wp, bp):
    src = edge_index[0].astype(jnp.int32)
    dst = edge_index[1].astype(jnp.int32)
    pad = EP - E
    srci = jnp.concatenate([src, jnp.zeros((pad,), jnp.int32)]) \
        .reshape(NW, NCHUNK, K)
    dsti = jnp.concatenate([dst, jnp.full((pad,), N, jnp.int32)]) \
        .reshape(NW, NCHUNK, K)
    zrows = jnp.zeros((ZROWS, D), jnp.float32)
    batch2 = batch.astype(jnp.int32).reshape(N, 1)

    h = x
    for i in range(NLAYERS):
        parts = _sc_aggregate(h, srci, dsti, zrows)
        z, st = _mlp_pass(h, parts[0, :N], parts[1, :N],
                          W1[i], b1[i], W2[i], b2[i])
        h = _bn_pass(z, st, bn_gamma[i], bn_beta[i], h, residual=(i > 0))

    seg_sum, seg_cnt, seg_max = _pool_pass(h, batch2)
    return _proj_pass(seg_sum, seg_cnt, seg_max, Wp, bp)

# --- scband reference (transcript-rebuilt; emitter-appended) ---
"""Pipeline reference for scband-gindrug-encoder-1812476199544 (READ-ONLY COPY).

The authoritative reference and input builder live on the scoring server;
editing this copy changes nothing except your own understanding.
"""

import jax, jax.numpy as jnp
import numpy as np

N_NODES = 10000
N_EDGES = 640000
D = 128
L = 5
NUM_GRAPHS = 64
OUT_DIM = 128


def setup_inputs(seed: int = 0) -> dict:
    key = jax.random.key(seed)
    ks = jax.random.split(key, 12)
    x = jax.random.normal(ks[0], (N_NODES, D), dtype=jnp.float32)
    edge_index = jax.random.randint(ks[1], (2, N_EDGES), 0, N_NODES, dtype=jnp.int64 if jax.config.jax_enable_x64 else jnp.int32)
    batch = jnp.sort(jax.random.randint(ks[2], (N_NODES,), 0, NUM_GRAPHS, dtype=jnp.int64 if jax.config.jax_enable_x64 else jnp.int32))
    s1 = 1.0 / np.sqrt(D)
    W1 = jax.random.uniform(ks[3], (L, D, D), minval=-s1, maxval=s1, dtype=jnp.float32)
    b1 = jax.random.uniform(ks[4], (L, D), minval=-s1, maxval=s1, dtype=jnp.float32)
    W2 = jax.random.uniform(ks[5], (L, D, D), minval=-s1, maxval=s1, dtype=jnp.float32)
    b2 = jax.random.uniform(ks[6], (L, D), minval=-s1, maxval=s1, dtype=jnp.float32)
    bn_gamma = jnp.ones((L, D), dtype=jnp.float32)
    bn_beta = jnp.zeros((L, D), dtype=jnp.float32)
    s2 = 1.0 / np.sqrt(2 * D)
    Wp = jax.random.uniform(ks[7], (2 * D, OUT_DIM), minval=-s2, maxval=s2, dtype=jnp.float32)
    bp = jax.random.uniform(ks[8], (OUT_DIM,), minval=-s2, maxval=s2, dtype=jnp.float32)
    return {"x": x, "edge_index": edge_index, "batch": batch, "W1": W1, "b1": b1, "W2": W2, "b2": b2, "bn_gamma": bn_gamma, "bn_beta": bn_beta, "Wp": Wp, "bp": bp}


def reference(x, edge_index, batch, W1, b1, W2, b2, bn_gamma, bn_beta, Wp, bp):
    src = edge_index[0]
    dst = edge_index[1]
    h = x
    for i in range(L):
        # GINConv: mlp((1+eps)*x + sum_{j in N(i)} x_j), eps=0
        agg = jnp.zeros_like(h).at[dst].add(h[src])
        z = h + agg
        z = jnp.maximum(z @ W1[i] + b1[i], 0.0)
        z = z @ W2[i] + b2[i]
        z = jnp.maximum(z, 0.0)  # F.relu(gin_layer(...))
        # BatchNorm1d (train-mode batch statistics, biased var, eps=1e-5)
        mu = jnp.mean(z, axis=0)
        var = jnp.var(z, axis=0)
        z = (z - mu) / jnp.sqrt(var + 1e-5) * bn_gamma[i] + bn_beta[i]
        # dropout p=0.0 -> identity
        if i > 0 and h.shape[-1] == z.shape[-1]:
            h = h + z
        else:
            h = z
    seg_sum = jax.ops.segment_sum(h, batch, num_segments=NUM_GRAPHS)
    counts = jax.ops.segment_sum(jnp.ones((h.shape[0],), dtype=h.dtype), batch, num_segments=NUM_GRAPHS)
    mean_pool = seg_sum / jnp.maximum(counts, 1.0)[:, None]
    max_pool = jax.ops.segment_max(h, batch, num_segments=NUM_GRAPHS)
    combined = jnp.concatenate([mean_pool, max_pool], axis=1)
    return combined @ Wp + bp

if __name__ == "__main__":
    import jax
    _d = setup_inputs()
    print(jax.jit(kernel)(*tuple(_d.values())))

</pallas_src>

<mosaic_0001>
#map = affine_map<(d0, d1) -> (0, 0)>
#map1 = affine_map<(d0, d1) -> (0, 0, 0)>
module attributes {stable_mosaic.version = 14 : i64} {
  func.func @agg_kernel(%arg0: i32, %arg1: i32, %arg2: memref<10000x128xf32, #tpu.memory_space<hbm>>, %arg3: memref<32x160x128xi32, #tpu.memory_space<hbm>>, %arg4: memref<32x160x128xi32, #tpu.memory_space<hbm>>, %arg5: memref<640x128xf32, #tpu.memory_space<hbm>>, %arg6: memref<2x10240x128xf32, #tpu.memory_space<hbm>>, %arg7: memref<16x128xi32, #tpu.memory_space<vmem>>, %arg8: memref<16x128xi32, #tpu.memory_space<vmem>>, %arg9: memref<128x128xf32, #tpu.memory_space<vmem>>, %arg10: memref<10240x128xf32, #tpu.memory_space<vmem_shared>>, %arg11: memref<!tpu.dma_semaphore, #tpu.memory_space<semaphore_mem>>) attributes {dimension_semantics = [#tpu.dimension_semantics<core_parallel>, #tpu.dimension_semantics<subcore_parallel>], iteration_bounds = array<i64: 2, 16>, scalar_prefetch = 0 : i64, scratch_operands = 5 : i64, tpu.core_type = #tpu.core_type<sc_vector_subcore>, window_params = [{transform_indices = #map}, {transform_indices = #map1}, {transform_indices = #map1}, {transform_indices = #map}, {transform_indices = #map1}]} {
    %mul3A = arith.constant 16 : i32
    %mul3A_0 = arith.muli %arg0, %mul3A : i32
    %add3A = arith.addi %mul3A_0, %arg1 : i32
    %mul3A_1 = arith.constant 640 : i32
    %mul3A_2 = arith.muli %arg1, %mul3A_1 : i32
    "tpu.region"() ({
      %run_scoped3A = tpu.sem_alloc : memref<!tpu.dma_semaphore, #tpu.memory_space<semaphore_mem>>
      %dma_start3A = arith.constant 0 : i32
      %dma_start3A_13 = tpu.memref_slice %arg10[%mul3A_2, %dma_start3A] : memref<10240x128xf32, #tpu.memory_space<vmem_shared>> -> memref<640x128xf32, #tpu.memory_space<vmem_shared>>
      tpu.enqueue_dma source(%arg5 : memref<640x128xf32, #tpu.memory_space<hbm>>) target(%dma_start3A_13 : memref<640x128xf32, #tpu.memory_space<vmem_shared>>) target_semaphore(%run_scoped3A : memref<!tpu.dma_semaphore, #tpu.memory_space<semaphore_mem>>)
      %dma_wait3A = arith.constant 0 : i32
      %dma_wait3A_14 = tpu.memref_slice %arg10[%mul3A_2, %dma_wait3A] : memref<10240x128xf32, #tpu.memory_space<vmem_shared>> -> memref<640x128xf32, #tpu.memory_space<vmem_shared>>
      tpu.wait_dma2 semaphore(%run_scoped3A : memref<!tpu.dma_semaphore, #tpu.memory_space<semaphore_mem>>) src(%arg5 : memref<640x128xf32, #tpu.memory_space<hbm>>) dst(%dma_wait3A_14 : memref<640x128xf32, #tpu.memory_space<vmem_shared>>)
      tpu.yield
    }) : () -> ()
    %barrier3A = arith.constant 0 : index
    tpu.barrier barrier_id(%barrier3A)
    %scan3A = arith.constant 0 : i32
    %scan3A_3 = arith.constant 0 : i32
    %scan3A_4 = arith.constant 10 : i32
    %scan3A_5 = arith.addi %scan3A_3, %scan3A_4 : i32
    %scan3A_6 = arith.constant 1 : i32
    scf.for %scan3A_13 = %scan3A_3 to %scan3A_5 step %scan3A_6  : i32 {
      %mul3A_14 = arith.constant 16 : i32
      %mul3A_15 = arith.muli %scan3A_13, %mul3A_14 : i32
      "tpu.region"() ({
        %run_scoped3A = tpu.sem_alloc : memref<!tpu.dma_semaphore, #tpu.memory_space<semaphore_mem>>
        %dma_start3A = arith.constant 0 : i32
        %dma_start3A_23 = arith.constant 0 : i32
        %dma_start3A_24 = tpu.memref_slice %arg3[%add3A, %dma_start3A, %dma_start3A_23] : memref<32x160x128xi32, #tpu.memory_space<hbm>> -> memref<1x160x128xi32, #tpu.memory_space<hbm>>
        %dma_start3A_25 = tpu.memref_squeeze %dma_start3A_24 : memref<1x160x128xi32, #tpu.memory_space<hbm>> -> memref<160x128xi32, #tpu.memory_space<hbm>>
        %dma_start3A_26 = arith.constant 0 : i32
        %dma_start3A_27 = tpu.memref_slice %dma_start3A_25[%mul3A_15, %dma_start3A_26] : memref<160x128xi32, #tpu.memory_space<hbm>> -> memref<16x128xi32, #tpu.memory_space<hbm>>
        %dma_start3A_28 = arith.constant 0 : i32
        %dma_start3A_29 = arith.constant 0 : i32
        %dma_start3A_30 = tpu.memref_slice %arg3[%add3A, %dma_start3A_28, %dma_start3A_29] : memref<32x160x128xi32, #tpu.memory_space<hbm>> -> memref<1x160x128xi32, #tpu.memory_space<hbm>>
        %dma_start3A_31 = tpu.memref_squeeze %dma_start3A_30 : memref<1x160x128xi32, #tpu.memory_space<hbm>> -> memref<160x128xi32, #tpu.memory_space<hbm>>
        %dma_start3A_32 = arith.constant 0 : i32
        %dma_start3A_33 = tpu.memref_slice %dma_start3A_31[%mul3A_15, %dma_start3A_32] : memref<160x128xi32, #tpu.memory_space<hbm>> -> memref<16x128xi32, #tpu.memory_space<hbm>>
        tpu.enqueue_dma source(%dma_start3A_33 : memref<16x128xi32, #tpu.memory_space<hbm>>) target(%arg7 : memref<16x128xi32, #tpu.memory_space<vmem>>) target_semaphore(%run_scoped3A : memref<!tpu.dma_semaphore, #tpu.memory_space<semaphore_mem>>)
        %dma_wait3A = arith.constant 0 : i32
        %dma_wait3A_34 = arith.constant 0 : i32
        %dma_wait3A_35 = tpu.memref_slice %arg3[%add3A, %dma_wait3A, %dma_wait3A_34] : memref<32x160x128xi32, #tpu.memory_space<hbm>> -> memref<1x160x128xi32, #tpu.memory_space<hbm>>
        %dma_wait3A_36 = tpu.memref_squeeze %dma_wait3A_35 : memref<1x160x128xi32, #tpu.memory_space<hbm>> -> memref<160x128xi32, #tpu.memory_space<hbm>>
        %dma_wait3A_37 = arith.constant 0 : i32
        %dma_wait3A_38 = tpu.memref_slice %dma_wait3A_36[%mul3A_15, %dma_wait3A_37] : memref<160x128xi32, #tpu.memory_space<hbm>> -> memref<16x128xi32, #tpu.memory_space<hbm>>
        %dma_wait3A_39 = arith.constant 0 : i32
        %dma_wait3A_40 = arith.constant 0 : i32
        %dma_wait3A_41 = tpu.memref_slice %arg3[%add3A, %dma_wait3A_39, %dma_wait3A_40] : memref<32x160x128xi32, #tpu.memory_space<hbm>> -> memref<1x160x128xi32, #tpu.memory_space<hbm>>
        %dma_wait3A_42 = tpu.memref_squeeze %dma_wait3A_41 : memref<1x160x128xi32, #tpu.memory_space<hbm>> -> memref<160x128xi32, #tpu.memory_space<hbm>>
        %dma_wait3A_43 = arith.constant 0 : i32
        %dma_wait3A_44 = tpu.memref_slice %dma_wait3A_42[%mul3A_15, %dma_wait3A_43] : memref<160x128xi32, #tpu.memory_space<hbm>> -> memref<16x128xi32, #tpu.memory_space<hbm>>
        tpu.wait_dma2 semaphore(%run_scoped3A : memref<!tpu.dma_semaphore, #tpu.memory_space<semaphore_mem>>) src(%dma_wait3A_44 : memref<16x128xi32, #tpu.memory_space<hbm>>) dst(%arg7 : memref<16x128xi32, #tpu.memory_space<vmem>>)
        tpu.yield
      }) : () -> ()
      %mul3A_16 = arith.constant 16 : i32
      %mul3A_17 = arith.muli %scan3A_13, %mul3A_16 : i32
      "tpu.region"() ({
        %run_scoped3A = tpu.sem_alloc : memref<!tpu.dma_semaphore, #tpu.memory_space<semaphore_mem>>
        %dma_start3A = arith.constant 0 : i32
        %dma_start3A_23 = arith.constant 0 : i32
        %dma_start3A_24 = tpu.memref_slice %arg4[%add3A, %dma_start3A, %dma_start3A_23] : memref<32x160x128xi32, #tpu.memory_space<hbm>> -> memref<1x160x128xi32, #tpu.memory_space<hbm>>
        %dma_start3A_25 = tpu.memref_squeeze %dma_start3A_24 : memref<1x160x128xi32, #tpu.memory_space<hbm>> -> memref<160x128xi32, #tpu.memory_space<hbm>>
        %dma_start3A_26 = arith.constant 0 : i32
        %dma_start3A_27 = tpu.memref_slice %dma_start3A_25[%mul3A_17, %dma_start3A_26] : memref<160x128xi32, #tpu.memory_space<hbm>> -> memref<16x128xi32, #tpu.memory_space<hbm>>
        %dma_start3A_28 = arith.constant 0 : i32
        %dma_start3A_29 = arith.constant 0 : i32
        %dma_start3A_30 = tpu.memref_slice %arg4[%add3A, %dma_start3A_28, %dma_start3A_29] : memref<32x160x128xi32, #tpu.memory_space<hbm>> -> memref<1x160x128xi32, #tpu.memory_space<hbm>>
        %dma_start3A_31 = tpu.memref_squeeze %dma_start3A_30 : memref<1x160x128xi32, #tpu.memory_space<hbm>> -> memref<160x128xi32, #tpu.memory_space<hbm>>
        %dma_start3A_32 = arith.constant 0 : i32
        %dma_start3A_33 = tpu.memref_slice %dma_start3A_31[%mul3A_17, %dma_start3A_32] : memref<160x128xi32, #tpu.memory_space<hbm>> -> memref<16x128xi32, #tpu.memory_space<hbm>>
        tpu.enqueue_dma source(%dma_start3A_33 : memref<16x128xi32, #tpu.memory_space<hbm>>) target(%arg8 : memref<16x128xi32, #tpu.memory_space<vmem>>) target_semaphore(%run_scoped3A : memref<!tpu.dma_semaphore, #tpu.memory_space<semaphore_mem>>)
        %dma_wait3A = arith.constant 0 : i32
        %dma_wait3A_34 = arith.constant 0 : i32
        %dma_wait3A_35 = tpu.memref_slice %arg4[%add3A, %dma_wait3A, %dma_wait3A_34] : memref<32x160x128xi32, #tpu.memory_space<hbm>> -> memref<1x160x128xi32, #tpu.memory_space<hbm>>
        %dma_wait3A_36 = tpu.memref_squeeze %dma_wait3A_35 : memref<1x160x128xi32, #tpu.memory_space<hbm>> -> memref<160x128xi32, #tpu.memory_space<hbm>>
        %dma_wait3A_37 = arith.constant 0 : i32
        %dma_wait3A_38 = tpu.memref_slice %dma_wait3A_36[%mul3A_17, %dma_wait3A_37] : memref<160x128xi32, #tpu.memory_space<hbm>> -> memref<16x128xi32, #tpu.memory_space<hbm>>
        %dma_wait3A_39 = arith.constant 0 : i32
        %dma_wait3A_40 = arith.constant 0 : i32
        %dma_wait3A_41 = tpu.memref_slice %arg4[%add3A, %dma_wait3A_39, %dma_wait3A_40] : memref<32x160x128xi32, #tpu.memory_space<hbm>> -> memref<1x160x128xi32, #tpu.memory_space<hbm>>
        %dma_wait3A_42 = tpu.memref_squeeze %dma_wait3A_41 : memref<1x160x128xi32, #tpu.memory_space<hbm>> -> memref<160x128xi32, #tpu.memory_space<hbm>>
        %dma_wait3A_43 = arith.constant 0 : i32
        %dma_wait3A_44 = tpu.memref_slice %dma_wait3A_42[%mul3A_17, %dma_wait3A_43] : memref<160x128xi32, #tpu.memory_space<hbm>> -> memref<16x128xi32, #tpu.memory_space<hbm>>
        tpu.wait_dma2 semaphore(%run_scoped3A : memref<!tpu.dma_semaphore, #tpu.memory_space<semaphore_mem>>) src(%dma_wait3A_44 : memref<16x128xi32, #tpu.memory_space<hbm>>) dst(%arg8 : memref<16x128xi32, #tpu.memory_space<vmem>>)
        tpu.yield
      }) : () -> ()
      %scan3A_18 = arith.constant 0 : i32
      %scan3A_19 = arith.constant 16 : i32
      %scan3A_20 = arith.addi %scan3A_18, %scan3A_19 : i32
      %scan3A_21 = arith.constant 1 : i32
      scf.for %scan3A_23 = %scan3A_18 to %scan3A_20 step %scan3A_21  : i32 {
        %dma_start3A = arith.constant 0 : i32
        %dma_start3A_24 = tpu.memref_slice %arg7[%scan3A_23, %dma_start3A] : memref<16x128xi32, #tpu.memory_space<vmem>> -> memref<1x128xi32, #tpu.memory_space<vmem>>
        %dma_start3A_25 = tpu.memref_squeeze %dma_start3A_24 : memref<1x128xi32, #tpu.memory_space<vmem>> -> memref<128xi32, #tpu.memory_space<vmem>>
        %dma_start3A_26 = arith.constant 0 : i32
        %dma_start3A_27 = arith.constant 0 : i32
        %dma_start3A_28 = tpu.memref_slice %arg2[%dma_start3A_26, %dma_start3A_27] : memref<10000x128xf32, #tpu.memory_space<hbm>> -> memref<10000x128xf32, #tpu.memory_space<hbm>>
        tpu.enqueue_indirect_dma source(%dma_start3A_28 : memref<10000x128xf32, #tpu.memory_space<hbm>>) target(%arg9 : memref<128x128xf32, #tpu.memory_space<vmem>>) offsets(%dma_start3A_25 : memref<128xi32, #tpu.memory_space<vmem>>) semaphore(%arg11 : memref<!tpu.dma_semaphore, #tpu.memory_space<semaphore_mem>>)
        %dma_wait3A = arith.constant 0 : i32
        %dma_wait3A_29 = tpu.memref_slice %arg7[%scan3A_23, %dma_wait3A] : memref<16x128xi32, #tpu.memory_space<vmem>> -> memref<1x128xi32, #tpu.memory_space<vmem>>
        %dma_wait3A_30 = tpu.memref_squeeze %dma_wait3A_29 : memref<1x128xi32, #tpu.memory_space<vmem>> -> memref<128xi32, #tpu.memory_space<vmem>>
        %dma_wait3A_31 = arith.constant 0 : i32
        %dma_wait3A_32 = arith.constant 0 : i32
        %dma_wait3A_33 = tpu.memref_slice %arg2[%dma_wait3A_31, %dma_wait3A_32] : memref<10000x128xf32, #tpu.memory_space<hbm>> -> memref<10000x128xf32, #tpu.memory_space<hbm>>
        tpu.wait_indirect_dma semaphore(%arg11 : memref<!tpu.dma_semaphore, #tpu.memory_space<semaphore_mem>>) src(%dma_wait3A_33 : memref<10000x128xf32, #tpu.memory_space<hbm>>) dst(%arg9 : memref<128x128xf32, #tpu.memory_space<vmem>>)
        "tpu.region"() ({
          %run_scoped3A = tpu.sem_alloc : memref<!tpu.dma_semaphore, #tpu.memory_space<semaphore_mem>>
          %dma_start3A_34 = arith.constant 0 : i32
          %dma_start3A_35 = tpu.memref_slice %arg8[%scan3A_23, %dma_start3A_34] : memref<16x128xi32, #tpu.memory_space<vmem>> -> memref<1x128xi32, #tpu.memory_space<vmem>>
          %dma_start3A_36 = tpu.memref_squeeze %dma_start3A_35 : memref<1x128xi32, #tpu.memory_space<vmem>> -> memref<128xi32, #tpu.memory_space<vmem>>
          %dma_start3A_37 = arith.constant 0 : i32
          %dma_start3A_38 = arith.constant 0 : i32
          %dma_start3A_39 = tpu.memref_slice %arg10[%dma_start3A_37, %dma_start3A_38] : memref<10240x128xf32, #tpu.memory_space<vmem_shared>> -> memref<10240x128xf32, #tpu.memory_space<vmem_shared>>
          tpu.enqueue_indirect_dma source(%arg9 : memref<128x128xf32, #tpu.memory_space<vmem>>) target(%dma_start3A_39 : memref<10240x128xf32, #tpu.memory_space<vmem_shared>>) offsets(%dma_start3A_36 : memref<128xi32, #tpu.memory_space<vmem>>) semaphore(%run_scoped3A : memref<!tpu.dma_semaphore, #tpu.memory_space<semaphore_mem>>) {add = true}
          %dma_wait3A_40 = arith.constant 0 : i32
          %dma_wait3A_41 = tpu.memref_slice %arg8[%scan3A_23, %dma_wait3A_40] : memref<16x128xi32, #tpu.memory_space<vmem>> -> memref<1x128xi32, #tpu.memory_space<vmem>>
          %dma_wait3A_42 = tpu.memref_squeeze %dma_wait3A_41 : memref<1x128xi32, #tpu.memory_space<vmem>> -> memref<128xi32, #tpu.memory_space<vmem>>
          %dma_wait3A_43 = arith.constant 0 : i32
          %dma_wait3A_44 = arith.constant 0 : i32
          %dma_wait3A_45 = tpu.memref_slice %arg10[%dma_wait3A_43, %dma_wait3A_44] : memref<10240x128xf32, #tpu.memory_space<vmem_shared>> -> memref<10240x128xf32, #tpu.memory_space<vmem_shared>>
          tpu.wait_indirect_dma semaphore(%run_scoped3A : memref<!tpu.dma_semaphore, #tpu.memory_space<semaphore_mem>>) src(%arg9 : memref<128x128xf32, #tpu.memory_space<vmem>>) dst(%dma_wait3A_45 : memref<10240x128xf32, #tpu.memory_space<vmem_shared>>)
          tpu.yield
        }) : () -> ()
      }
      %scan3A_22 = arith.constant 16 : i32
    }
    %scan3A_7 = arith.constant 10 : i32
    %barrier3A_8 = arith.constant 0 : index
    tpu.barrier barrier_id(%barrier3A_8)
    %mul3A_9 = arith.constant 640 : i32
    %mul3A_10 = arith.muli %arg1, %mul3A_9 : i32
    %mul3A_11 = arith.constant 640 : i32
    %mul3A_12 = arith.muli %arg1, %mul3A_11 : i32
    "tpu.region"() ({
      %run_scoped3A = tpu.sem_alloc : memref<!tpu.dma_semaphore, #tpu.memory_space<semaphore_mem>>
      %dma_start3A = arith.constant 0 : i32
      %dma_start3A_13 = arith.constant 0 : i32
      %dma_start3A_14 = tpu.memref_slice %arg6[%arg0, %dma_start3A, %dma_start3A_13] : memref<2x10240x128xf32, #tpu.memory_space<hbm>> -> memref<1x10240x128xf32, #tpu.memory_space<hbm>>
      %dma_start3A_15 = tpu.memref_squeeze %dma_start3A_14 : memref<1x10240x128xf32, #tpu.memory_space<hbm>> -> memref<10240x128xf32, #tpu.memory_space<hbm>>
      %dma_start3A_16 = arith.constant 0 : i32
      %dma_start3A_17 = tpu.memref_slice %dma_start3A_15[%mul3A_12, %dma_start3A_16] : memref<10240x128xf32, #tpu.memory_space<hbm>> -> memref<640x128xf32, #tpu.memory_space<hbm>>
      %dma_start3A_18 = arith.constant 0 : i32
      %dma_start3A_19 = tpu.memref_slice %arg10[%mul3A_10, %dma_start3A_18] : memref<10240x128xf32, #tpu.memory_space<vmem_shared>> -> memref<640x128xf32, #tpu.memory_space<vmem_shared>>
      tpu.enqueue_dma source(%dma_start3A_19 : memref<640x128xf32, #tpu.memory_space<vmem_shared>>) target(%dma_start3A_17 : memref<640x128xf32, #tpu.memory_space<hbm>>) target_semaphore(%run_scoped3A : memref<!tpu.dma_semaphore, #tpu.memory_space<semaphore_mem>>)
      %dma_wait3A = arith.constant 0 : i32
      %dma_wait3A_20 = arith.constant 0 : i32
      %dma_wait3A_21 = tpu.memref_slice %arg6[%arg0, %dma_wait3A, %dma_wait3A_20] : memref<2x10240x128xf32, #tpu.memory_space<hbm>> -> memref<1x10240x128xf32, #tpu.memory_space<hbm>>
      %dma_wait3A_22 = tpu.memref_squeeze %dma_wait3A_21 : memref<1x10240x128xf32, #tpu.memory_space<hbm>> -> memref<10240x128xf32, #tpu.memory_space<hbm>>
      %dma_wait3A_23 = arith.constant 0 : i32
      %dma_wait3A_24 = tpu.memref_slice %dma_wait3A_22[%mul3A_12, %dma_wait3A_23] : memref<10240x128xf32, #tpu.memory_space<hbm>> -> memref<640x128xf32, #tpu.memory_space<hbm>>
      %dma_wait3A_25 = arith.constant 0 : i32
      %dma_wait3A_26 = tpu.memref_slice %arg10[%mul3A_10, %dma_wait3A_25] : memref<10240x128xf32, #tpu.memory_space<vmem_shared>> -> memref<640x128xf32, #tpu.memory_space<vmem_shared>>
      tpu.wait_dma2 semaphore(%run_scoped3A : memref<!tpu.dma_semaphore, #tpu.memory_space<semaphore_mem>>) src(%dma_wait3A_26 : memref<640x128xf32, #tpu.memory_space<vmem_shared>>) dst(%dma_wait3A_24 : memref<640x128xf32, #tpu.memory_space<hbm>>)
      tpu.yield
    }) : () -> ()
    return
  }
}

#map = affine_map<(d0, d1) -> (0, 0)>
#map1 = affine_map<(d0, d1) -> (0, 0, 0)>
module attributes {stable_mosaic.version = 14 : i64} {
  func.func @agg_kernel(%arg0: i32, %arg1: i32, %arg2: memref<10000x128xf32, #tpu.memory_space<hbm>>, %arg3: memref<32x160x128xi32, #tpu.memory_space<hbm>>, %arg4: memref<32x160x128xi32, #tpu.memory_space<hbm>>, %arg5: memref<640x128xf32, #tpu.memory_space<hbm>>, %arg6: memref<2x10240x128xf32, #tpu.memory_space<hbm>>, %arg7: memref<16x128xi32, #tpu.memory_space<vmem>>, %arg8: memref<16x128xi32, #tpu.memory_space<vmem>>, %arg9: memref<128x128xf32, #tpu.memory_space<vmem>>, %arg10: memref<10240x128xf32, #tpu.memory_space<vmem_shared>>, %arg11: memref<!tpu.dma_semaphore, #tpu.memory_space<semaphore_mem>>) attributes {dimension_semantics = [#tpu.dimension_semantics<core_parallel>, #tpu.dimension_semantics<subcore_parallel>], iteration_bounds = array<i64: 2, 16>, scalar_prefetch = 0 : i64, scratch_operands = 5 : i64, tpu.core_type = #tpu.core_type<sc_vector_subcore>, window_params = [{transform_indices = #map}, {transform_indices = #map1}, {transform_indices = #map1}, {transform_indices = #map}, {transform_indices = #map1}]} {
    %mul3A = arith.constant 16 : i32
    %mul3A_0 = arith.muli %arg0, %mul3A : i32
    %add3A = arith.addi %mul3A_0, %arg1 : i32
    %mul3A_1 = arith.constant 640 : i32
    %mul3A_2 = arith.muli %arg1, %mul3A_1 : i32
    "tpu.region"() ({
      %run_scoped3A = tpu.sem_alloc : memref<!tpu.dma_semaphore, #tpu.memory_space<semaphore_mem>>
      %dma_start3A = arith.constant 0 : i32
      %dma_start3A_13 = tpu.memref_slice %arg10[%mul3A_2, %dma_start3A] : memref<10240x128xf32, #tpu.memory_space<vmem_shared>> -> memref<640x128xf32, #tpu.memory_space<vmem_shared>>
      tpu.enqueue_dma source(%arg5 : memref<640x128xf32, #tpu.memory_space<hbm>>) target(%dma_start3A_13 : memref<640x128xf32, #tpu.memory_space<vmem_shared>>) target_semaphore(%run_scoped3A : memref<!tpu.dma_semaphore, #tpu.memory_space<semaphore_mem>>)
      %dma_wait3A = arith.constant 0 : i32
      %dma_wait3A_14 = tpu.memref_slice %arg10[%mul3A_2, %dma_wait3A] : memref<10240x128xf32, #tpu.memory_space<vmem_shared>> -> memref<640x128xf32, #tpu.memory_space<vmem_shared>>
      tpu.wait_dma2 semaphore(%run_scoped3A : memref<!tpu.dma_semaphore, #tpu.memory_space<semaphore_mem>>) src(%arg5 : memref<640x128xf32, #tpu.memory_space<hbm>>) dst(%dma_wait3A_14 : memref<640x128xf32, #tpu.memory_space<vmem_shared>>)
      tpu.yield
    }) : () -> ()
    %barrier3A = arith.constant 0 : index
    tpu.barrier barrier_id(%barrier3A)
    %scan3A = arith.constant 0 : i32
    %scan3A_3 = arith.constant 0 : i32
    %scan3A_4 = arith.constant 10 : i32
    %scan3A_5 = arith.addi %scan3A_3, %scan3A_4 : i32
    %scan3A_6 = arith.constant 1 : i32
    scf.for %scan3A_13 = %scan3A_3 to %scan3A_5 step %scan3A_6  : i32 {
      %mul3A_14 = arith.constant 16 : i32
      %mul3A_15 = arith.muli %scan3A_13, %mul3A_14 : i32
      "tpu.region"() ({
        %run_scoped3A = tpu.sem_alloc : memref<!tpu.dma_semaphore, #tpu.memory_space<semaphore_mem>>
        %dma_start3A = arith.constant 0 : i32
        %dma_start3A_23 = arith.constant 0 : i32
        %dma_start3A_24 = tpu.memref_slice %arg3[%add3A, %dma_start3A, %dma_start3A_23] : memref<32x160x128xi32, #tpu.memory_space<hbm>> -> memref<1x160x128xi32, #tpu.memory_space<hbm>>
        %dma_start3A_25 = tpu.memref_squeeze %dma_start3A_24 : memref<1x160x128xi32, #tpu.memory_space<hbm>> -> memref<160x128xi32, #tpu.memory_space<hbm>>
        %dma_start3A_26 = arith.constant 0 : i32
        %dma_start3A_27 = tpu.memref_slice %dma_start3A_25[%mul3A_15, %dma_start3A_26] : memref<160x128xi32, #tpu.memory_space<hbm>> -> memref<16x128xi32, #tpu.memory_space<hbm>>
        %dma_start3A_28 = arith.constant 0 : i32
        %dma_start3A_29 = arith.constant 0 : i32
        %dma_start3A_30 = tpu.memref_slice %arg3[%add3A, %dma_start3A_28, %dma_start3A_29] : memref<32x160x128xi32, #tpu.memory_space<hbm>> -> memref<1x160x128xi32, #tpu.memory_space<hbm>>
        %dma_start3A_31 = tpu.memref_squeeze %dma_start3A_30 : memref<1x160x128xi32, #tpu.memory_space<hbm>> -> memref<160x128xi32, #tpu.memory_space<hbm>>
        %dma_start3A_32 = arith.constant 0 : i32
        %dma_start3A_33 = tpu.memref_slice %dma_start3A_31[%mul3A_15, %dma_start3A_32] : memref<160x128xi32, #tpu.memory_space<hbm>> -> memref<16x128xi32, #tpu.memory_space<hbm>>
        tpu.enqueue_dma source(%dma_start3A_33 : memref<16x128xi32, #tpu.memory_space<hbm>>) target(%arg7 : memref<16x128xi32, #tpu.memory_space<vmem>>) target_semaphore(%run_scoped3A : memref<!tpu.dma_semaphore, #tpu.memory_space<semaphore_mem>>)
        %dma_wait3A = arith.constant 0 : i32
        %dma_wait3A_34 = arith.constant 0 : i32
        %dma_wait3A_35 = tpu.memref_slice %arg3[%add3A, %dma_wait3A, %dma_wait3A_34] : memref<32x160x128xi32, #tpu.memory_space<hbm>> -> memref<1x160x128xi32, #tpu.memory_space<hbm>>
        %dma_wait3A_36 = tpu.memref_squeeze %dma_wait3A_35 : memref<1x160x128xi32, #tpu.memory_space<hbm>> -> memref<160x128xi32, #tpu.memory_space<hbm>>
        %dma_wait3A_37 = arith.constant 0 : i32
        %dma_wait3A_38 = tpu.memref_slice %dma_wait3A_36[%mul3A_15, %dma_wait3A_37] : memref<160x128xi32, #tpu.memory_space<hbm>> -> memref<16x128xi32, #tpu.memory_space<hbm>>
        %dma_wait3A_39 = arith.constant 0 : i32
        %dma_wait3A_40 = arith.constant 0 : i32
        %dma_wait3A_41 = tpu.memref_slice %arg3[%add3A, %dma_wait3A_39, %dma_wait3A_40] : memref<32x160x128xi32, #tpu.memory_space<hbm>> -> memref<1x160x128xi32, #tpu.memory_space<hbm>>
        %dma_wait3A_42 = tpu.memref_squeeze %dma_wait3A_41 : memref<1x160x128xi32, #tpu.memory_space<hbm>> -> memref<160x128xi32, #tpu.memory_space<hbm>>
        %dma_wait3A_43 = arith.constant 0 : i32
        %dma_wait3A_44 = tpu.memref_slice %dma_wait3A_42[%mul3A_15, %dma_wait3A_43] : memref<160x128xi32, #tpu.memory_space<hbm>> -> memref<16x128xi32, #tpu.memory_space<hbm>>
        tpu.wait_dma2 semaphore(%run_scoped3A : memref<!tpu.dma_semaphore, #tpu.memory_space<semaphore_mem>>) src(%dma_wait3A_44 : memref<16x128xi32, #tpu.memory_space<hbm>>) dst(%arg7 : memref<16x128xi32, #tpu.memory_space<vmem>>)
        tpu.yield
      }) : () -> ()
      %mul3A_16 = arith.constant 16 : i32
      %mul3A_17 = arith.muli %scan3A_13, %mul3A_16 : i32
      "tpu.region"() ({
        %run_scoped3A = tpu.sem_alloc : memref<!tpu.dma_semaphore, #tpu.memory_space<semaphore_mem>>
        %dma_start3A = arith.constant 0 : i32
        %dma_start3A_23 = arith.constant 0 : i32
        %dma_start3A_24 = tpu.memref_slice %arg4[%add3A, %dma_start3A, %dma_start3A_23] : memref<32x160x128xi32, #tpu.memory_space<hbm>> -> memref<1x160x128xi32, #tpu.memory_space<hbm>>
        %dma_start3A_25 = tpu.memref_squeeze %dma_start3A_24 : memref<1x160x128xi32, #tpu.memory_space<hbm>> -> memref<160x128xi32, #tpu.memory_space<hbm>>
        %dma_start3A_26 = arith.constant 0 : i32
        %dma_start3A_27 = tpu.memref_slice %dma_start3A_25[%mul3A_17, %dma_start3A_26] : memref<160x128xi32, #tpu.memory_space<hbm>> -> memref<16x128xi32, #tpu.memory_space<hbm>>
        %dma_start3A_28 = arith.constant 0 : i32
        %dma_start3A_29 = arith.constant 0 : i32
        %dma_start3A_30 = tpu.memref_slice %arg4[%add3A, %dma_start3A_28, %dma_start3A_29] : memref<32x160x128xi32, #tpu.memory_space<hbm>> -> memref<1x160x128xi32, #tpu.memory_space<hbm>>
        %dma_start3A_31 = tpu.memref_squeeze %dma_start3A_30 : memref<1x160x128xi32, #tpu.memory_space<hbm>> -> memref<160x128xi32, #tpu.memory_space<hbm>>
        %dma_start3A_32 = arith.constant 0 : i32
        %dma_start3A_33 = tpu.memref_slice %dma_start3A_31[%mul3A_17, %dma_start3A_32] : memref<160x128xi32, #tpu.memory_space<hbm>> -> memref<16x128xi32, #tpu.memory_space<hbm>>
        tpu.enqueue_dma source(%dma_start3A_33 : memref<16x128xi32, #tpu.memory_space<hbm>>) target(%arg8 : memref<16x128xi32, #tpu.memory_space<vmem>>) target_semaphore(%run_scoped3A : memref<!tpu.dma_semaphore, #tpu.memory_space<semaphore_mem>>)
        %dma_wait3A = arith.constant 0 : i32
        %dma_wait3A_34 = arith.constant 0 : i32
        %dma_wait3A_35 = tpu.memref_slice %arg4[%add3A, %dma_wait3A, %dma_wait3A_34] : memref<32x160x128xi32, #tpu.memory_space<hbm>> -> memref<1x160x128xi32, #tpu.memory_space<hbm>>
        %dma_wait3A_36 = tpu.memref_squeeze %dma_wait3A_35 : memref<1x160x128xi32, #tpu.memory_space<hbm>> -> memref<160x128xi32, #tpu.memory_space<hbm>>
        %dma_wait3A_37 = arith.constant 0 : i32
        %dma_wait3A_38 = tpu.memref_slice %dma_wait3A_36[%mul3A_17, %dma_wait3A_37] : memref<160x128xi32, #tpu.memory_space<hbm>> -> memref<16x128xi32, #tpu.memory_space<hbm>>
        %dma_wait3A_39 = arith.constant 0 : i32
        %dma_wait3A_40 = arith.constant 0 : i32
        %dma_wait3A_41 = tpu.memref_slice %arg4[%add3A, %dma_wait3A_39, %dma_wait3A_40] : memref<32x160x128xi32, #tpu.memory_space<hbm>> -> memref<1x160x128xi32, #tpu.memory_space<hbm>>
        %dma_wait3A_42 = tpu.memref_squeeze %dma_wait3A_41 : memref<1x160x128xi32, #tpu.memory_space<hbm>> -> memref<160x128xi32, #tpu.memory_space<hbm>>
        %dma_wait3A_43 = arith.constant 0 : i32
        %dma_wait3A_44 = tpu.memref_slice %dma_wait3A_42[%mul3A_17, %dma_wait3A_43] : memref<160x128xi32, #tpu.memory_space<hbm>> -> memref<16x128xi32, #tpu.memory_space<hbm>>
        tpu.wait_dma2 semaphore(%run_scoped3A : memref<!tpu.dma_semaphore, #tpu.memory_space<semaphore_mem>>) src(%dma_wait3A_44 : memref<16x128xi32, #tpu.memory_space<hbm>>) dst(%arg8 : memref<16x128xi32, #tpu.memory_space<vmem>>)
        tpu.yield
      }) : () -> ()
      %scan3A_18 = arith.constant 0 : i32
      %scan3A_19 = arith.constant 16 : i32
      %scan3A_20 = arith.addi %scan3A_18, %scan3A_19 : i32
      %scan3A_21 = arith.constant 1 : i32
      scf.for %scan3A_23 = %scan3A_18 to %scan3A_20 step %scan3A_21  : i32 {
        %dma_start3A = arith.constant 0 : i32
        %dma_start3A_24 = tpu.memref_slice %arg7[%scan3A_23, %dma_start3A] : memref<16x128xi32, #tpu.memory_space<vmem>> -> memref<1x128xi32, #tpu.memory_space<vmem>>
        %dma_start3A_25 = tpu.memref_squeeze %dma_start3A_24 : memref<1x128xi32, #tpu.memory_space<vmem>> -> memref<128xi32, #tpu.memory_space<vmem>>
        %dma_start3A_26 = arith.constant 0 : i32
        %dma_start3A_27 = arith.constant 0 : i32
        %dma_start3A_28 = tpu.memref_slice %arg2[%dma_start3A_26, %dma_start3A_27] : memref<10000x128xf32, #tpu.memory_space<hbm>> -> memref<10000x128xf32, #tpu.memory_space<hbm>>
        tpu.enqueue_indirect_dma source(%dma_start3A_28 : memref<10000x128xf32, #tpu.memory_space<hbm>>) target(%arg9 : memref<128x128xf32, #tpu.memory_space<vmem>>) offsets(%dma_start3A_25 : memref<128xi32, #tpu.memory_space<vmem>>) semaphore(%arg11 : memref<!tpu.dma_semaphore, #tpu.memory_space<semaphore_mem>>)
        %dma_wait3A = arith.constant 0 : i32
        %dma_wait3A_29 = tpu.memref_slice %arg7[%scan3A_23, %dma_wait3A] : memref<16x128xi32, #tpu.memory_space<vmem>> -> memref<1x128xi32, #tpu.memory_space<vmem>>
        %dma_wait3A_30 = tpu.memref_squeeze %dma_wait3A_29 : memref<1x128xi32, #tpu.memory_space<vmem>> -> memref<128xi32, #tpu.memory_space<vmem>>
        %dma_wait3A_31 = arith.constant 0 : i32
        %dma_wait3A_32 = arith.constant 0 : i32
        %dma_wait3A_33 = tpu.memref_slice %arg2[%dma_wait3A_31, %dma_wait3A_32] : memref<10000x128xf32, #tpu.memory_space<hbm>> -> memref<10000x128xf32, #tpu.memory_space<hbm>>
        tpu.wait_indirect_dma semaphore(%arg11 : memref<!tpu.dma_semaphore, #tpu.memory_space<semaphore_mem>>) src(%dma_wait3A_33 : memref<10000x128xf32, #tpu.memory_space<hbm>>) dst(%arg9 : memref<128x128xf32, #tpu.memory_space<vmem>>)
        "tpu.region"() ({
          %run_scoped3A = tpu.sem_alloc : memref<!tpu.dma_semaphore, #tpu.memory_space<semaphore_mem>>
          %dma_start3A_34 = arith.constant 0 : i32
          %dma_start3A_35 = tpu.memref_slice %arg8[%scan3A_23, %dma_start3A_34] : memref<16x128xi32, #tpu.memory_space<vmem>> -> memref<1x128xi32, #tpu.memory_space<vmem>>
          %dma_start3A_36 = tpu.memref_squeeze %dma_start3A_35 : memref<1x128xi32, #tpu.memory_space<vmem>> -> memref<128xi32, #tpu.memory_space<vmem>>
          %dma_start3A_37 = arith.constant 0 : i32
          %dma_start3A_38 = arith.constant 0 : i32
          %dma_start3A_39 = tpu.memref_slice %arg10[%dma_start3A_37, %dma_start3A_38] : memref<10240x128xf32, #tpu.memory_space<vmem_shared>> -> memref<10240x128xf32, #tpu.memory_space<vmem_shared>>
          tpu.enqueue_indirect_dma source(%arg9 : memref<128x128xf32, #tpu.memory_space<vmem>>) target(%dma_start3A_39 : memref<10240x128xf32, #tpu.memory_space<vmem_shared>>) offsets(%dma_start3A_36 : memref<128xi32, #tpu.memory_space<vmem>>) semaphore(%run_scoped3A : memref<!tpu.dma_semaphore, #tpu.memory_space<semaphore_mem>>) {add = true}
          %dma_wait3A_40 = arith.constant 0 : i32
          %dma_wait3A_41 = tpu.memref_slice %arg8[%scan3A_23, %dma_wait3A_40] : memref<16x128xi32, #tpu.memory_space<vmem>> -> memref<1x128xi32, #tpu.memory_space<vmem>>
          %dma_wait3A_42 = tpu.memref_squeeze %dma_wait3A_41 : memref<1x128xi32, #tpu.memory_space<vmem>> -> memref<128xi32, #tpu.memory_space<vmem>>
          %dma_wait3A_43 = arith.constant 0 : i32
          %dma_wait3A_44 = arith.constant 0 : i32
          %dma_wait3A_45 = tpu.memref_slice %arg10[%dma_wait3A_43, %dma_wait3A_44] : memref<10240x128xf32, #tpu.memory_space<vmem_shared>> -> memref<10240x128xf32, #tpu.memory_space<vmem_shared>>
          tpu.wait_indirect_dma semaphore(%run_scoped3A : memref<!tpu.dma_semaphore, #tpu.memory_space<semaphore_mem>>) src(%arg9 : memref<128x128xf32, #tpu.memory_space<vmem>>) dst(%dma_wait3A_45 : memref<10240x128xf32, #tpu.memory_space<vmem_shared>>)
          tpu.yield
        }) : () -> ()
      }
      %scan3A_22 = arith.constant 16 : i32
    }
    %scan3A_7 = arith.constant 10 : i32
    %barrier3A_8 = arith.constant 0 : index
    tpu.barrier barrier_id(%barrier3A_8)
    %mul3A_9 = arith.constant 640 : i32
    %mul3A_10 = arith.muli %arg1, %mul3A_9 : i32
    %mul3A_11 = arith.constant 640 : i32
    %mul3A_12 = arith.muli %arg1, %mul3A_11 : i32
    "tpu.region"() ({
      %run_scoped3A = tpu.sem_alloc : memref<!tpu.dma_semaphore, #tpu.memory_space<semaphore_mem>>
      %dma_start3A = arith.constant 0 : i32
      %dma_start3A_13 = arith.constant 0 : i32
      %dma_start3A_14 = tpu.memref_slice %arg6[%arg0, %dma_start3A, %dma_start3A_13] : memref<2x10240x128xf32, #tpu.memory_space<hbm>> -> memref<1x10240x128xf32, #tpu.memory_space<hbm>>
      %dma_start3A_15 = tpu.memref_squeeze %dma_start3A_14 : memref<1x10240x128xf32, #tpu.memory_space<hbm>> -> memref<10240x128xf32, #tpu.memory_space<hbm>>
      %dma_start3A_16 = arith.constant 0 : i32
      %dma_start3A_17 = tpu.memref_slice %dma_start3A_15[%mul3A_12, %dma_start3A_16] : memref<10240x128xf32, #tpu.memory_space<hbm>> -> memref<640x128xf32, #tpu.memory_space<hbm>>
      %dma_start3A_18 = arith.constant 0 : i32
      %dma_start3A_19 = tpu.memref_slice %arg10[%mul3A_10, %dma_start3A_18] : memref<10240x128xf32, #tpu.memory_space<vmem_shared>> -> memref<640x128xf32, #tpu.memory_space<vmem_shared>>
      tpu.enqueue_dma source(%dma_start3A_19 : memref<640x128xf32, #tpu.memory_space<vmem_shared>>) target(%dma_start3A_17 : memref<640x128xf32, #tpu.memory_space<hbm>>) target_semaphore(%run_scoped3A : memref<!tpu.dma_semaphore, #tpu.memory_space<semaphore_mem>>)
      %dma_wait3A = arith.constant 0 : i32
      %dma_wait3A_20 = arith.constant 0 : i32
      %dma_wait3A_21 = tpu.memref_slice %arg6[%arg0, %dma_wait3A, %dma_wait3A_20] : memref<2x10240x128xf32, #tpu.memory_space<hbm>> -> memref<1x10240x128xf32, #tpu.memory_space<hbm>>
      %dma_wait3A_22 = tpu.memref_squeeze %dma_wait3A_21 : memref<1x10240x128xf32, #tpu.memory_space<hbm>> -> memref<10240x128xf32, #tpu.memory_space<hbm>>
      %dma_wait3A_23 = arith.constant 0 : i32
      %dma_wait3A_24 = tpu.memref_slice %dma_wait3A_22[%mul3A_12, %dma_wait3A_23] : memref<10240x128xf32, #tpu.memory_space<hbm>> -> memref<640x128xf32, #tpu.memory_space<hbm>>
      %dma_wait3A_25 = arith.constant 0 : i32
      %dma_wait3A_26 = tpu.memref_slice %arg10[%mul3A_10, %dma_wait3A_25] : memref<10240x128xf32, #tpu.memory_space<vmem_shared>> -> memref<640x128xf32, #tpu.memory_space<vmem_shared>>
      tpu.wait_dma2 semaphore(%run_scoped3A : memref<!tpu.dma_semaphore, #tpu.memory_space<semaphore_mem>>) src(%dma_wait3A_26 : memref<640x128xf32, #tpu.memory_space<vmem_shared>>) dst(%dma_wait3A_24 : memref<640x128xf32, #tpu.memory_space<hbm>>)
      tpu.yield
    }) : () -> ()
    return
  }
}

#map = affine_map<(d0, d1) -> (0, 0)>
#map1 = affine_map<(d0, d1) -> (0, 0, 0)>
module attributes {stable_mosaic.version = 14 : i64} {
  func.func @agg_kernel(%arg0: i32, %arg1: i32, %arg2: memref<10000x128xf32, #tpu.memory_space<hbm>>, %arg3: memref<32x160x128xi32, #tpu.memory_space<hbm>>, %arg4: memref<32x160x128xi32, #tpu.memory_space<hbm>>, %arg5: memref<640x128xf32, #tpu.memory_space<hbm>>, %arg6: memref<2x10240x128xf32, #tpu.memory_space<hbm>>, %arg7: memref<16x128xi32, #tpu.memory_space<vmem>>, %arg8: memref<16x128xi32, #tpu.memory_space<vmem>>, %arg9: memref<128x128xf32, #tpu.memory_space<vmem>>, %arg10: memref<10240x128xf32, #tpu.memory_space<vmem_shared>>, %arg11: memref<!tpu.dma_semaphore, #tpu.memory_space<semaphore_mem>>) attributes {dimension_semantics = [#tpu.dimension_semantics<core_parallel>, #tpu.dimension_semantics<subcore_parallel>], iteration_bounds = array<i64: 2, 16>, scalar_prefetch = 0 : i64, scratch_operands = 5 : i64, tpu.core_type = #tpu.core_type<sc_vector_subcore>, window_params = [{transform_indices = #map}, {transform_indices = #map1}, {transform_indices = #map1}, {transform_indices = #map}, {transform_indices = #map1}]} {
    %mul3A = arith.constant 16 : i32
    %mul3A_0 = arith.muli %arg0, %mul3A : i32
    %add3A = arith.addi %mul3A_0, %arg1 : i32
    %mul3A_1 = arith.constant 640 : i32
    %mul3A_2 = arith.muli %arg1, %mul3A_1 : i32
    "tpu.region"() ({
      %run_scoped3A = tpu.sem_alloc : memref<!tpu.dma_semaphore, #tpu.memory_space<semaphore_mem>>
      %dma_start3A = arith.constant 0 : i32
      %dma_start3A_13 = tpu.memref_slice %arg10[%mul3A_2, %dma_start3A] : memref<10240x128xf32, #tpu.memory_space<vmem_shared>> -> memref<640x128xf32, #tpu.memory_space<vmem_shared>>
      tpu.enqueue_dma source(%arg5 : memref<640x128xf32, #tpu.memory_space<hbm>>) target(%dma_start3A_13 : memref<640x128xf32, #tpu.memory_space<vmem_shared>>) target_semaphore(%run_scoped3A : memref<!tpu.dma_semaphore, #tpu.memory_space<semaphore_mem>>)
      %dma_wait3A = arith.constant 0 : i32
      %dma_wait3A_14 = tpu.memref_slice %arg10[%mul3A_2, %dma_wait3A] : memref<10240x128xf32, #tpu.memory_space<vmem_shared>> -> memref<640x128xf32, #tpu.memory_space<vmem_shared>>
      tpu.wait_dma2 semaphore(%run_scoped3A : memref<!tpu.dma_semaphore, #tpu.memory_space<semaphore_mem>>) src(%arg5 : memref<640x128xf32, #tpu.memory_space<hbm>>) dst(%dma_wait3A_14 : memref<640x128xf32, #tpu.memory_space<vmem_shared>>)
      tpu.yield
    }) : () -> ()
    %barrier3A = arith.constant 0 : index
    tpu.barrier barrier_id(%barrier3A)
    %scan3A = arith.constant 0 : i32
    %scan3A_3 = arith.constant 0 : i32
    %scan3A_4 = arith.constant 10 : i32
    %scan3A_5 = arith.addi %scan3A_3, %scan3A_4 : i32
    %scan3A_6 = arith.constant 1 : i32
    scf.for %scan3A_13 = %scan3A_3 to %scan3A_5 step %scan3A_6  : i32 {
      %mul3A_14 = arith.constant 16 : i32
      %mul3A_15 = arith.muli %scan3A_13, %mul3A_14 : i32
      "tpu.region"() ({
        %run_scoped3A = tpu.sem_alloc : memref<!tpu.dma_semaphore, #tpu.memory_space<semaphore_mem>>
        %dma_start3A = arith.constant 0 : i32
        %dma_start3A_23 = arith.constant 0 : i32
        %dma_start3A_24 = tpu.memref_slice %arg3[%add3A, %dma_start3A, %dma_start3A_23] : memref<32x160x128xi32, #tpu.memory_space<hbm>> -> memref<1x160x128xi32, #tpu.memory_space<hbm>>
        %dma_start3A_25 = tpu.memref_squeeze %dma_start3A_24 : memref<1x160x128xi32, #tpu.memory_space<hbm>> -> memref<160x128xi32, #tpu.memory_space<hbm>>
        %dma_start3A_26 = arith.constant 0 : i32
        %dma_start3A_27 = tpu.memref_slice %dma_start3A_25[%mul3A_15, %dma_start3A_26] : memref<160x128xi32, #tpu.memory_space<hbm>> -> memref<16x128xi32, #tpu.memory_space<hbm>>
        %dma_start3A_28 = arith.constant 0 : i32
        %dma_start3A_29 = arith.constant 0 : i32
        %dma_start3A_30 = tpu.memref_slice %arg3[%add3A, %dma_start3A_28, %dma_start3A_29] : memref<32x160x128xi32, #tpu.memory_space<hbm>> -> memref<1x160x128xi32, #tpu.memory_space<hbm>>
        %dma_start3A_31 = tpu.memref_squeeze %dma_start3A_30 : memref<1x160x128xi32, #tpu.memory_space<hbm>> -> memref<160x128xi32, #tpu.memory_space<hbm>>
        %dma_start3A_32 = arith.constant 0 : i32
        %dma_start3A_33 = tpu.memref_slice %dma_start3A_31[%mul3A_15, %dma_start3A_32] : memref<160x128xi32, #tpu.memory_space<hbm>> -> memref<16x128xi32, #tpu.memory_space<hbm>>
        tpu.enqueue_dma source(%dma_start3A_33 : memref<16x128xi32, #tpu.memory_space<hbm>>) target(%arg7 : memref<16x128xi32, #tpu.memory_space<vmem>>) target_semaphore(%run_scoped3A : memref<!tpu.dma_semaphore, #tpu.memory_space<semaphore_mem>>)
        %dma_wait3A = arith.constant 0 : i32
        %dma_wait3A_34 = arith.constant 0 : i32
        %dma_wait3A_35 = tpu.memref_slice %arg3[%add3A, %dma_wait3A, %dma_wait3A_34] : memref<32x160x128xi32, #tpu.memory_space<hbm>> -> memref<1x160x128xi32, #tpu.memory_space<hbm>>
        %dma_wait3A_36 = tpu.memref_squeeze %dma_wait3A_35 : memref<1x160x128xi32, #tpu.memory_space<hbm>> -> memref<160x128xi32, #tpu.memory_space<hbm>>
        %dma_wait3A_37 = arith.constant 0 : i32
        %dma_wait3A_38 = tpu.memref_slice %dma_wait3A_36[%mul3A_15, %dma_wait3A_37] : memref<160x128xi32, #tpu.memory_space<hbm>> -> memref<16x128xi32, #tpu.memory_space<hbm>>
        %dma_wait3A_39 = arith.constant 0 : i32
        %dma_wait3A_40 = arith.constant 0 : i32
        %dma_wait3A_41 = tpu.memref_slice %arg3[%add3A, %dma_wait3A_39, %dma_wait3A_40] : memref<32x160x128xi32, #tpu.memory_space<hbm>> -> memref<1x160x128xi32, #tpu.memory_space<hbm>>
        %dma_wait3A_42 = tpu.memref_squeeze %dma_wait3A_41 : memref<1x160x128xi32, #tpu.memory_space<hbm>> -> memref<160x128xi32, #tpu.memory_space<hbm>>
        %dma_wait3A_43 = arith.constant 0 : i32
        %dma_wait3A_44 = tpu.memref_slice %dma_wait3A_42[%mul3A_15, %dma_wait3A_43] : memref<160x128xi32, #tpu.memory_space<hbm>> -> memref<16x128xi32, #tpu.memory_space<hbm>>
        tpu.wait_dma2 semaphore(%run_scoped3A : memref<!tpu.dma_semaphore, #tpu.memory_space<semaphore_mem>>) src(%dma_wait3A_44 : memref<16x128xi32, #tpu.memory_space<hbm>>) dst(%arg7 : memref<16x128xi32, #tpu.memory_space<vmem>>)
        tpu.yield
      }) : () -> ()
      %mul3A_16 = arith.constant 16 : i32
      %mul3A_17 = arith.muli %scan3A_13, %mul3A_16 : i32
      "tpu.region"() ({
        %run_scoped3A = tpu.sem_alloc : memref<!tpu.dma_semaphore, #tpu.memory_space<semaphore_mem>>
        %dma_start3A = arith.constant 0 : i32
        %dma_start3A_23 = arith.constant 0 : i32
        %dma_start3A_24 = tpu.memref_slice %arg4[%add3A, %dma_start3A, %dma_start3A_23] : memref<32x160x128xi32, #tpu.memory_space<hbm>> -> memref<1x160x128xi32, #tpu.memory_space<hbm>>
        %dma_start3A_25 = tpu.memref_squeeze %dma_start3A_24 : memref<1x160x128xi32, #tpu.memory_space<hbm>> -> memref<160x128xi32, #tpu.memory_space<hbm>>
        %dma_start3A_26 = arith.constant 0 : i32
        %dma_start3A_27 = tpu.memref_slice %dma_start3A_25[%mul3A_17, %dma_start3A_26] : memref<160x128xi32, #tpu.memory_space<hbm>> -> memref<16x128xi32, #tpu.memory_space<hbm>>
        %dma_start3A_28 = arith.constant 0 : i32
        %dma_start3A_29 = arith.constant 0 : i32
        %dma_start3A_30 = tpu.memref_slice %arg4[%add3A, %dma_start3A_28, %dma_start3A_29] : memref<32x160x128xi32, #tpu.memory_space<hbm>> -> memref<1x160x128xi32, #tpu.memory_space<hbm>>
        %dma_start3A_31 = tpu.memref_squeeze %dma_start3A_30 : memref<1x160x128xi32, #tpu.memory_space<hbm>> -> memref<160x128xi32, #tpu.memory_space<hbm>>
        %dma_start3A_32 = arith.constant 0 : i32
        %dma_start3A_33 = tpu.memref_slice %dma_start3A_31[%mul3A_17, %dma_start3A_32] : memref<160x128xi32, #tpu.memory_space<hbm>> -> memref<16x128xi32, #tpu.memory_space<hbm>>
        tpu.enqueue_dma source(%dma_start3A_33 : memref<16x128xi32, #tpu.memory_space<hbm>>) target(%arg8 : memref<16x128xi32, #tpu.memory_space<vmem>>) target_semaphore(%run_scoped3A : memref<!tpu.dma_semaphore, #tpu.memory_space<semaphore_mem>>)
        %dma_wait3A = arith.constant 0 : i32
        %dma_wait3A_34 = arith.constant 0 : i32
        %dma_wait3A_35 = tpu.memref_slice %arg4[%add3A, %dma_wait3A, %dma_wait3A_34] : memref<32x160x128xi32, #tpu.memory_space<hbm>> -> memref<1x160x128xi32, #tpu.memory_space<hbm>>
        %dma_wait3A_36 = tpu.memref_squeeze %dma_wait3A_35 : memref<1x160x128xi32, #tpu.memory_space<hbm>> -> memref<160x128xi32, #tpu.memory_space<hbm>>
        %dma_wait3A_37 = arith.constant 0 : i32
        %dma_wait3A_38 = tpu.memref_slice %dma_wait3A_36[%mul3A_17, %dma_wait3A_37] : memref<160x128xi32, #tpu.memory_space<hbm>> -> memref<16x128xi32, #tpu.memory_space<hbm>>
        %dma_wait3A_39 = arith.constant 0 : i32
        %dma_wait3A_40 = arith.constant 0 : i32
        %dma_wait3A_41 = tpu.memref_slice %arg4[%add3A, %dma_wait3A_39, %dma_wait3A_40] : memref<32x160x128xi32, #tpu.memory_space<hbm>> -> memref<1x160x128xi32, #tpu.memory_space<hbm>>
        %dma_wait3A_42 = tpu.memref_squeeze %dma_wait3A_41 : memref<1x160x128xi32, #tpu.memory_space<hbm>> -> memref<160x128xi32, #tpu.memory_space<hbm>>
        %dma_wait3A_43 = arith.constant 0 : i32
        %dma_wait3A_44 = tpu.memref_slice %dma_wait3A_42[%mul3A_17, %dma_wait3A_43] : memref<160x128xi32, #tpu.memory_space<hbm>> -> memref<16x128xi32, #tpu.memory_space<hbm>>
        tpu.wait_dma2 semaphore(%run_scoped3A : memref<!tpu.dma_semaphore, #tpu.memory_space<semaphore_mem>>) src(%dma_wait3A_44 : memref<16x128xi32, #tpu.memory_space<hbm>>) dst(%arg8 : memref<16x128xi32, #tpu.memory_space<vmem>>)
        tpu.yield
      }) : () -> ()
      %scan3A_18 = arith.constant 0 : i32
      %scan3A_19 = arith.constant 16 : i32
      %scan3A_20 = arith.addi %scan3A_18, %scan3A_19 : i32
      %scan3A_21 = arith.constant 1 : i32
      scf.for %scan3A_23 = %scan3A_18 to %scan3A_20 step %scan3A_21  : i32 {
        %dma_start3A = arith.constant 0 : i32
        %dma_start3A_24 = tpu.memref_slice %arg7[%scan3A_23, %dma_start3A] : memref<16x128xi32, #tpu.memory_space<vmem>> -> memref<1x128xi32, #tpu.memory_space<vmem>>
        %dma_start3A_25 = tpu.memref_squeeze %dma_start3A_24 : memref<1x128xi32, #tpu.memory_space<vmem>> -> memref<128xi32, #tpu.memory_space<vmem>>
        %dma_start3A_26 = arith.constant 0 : i32
        %dma_start3A_27 = arith.constant 0 : i32
        %dma_start3A_28 = tpu.memref_slice %arg2[%dma_start3A_26, %dma_start3A_27] : memref<10000x128xf32, #tpu.memory_space<hbm>> -> memref<10000x128xf32, #tpu.memory_space<hbm>>
        tpu.enqueue_indirect_dma source(%dma_start3A_28 : memref<10000x128xf32, #tpu.memory_space<hbm>>) target(%arg9 : memref<128x128xf32, #tpu.memory_space<vmem>>) offsets(%dma_start3A_25 : memref<128xi32, #tpu.memory_space<vmem>>) semaphore(%arg11 : memref<!tpu.dma_semaphore, #tpu.memory_space<semaphore_mem>>)
        %dma_wait3A = arith.constant 0 : i32
        %dma_wait3A_29 = tpu.memref_slice %arg7[%scan3A_23, %dma_wait3A] : memref<16x128xi32, #tpu.memory_space<vmem>> -> memref<1x128xi32, #tpu.memory_space<vmem>>
        %dma_wait3A_30 = tpu.memref_squeeze %dma_wait3A_29 : memref<1x128xi32, #tpu.memory_space<vmem>> -> memref<128xi32, #tpu.memory_space<vmem>>
        %dma_wait3A_31 = arith.constant 0 : i32
        %dma_wait3A_32 = arith.constant 0 : i32
        %dma_wait3A_33 = tpu.memref_slice %arg2[%dma_wait3A_31, %dma_wait3A_32] : memref<10000x128xf32, #tpu.memory_space<hbm>> -> memref<10000x128xf32, #tpu.memory_space<hbm>>
        tpu.wait_indirect_dma semaphore(%arg11 : memref<!tpu.dma_semaphore, #tpu.memory_space<semaphore_mem>>) src(%dma_wait3A_33 : memref<10000x128xf32, #tpu.memory_space<hbm>>) dst(%arg9 : memref<128x128xf32, #tpu.memory_space<vmem>>)
        "tpu.region"() ({
          %run_scoped3A = tpu.sem_alloc : memref<!tpu.dma_semaphore, #tpu.memory_space<semaphore_mem>>
          %dma_start3A_34 = arith.constant 0 : i32
          %dma_start3A_35 = tpu.memref_slice %arg8[%scan3A_23, %dma_start3A_34] : memref<16x128xi32, #tpu.memory_space<vmem>> -> memref<1x128xi32, #tpu.memory_space<vmem>>
          %dma_start3A_36 = tpu.memref_squeeze %dma_start3A_35 : memref<1x128xi32, #tpu.memory_space<vmem>> -> memref<128xi32, #tpu.memory_space<vmem>>
          %dma_start3A_37 = arith.constant 0 : i32
          %dma_start3A_38 = arith.constant 0 : i32
          %dma_start3A_39 = tpu.memref_slice %arg10[%dma_start3A_37, %dma_start3A_38] : memref<10240x128xf32, #tpu.memory_space<vmem_shared>> -> memref<10240x128xf32, #tpu.memory_space<vmem_shared>>
          tpu.enqueue_indirect_dma source(%arg9 : memref<128x128xf32, #tpu.memory_space<vmem>>) target(%dma_start3A_39 : memref<10240x128xf32, #tpu.memory_space<vmem_shared>>) offsets(%dma_start3A_36 : memref<128xi32, #tpu.memory_space<vmem>>) semaphore(%run_scoped3A : memref<!tpu.dma_semaphore, #tpu.memory_space<semaphore_mem>>) {add = true}
          %dma_wait3A_40 = arith.constant 0 : i32
          %dma_wait3A_41 = tpu.memref_slice %arg8[%scan3A_23, %dma_wait3A_40] : memref<16x128xi32, #tpu.memory_space<vmem>> -> memref<1x128xi32, #tpu.memory_space<vmem>>
          %dma_wait3A_42 = tpu.memref_squeeze %dma_wait3A_41 : memref<1x128xi32, #tpu.memory_space<vmem>> -> memref<128xi32, #tpu.memory_space<vmem>>
          %dma_wait3A_43 = arith.constant 0 : i32
          %dma_wait3A_44 = arith.constant 0 : i32
          %dma_wait3A_45 = tpu.memref_slice %arg10[%dma_wait3A_43, %dma_wait3A_44] : memref<10240x128xf32, #tpu.memory_space<vmem_shared>> -> memref<10240x128xf32, #tpu.memory_space<vmem_shared>>
          tpu.wait_indirect_dma semaphore(%run_scoped3A : memref<!tpu.dma_semaphore, #tpu.memory_space<semaphore_mem>>) src(%arg9 : memref<128x128xf32, #tpu.memory_space<vmem>>) dst(%dma_wait3A_45 : memref<10240x128xf32, #tpu.memory_space<vmem_shared>>)
          tpu.yield
        }) : () -> ()
      }
      %scan3A_22 = arith.constant 16 : i32
    }
    %scan3A_7 = arith.constant 10 : i32
    %barrier3A_8 = arith.constant 0 : index
    tpu.barrier barrier_id(%barrier3A_8)
    %mul3A_9 = arith.constant 640 : i32
    %mul3A_10 = arith.muli %arg1, %mul3A_9 : i32
    %mul3A_11 = arith.constant 640 : i32
    %mul3A_12 = arith.muli %arg1, %mul3A_11 : i32
    "tpu.region"() ({
      %run_scoped3A = tpu.sem_alloc : memref<!tpu.dma_semaphore, #tpu.memory_space<semaphore_mem>>
      %dma_start3A = arith.constant 0 : i32
      %dma_start3A_13 = arith.constant 0 : i32
      %dma_start3A_14 = tpu.memref_slice %arg6[%arg0, %dma_start3A, %dma_start3A_13] : memref<2x10240x128xf32, #tpu.memory_space<hbm>> -> memref<1x10240x128xf32, #tpu.memory_space<hbm>>
      %dma_start3A_15 = tpu.memref_squeeze %dma_start3A_14 : memref<1x10240x128xf32, #tpu.memory_space<hbm>> -> memref<10240x128xf32, #tpu.memory_space<hbm>>
      %dma_start3A_16 = arith.constant 0 : i32
      %dma_start3A_17 = tpu.memref_slice %dma_start3A_15[%mul3A_12, %dma_start3A_16] : memref<10240x128xf32, #tpu.memory_space<hbm>> -> memref<640x128xf32, #tpu.memory_space<hbm>>
      %dma_start3A_18 = arith.constant 0 : i32
      %dma_start3A_19 = tpu.memref_slice %arg10[%mul3A_10, %dma_start3A_18] : memref<10240x128xf32, #tpu.memory_space<vmem_shared>> -> memref<640x128xf32, #tpu.memory_space<vmem_shared>>
      tpu.enqueue_dma source(%dma_start3A_19 : memref<640x128xf32, #tpu.memory_space<vmem_shared>>) target(%dma_start3A_17 : memref<640x128xf32, #tpu.memory_space<hbm>>) target_semaphore(%run_scoped3A : memref<!tpu.dma_semaphore, #tpu.memory_space<semaphore_mem>>)
      %dma_wait3A = arith.constant 0 : i32
      %dma_wait3A_20 = arith.constant 0 : i32
      %dma_wait3A_21 = tpu.memref_slice %arg6[%arg0, %dma_wait3A, %dma_wait3A_20] : memref<2x10240x128xf32, #tpu.memory_space<hbm>> -> memref<1x10240x128xf32, #tpu.memory_space<hbm>>
      %dma_wait3A_22 = tpu.memref_squeeze %dma_wait3A_21 : memref<1x10240x128xf32, #tpu.memory_space<hbm>> -> memref<10240x128xf32, #tpu.memory_space<hbm>>
      %dma_wait3A_23 = arith.constant 0 : i32
      %dma_wait3A_24 = tpu.memref_slice %dma_wait3A_22[%mul3A_12, %dma_wait3A_23] : memref<10240x128xf32, #tpu.memory_space<hbm>> -> memref<640x128xf32, #tpu.memory_space<hbm>>
      %dma_wait3A_25 = arith.constant 0 : i32
      %dma_wait3A_26 = tpu.memref_slice %arg10[%mul3A_10, %dma_wait3A_25] : memref<10240x128xf32, #tpu.memory_space<vmem_shared>> -> memref<640x128xf32, #tpu.memory_space<vmem_shared>>
      tpu.wait_dma2 semaphore(%run_scoped3A : memref<!tpu.dma_semaphore, #tpu.memory_space<semaphore_mem>>) src(%dma_wait3A_26 : memref<640x128xf32, #tpu.memory_space<vmem_shared>>) dst(%dma_wait3A_24 : memref<640x128xf32, #tpu.memory_space<hbm>>)
      tpu.yield
    }) : () -> ()
    return
  }
}

#map = affine_map<(d0, d1) -> (0, 0)>
#map1 = affine_map<(d0, d1) -> (0, 0, 0)>
module attributes {stable_mosaic.version = 14 : i64} {
  func.func @agg_kernel(%arg0: i32, %arg1: i32, %arg2: memref<10000x128xf32, #tpu.memory_space<hbm>>, %arg3: memref<32x160x128xi32, #tpu.memory_space<hbm>>, %arg4: memref<32x160x128xi32, #tpu.memory_space<hbm>>, %arg5: memref<640x128xf32, #tpu.memory_space<hbm>>, %arg6: memref<2x10240x128xf32, #tpu.memory_space<hbm>>, %arg7: memref<16x128xi32, #tpu.memory_space<vmem>>, %arg8: memref<16x128xi32, #tpu.memory_space<vmem>>, %arg9: memref<128x128xf32, #tpu.memory_space<vmem>>, %arg10: memref<10240x128xf32, #tpu.memory_space<vmem_shared>>, %arg11: memref<!tpu.dma_semaphore, #tpu.memory_space<semaphore_mem>>) attributes {dimension_semantics = [#tpu.dimension_semantics<core_parallel>, #tpu.dimension_semantics<subcore_parallel>], iteration_bounds = array<i64: 2, 16>, scalar_prefetch = 0 : i64, scratch_operands = 5 : i64, tpu.core_type = #tpu.core_type<sc_vector_subcore>, window_params = [{transform_indices = #map}, {transform_indices = #map1}, {transform_indices = #map1}, {transform_indices = #map}, {transform_indices = #map1}]} {
    %mul3A = arith.constant 16 : i32
    %mul3A_0 = arith.muli %arg0, %mul3A : i32
    %add3A = arith.addi %mul3A_0, %arg1 : i32
    %mul3A_1 = arith.constant 640 : i32
    %mul3A_2 = arith.muli %arg1, %mul3A_1 : i32
    "tpu.region"() ({
      %run_scoped3A = tpu.sem_alloc : memref<!tpu.dma_semaphore, #tpu.memory_space<semaphore_mem>>
      %dma_start3A = arith.constant 0 : i32
      %dma_start3A_13 = tpu.memref_slice %arg10[%mul3A_2, %dma_start3A] : memref<10240x128xf32, #tpu.memory_space<vmem_shared>> -> memref<640x128xf32, #tpu.memory_space<vmem_shared>>
      tpu.enqueue_dma source(%arg5 : memref<640x128xf32, #tpu.memory_space<hbm>>) target(%dma_start3A_13 : memref<640x128xf32, #tpu.memory_space<vmem_shared>>) target_semaphore(%run_scoped3A : memref<!tpu.dma_semaphore, #tpu.memory_space<semaphore_mem>>)
      %dma_wait3A = arith.constant 0 : i32
      %dma_wait3A_14 = tpu.memref_slice %arg10[%mul3A_2, %dma_wait3A] : memref<10240x128xf32, #tpu.memory_space<vmem_shared>> -> memref<640x128xf32, #tpu.memory_space<vmem_shared>>
      tpu.wait_dma2 semaphore(%run_scoped3A : memref<!tpu.dma_semaphore, #tpu.memory_space<semaphore_mem>>) src(%arg5 : memref<640x128xf32, #tpu.memory_space<hbm>>) dst(%dma_wait3A_14 : memref<640x128xf32, #tpu.memory_space<vmem_shared>>)
      tpu.yield
    }) : () -> ()
    %barrier3A = arith.constant 0 : index
    tpu.barrier barrier_id(%barrier3A)
    %scan3A = arith.constant 0 : i32
    %scan3A_3 = arith.constant 0 : i32
    %scan3A_4 = arith.constant 10 : i32
    %scan3A_5 = arith.addi %scan3A_3, %scan3A_4 : i32
    %scan3A_6 = arith.constant 1 : i32
    scf.for %scan3A_13 = %scan3A_3 to %scan3A_5 step %scan3A_6  : i32 {
      %mul3A_14 = arith.constant 16 : i32
      %mul3A_15 = arith.muli %scan3A_13, %mul3A_14 : i32
      "tpu.region"() ({
        %run_scoped3A = tpu.sem_alloc : memref<!tpu.dma_semaphore, #tpu.memory_space<semaphore_mem>>
        %dma_start3A = arith.constant 0 : i32
        %dma_start3A_23 = arith.constant 0 : i32
        %dma_start3A_24 = tpu.memref_slice %arg3[%add3A, %dma_start3A, %dma_start3A_23] : memref<32x160x128xi32, #tpu.memory_space<hbm>> -> memref<1x160x128xi32, #tpu.memory_space<hbm>>
        %dma_start3A_25 = tpu.memref_squeeze %dma_start3A_24 : memref<1x160x128xi32, #tpu.memory_space<hbm>> -> memref<160x128xi32, #tpu.memory_space<hbm>>
        %dma_start3A_26 = arith.constant 0 : i32
        %dma_start3A_27 = tpu.memref_slice %dma_start3A_25[%mul3A_15, %dma_start3A_26] : memref<160x128xi32, #tpu.memory_space<hbm>> -> memref<16x128xi32, #tpu.memory_space<hbm>>
        %dma_start3A_28 = arith.constant 0 : i32
        %dma_start3A_29 = arith.constant 0 : i32
        %dma_start3A_30 = tpu.memref_slice %arg3[%add3A, %dma_start3A_28, %dma_start3A_29] : memref<32x160x128xi32, #tpu.memory_space<hbm>> -> memref<1x160x128xi32, #tpu.memory_space<hbm>>
        %dma_start3A_31 = tpu.memref_squeeze %dma_start3A_30 : memref<1x160x128xi32, #tpu.memory_space<hbm>> -> memref<160x128xi32, #tpu.memory_space<hbm>>
        %dma_start3A_32 = arith.constant 0 : i32
        %dma_start3A_33 = tpu.memref_slice %dma_start3A_31[%mul3A_15, %dma_start3A_32] : memref<160x128xi32, #tpu.memory_space<hbm>> -> memref<16x128xi32, #tpu.memory_space<hbm>>
        tpu.enqueue_dma source(%dma_start3A_33 : memref<16x128xi32, #tpu.memory_space<hbm>>) target(%arg7 : memref<16x128xi32, #tpu.memory_space<vmem>>) target_semaphore(%run_scoped3A : memref<!tpu.dma_semaphore, #tpu.memory_space<semaphore_mem>>)
        %dma_wait3A = arith.constant 0 : i32
        %dma_wait3A_34 = arith.constant 0 : i32
        %dma_wait3A_35 = tpu.memref_slice %arg3[%add3A, %dma_wait3A, %dma_wait3A_34] : memref<32x160x128xi32, #tpu.memory_space<hbm>> -> memref<1x160x128xi32, #tpu.memory_space<hbm>>
        %dma_wait3A_36 = tpu.memref_squeeze %dma_wait3A_35 : memref<1x160x128xi32, #tpu.memory_space<hbm>> -> memref<160x128xi32, #tpu.memory_space<hbm>>
        %dma_wait3A_37 = arith.constant 0 : i32
        %dma_wait3A_38 = tpu.memref_slice %dma_wait3A_36[%mul3A_15, %dma_wait3A_37] : memref<160x128xi32, #tpu.memory_space<hbm>> -> memref<16x128xi32, #tpu.memory_space<hbm>>
        %dma_wait3A_39 = arith.constant 0 : i32
        %dma_wait3A_40 = arith.constant 0 : i32
        %dma_wait3A_41 = tpu.memref_slice %arg3[%add3A, %dma_wait3A_39, %dma_wait3A_40] : memref<32x160x128xi32, #tpu.memory_space<hbm>> -> memref<1x160x128xi32, #tpu.memory_space<hbm>>
        %dma_wait3A_42 = tpu.memref_squeeze %dma_wait3A_41 : memref<1x160x128xi32, #tpu.memory_space<hbm>> -> memref<160x128xi32, #tpu.memory_space<hbm>>
        %dma_wait3A_43 = arith.constant 0 : i32
        %dma_wait3A_44 = tpu.memref_slice %dma_wait3A_42[%mul3A_15, %dma_wait3A_43] : memref<160x128xi32, #tpu.memory_space<hbm>> -> memref<16x128xi32, #tpu.memory_space<hbm>>
        tpu.wait_dma2 semaphore(%run_scoped3A : memref<!tpu.dma_semaphore, #tpu.memory_space<semaphore_mem>>) src(%dma_wait3A_44 : memref<16x128xi32, #tpu.memory_space<hbm>>) dst(%arg7 : memref<16x128xi32, #tpu.memory_space<vmem>>)
        tpu.yield
      }) : () -> ()
      %mul3A_16 = arith.constant 16 : i32
      %mul3A_17 = arith.muli %scan3A_13, %mul3A_16 : i32
      "tpu.region"() ({
        %run_scoped3A = tpu.sem_alloc : memref<!tpu.dma_semaphore, #tpu.memory_space<semaphore_mem>>
        %dma_start3A = arith.constant 0 : i32
        %dma_start3A_23 = arith.constant 0 : i32
        %dma_start3A_24 = tpu.memref_slice %arg4[%add3A, %dma_start3A, %dma_start3A_23] : memref<32x160x128xi32, #tpu.memory_space<hbm>> -> memref<1x160x128xi32, #tpu.memory_space<hbm>>
        %dma_start3A_25 = tpu.memref_squeeze %dma_start3A_24 : memref<1x160x128xi32, #tpu.memory_space<hbm>> -> memref<160x128xi32, #tpu.memory_space<hbm>>
        %dma_start3A_26 = arith.constant 0 : i32
        %dma_start3A_27 = tpu.memref_slice %dma_start3A_25[%mul3A_17, %dma_start3A_26] : memref<160x128xi32, #tpu.memory_space<hbm>> -> memref<16x128xi32, #tpu.memory_space<hbm>>
        %dma_start3A_28 = arith.constant 0 : i32
        %dma_start3A_29 = arith.constant 0 : i32
        %dma_start3A_30 = tpu.memref_slice %arg4[%add3A, %dma_start3A_28, %dma_start3A_29] : memref<32x160x128xi32, #tpu.memory_space<hbm>> -> memref<1x160x128xi32, #tpu.memory_space<hbm>>
        %dma_start3A_31 = tpu.memref_squeeze %dma_start3A_30 : memref<1x160x128xi32, #tpu.memory_space<hbm>> -> memref<160x128xi32, #tpu.memory_space<hbm>>
        %dma_start3A_32 = arith.constant 0 : i32
        %dma_start3A_33 = tpu.memref_slice %dma_start3A_31[%mul3A_17, %dma_start3A_32] : memref<160x128xi32, #tpu.memory_space<hbm>> -> memref<16x128xi32, #tpu.memory_space<hbm>>
        tpu.enqueue_dma source(%dma_start3A_33 : memref<16x128xi32, #tpu.memory_space<hbm>>) target(%arg8 : memref<16x128xi32, #tpu.memory_space<vmem>>) target_semaphore(%run_scoped3A : memref<!tpu.dma_semaphore, #tpu.memory_space<semaphore_mem>>)
        %dma_wait3A = arith.constant 0 : i32
        %dma_wait3A_34 = arith.constant 0 : i32
        %dma_wait3A_35 = tpu.memref_slice %arg4[%add3A, %dma_wait3A, %dma_wait3A_34] : memref<32x160x128xi32, #tpu.memory_space<hbm>> -> memref<1x160x128xi32, #tpu.memory_space<hbm>>
        %dma_wait3A_36 = tpu.memref_squeeze %dma_wait3A_35 : memref<1x160x128xi32, #tpu.memory_space<hbm>> -> memref<160x128xi32, #tpu.memory_space<hbm>>
        %dma_wait3A_37 = arith.constant 0 : i32
        %dma_wait3A_38 = tpu.memref_slice %dma_wait3A_36[%mul3A_17, %dma_wait3A_37] : memref<160x128xi32, #tpu.memory_space<hbm>> -> memref<16x128xi32, #tpu.memory_space<hbm>>
        %dma_wait3A_39 = arith.constant 0 : i32
        %dma_wait3A_40 = arith.constant 0 : i32
        %dma_wait3A_41 = tpu.memref_slice %arg4[%add3A, %dma_wait3A_39, %dma_wait3A_40] : memref<32x160x128xi32, #tpu.memory_space<hbm>> -> memref<1x160x128xi32, #tpu.memory_space<hbm>>
        %dma_wait3A_42 = tpu.memref_squeeze %dma_wait3A_41 : memref<1x160x128xi32, #tpu.memory_space<hbm>> -> memref<160x128xi32, #tpu.memory_space<hbm>>
        %dma_wait3A_43 = arith.constant 0 : i32
        %dma_wait3A_44 = tpu.memref_slice %dma_wait3A_42[%mul3A_17, %dma_wait3A_43] : memref<160x128xi32, #tpu.memory_space<hbm>> -> memref<16x128xi32, #tpu.memory_space<hbm>>
        tpu.wait_dma2 semaphore(%run_scoped3A : memref<!tpu.dma_semaphore, #tpu.memory_space<semaphore_mem>>) src(%dma_wait3A_44 : memref<16x128xi32, #tpu.memory_space<hbm>>) dst(%arg8 : memref<16x128xi32, #tpu.memory_space<vmem>>)
        tpu.yield
      }) : () -> ()
      %scan3A_18 = arith.constant 0 : i32
      %scan3A_19 = arith.constant 16 : i32
      %scan3A_20 = arith.addi %scan3A_18, %scan3A_19 : i32
      %scan3A_21 = arith.constant 1 : i32
      scf.for %scan3A_23 = %scan3A_18 to %scan3A_20 step %scan3A_21  : i32 {
        %dma_start3A = arith.constant 0 : i32
        %dma_start3A_24 = tpu.memref_slice %arg7[%scan3A_23, %dma_start3A] : memref<16x128xi32, #tpu.memory_space<vmem>> -> memref<1x128xi32, #tpu.memory_space<vmem>>
        %dma_start3A_25 = tpu.memref_squeeze %dma_start3A_24 : memref<1x128xi32, #tpu.memory_space<vmem>> -> memref<128xi32, #tpu.memory_space<vmem>>
        %dma_start3A_26 = arith.constant 0 : i32
        %dma_start3A_27 = arith.constant 0 : i32
        %dma_start3A_28 = tpu.memref_slice %arg2[%dma_start3A_26, %dma_start3A_27] : memref<10000x128xf32, #tpu.memory_space<hbm>> -> memref<10000x128xf32, #tpu.memory_space<hbm>>
        tpu.enqueue_indirect_dma source(%dma_start3A_28 : memref<10000x128xf32, #tpu.memory_space<hbm>>) target(%arg9 : memref<128x128xf32, #tpu.memory_space<vmem>>) offsets(%dma_start3A_25 : memref<128xi32, #tpu.memory_space<vmem>>) semaphore(%arg11 : memref<!tpu.dma_semaphore, #tpu.memory_space<semaphore_mem>>)
        %dma_wait3A = arith.constant 0 : i32
        %dma_wait3A_29 = tpu.memref_slice %arg7[%scan3A_23, %dma_wait3A] : memref<16x128xi32, #tpu.memory_space<vmem>> -> memref<1x128xi32, #tpu.memory_space<vmem>>
        %dma_wait3A_30 = tpu.memref_squeeze %dma_wait3A_29 : memref<1x128xi32, #tpu.memory_space<vmem>> -> memref<128xi32, #tpu.memory_space<vmem>>
        %dma_wait3A_31 = arith.constant 0 : i32
        %dma_wait3A_32 = arith.constant 0 : i32
        %dma_wait3A_33 = tpu.memref_slice %arg2[%dma_wait3A_31, %dma_wait3A_32] : memref<10000x128xf32, #tpu.memory_space<hbm>> -> memref<10000x128xf32, #tpu.memory_space<hbm>>
        tpu.wait_indirect_dma semaphore(%arg11 : memref<!tpu.dma_semaphore, #tpu.memory_space<semaphore_mem>>) src(%dma_wait3A_33 : memref<10000x128xf32, #tpu.memory_space<hbm>>) dst(%arg9 : memref<128x128xf32, #tpu.memory_space<vmem>>)
        "tpu.region"() ({
          %run_scoped3A = tpu.sem_alloc : memref<!tpu.dma_semaphore, #tpu.memory_space<semaphore_mem>>
          %dma_start3A_34 = arith.constant 0 : i32
          %dma_start3A_35 = tpu.memref_slice %arg8[%scan3A_23, %dma_start3A_34] : memref<16x128xi32, #tpu.memory_space<vmem>> -> memref<1x128xi32, #tpu.memory_space<vmem>>
          %dma_start3A_36 = tpu.memref_squeeze %dma_start3A_35 : memref<1x128xi32, #tpu.memory_space<vmem>> -> memref<128xi32, #tpu.memory_space<vmem>>
          %dma_start3A_37 = arith.constant 0 : i32
          %dma_start3A_38 = arith.constant 0 : i32
          %dma_start3A_39 = tpu.memref_slice %arg10[%dma_start3A_37, %dma_start3A_38] : memref<10240x128xf32, #tpu.memory_space<vmem_shared>> -> memref<10240x128xf32, #tpu.memory_space<vmem_shared>>
          tpu.enqueue_indirect_dma source(%arg9 : memref<128x128xf32, #tpu.memory_space<vmem>>) target(%dma_start3A_39 : memref<10240x128xf32, #tpu.memory_space<vmem_shared>>) offsets(%dma_start3A_36 : memref<128xi32, #tpu.memory_space<vmem>>) semaphore(%run_scoped3A : memref<!tpu.dma_semaphore, #tpu.memory_space<semaphore_mem>>) {add = true}
          %dma_wait3A_40 = arith.constant 0 : i32
          %dma_wait3A_41 = tpu.memref_slice %arg8[%scan3A_23, %dma_wait3A_40] : memref<16x128xi32, #tpu.memory_space<vmem>> -> memref<1x128xi32, #tpu.memory_space<vmem>>
          %dma_wait3A_42 = tpu.memref_squeeze %dma_wait3A_41 : memref<1x128xi32, #tpu.memory_space<vmem>> -> memref<128xi32, #tpu.memory_space<vmem>>
          %dma_wait3A_43 = arith.constant 0 : i32
          %dma_wait3A_44 = arith.constant 0 : i32
          %dma_wait3A_45 = tpu.memref_slice %arg10[%dma_wait3A_43, %dma_wait3A_44] : memref<10240x128xf32, #tpu.memory_space<vmem_shared>> -> memref<10240x128xf32, #tpu.memory_space<vmem_shared>>
          tpu.wait_indirect_dma semaphore(%run_scoped3A : memref<!tpu.dma_semaphore, #tpu.memory_space<semaphore_mem>>) src(%arg9 : memref<128x128xf32, #tpu.memory_space<vmem>>) dst(%dma_wait3A_45 : memref<10240x128xf32, #tpu.memory_space<vmem_shared>>)
          tpu.yield
        }) : () -> ()
      }
      %scan3A_22 = arith.constant 16 : i32
    }
    %scan3A_7 = arith.constant 10 : i32
    %barrier3A_8 = arith.constant 0 : index
    tpu.barrier barrier_id(%barrier3A_8)
    %mul3A_9 = arith.constant 640 : i32
    %mul3A_10 = arith.muli %arg1, %mul3A_9 : i32
    %mul3A_11 = arith.constant 640 : i32
    %mul3A_12 = arith.muli %arg1, %mul3A_11 : i32
    "tpu.region"() ({
      %run_scoped3A = tpu.sem_alloc : memref<!tpu.dma_semaphore, #tpu.memory_space<semaphore_mem>>
      %dma_start3A = arith.constant 0 : i32
      %dma_start3A_13 = arith.constant 0 : i32
      %dma_start3A_14 = tpu.memref_slice %arg6[%arg0, %dma_start3A, %dma_start3A_13] : memref<2x10240x128xf32, #tpu.memory_space<hbm>> -> memref<1x10240x128xf32, #tpu.memory_space<hbm>>
      %dma_start3A_15 = tpu.memref_squeeze %dma_start3A_14 : memref<1x10240x128xf32, #tpu.memory_space<hbm>> -> memref<10240x128xf32, #tpu.memory_space<hbm>>
      %dma_start3A_16 = arith.constant 0 : i32
      %dma_start3A_17 = tpu.memref_slice %dma_start3A_15[%mul3A_12, %dma_start3A_16] : memref<10240x128xf32, #tpu.memory_space<hbm>> -> memref<640x128xf32, #tpu.memory_space<hbm>>
      %dma_start3A_18 = arith.constant 0 : i32
      %dma_start3A_19 = tpu.memref_slice %arg10[%mul3A_10, %dma_start3A_18] : memref<10240x128xf32, #tpu.memory_space<vmem_shared>> -> memref<640x128xf32, #tpu.memory_space<vmem_shared>>
      tpu.enqueue_dma source(%dma_start3A_19 : memref<640x128xf32, #tpu.memory_space<vmem_shared>>) target(%dma_start3A_17 : memref<640x128xf32, #tpu.memory_space<hbm>>) target_semaphore(%run_scoped3A : memref<!tpu.dma_semaphore, #tpu.memory_space<semaphore_mem>>)
      %dma_wait3A = arith.constant 0 : i32
      %dma_wait3A_20 = arith.constant 0 : i32
      %dma_wait3A_21 = tpu.memref_slice %arg6[%arg0, %dma_wait3A, %dma_wait3A_20] : memref<2x10240x128xf32, #tpu.memory_space<hbm>> -> memref<1x10240x128xf32, #tpu.memory_space<hbm>>
      %dma_wait3A_22 = tpu.memref_squeeze %dma_wait3A_21 : memref<1x10240x128xf32, #tpu.memory_space<hbm>> -> memref<10240x128xf32, #tpu.memory_space<hbm>>
      %dma_wait3A_23 = arith.constant 0 : i32
      %dma_wait3A_24 = tpu.memref_slice %dma_wait3A_22[%mul3A_12, %dma_wait3A_23] : memref<10240x128xf32, #tpu.memory_space<hbm>> -> memref<640x128xf32, #tpu.memory_space<hbm>>
      %dma_wait3A_25 = arith.constant 0 : i32
      %dma_wait3A_26 = tpu.memref_slice %arg10[%mul3A_10, %dma_wait3A_25] : memref<10240x128xf32, #tpu.memory_space<vmem_shared>> -> memref<640x128xf32, #tpu.memory_space<vmem_shared>>
      tpu.wait_dma2 semaphore(%run_scoped3A : memref<!tpu.dma_semaphore, #tpu.memory_space<semaphore_mem>>) src(%dma_wait3A_26 : memref<640x128xf32, #tpu.memory_space<vmem_shared>>) dst(%dma_wait3A_24 : memref<640x128xf32, #tpu.memory_space<hbm>>)
      tpu.yield
    }) : () -> ()
    return
  }
}

#map = affine_map<(d0, d1) -> (0, 0)>
#map1 = affine_map<(d0, d1) -> (0, 0, 0)>
module attributes {stable_mosaic.version = 14 : i64} {
  func.func @agg_kernel(%arg0: i32, %arg1: i32, %arg2: memref<10000x128xf32, #tpu.memory_space<hbm>>, %arg3: memref<32x160x128xi32, #tpu.memory_space<hbm>>, %arg4: memref<32x160x128xi32, #tpu.memory_space<hbm>>, %arg5: memref<640x128xf32, #tpu.memory_space<hbm>>, %arg6: memref<2x10240x128xf32, #tpu.memory_space<hbm>>, %arg7: memref<16x128xi32, #tpu.memory_space<vmem>>, %arg8: memref<16x128xi32, #tpu.memory_space<vmem>>, %arg9: memref<128x128xf32, #tpu.memory_space<vmem>>, %arg10: memref<10240x128xf32, #tpu.memory_space<vmem_shared>>, %arg11: memref<!tpu.dma_semaphore, #tpu.memory_space<semaphore_mem>>) attributes {dimension_semantics = [#tpu.dimension_semantics<core_parallel>, #tpu.dimension_semantics<subcore_parallel>], iteration_bounds = array<i64: 2, 16>, scalar_prefetch = 0 : i64, scratch_operands = 5 : i64, tpu.core_type = #tpu.core_type<sc_vector_subcore>, window_params = [{transform_indices = #map}, {transform_indices = #map1}, {transform_indices = #map1}, {transform_indices = #map}, {transform_indices = #map1}]} {
    %mul3A = arith.constant 16 : i32
    %mul3A_0 = arith.muli %arg0, %mul3A : i32
    %add3A = arith.addi %mul3A_0, %arg1 : i32
    %mul3A_1 = arith.constant 640 : i32
    %mul3A_2 = arith.muli %arg1, %mul3A_1 : i32
    "tpu.region"() ({
      %run_scoped3A = tpu.sem_alloc : memref<!tpu.dma_semaphore, #tpu.memory_space<semaphore_mem>>
      %dma_start3A = arith.constant 0 : i32
      %dma_start3A_13 = tpu.memref_slice %arg10[%mul3A_2, %dma_start3A] : memref<10240x128xf32, #tpu.memory_space<vmem_shared>> -> memref<640x128xf32, #tpu.memory_space<vmem_shared>>
      tpu.enqueue_dma source(%arg5 : memref<640x128xf32, #tpu.memory_space<hbm>>) target(%dma_start3A_13 : memref<640x128xf32, #tpu.memory_space<vmem_shared>>) target_semaphore(%run_scoped3A : memref<!tpu.dma_semaphore, #tpu.memory_space<semaphore_mem>>)
      %dma_wait3A = arith.constant 0 : i32
      %dma_wait3A_14 = tpu.memref_slice %arg10[%mul3A_2, %dma_wait3A] : memref<10240x128xf32, #tpu.memory_space<vmem_shared>> -> memref<640x128xf32, #tpu.memory_space<vmem_shared>>
      tpu.wait_dma2 semaphore(%run_scoped3A : memref<!tpu.dma_semaphore, #tpu.memory_space<semaphore_mem>>) src(%arg5 : memref<640x128xf32, #tpu.memory_space<hbm>>) dst(%dma_wait3A_14 : memref<640x128xf32, #tpu.memory_space<vmem_shared>>)
      tpu.yield
    }) : () -> ()
    %barrier3A = arith.constant 0 : index
    tpu.barrier barrier_id(%barrier3A)
    %scan3A = arith.constant 0 : i32
    %scan3A_3 = arith.constant 0 : i32
    %scan3A_4 = arith.constant 10 : i32
    %scan3A_5 = arith.addi %scan3A_3, %scan3A_4 : i32
    %scan3A_6 = arith.constant 1 : i32
    scf.for %scan3A_13 = %scan3A_3 to %scan3A_5 step %scan3A_6  : i32 {
      %mul3A_14 = arith.constant 16 : i32
      %mul3A_15 = arith.muli %scan3A_13, %mul3A_14 : i32
      "tpu.region"() ({
        %run_scoped3A = tpu.sem_alloc : memref<!tpu.dma_semaphore, #tpu.memory_space<semaphore_mem>>
        %dma_start3A = arith.constant 0 : i32
        %dma_start3A_23 = arith.constant 0 : i32
        %dma_start3A_24 = tpu.memref_slice %arg3[%add3A, %dma_start3A, %dma_start3A_23] : memref<32x160x128xi32, #tpu.memory_space<hbm>> -> memref<1x160x128xi32, #tpu.memory_space<hbm>>
        %dma_start3A_25 = tpu.memref_squeeze %dma_start3A_24 : memref<1x160x128xi32, #tpu.memory_space<hbm>> -> memref<160x128xi32, #tpu.memory_space<hbm>>
        %dma_start3A_26 = arith.constant 0 : i32
        %dma_start3A_27 = tpu.memref_slice %dma_start3A_25[%mul3A_15, %dma_start3A_26] : memref<160x128xi32, #tpu.memory_space<hbm>> -> memref<16x128xi32, #tpu.memory_space<hbm>>
        %dma_start3A_28 = arith.constant 0 : i32
        %dma_start3A_29 = arith.constant 0 : i32
        %dma_start3A_30 = tpu.memref_slice %arg3[%add3A, %dma_start3A_28, %dma_start3A_29] : memref<32x160x128xi32, #tpu.memory_space<hbm>> -> memref<1x160x128xi32, #tpu.memory_space<hbm>>
        %dma_start3A_31 = tpu.memref_squeeze %dma_start3A_30 : memref<1x160x128xi32, #tpu.memory_space<hbm>> -> memref<160x128xi32, #tpu.memory_space<hbm>>
        %dma_start3A_32 = arith.constant 0 : i32
        %dma_start3A_33 = tpu.memref_slice %dma_start3A_31[%mul3A_15, %dma_start3A_32] : memref<160x128xi32, #tpu.memory_space<hbm>> -> memref<16x128xi32, #tpu.memory_space<hbm>>
        tpu.enqueue_dma source(%dma_start3A_33 : memref<16x128xi32, #tpu.memory_space<hbm>>) target(%arg7 : memref<16x128xi32, #tpu.memory_space<vmem>>) target_semaphore(%run_scoped3A : memref<!tpu.dma_semaphore, #tpu.memory_space<semaphore_mem>>)
        %dma_wait3A = arith.constant 0 : i32
        %dma_wait3A_34 = arith.constant 0 : i32
        %dma_wait3A_35 = tpu.memref_slice %arg3[%add3A, %dma_wait3A, %dma_wait3A_34] : memref<32x160x128xi32, #tpu.memory_space<hbm>> -> memref<1x160x128xi32, #tpu.memory_space<hbm>>
        %dma_wait3A_36 = tpu.memref_squeeze %dma_wait3A_35 : memref<1x160x128xi32, #tpu.memory_space<hbm>> -> memref<160x128xi32, #tpu.memory_space<hbm>>
        %dma_wait3A_37 = arith.constant 0 : i32
        %dma_wait3A_38 = tpu.memref_slice %dma_wait3A_36[%mul3A_15, %dma_wait3A_37] : memref<160x128xi32, #tpu.memory_space<hbm>> -> memref<16x128xi32, #tpu.memory_space<hbm>>
        %dma_wait3A_39 = arith.constant 0 : i32
        %dma_wait3A_40 = arith.constant 0 : i32
        %dma_wait3A_41 = tpu.memref_slice %arg3[%add3A, %dma_wait3A_39, %dma_wait3A_40] : memref<32x160x128xi32, #tpu.memory_space<hbm>> -> memref<1x160x128xi32, #tpu.memory_space<hbm>>
        %dma_wait3A_42 = tpu.memref_squeeze %dma_wait3A_41 : memref<1x160x128xi32, #tpu.memory_space<hbm>> -> memref<160x128xi32, #tpu.memory_space<hbm>>
        %dma_wait3A_43 = arith.constant 0 : i32
        %dma_wait3A_44 = tpu.memref_slice %dma_wait3A_42[%mul3A_15, %dma_wait3A_43] : memref<160x128xi32, #tpu.memory_space<hbm>> -> memref<16x128xi32, #tpu.memory_space<hbm>>
        tpu.wait_dma2 semaphore(%run_scoped3A : memref<!tpu.dma_semaphore, #tpu.memory_space<semaphore_mem>>) src(%dma_wait3A_44 : memref<16x128xi32, #tpu.memory_space<hbm>>) dst(%arg7 : memref<16x128xi32, #tpu.memory_space<vmem>>)
        tpu.yield
      }) : () -> ()
      %mul3A_16 = arith.constant 16 : i32
      %mul3A_17 = arith.muli %scan3A_13, %mul3A_16 : i32
      "tpu.region"() ({
        %run_scoped3A = tpu.sem_alloc : memref<!tpu.dma_semaphore, #tpu.memory_space<semaphore_mem>>
        %dma_start3A = arith.constant 0 : i32
        %dma_start3A_23 = arith.constant 0 : i32
        %dma_start3A_24 = tpu.memref_slice %arg4[%add3A, %dma_start3A, %dma_start3A_23] : memref<32x160x128xi32, #tpu.memory_space<hbm>> -> memref<1x160x128xi32, #tpu.memory_space<hbm>>
        %dma_start3A_25 = tpu.memref_squeeze %dma_start3A_24 : memref<1x160x128xi32, #tpu.memory_space<hbm>> -> memref<160x128xi32, #tpu.memory_space<hbm>>
        %dma_start3A_26 = arith.constant 0 : i32
        %dma_start3A_27 = tpu.memref_slice %dma_start3A_25[%mul3A_17, %dma_start3A_26] : memref<160x128xi32, #tpu.memory_space<hbm>> -> memref<16x128xi32, #tpu.memory_space<hbm>>
        %dma_start3A_28 = arith.constant 0 : i32
        %dma_start3A_29 = arith.constant 0 : i32
        %dma_start3A_30 = tpu.memref_slice %arg4[%add3A, %dma_start3A_28, %dma_start3A_29] : memref<32x160x128xi32, #tpu.memory_space<hbm>> -> memref<1x160x128xi32, #tpu.memory_space<hbm>>
        %dma_start3A_31 = tpu.memref_squeeze %dma_start3A_30 : memref<1x160x128xi32, #tpu.memory_space<hbm>> -> memref<160x128xi32, #tpu.memory_space<hbm>>
        %dma_start3A_32 = arith.constant 0 : i32
        %dma_start3A_33 = tpu.memref_slice %dma_start3A_31[%mul3A_17, %dma_start3A_32] : memref<160x128xi32, #tpu.memory_space<hbm>> -> memref<16x128xi32, #tpu.memory_space<hbm>>
        tpu.enqueue_dma source(%dma_start3A_33 : memref<16x128xi32, #tpu.memory_space<hbm>>) target(%arg8 : memref<16x128xi32, #tpu.memory_space<vmem>>) target_semaphore(%run_scoped3A : memref<!tpu.dma_semaphore, #tpu.memory_space<semaphore_mem>>)
        %dma_wait3A = arith.constant 0 : i32
        %dma_wait3A_34 = arith.constant 0 : i32
        %dma_wait3A_35 = tpu.memref_slice %arg4[%add3A, %dma_wait3A, %dma_wait3A_34] : memref<32x160x128xi32, #tpu.memory_space<hbm>> -> memref<1x160x128xi32, #tpu.memory_space<hbm>>
        %dma_wait3A_36 = tpu.memref_squeeze %dma_wait3A_35 : memref<1x160x128xi32, #tpu.memory_space<hbm>> -> memref<160x128xi32, #tpu.memory_space<hbm>>
        %dma_wait3A_37 = arith.constant 0 : i32
        %dma_wait3A_38 = tpu.memref_slice %dma_wait3A_36[%mul3A_17, %dma_wait3A_37] : memref<160x128xi32, #tpu.memory_space<hbm>> -> memref<16x128xi32, #tpu.memory_space<hbm>>
        %dma_wait3A_39 = arith.constant 0 : i32
        %dma_wait3A_40 = arith.constant 0 : i32
        %dma_wait3A_41 = tpu.memref_slice %arg4[%add3A, %dma_wait3A_39, %dma_wait3A_40] : memref<32x160x128xi32, #tpu.memory_space<hbm>> -> memref<1x160x128xi32, #tpu.memory_space<hbm>>
        %dma_wait3A_42 = tpu.memref_squeeze %dma_wait3A_41 : memref<1x160x128xi32, #tpu.memory_space<hbm>> -> memref<160x128xi32, #tpu.memory_space<hbm>>
        %dma_wait3A_43 = arith.constant 0 : i32
        %dma_wait3A_44 = tpu.memref_slice %dma_wait3A_42[%mul3A_17, %dma_wait3A_43] : memref<160x128xi32, #tpu.memory_space<hbm>> -> memref<16x128xi32, #tpu.memory_space<hbm>>
        tpu.wait_dma2 semaphore(%run_scoped3A : memref<!tpu.dma_semaphore, #tpu.memory_space<semaphore_mem>>) src(%dma_wait3A_44 : memref<16x128xi32, #tpu.memory_space<hbm>>) dst(%arg8 : memref<16x128xi32, #tpu.memory_space<vmem>>)
        tpu.yield
      }) : () -> ()
      %scan3A_18 = arith.constant 0 : i32
      %scan3A_19 = arith.constant 16 : i32
      %scan3A_20 = arith.addi %scan3A_18, %scan3A_19 : i32
      %scan3A_21 = arith.constant 1 : i32
      scf.for %scan3A_23 = %scan3A_18 to %scan3A_20 step %scan3A_21  : i32 {
        %dma_start3A = arith.constant 0 : i32
        %dma_start3A_24 = tpu.memref_slice %arg7[%scan3A_23, %dma_start3A] : memref<16x128xi32, #tpu.memory_space<vmem>> -> memref<1x128xi32, #tpu.memory_space<vmem>>
        %dma_start3A_25 = tpu.memref_squeeze %dma_start3A_24 : memref<1x128xi32, #tpu.memory_space<vmem>> -> memref<128xi32, #tpu.memory_space<vmem>>
        %dma_start3A_26 = arith.constant 0 : i32
        %dma_start3A_27 = arith.constant 0 : i32
        %dma_start3A_28 = tpu.memref_slice %arg2[%dma_start3A_26, %dma_start3A_27] : memref<10000x128xf32, #tpu.memory_space<hbm>> -> memref<10000x128xf32, #tpu.memory_space<hbm>>
        tpu.enqueue_indirect_dma source(%dma_start3A_28 : memref<10000x128xf32, #tpu.memory_space<hbm>>) target(%arg9 : memref<128x128xf32, #tpu.memory_space<vmem>>) offsets(%dma_start3A_25 : memref<128xi32, #tpu.memory_space<vmem>>) semaphore(%arg11 : memref<!tpu.dma_semaphore, #tpu.memory_space<semaphore_mem>>)
        %dma_wait3A = arith.constant 0 : i32
        %dma_wait3A_29 = tpu.memref_slice %arg7[%scan3A_23, %dma_wait3A] : memref<16x128xi32, #tpu.memory_space<vmem>> -> memref<1x128xi32, #tpu.memory_space<vmem>>
        %dma_wait3A_30 = tpu.memref_squeeze %dma_wait3A_29 : memref<1x128xi32, #tpu.memory_space<vmem>> -> memref<128xi32, #tpu.memory_space<vmem>>
        %dma_wait3A_31 = arith.constant 0 : i32
        %dma_wait3A_32 = arith.constant 0 : i32
        %dma_wait3A_33 = tpu.memref_slice %arg2[%dma_wait3A_31, %dma_wait3A_32] : memref<10000x128xf32, #tpu.memory_space<hbm>> -> memref<10000x128xf32, #tpu.memory_space<hbm>>
        tpu.wait_indirect_dma semaphore(%arg11 : memref<!tpu.dma_semaphore, #tpu.memory_space<semaphore_mem>>) src(%dma_wait3A_33 : memref<10000x128xf32, #tpu.memory_space<hbm>>) dst(%arg9 : memref<128x128xf32, #tpu.memory_space<vmem>>)
        "tpu.region"() ({
          %run_scoped3A = tpu.sem_alloc : memref<!tpu.dma_semaphore, #tpu.memory_space<semaphore_mem>>
          %dma_start3A_34 = arith.constant 0 : i32
          %dma_start3A_35 = tpu.memref_slice %arg8[%scan3A_23, %dma_start3A_34] : memref<16x128xi32, #tpu.memory_space<vmem>> -> memref<1x128xi32, #tpu.memory_space<vmem>>
          %dma_start3A_36 = tpu.memref_squeeze %dma_start3A_35 : memref<1x128xi32, #tpu.memory_space<vmem>> -> memref<128xi32, #tpu.memory_space<vmem>>
          %dma_start3A_37 = arith.constant 0 : i32
          %dma_start3A_38 = arith.constant 0 : i32
          %dma_start3A_39 = tpu.memref_slice %arg10[%dma_start3A_37, %dma_start3A_38] : memref<10240x128xf32, #tpu.memory_space<vmem_shared>> -> memref<10240x128xf32, #tpu.memory_space<vmem_shared>>
          tpu.enqueue_indirect_dma source(%arg9 : memref<128x128xf32, #tpu.memory_space<vmem>>) target(%dma_start3A_39 : memref<10240x128xf32, #tpu.memory_space<vmem_shared>>) offsets(%dma_start3A_36 : memref<128xi32, #tpu.memory_space<vmem>>) semaphore(%run_scoped3A : memref<!tpu.dma_semaphore, #tpu.memory_space<semaphore_mem>>) {add = true}
          %dma_wait3A_40 = arith.constant 0 : i32
          %dma_wait3A_41 = tpu.memref_slice %arg8[%scan3A_23, %dma_wait3A_40] : memref<16x128xi32, #tpu.memory_space<vmem>> -> memref<1x128xi32, #tpu.memory_space<vmem>>
          %dma_wait3A_42 = tpu.memref_squeeze %dma_wait3A_41 : memref<1x128xi32, #tpu.memory_space<vmem>> -> memref<128xi32, #tpu.memory_space<vmem>>
          %dma_wait3A_43 = arith.constant 0 : i32
          %dma_wait3A_44 = arith.constant 0 : i32
          %dma_wait3A_45 = tpu.memref_slice %arg10[%dma_wait3A_43, %dma_wait3A_44] : memref<10240x128xf32, #tpu.memory_space<vmem_shared>> -> memref<10240x128xf32, #tpu.memory_space<vmem_shared>>
          tpu.wait_indirect_dma semaphore(%run_scoped3A : memref<!tpu.dma_semaphore, #tpu.memory_space<semaphore_mem>>) src(%arg9 : memref<128x128xf32, #tpu.memory_space<vmem>>) dst(%dma_wait3A_45 : memref<10240x128xf32, #tpu.memory_space<vmem_shared>>)
          tpu.yield
        }) : () -> ()
      }
      %scan3A_22 = arith.constant 16 : i32
    }
    %scan3A_7 = arith.constant 10 : i32
    %barrier3A_8 = arith.constant 0 : index
    tpu.barrier barrier_id(%barrier3A_8)
    %mul3A_9 = arith.constant 640 : i32
    %mul3A_10 = arith.muli %arg1, %mul3A_9 : i32
    %mul3A_11 = arith.constant 640 : i32
    %mul3A_12 = arith.muli %arg1, %mul3A_11 : i32
    "tpu.region"() ({
      %run_scoped3A = tpu.sem_alloc : memref<!tpu.dma_semaphore, #tpu.memory_space<semaphore_mem>>
      %dma_start3A = arith.constant 0 : i32
      %dma_start3A_13 = arith.constant 0 : i32
      %dma_start3A_14 = tpu.memref_slice %arg6[%arg0, %dma_start3A, %dma_start3A_13] : memref<2x10240x128xf32, #tpu.memory_space<hbm>> -> memref<1x10240x128xf32, #tpu.memory_space<hbm>>
      %dma_start3A_15 = tpu.memref_squeeze %dma_start3A_14 : memref<1x10240x128xf32, #tpu.memory_space<hbm>> -> memref<10240x128xf32, #tpu.memory_space<hbm>>
      %dma_start3A_16 = arith.constant 0 : i32
      %dma_start3A_17 = tpu.memref_slice %dma_start3A_15[%mul3A_12, %dma_start3A_16] : memref<10240x128xf32, #tpu.memory_space<hbm>> -> memref<640x128xf32, #tpu.memory_space<hbm>>
      %dma_start3A_18 = arith.constant 0 : i32
      %dma_start3A_19 = tpu.memref_slice %arg10[%mul3A_10, %dma_start3A_18] : memref<10240x128xf32, #tpu.memory_space<vmem_shared>> -> memref<640x128xf32, #tpu.memory_space<vmem_shared>>
      tpu.enqueue_dma source(%dma_start3A_19 : memref<640x128xf32, #tpu.memory_space<vmem_shared>>) target(%dma_start3A_17 : memref<640x128xf32, #tpu.memory_space<hbm>>) target_semaphore(%run_scoped3A : memref<!tpu.dma_semaphore, #tpu.memory_space<semaphore_mem>>)
      %dma_wait3A = arith.constant 0 : i32
      %dma_wait3A_20 = arith.constant 0 : i32
      %dma_wait3A_21 = tpu.memref_slice %arg6[%arg0, %dma_wait3A, %dma_wait3A_20] : memref<2x10240x128xf32, #tpu.memory_space<hbm>> -> memref<1x10240x128xf32, #tpu.memory_space<hbm>>
      %dma_wait3A_22 = tpu.memref_squeeze %dma_wait3A_21 : memref<1x10240x128xf32, #tpu.memory_space<hbm>> -> memref<10240x128xf32, #tpu.memory_space<hbm>>
      %dma_wait3A_23 = arith.constant 0 : i32
      %dma_wait3A_24 = tpu.memref_slice %dma_wait3A_22[%mul3A_12, %dma_wait3A_23] : memref<10240x128xf32, #tpu.memory_space<hbm>> -> memref<640x128xf32, #tpu.memory_space<hbm>>
      %dma_wait3A_25 = arith.constant 0 : i32
      %dma_wait3A_26 = tpu.memref_slice %arg10[%mul3A_10, %dma_wait3A_25] : memref<10240x128xf32, #tpu.memory_space<vmem_shared>> -> memref<640x128xf32, #tpu.memory_space<vmem_shared>>
      tpu.wait_dma2 semaphore(%run_scoped3A : memref<!tpu.dma_semaphore, #tpu.memory_space<semaphore_mem>>) src(%dma_wait3A_26 : memref<640x128xf32, #tpu.memory_space<vmem_shared>>) dst(%dma_wait3A_24 : memref<640x128xf32, #tpu.memory_space<hbm>>)
      tpu.yield
    }) : () -> ()
    return
  }
}

module attributes {stable_mosaic.version = 14 : i64} {
  func.func @_mlp_kernel(%arg0: i32, %arg1: memref<1000x128xf32, #tpu.memory_space<vmem>>, %arg2: memref<1000x128xf32, #tpu.memory_space<vmem>>, %arg3: memref<1000x128xf32, #tpu.memory_space<vmem>>, %arg4: memref<128x128xf32, #tpu.memory_space<vmem>>, %arg5: memref<1x128xf32, #tpu.memory_space<vmem>>, %arg6: memref<128x128xf32, #tpu.memory_space<vmem>>, %arg7: memref<1x128xf32, #tpu.memory_space<vmem>>, %arg8: memref<1000x128xf32, #tpu.memory_space<vmem>>, %arg9: memref<8x128xf32, #tpu.memory_space<vmem>>) attributes {dimension_semantics = [#tpu.dimension_semantics<arbitrary>], iteration_bounds = array<i64: 10>, scalar_prefetch = 0 : i64, scratch_operands = 0 : i64, tpu.core_type = #tpu.core_type<tc>, window_params = [{transform_indices = @transform_0, window_bounds = array<i64: 1000, 128>}, {transform_indices = @transform_1, window_bounds = array<i64: 1000, 128>}, {transform_indices = @transform_2, window_bounds = array<i64: 1000, 128>}, {pipeline_mode = #tpu.pipeline_mode<synchronous>, transform_indices = @transform_3, window_bounds = array<i64: 128, 128>}, {pipeline_mode = #tpu.pipeline_mode<synchronous>, transform_indices = @transform_4, window_bounds = array<i64: 1, 128>}, {pipeline_mode = #tpu.pipeline_mode<synchronous>, transform_indices = @transform_5, window_bounds = array<i64: 128, 128>}, {pipeline_mode = #tpu.pipeline_mode<synchronous>, transform_indices = @transform_6, window_bounds = array<i64: 1, 128>}, {transform_indices = @transform_7, window_bounds = array<i64: 1000, 128>}, {pipeline_mode = #tpu.pipeline_mode<synchronous>, transform_indices = @transform_8, window_bounds = array<i64: 8, 128>}]} {
    %get3A = arith.constant 0 : index
    %get3A_0 = arith.constant 0 : index
    %get3A_1 = vector.load %arg1[%get3A, %get3A_0] : memref<1000x128xf32, #tpu.memory_space<vmem>>, vector<1000x128xf32>
    %get3A_2 = arith.constant 0 : index
    %get3A_3 = arith.constant 0 : index
    %get3A_4 = vector.load %arg2[%get3A_2, %get3A_3] : memref<1000x128xf32, #tpu.memory_space<vmem>>, vector<1000x128xf32>
    %add3A = arith.addf %get3A_1, %get3A_4 : vector<1000x128xf32>
    %get3A_5 = arith.constant 0 : index
    %get3A_6 = arith.constant 0 : index
    %get3A_7 = vector.load %arg3[%get3A_5, %get3A_6] : memref<1000x128xf32, #tpu.memory_space<vmem>>, vector<1000x128xf32>
    %add3A_8 = arith.addf %add3A, %get3A_7 : vector<1000x128xf32>
    %get3A_9 = arith.constant 0 : index
    %get3A_10 = arith.constant 0 : index
    %get3A_11 = vector.load %arg4[%get3A_9, %get3A_10] : memref<128x128xf32, #tpu.memory_space<vmem>>, vector<128x128xf32>
    %dot_general3A = arith.constant dense<0.000000e+00> : vector<1000x128xf32>
    %dot_general3A_12 = tpu.matmul %add3A_8, %get3A_11, %dot_general3A {dimension_numbers = #tpu.dot_dimension_numbers<[1], [0], [0], [1], [0, 0, 1, 1], [], []>, transpose_lhs_hint = false} : vector<1000x128xf32>, vector<128x128xf32>, vector<1000x128xf32> -> vector<1000x128xf32>
    %get3A_13 = arith.constant 0 : index
    %get3A_14 = arith.constant 0 : index
    %get3A_15 = vector.load %arg5[%get3A_13, %get3A_14] : memref<1x128xf32, #tpu.memory_space<vmem>>, vector<1x128xf32>
    %add3A_16 = vector.broadcast %get3A_15 : vector<1x128xf32> to vector<1000x128xf32>
    %add3A_17 = arith.addf %dot_general3A_12, %add3A_16 : vector<1000x128xf32>
    %max3A = arith.constant 0.000000e+00 : f32
    %max3A_18 = vector.broadcast %max3A : f32 to vector<1000x128xf32>
    %max3A_19 = arith.maximumf %add3A_17, %max3A_18 : vector<1000x128xf32>
    %get3A_20 = arith.constant 0 : index
    %get3A_21 = arith.constant 0 : index
    %get3A_22 = vector.load %arg6[%get3A_20, %get3A_21] : memref<128x128xf32, #tpu.memory_space<vmem>>, vector<128x128xf32>
    %dot_general3A_23 = arith.constant dense<0.000000e+00> : vector<1000x128xf32>
    %dot_general3A_24 = tpu.matmul %max3A_19, %get3A_22, %dot_general3A_23 {dimension_numbers = #tpu.dot_dimension_numbers<[1], [0], [0], [1], [0, 0, 1, 1], [], []>, transpose_lhs_hint = false} : vector<1000x128xf32>, vector<128x128xf32>, vector<1000x128xf32> -> vector<1000x128xf32>
    %get3A_25 = arith.constant 0 : index
    %get3A_26 = arith.constant 0 : index
    %get3A_27 = vector.load %arg7[%get3A_25, %get3A_26] : memref<1x128xf32, #tpu.memory_space<vmem>>, vector<1x128xf32>
    %add3A_28 = vector.broadcast %get3A_27 : vector<1x128xf32> to vector<1000x128xf32>
    %add3A_29 = arith.addf %dot_general3A_24, %add3A_28 : vector<1000x128xf32>
    %max3A_30 = arith.constant 0.000000e+00 : f32
    %max3A_31 = vector.broadcast %max3A_30 : f32 to vector<1000x128xf32>
    %max3A_32 = arith.maximumf %add3A_29, %max3A_31 : vector<1000x128xf32>
    %swap3A = arith.constant 0 : index
    %swap3A_33 = arith.constant 0 : index
    %swap3A_34 = vector.load %arg8[%swap3A, %swap3A_33] : memref<1000x128xf32, #tpu.memory_space<vmem>>, vector<1000x128xf32>
    tpu.vector_store %arg8[%swap3A, %swap3A_33], %max3A_32 {strides = array<i32>} : memref<1000x128xf32, #tpu.memory_space<vmem>>, vector<1000x128xf32>,
    %eq3A = arith.constant 0 : i32
    %eq3A_35 = arith.cmpi eq, %arg0, %eq3A : i32
    %convert_element_type3A = arith.extui %eq3A_35 : i1 to i32
    %cond3A = arith.constant 0 : i32
    %cond3A_36 = arith.cmpi ne, %convert_element_type3A, %cond3A : i32
    scf.if %cond3A_36 {
      %broadcast_in_dim3A_50 = arith.constant 0.000000e+00 : f32
      %broadcast_in_dim3A_51 = vector.broadcast %broadcast_in_dim3A_50 : f32 to vector<8x128xf32>
      %swap3A_52 = arith.constant 0 : index
      %swap3A_53 = arith.constant 0 : index
      %swap3A_54 = vector.load %arg9[%swap3A_52, %swap3A_53] : memref<8x128xf32, #tpu.memory_space<vmem>>, vector<8x128xf32>
      tpu.vector_store %arg9[%swap3A_52, %swap3A_53], %broadcast_in_dim3A_51 {strides = array<i32>} : memref<8x128xf32, #tpu.memory_space<vmem>>, vector<8x128xf32>,
    } else {
    }
    %reduce_sum3A = arith.constant dense<0.000000e+00> : vector<128xf32>
    %reduce_sum3A_37 = vector.multi_reduction <add>, %max3A_32, %reduce_sum3A [0] : vector<1000x128xf32> to vector<128xf32>
    %mul3A = arith.mulf %max3A_32, %max3A_32 : vector<1000x128xf32>
    %reduce_sum3A_38 = arith.constant dense<0.000000e+00> : vector<128xf32>
    %reduce_sum3A_39 = vector.multi_reduction <add>, %mul3A, %reduce_sum3A_38 [0] : vector<1000x128xf32> to vector<128xf32>
    %get3A_40 = arith.constant 0 : index
    %get3A_41 = arith.constant 0 : index
    %get3A_42 = vector.load %arg9[%get3A_40, %get3A_41] : memref<8x128xf32, #tpu.memory_space<vmem>>, vector<8x128xf32>
    %broadcast_in_dim3A = vector.shape_cast %reduce_sum3A_37 : vector<128xf32> to vector<1x128xf32>
    %broadcast_in_dim3A_43 = vector.shape_cast %reduce_sum3A_39 : vector<128xf32> to vector<1x128xf32>
    %broadcast_in_dim3A_44 = arith.constant 0.000000e+00 : f32
    %broadcast_in_dim3A_45 = vector.broadcast %broadcast_in_dim3A_44 : f32 to vector<6x128xf32>
    %concatenate3A = tpu.concatenate %broadcast_in_dim3A, %broadcast_in_dim3A_43, %broadcast_in_dim3A_45 in 0 : vector<1x128xf32>, vector<1x128xf32>, vector<6x128xf32> -> vector<8x128xf32>
    %add3A_46 = arith.addf %get3A_42, %concatenate3A : vector<8x128xf32>
    %swap3A_47 = arith.constant 0 : index
    %swap3A_48 = arith.constant 0 : index
    %swap3A_49 = vector.load %arg9[%swap3A_47, %swap3A_48] : memref<8x128xf32, #tpu.memory_space<vmem>>, vector<8x128xf32>
    tpu.vector_store %arg9[%swap3A_47, %swap3A_48], %add3A_46 {strides = array<i32>} : memref<8x128xf32, #tpu.memory_space<vmem>>, vector<8x128xf32>,
    return
  }
  func.func @transform_0(%arg0: i32) -> (i32, i32) {
    %c0_i32 = arith.constant 0 : i32
    %c0_i32_0 = arith.constant 0 : i32
    return %arg0, %c0_i32 : i32, i32
  }
  func.func @transform_1(%arg0: i32) -> (i32, i32) {
    %c0_i32 = arith.constant 0 : i32
    %c0_i32_0 = arith.constant 0 : i32
    return %arg0, %c0_i32 : i32, i32
  }
  func.func @transform_2(%arg0: i32) -> (i32, i32) {
    %c0_i32 = arith.constant 0 : i32
    %c0_i32_0 = arith.constant 0 : i32
    return %arg0, %c0_i32 : i32, i32
  }
  func.func @transform_3(%arg0: i32) -> (i32, i32) {
    %c0_i32 = arith.constant 0 : i32
    %c0_i32_0 = arith.constant 0 : i32
    %c0_i32_1 = arith.constant 0 : i32
    return %c0_i32, %c0_i32_0 : i32, i32
  }
  func.func @transform_4(%arg0: i32) -> (i32, i32) {
    %c0_i32 = arith.constant 0 : i32
    %c0_i32_0 = arith.constant 0 : i32
    %c0_i32_1 = arith.constant 0 : i32
    return %c0_i32, %c0_i32_0 : i32, i32
  }
  func.func @transform_5(%arg0: i32) -> (i32, i32) {
    %c0_i32 = arith.constant 0 : i32
    %c0_i32_0 = arith.constant 0 : i32
    %c0_i32_1 = arith.constant 0 : i32
    return %c0_i32, %c0_i32_0 : i32, i32
  }
  func.func @transform_6(%arg0: i32) -> (i32, i32) {
    %c0_i32 = arith.constant 0 : i32
    %c0_i32_0 = arith.constant 0 : i32
    %c0_i32_1 = arith.constant 0 : i32
    return %c0_i32, %c0_i32_0 : i32, i32
  }
  func.func @transform_7(%arg0: i32) -> (i32, i32) {
    %c0_i32 = arith.constant 0 : i32
    %c0_i32_0 = arith.constant 0 : i32
    return %arg0, %c0_i32 : i32, i32
  }
  func.func @transform_8(%arg0: i32) -> (i32, i32) {
    %c0_i32 = arith.constant 0 : i32
    %c0_i32_0 = arith.constant 0 : i32
    %c0_i32_1 = arith.constant 0 : i32
    return %c0_i32, %c0_i32_0 : i32, i32
  }
}

module attributes {stable_mosaic.version = 14 : i64} {
  func.func @_bn_kernel(%arg0: i32, %arg1: memref<1000x128xf32, #tpu.memory_space<vmem>>, %arg2: memref<8x128xf32, #tpu.memory_space<vmem>>, %arg3: memref<1x128xf32, #tpu.memory_space<vmem>>, %arg4: memref<1x128xf32, #tpu.memory_space<vmem>>, %arg5: memref<1000x128xf32, #tpu.memory_space<vmem>>, %arg6: memref<1000x128xf32, #tpu.memory_space<vmem>>) attributes {dimension_semantics = [#tpu.dimension_semantics<arbitrary>], iteration_bounds = array<i64: 10>, scalar_prefetch = 0 : i64, scratch_operands = 0 : i64, tpu.core_type = #tpu.core_type<tc>, window_params = [{transform_indices = @transform_0, window_bounds = array<i64: 1000, 128>}, {pipeline_mode = #tpu.pipeline_mode<synchronous>, transform_indices = @transform_1, window_bounds = array<i64: 8, 128>}, {pipeline_mode = #tpu.pipeline_mode<synchronous>, transform_indices = @transform_2, window_bounds = array<i64: 1, 128>}, {pipeline_mode = #tpu.pipeline_mode<synchronous>, transform_indices = @transform_3, window_bounds = array<i64: 1, 128>}, {transform_indices = @transform_4, window_bounds = array<i64: 1000, 128>}, {transform_indices = @transform_5, window_bounds = array<i64: 1000, 128>}]} {
    %get3A = arith.constant 0 : index
    %get3A_0 = arith.constant 0 : index
    %get3A_1 = vector.load %arg2[%get3A, %get3A_0] : memref<8x128xf32, #tpu.memory_space<vmem>>, vector<1x128xf32>
    %get3A_2 = arith.constant 1 : index
    %get3A_3 = arith.constant 0 : index
    %get3A_4 = vector.load %arg2[%get3A_2, %get3A_3] : memref<8x128xf32, #tpu.memory_space<vmem>>, vector<1x128xf32>
    %mul3A = arith.constant 9.99999974E-5 : f32
    %mul3A_5 = vector.broadcast %mul3A : f32 to vector<1x128xf32>
    %mul3A_6 = arith.mulf %get3A_1, %mul3A_5 : vector<1x128xf32>
    %mul3A_7 = arith.constant 9.99999974E-5 : f32
    %mul3A_8 = vector.broadcast %mul3A_7 : f32 to vector<1x128xf32>
    %mul3A_9 = arith.mulf %get3A_4, %mul3A_8 : vector<1x128xf32>
    %mul3A_10 = arith.mulf %mul3A_6, %mul3A_6 : vector<1x128xf32>
    %sub3A = arith.subf %mul3A_9, %mul3A_10 : vector<1x128xf32>
    %get3A_11 = arith.constant 0 : index
    %get3A_12 = arith.constant 0 : index
    %get3A_13 = vector.load %arg1[%get3A_11, %get3A_12] : memref<1000x128xf32, #tpu.memory_space<vmem>>, vector<1000x128xf32>
    %sub3A_14 = vector.broadcast %mul3A_6 : vector<1x128xf32> to vector<1000x128xf32>
    %sub3A_15 = arith.subf %get3A_13, %sub3A_14 : vector<1000x128xf32>
    %add3A = arith.constant 9.99999974E-6 : f32
    %add3A_16 = vector.broadcast %add3A : f32 to vector<1x128xf32>
    %add3A_17 = arith.addf %sub3A, %add3A_16 : vector<1x128xf32>
    %rsqrt3A = math.rsqrt %add3A_17 : vector<1x128xf32>
    %mul3A_18 = vector.broadcast %rsqrt3A : vector<1x128xf32> to vector<1000x128xf32>
    %mul3A_19 = arith.mulf %sub3A_15, %mul3A_18 : vector<1000x128xf32>
    %get3A_20 = arith.constant 0 : index
    %get3A_21 = arith.constant 0 : index
    %get3A_22 = vector.load %arg3[%get3A_20, %get3A_21] : memref<1x128xf32, #tpu.memory_space<vmem>>, vector<1x128xf32>
    %mul3A_23 = vector.broadcast %get3A_22 : vector<1x128xf32> to vector<1000x128xf32>
    %mul3A_24 = arith.mulf %mul3A_19, %mul3A_23 : vector<1000x128xf32>
    %get3A_25 = arith.constant 0 : index
    %get3A_26 = arith.constant 0 : index
    %get3A_27 = vector.load %arg4[%get3A_25, %get3A_26] : memref<1x128xf32, #tpu.memory_space<vmem>>, vector<1x128xf32>
    %add3A_28 = vector.broadcast %get3A_27 : vector<1x128xf32> to vector<1000x128xf32>
    %add3A_29 = arith.addf %mul3A_24, %add3A_28 : vector<1000x128xf32>
    %swap3A = arith.constant 0 : index
    %swap3A_30 = arith.constant 0 : index
    %swap3A_31 = vector.load %arg6[%swap3A, %swap3A_30] : memref<1000x128xf32, #tpu.memory_space<vmem>>, vector<1000x128xf32>
    tpu.vector_store %arg6[%swap3A, %swap3A_30], %add3A_29 {strides = array<i32>} : memref<1000x128xf32, #tpu.memory_space<vmem>>, vector<1000x128xf32>,
    return
  }
  func.func @transform_0(%arg0: i32) -> (i32, i32) {
    %c0_i32 = arith.constant 0 : i32
    %c0_i32_0 = arith.constant 0 : i32
    return %arg0, %c0_i32 : i32, i32
  }
  func.func @transform_1(%arg0: i32) -> (i32, i32) {
    %c0_i32 = arith.constant 0 : i32
    %c0_i32_0 = arith.constant 0 : i32
    %c0_i32_1 = arith.constant 0 : i32
    return %c0_i32, %c0_i32_0 : i32, i32
  }
  func.func @transform_2(%arg0: i32) -> (i32, i32) {
    %c0_i32 = arith.constant 0 : i32
    %c0_i32_0 = arith.constant 0 : i32
    %c0_i32_1 = arith.constant 0 : i32
    return %c0_i32, %c0_i32_0 : i32, i32
  }
  func.func @transform_3(%arg0: i32) -> (i32, i32) {
    %c0_i32 = arith.constant 0 : i32
    %c0_i32_0 = arith.constant 0 : i32
    %c0_i32_1 = arith.constant 0 : i32
    return %c0_i32, %c0_i32_0 : i32, i32
  }
  func.func @transform_4(%arg0: i32) -> (i32, i32) {
    %c0_i32 = arith.constant 0 : i32
    %c0_i32_0 = arith.constant 0 : i32
    return %arg0, %c0_i32 : i32, i32
  }
  func.func @transform_5(%arg0: i32) -> (i32, i32) {
    %c0_i32 = arith.constant 0 : i32
    %c0_i32_0 = arith.constant 0 : i32
    return %arg0, %c0_i32 : i32, i32
  }
}

module attributes {stable_mosaic.version = 14 : i64} {
  func.func @_bn_kernel(%arg0: i32, %arg1: memref<1000x128xf32, #tpu.memory_space<vmem>>, %arg2: memref<8x128xf32, #tpu.memory_space<vmem>>, %arg3: memref<1x128xf32, #tpu.memory_space<vmem>>, %arg4: memref<1x128xf32, #tpu.memory_space<vmem>>, %arg5: memref<1000x128xf32, #tpu.memory_space<vmem>>, %arg6: memref<1000x128xf32, #tpu.memory_space<vmem>>) attributes {dimension_semantics = [#tpu.dimension_semantics<arbitrary>], iteration_bounds = array<i64: 10>, scalar_prefetch = 0 : i64, scratch_operands = 0 : i64, tpu.core_type = #tpu.core_type<tc>, window_params = [{transform_indices = @transform_0, window_bounds = array<i64: 1000, 128>}, {pipeline_mode = #tpu.pipeline_mode<synchronous>, transform_indices = @transform_1, window_bounds = array<i64: 8, 128>}, {pipeline_mode = #tpu.pipeline_mode<synchronous>, transform_indices = @transform_2, window_bounds = array<i64: 1, 128>}, {pipeline_mode = #tpu.pipeline_mode<synchronous>, transform_indices = @transform_3, window_bounds = array<i64: 1, 128>}, {transform_indices = @transform_4, window_bounds = array<i64: 1000, 128>}, {transform_indices = @transform_5, window_bounds = array<i64: 1000, 128>}]} {
    %get3A = arith.constant 0 : index
    %get3A_0 = arith.constant 0 : index
    %get3A_1 = vector.load %arg2[%get3A, %get3A_0] : memref<8x128xf32, #tpu.memory_space<vmem>>, vector<1x128xf32>
    %get3A_2 = arith.constant 1 : index
    %get3A_3 = arith.constant 0 : index
    %get3A_4 = vector.load %arg2[%get3A_2, %get3A_3] : memref<8x128xf32, #tpu.memory_space<vmem>>, vector<1x128xf32>
    %mul3A = arith.constant 9.99999974E-5 : f32
    %mul3A_5 = vector.broadcast %mul3A : f32 to vector<1x128xf32>
    %mul3A_6 = arith.mulf %get3A_1, %mul3A_5 : vector<1x128xf32>
    %mul3A_7 = arith.constant 9.99999974E-5 : f32
    %mul3A_8 = vector.broadcast %mul3A_7 : f32 to vector<1x128xf32>
    %mul3A_9 = arith.mulf %get3A_4, %mul3A_8 : vector<1x128xf32>
    %mul3A_10 = arith.mulf %mul3A_6, %mul3A_6 : vector<1x128xf32>
    %sub3A = arith.subf %mul3A_9, %mul3A_10 : vector<1x128xf32>
    %get3A_11 = arith.constant 0 : index
    %get3A_12 = arith.constant 0 : index
    %get3A_13 = vector.load %arg1[%get3A_11, %get3A_12] : memref<1000x128xf32, #tpu.memory_space<vmem>>, vector<1000x128xf32>
    %sub3A_14 = vector.broadcast %mul3A_6 : vector<1x128xf32> to vector<1000x128xf32>
    %sub3A_15 = arith.subf %get3A_13, %sub3A_14 : vector<1000x128xf32>
    %add3A = arith.constant 9.99999974E-6 : f32
    %add3A_16 = vector.broadcast %add3A : f32 to vector<1x128xf32>
    %add3A_17 = arith.addf %sub3A, %add3A_16 : vector<1x128xf32>
    %rsqrt3A = math.rsqrt %add3A_17 : vector<1x128xf32>
    %mul3A_18 = vector.broadcast %rsqrt3A : vector<1x128xf32> to vector<1000x128xf32>
    %mul3A_19 = arith.mulf %sub3A_15, %mul3A_18 : vector<1000x128xf32>
    %get3A_20 = arith.constant 0 : index
    %get3A_21 = arith.constant 0 : index
    %get3A_22 = vector.load %arg3[%get3A_20, %get3A_21] : memref<1x128xf32, #tpu.memory_space<vmem>>, vector<1x128xf32>
    %mul3A_23 = vector.broadcast %get3A_22 : vector<1x128xf32> to vector<1000x128xf32>
    %mul3A_24 = arith.mulf %mul3A_19, %mul3A_23 : vector<1000x128xf32>
    %get3A_25 = arith.constant 0 : index
    %get3A_26 = arith.constant 0 : index
    %get3A_27 = vector.load %arg4[%get3A_25, %get3A_26] : memref<1x128xf32, #tpu.memory_space<vmem>>, vector<1x128xf32>
    %add3A_28 = vector.broadcast %get3A_27 : vector<1x128xf32> to vector<1000x128xf32>
    %add3A_29 = arith.addf %mul3A_24, %add3A_28 : vector<1000x128xf32>
    %get3A_30 = arith.constant 0 : index
    %get3A_31 = arith.constant 0 : index
    %get3A_32 = vector.load %arg5[%get3A_30, %get3A_31] : memref<1000x128xf32, #tpu.memory_space<vmem>>, vector<1000x128xf32>
    %add3A_33 = arith.addf %get3A_32, %add3A_29 : vector<1000x128xf32>
    %swap3A = arith.constant 0 : index
    %swap3A_34 = arith.constant 0 : index
    %swap3A_35 = vector.load %arg6[%swap3A, %swap3A_34] : memref<1000x128xf32, #tpu.memory_space<vmem>>, vector<1000x128xf32>
    tpu.vector_store %arg6[%swap3A, %swap3A_34], %add3A_33 {strides = array<i32>} : memref<1000x128xf32, #tpu.memory_space<vmem>>, vector<1000x128xf32>,
    return
  }
  func.func @transform_0(%arg0: i32) -> (i32, i32) {
    %c0_i32 = arith.constant 0 : i32
    %c0_i32_0 = arith.constant 0 : i32
    return %arg0, %c0_i32 : i32, i32
  }
  func.func @transform_1(%arg0: i32) -> (i32, i32) {
    %c0_i32 = arith.constant 0 : i32
    %c0_i32_0 = arith.constant 0 : i32
    %c0_i32_1 = arith.constant 0 : i32
    return %c0_i32, %c0_i32_0 : i32, i32
  }
  func.func @transform_2(%arg0: i32) -> (i32, i32) {
    %c0_i32 = arith.constant 0 : i32
    %c0_i32_0 = arith.constant 0 : i32
    %c0_i32_1 = arith.constant 0 : i32
    return %c0_i32, %c0_i32_0 : i32, i32
  }
  func.func @transform_3(%arg0: i32) -> (i32, i32) {
    %c0_i32 = arith.constant 0 : i32
    %c0_i32_0 = arith.constant 0 : i32
    %c0_i32_1 = arith.constant 0 : i32
    return %c0_i32, %c0_i32_0 : i32, i32
  }
  func.func @transform_4(%arg0: i32) -> (i32, i32) {
    %c0_i32 = arith.constant 0 : i32
    %c0_i32_0 = arith.constant 0 : i32
    return %arg0, %c0_i32 : i32, i32
  }
  func.func @transform_5(%arg0: i32) -> (i32, i32) {
    %c0_i32 = arith.constant 0 : i32
    %c0_i32_0 = arith.constant 0 : i32
    return %arg0, %c0_i32 : i32, i32
  }
}

module attributes {stable_mosaic.version = 14 : i64} {
  func.func @_proj_kernel(%arg0: memref<64x128xf32, #tpu.memory_space<vmem>>, %arg1: memref<64x128xf32, #tpu.memory_space<vmem>>, %arg2: memref<64x128xf32, #tpu.memory_space<vmem>>, %arg3: memref<128x128xf32, #tpu.memory_space<vmem>>, %arg4: memref<128x128xf32, #tpu.memory_space<vmem>>, %arg5: memref<1x128xf32, #tpu.memory_space<vmem>>, %arg6: memref<64x128xf32, #tpu.memory_space<vmem>>) attributes {dimension_semantics = [], scalar_prefetch = 0 : i64, scratch_operands = 0 : i64, tpu.core_type = #tpu.core_type<tc>} {
    %get3A = arith.constant 0 : index
    %get3A_0 = arith.constant 0 : index
    %get3A_1 = vector.load %arg0[%get3A, %get3A_0] : memref<64x128xf32, #tpu.memory_space<vmem>>, vector<64x128xf32>
    %get3A_2 = arith.constant 0 : index
    %get3A_3 = arith.constant 0 : index
    %get3A_4 = vector.load %arg1[%get3A_2, %get3A_3] : memref<64x128xf32, #tpu.memory_space<vmem>>, vector<64x128xf32>
    %max3A = arith.constant 1.000000e+00 : f32
    %max3A_5 = vector.broadcast %max3A : f32 to vector<64x128xf32>
    %max3A_6 = arith.maximumf %get3A_4, %max3A_5 : vector<64x128xf32>
    %div3A = arith.divf %get3A_1, %max3A_6 : vector<64x128xf32>
    %get3A_7 = arith.constant 0 : index
    %get3A_8 = arith.constant 0 : index
    %get3A_9 = vector.load %arg3[%get3A_7, %get3A_8] : memref<128x128xf32, #tpu.memory_space<vmem>>, vector<128x128xf32>
    %dot_general3A = arith.constant dense<0.000000e+00> : vector<64x128xf32>
    %dot_general3A_10 = tpu.matmul %div3A, %get3A_9, %dot_general3A {dimension_numbers = #tpu.dot_dimension_numbers<[1], [0], [0], [1], [0, 0, 1, 1], [], []>, transpose_lhs_hint = false} : vector<64x128xf32>, vector<128x128xf32>, vector<64x128xf32> -> vector<64x128xf32>
    %get3A_11 = arith.constant 0 : index
    %get3A_12 = arith.constant 0 : index
    %get3A_13 = vector.load %arg2[%get3A_11, %get3A_12] : memref<64x128xf32, #tpu.memory_space<vmem>>, vector<64x128xf32>
    %get3A_14 = arith.constant 0 : index
    %get3A_15 = arith.constant 0 : index
    %get3A_16 = vector.load %arg4[%get3A_14, %get3A_15] : memref<128x128xf32, #tpu.memory_space<vmem>>, vector<128x128xf32>
    %dot_general3A_17 = arith.constant dense<0.000000e+00> : vector<64x128xf32>
    %dot_general3A_18 = tpu.matmul %get3A_13, %get3A_16, %dot_general3A_17 {dimension_numbers = #tpu.dot_dimension_numbers<[1], [0], [0], [1], [0, 0, 1, 1], [], []>, transpose_lhs_hint = false} : vector<64x128xf32>, vector<128x128xf32>, vector<64x128xf32> -> vector<64x128xf32>
    %add3A = arith.addf %dot_general3A_10, %dot_general3A_18 : vector<64x128xf32>
    %get3A_19 = arith.constant 0 : index
    %get3A_20 = arith.constant 0 : index
    %get3A_21 = vector.load %arg5[%get3A_19, %get3A_20] : memref<1x128xf32, #tpu.memory_space<vmem>>, vector<1x128xf32>
    %add3A_22 = vector.broadcast %get3A_21 : vector<1x128xf32> to vector<64x128xf32>
    %add3A_23 = arith.addf %add3A, %add3A_22 : vector<64x128xf32>
    %swap3A = arith.constant 0 : index
    %swap3A_24 = arith.constant 0 : index
    %swap3A_25 = vector.load %arg6[%swap3A, %swap3A_24] : memref<64x128xf32, #tpu.memory_space<vmem>>, vector<64x128xf32>
    tpu.vector_store %arg6[%swap3A, %swap3A_24], %add3A_23 {strides = array<i32>} : memref<64x128xf32, #tpu.memory_space<vmem>>, vector<64x128xf32>,
    return
  }
}

module attributes {stable_mosaic.version = 14 : i64} {
  func.func @_pool_kernel(%arg0: i32, %arg1: memref<1000x128xf32, #tpu.memory_space<vmem>>, %arg2: memref<1000x1xi32, #tpu.memory_space<vmem>>, %arg3: memref<64x128xf32, #tpu.memory_space<vmem>>, %arg4: memref<64x128xf32, #tpu.memory_space<vmem>>, %arg5: memref<64x128xf32, #tpu.memory_space<vmem>>) attributes {dimension_semantics = [#tpu.dimension_semantics<arbitrary>], iteration_bounds = array<i64: 10>, scalar_prefetch = 0 : i64, scratch_operands = 0 : i64, tpu.core_type = #tpu.core_type<tc>, window_params = [{transform_indices = @transform_0, window_bounds = array<i64: 1000, 128>}, {transform_indices = @transform_1, window_bounds = array<i64: 1000, 1>}, {pipeline_mode = #tpu.pipeline_mode<synchronous>, transform_indices = @transform_2, window_bounds = array<i64: 64, 128>}, {pipeline_mode = #tpu.pipeline_mode<synchronous>, transform_indices = @transform_3, window_bounds = array<i64: 64, 128>}, {pipeline_mode = #tpu.pipeline_mode<synchronous>, transform_indices = @transform_4, window_bounds = array<i64: 64, 128>}]} {
    %eq3A = arith.constant 0 : i32
    %eq3A_0 = arith.cmpi eq, %arg0, %eq3A : i32
    %convert_element_type3A = arith.extui %eq3A_0 : i1 to i32
    %cond3A = arith.constant 0 : i32
    %cond3A_1 = arith.cmpi ne, %convert_element_type3A, %cond3A : i32
    scf.if %cond3A_1 {
      %broadcast_in_dim3A = arith.constant 0.000000e+00 : f32
      %broadcast_in_dim3A_524 = vector.broadcast %broadcast_in_dim3A : f32 to vector<64x128xf32>
      %swap3A = arith.constant 0 : index
      %swap3A_525 = arith.constant 0 : index
      %swap3A_526 = vector.load %arg3[%swap3A, %swap3A_525] : memref<64x128xf32, #tpu.memory_space<vmem>>, vector<64x128xf32>
      tpu.vector_store %arg3[%swap3A, %swap3A_525], %broadcast_in_dim3A_524 {strides = array<i32>} : memref<64x128xf32, #tpu.memory_space<vmem>>, vector<64x128xf32>,
      %broadcast_in_dim3A_527 = arith.constant 0.000000e+00 : f32
      %broadcast_in_dim3A_528 = vector.broadcast %broadcast_in_dim3A_527 : f32 to vector<64x128xf32>
      %swap3A_529 = arith.constant 0 : index
      %swap3A_530 = arith.constant 0 : index
      %swap3A_531 = vector.load %arg4[%swap3A_529, %swap3A_530] : memref<64x128xf32, #tpu.memory_space<vmem>>, vector<64x128xf32>
      tpu.vector_store %arg4[%swap3A_529, %swap3A_530], %broadcast_in_dim3A_528 {strides = array<i32>} : memref<64x128xf32, #tpu.memory_space<vmem>>, vector<64x128xf32>,
      %broadcast_in_dim3A_532 = arith.constant 0xFF800000 : f32
      %broadcast_in_dim3A_533 = vector.broadcast %broadcast_in_dim3A_532 : f32 to vector<64x128xf32>
      %swap3A_534 = arith.constant 0 : index
      %swap3A_535 = arith.constant 0 : index
      %swap3A_536 = vector.load %arg5[%swap3A_534, %swap3A_535] : memref<64x128xf32, #tpu.memory_space<vmem>>, vector<64x128xf32>
      tpu.vector_store %arg5[%swap3A_534, %swap3A_535], %broadcast_in_dim3A_533 {strides = array<i32>} : memref<64x128xf32, #tpu.memory_space<vmem>>, vector<64x128xf32>,
    } else {
    }
    %get3A = arith.constant 0 : index
    %get3A_2 = arith.constant 0 : index
    %get3A_3 = vector.load %arg1[%get3A, %get3A_2] : memref<1000x128xf32, #tpu.memory_space<vmem>>, vector<1000x128xf32>
    %get3A_4 = arith.constant 0 : index
    %get3A_5 = arith.constant 0 : index
    %get3A_6 = vector.load %arg2[%get3A_4, %get3A_5] : memref<1000x1xi32, #tpu.memory_space<vmem>>, vector<1000x1xi32>
    %reduce_min3A = vector.shape_cast %get3A_6 : vector<1000x1xi32> to vector<1x1000x1xi32>
    %reduce_min3A_7 = arith.constant dense<2147483647> : vector<1xi32>
    %reduce_min3A_8 = vector.multi_reduction <minsi>, %reduce_min3A, %reduce_min3A_7 [1, 2] : vector<1x1000x1xi32> to vector<1xi32>
    %reduce_min3A_9 = vector.shape_cast %reduce_min3A_8 : vector<1xi32> to vector<1x1x1xi32>
    %reduce_min3A_10 = vector.extract %reduce_min3A_9[0, 0, 0] : i32 from vector<1x1x1xi32>
    %reduce_max3A = vector.shape_cast %get3A_6 : vector<1000x1xi32> to vector<1x1000x1xi32>
    %reduce_max3A_11 = arith.constant dense<-2147483648> : vector<1xi32>
    %reduce_max3A_12 = vector.multi_reduction <maxsi>, %reduce_max3A, %reduce_max3A_11 [1, 2] : vector<1x1000x1xi32> to vector<1xi32>
    %reduce_max3A_13 = vector.shape_cast %reduce_max3A_12 : vector<1xi32> to vector<1x1x1xi32>
    %reduce_max3A_14 = vector.extract %reduce_max3A_13[0, 0, 0] : i32 from vector<1x1x1xi32>
    %le3A = arith.constant 0 : i32
    %le3A_15 = arith.cmpi sle, %reduce_min3A_10, %le3A : i32
    %ge3A = arith.constant 0 : i32
    %ge3A_16 = arith.cmpi sge, %reduce_max3A_14, %ge3A : i32
    %and3A = arith.andi %le3A_15, %ge3A_16 : i1
    %convert_element_type3A_17 = arith.extui %and3A : i1 to i32
    %cond3A_18 = arith.constant 0 : i32
    %cond3A_19 = arith.cmpi ne, %convert_element_type3A_17, %cond3A_18 : i32
    scf.if %cond3A_19 {
      %eq3A_524 = arith.constant 0 : i32
      %eq3A_525 = vector.broadcast %eq3A_524 : i32 to vector<1000x1xi32>
      %eq3A_526 = arith.cmpi eq, %get3A_6, %eq3A_525 : vector<1000x1xi32>
      %jit3A = arith.constant 0.000000e+00 : f32
      %broadcast_in_dim3A = vector.shape_cast %eq3A_526 : vector<1000x1xi1> to vector<1000x1xi1>
      %broadcast_in_dim3A_527 = vector.broadcast %broadcast_in_dim3A : vector<1000x1xi1> to vector<1000x128xi1>
      %broadcast_in_dim3A_528 = vector.broadcast %jit3A : f32 to vector<1000x128xf32>
      %select_n3A = arith.select %broadcast_in_dim3A_527, %get3A_3, %broadcast_in_dim3A_528 : vector<1000x128xi1>, vector<1000x128xf32>
      %reduce_sum3A = arith.constant dense<0.000000e+00> : vector<128xf32>
      %reduce_sum3A_529 = vector.multi_reduction <add>, %select_n3A, %reduce_sum3A [0] : vector<1000x128xf32> to vector<128xf32>
      %broadcast_in_dim3A_530 = arith.constant 1.000000e+00 : f32
      %broadcast_in_dim3A_531 = vector.broadcast %broadcast_in_dim3A_530 : f32 to vector<1000x128xf32>
      %jit3A_532 = arith.constant 0.000000e+00 : f32
      %broadcast_in_dim3A_533 = vector.shape_cast %eq3A_526 : vector<1000x1xi1> to vector<1000x1xi1>
      %broadcast_in_dim3A_534 = vector.broadcast %broadcast_in_dim3A_533 : vector<1000x1xi1> to vector<1000x128xi1>
      %broadcast_in_dim3A_535 = vector.broadcast %jit3A_532 : f32 to vector<1000x128xf32>
      %select_n3A_536 = arith.select %broadcast_in_dim3A_534, %broadcast_in_dim3A_531, %broadcast_in_dim3A_535 : vector<1000x128xi1>, vector<1000x128xf32>
      %reduce_sum3A_537 = arith.constant dense<0.000000e+00> : vector<128xf32>
      %reduce_sum3A_538 = vector.multi_reduction <add>, %select_n3A_536, %reduce_sum3A_537 [0] : vector<1000x128xf32> to vector<128xf32>
      %jit3A_539 = arith.constant 0xFF800000 : f32
      %broadcast_in_dim3A_540 = vector.shape_cast %eq3A_526 : vector<1000x1xi1> to vector<1000x1xi1>
      %broadcast_in_dim3A_541 = vector.broadcast %broadcast_in_dim3A_540 : vector<1000x1xi1> to vector<1000x128xi1>
      %broadcast_in_dim3A_542 = vector.broadcast %jit3A_539 : f32 to vector<1000x128xf32>
      %select_n3A_543 = arith.select %broadcast_in_dim3A_541, %get3A_3, %broadcast_in_dim3A_542 : vector<1000x128xi1>, vector<1000x128xf32>
      %reduce_max3A_544 = arith.constant dense<0xFF800000> : vector<128xf32>
      %reduce_max3A_545 = vector.multi_reduction <maximumf>, %select_n3A_543, %reduce_max3A_544 [0] : vector<1000x128xf32> to vector<128xf32>
      %get3A_546 = arith.constant 0 : index
      %get3A_547 = arith.constant 0 : index
      %get3A_548 = vector.load %arg3[%get3A_546, %get3A_547] : memref<64x128xf32, #tpu.memory_space<vmem>>, vector<1x128xf32>
      %broadcast_in_dim3A_549 = vector.shape_cast %reduce_sum3A_529 : vector<128xf32> to vector<1x128xf32>
      %add3A = arith.addf %get3A_548, %broadcast_in_dim3A_549 : vector<1x128xf32>
      %swap3A = arith.constant 0 : index
      %swap3A_550 = arith.constant 0 : index
      %swap3A_551 = vector.load %arg3[%swap3A, %swap3A_550] : memref<64x128xf32, #tpu.memory_space<vmem>>, vector<1x128xf32>
      tpu.vector_store %arg3[%swap3A, %swap3A_550], %add3A {strides = array<i32>} : memref<64x128xf32, #tpu.memory_space<vmem>>, vector<1x128xf32>,
      %get3A_552 = arith.constant 0 : index
      %get3A_553 = arith.constant 0 : index
      %get3A_554 = vector.load %arg4[%get3A_552, %get3A_553] : memref<64x128xf32, #tpu.memory_space<vmem>>, vector<1x128xf32>
      %broadcast_in_dim3A_555 = vector.shape_cast %reduce_sum3A_538 : vector<128xf32> to vector<1x128xf32>
      %add3A_556 = arith.addf %get3A_554, %broadcast_in_dim3A_555 : vector<1x128xf32>
      %swap3A_557 = arith.constant 0 : index
      %swap3A_558 = arith.constant 0 : index
      %swap3A_559 = vector.load %arg4[%swap3A_557, %swap3A_558] : memref<64x128xf32, #tpu.memory_space<vmem>>, vector<1x128xf32>
      tpu.vector_store %arg4[%swap3A_557, %swap3A_558], %add3A_556 {strides = array<i32>} : memref<64x128xf32, #tpu.memory_space<vmem>>, vector<1x128xf32>,
      %get3A_560 = arith.constant 0 : index
      %get3A_561 = arith.constant 0 : index
      %get3A_562 = vector.load %arg5[%get3A_560, %get3A_561] : memref<64x128xf32, #tpu.memory_space<vmem>>, vector<1x128xf32>
      %broadcast_in_dim3A_563 = vector.shape_cast %reduce_max3A_545 : vector<128xf32> to vector<1x128xf32>
      %max3A = arith.maximumf %get3A_562, %broadcast_in_dim3A_563 : vector<1x128xf32>
      %swap3A_564 = arith.constant 0 : index
      %swap3A_565 = arith.constant 0 : index
      %swap3A_566 = vector.load %arg5[%swap3A_564, %swap3A_565] : memref<64x128xf32, #tpu.memory_space<vmem>>, vector<1x128xf32>
      tpu.vector_store %arg5[%swap3A_564, %swap3A_565], %max3A {strides = array<i32>} : memref<64x128xf32, #tpu.memory_space<vmem>>, vector<1x128xf32>,
    } else {
    }
    %le3A_20 = arith.constant 1 : i32
    %le3A_21 = arith.cmpi sle, %reduce_min3A_10, %le3A_20 : i32
    %ge3A_22 = arith.constant 1 : i32
    %ge3A_23 = arith.cmpi sge, %reduce_max3A_14, %ge3A_22 : i32
    %and3A_24 = arith.andi %le3A_21, %ge3A_23 : i1
    %convert_element_type3A_25 = arith.extui %and3A_24 : i1 to i32
    %cond3A_26 = arith.constant 0 : i32
    %cond3A_27 = arith.cmpi ne, %convert_element_type3A_25, %cond3A_26 : i32
    scf.if %cond3A_27 {
      %eq3A_524 = arith.constant 1 : i32
      %eq3A_525 = vector.broadcast %eq3A_524 : i32 to vector<1000x1xi32>
      %eq3A_526 = arith.cmpi eq, %get3A_6, %eq3A_525 : vector<1000x1xi32>
      %jit3A = arith.constant 0.000000e+00 : f32
      %broadcast_in_dim3A = vector.shape_cast %eq3A_526 : vector<1000x1xi1> to vector<1000x1xi1>
      %broadcast_in_dim3A_527 = vector.broadcast %broadcast_in_dim3A : vector<1000x1xi1> to vector<1000x128xi1>
      %broadcast_in_dim3A_528 = vector.broadcast %jit3A : f32 to vector<1000x128xf32>
      %select_n3A = arith.select %broadcast_in_dim3A_527, %get3A_3, %broadcast_in_dim3A_528 : vector<1000x128xi1>, vector<1000x128xf32>
      %reduce_sum3A = arith.constant dense<0.000000e+00> : vector<128xf32>
      %reduce_sum3A_529 = vector.multi_reduction <add>, %select_n3A, %reduce_sum3A [0] : vector<1000x128xf32> to vector<128xf32>
      %broadcast_in_dim3A_530 = arith.constant 1.000000e+00 : f32
      %broadcast_in_dim3A_531 = vector.broadcast %broadcast_in_dim3A_530 : f32 to vector<1000x128xf32>
      %jit3A_532 = arith.constant 0.000000e+00 : f32
      %broadcast_in_dim3A_533 = vector.shape_cast %eq3A_526 : vector<1000x1xi1> to vector<1000x1xi1>
      %broadcast_in_dim3A_534 = vector.broadcast %broadcast_in_dim3A_533 : vector<1000x1xi1> to vector<1000x128xi1>
      %broadcast_in_dim3A_535 = vector.broadcast %jit3A_532 : f32 to vector<1000x128xf32>
      %select_n3A_536 = arith.select %broadcast_in_dim3A_534, %broadcast_in_dim3A_531, %broadcast_in_dim3A_535 : vector<1000x128xi1>, vector<1000x128xf32>
      %reduce_sum3A_537 = arith.constant dense<0.000000e+00> : vector<128xf32>
      %reduce_sum3A_538 = vector.multi_reduction <add>, %select_n3A_536, %reduce_sum3A_537 [0] : vector<1000x128xf32> to vector<128xf32>
      %jit3A_539 = arith.constant 0xFF800000 : f32
      %broadcast_in_dim3A_540 = vector.shape_cast %eq3A_526 : vector<1000x1xi1> to vector<1000x1xi1>
      %broadcast_in_dim3A_541 = vector.broadcast %broadcast_in_dim3A_540 : vector<1000x1xi1> to vector<1000x128xi1>
      %broadcast_in_dim3A_542 = vector.broadcast %jit3A_539 : f32 to vector<1000x128xf32>
      %select_n3A_543 = arith.select %broadcast_in_dim3A_541, %get3A_3, %broadcast_in_dim3A_542 : vector<1000x128xi1>, vector<1000x128xf32>
      %reduce_max3A_544 = arith.constant dense<0xFF800000> : vector<128xf32>
      %reduce_max3A_545 = vector.multi_reduction <maximumf>, %select_n3A_543, %reduce_max3A_544 [0] : vector<1000x128xf32> to vector<128xf32>
      %get3A_546 = arith.constant 1 : index
      %get3A_547 = arith.constant 0 : index
      %get3A_548 = vector.load %arg3[%get3A_546, %get3A_547] : memref<64x128xf32, #tpu.memory_space<vmem>>, vector<1x128xf32>
      %broadcast_in_dim3A_549 = vector.shape_cast %reduce_sum3A_529 : vector<128xf32> to vector<1x128xf32>
      %add3A = arith.addf %get3A_548, %broadcast_in_dim3A_549 : vector<1x128xf32>
      %swap3A = arith.constant 1 : index
      %swap3A_550 = arith.constant 0 : index
      %swap3A_551 = vector.load %arg3[%swap3A, %swap3A_550] : memref<64x128xf32, #tpu.memory_space<vmem>>, vector<1x128xf32>
      tpu.vector_store %arg3[%swap3A, %swap3A_550], %add3A {strides = array<i32>} : memref<64x128xf32, #tpu.memory_space<vmem>>, vector<1x128xf32>,
      %get3A_552 = arith.constant 1 : index
      %get3A_553 = arith.constant 0 : index
      %get3A_554 = vector.load %arg4[%get3A_552, %get3A_553] : memref<64x128xf32, #tpu.memory_space<vmem>>, vector<1x128xf32>
      %broadcast_in_dim3A_555 = vector.shape_cast %reduce_sum3A_538 : vector<128xf32> to vector<1x128xf32>
      %add3A_556 = arith.addf %get3A_554, %broadcast_in_dim3A_555 : vector<1x128xf32>
      %swap3A_557 = arith.constant 1 : index
      %swap3A_558 = arith.constant 0 : index
      %swap3A_559 = vector.load %arg4[%swap3A_557, %swap3A_558] : memref<64x128xf32, #tpu.memory_space<vmem>>, vector<1x128xf32>
      tpu.vector_store %arg4[%swap3A_557, %swap3A_558], %add3A_556 {strides = array<i32>} : memref<64x128xf32, #tpu.memory_space<vmem>>, vector<1x128xf32>,
      %get3A_560 = arith.constant 1 : index
      %get3A_561 = arith.constant 0 : index
      %get3A_562 = vector.load %arg5[%get3A_560, %get3A_561] : memref<64x128xf32, #tpu.memory_space<vmem>>, vector<1x128xf32>
      %broadcast_in_dim3A_563 = vector.shape_cast %reduce_max3A_545 : vector<128xf32> to vector<1x128xf32>
      %max3A = arith.maximumf %get3A_562, %broadcast_in_dim3A_563 : vector<1x128xf32>
      %swap3A_564 = arith.constant 1 : index
      %swap3A_565 = arith.constant 0 : index
      %swap3A_566 = vector.load %arg5[%swap3A_564, %swap3A_565] : memref<64x128xf32, #tpu.memory_space<vmem>>, vector<1x128xf32>
      tpu.vector_store %arg5[%swap3A_564, %swap3A_565], %max3A {strides = array<i32>} : memref<64x128xf32, #tpu.memory_space<vmem>>, vector<1x128xf32>,
    } else {
    }
    %le3A_28 = arith.constant 2 : i32
    %le3A_29 = arith.cmpi sle, %reduce_min3A_10, %le3A_28 : i32
    %ge3A_30 = arith.constant 2 : i32
    %ge3A_31 = arith.cmpi sge, %reduce_max3A_14, %ge3A_30 : i32
    %and3A_32 = arith.andi %le3A_29, %ge3A_31 : i1
    %convert_element_type3A_33 = arith.extui %and3A_32 : i1 to i32
    %cond3A_34 = arith.constant 0 : i32
    %cond3A_35 = arith.cmpi ne, %convert_element_type3A_33, %cond3A_34 : i32
    scf.if %cond3A_35 {
      %eq3A_524 = arith.constant 2 : i32
      %eq3A_525 = vector.broadcast %eq3A_524 : i32 to vector<1000x1xi32>
      %eq3A_526 = arith.cmpi eq, %get3A_6, %eq3A_525 : vector<1000x1xi32>
      %jit3A = arith.constant 0.000000e+00 : f32
      %broadcast_in_dim3A = vector.shape_cast %eq3A_526 : vector<1000x1xi1> to vector<1000x1xi1>
      %broadcast_in_dim3A_527 = vector.broadcast %broadcast_in_dim3A : vector<1000x1xi1> to vector<1000x128xi1>
      %broadcast_in_dim3A_528 = vector.broadcast %jit3A : f32 to vector<1000x128xf32>
      %select_n3A = arith.select %broadcast_in_dim3A_527, %get3A_3, %broadcast_in_dim3A_528 : vector<1000x128xi1>, vector<1000x128xf32>
      %reduce_sum3A = arith.constant dense<0.000000e+00> : vector<128xf32>
      %reduce_sum3A_529 = vector.multi_reduction <add>, %select_n3A, %reduce_sum3A [0] : vector<1000x128xf32> to vector<128xf32>
      %broadcast_in_dim3A_530 = arith.constant 1.000000e+00 : f32
      %broadcast_in_dim3A_531 = vector.broadcast %broadcast_in_dim3A_530 : f32 to vector<1000x128xf32>
      %jit3A_532 = arith.constant 0.000000e+00 : f32
      %broadcast_in_dim3A_533 = vector.shape_cast %eq3A_526 : vector<1000x1xi1> to vector<1000x1xi1>
      %broadcast_in_dim3A_534 = vector.broadcast %broadcast_in_dim3A_533 : vector<1000x1xi1> to vector<1000x128xi1>
      %broadcast_in_dim3A_535 = vector.broadcast %jit3A_532 : f32 to vector<1000x128xf32>
      %select_n3A_536 = arith.select %broadcast_in_dim3A_534, %broadcast_in_dim3A_531, %broadcast_in_dim3A_535 : vector<1000x128xi1>, vector<1000x128xf32>
      %reduce_sum3A_537 = arith.constant dense<0.000000e+00> : vector<128xf32>
      %reduce_sum3A_538 = vector.multi_reduction <add>, %select_n3A_536, %reduce_sum3A_537 [0] : vector<1000x128xf32> to vector<128xf32>
      %jit3A_539 = arith.constant 0xFF800000 : f32
      %broadcast_in_dim3A_540 = vector.shape_cast %eq3A_526 : vector<1000x1xi1> to vector<1000x1xi1>
      %broadcast_in_dim3A_541 = vector.broadcast %broadcast_in_dim3A_540 : vector<1000x1xi1> to vector<1000x128xi1>
      %broadcast_in_dim3A_542 = vector.broadcast %jit3A_539 : f32 to vector<1000x128xf32>
      %select_n3A_543 = arith.select %broadcast_in_dim3A_541, %get3A_3, %broadcast_in_dim3A_542 : vector<1000x128xi1>, vector<1000x128xf32>
      %reduce_max3A_544 = arith.constant dense<0xFF800000> : vector<128xf32>
      %reduce_max3A_545 = vector.multi_reduction <maximumf>, %select_n3A_543, %reduce_max3A_544 [0] : vector<1000x128xf32> to vector<128xf32>
      %get3A_546 = arith.constant 2 : index
      %get3A_547 = arith.constant 0 : index
      %get3A_548 = vector.load %arg3[%get3A_546, %get3A_547] : memref<64x128xf32, #tpu.memory_space<vmem>>, vector<1x128xf32>
      %broadcast_in_dim3A_549 = vector.shape_cast %reduce_sum3A_529 : vector<128xf32> to vector<1x128xf32>
      %add3A = arith.addf %get3A_548, %broadcast_in_dim3A_549 : vector<1x128xf32>
      %swap3A = arith.constant 2 : index
      %swap3A_550 = arith.constant 0 : index
      %swap3A_551 = vector.load %arg3[%swap3A, %swap3A_550] : memref<64x128xf32, #tpu.memory_space<vmem>>, vector<1x128xf32>
      tpu.vector_store %arg3[%swap3A, %swap3A_550], %add3A {strides = array<i32>} : memref<64x128xf32, #tpu.memory_space<vmem>>, vector<1x128xf32>,
      %get3A_552 = arith.constant 2 : index
      %get3A_553 = arith.constant 0 : index
      %get3A_554 = vector.load %arg4[%get3A_552, %get3A_553] : memref<64x128xf32, #tpu.memory_space<vmem>>, vector<1x128xf32>
      %broadcast_in_dim3A_555 = vector.shape_cast %reduce_sum3A_538 : vector<128xf32> to vector<1x128xf32>
      %add3A_556 = arith.addf %get3A_554, %broadcast_in_dim3A_555 : vector<1x128xf32>
      %swap3A_557 = arith.constant 2 : index
      %swap3A_558 = arith.constant 0 : index
      %swap3A_559 = vector.load %arg4[%swap3A_557, %swap3A_558] : memref<64x128xf32, #tpu.memory_space<vmem>>, vector<1x128xf32>
      tpu.vector_store %arg4[%swap3A_557, %swap3A_558], %add3A_556 {strides = array<i32>} : memref<64x128xf32, #tpu.memory_space<vmem>>, vector<1x128xf32>,
      %get3A_560 = arith.constant 2 : index
      %get3A_561 = arith.constant 0 : index
      %get3A_562 = vector.load %arg5[%get3A_560, %get3A_561] : memref<64x128xf32, #tpu.memory_space<vmem>>, vector<1x128xf32>
      %broadcast_in_dim3A_563 = vector.shape_cast %reduce_max3A_545 : vector<128xf32> to vector<1x128xf32>
      %max3A = arith.maximumf %get3A_562, %broadcast_in_dim3A_563 : vector<1x128xf32>
      %swap3A_564 = arith.constant 2 : index
      %swap3A_565 = arith.constant 0 : index
      %swap3A_566 = vector.load %arg5[%swap3A_564, %swap3A_565] : memref<64x128xf32, #tpu.memory_space<vmem>>, vector<1x128xf32>
      tpu.vector_store %arg5[%swap3A_564, %swap3A_565], %max3A {strides = array<i32>} : memref<64x128xf32, #tpu.memory_space<vmem>>, vector<1x128xf32>,
    } else {
    }
    %le3A_36 = arith.constant 3 : i32
    %le3A_37 = arith.cmpi sle, %reduce_min3A_10, %le3A_36 : i32
    %ge3A_38 = arith.constant 3 : i32
    %ge3A_39 = arith.cmpi sge, %reduce_max3A_14, %ge3A_38 : i32
    %and3A_40 = arith.andi %le3A_37, %ge3A_39 : i1
    %convert_element_type3A_41 = arith.extui %and3A_40 : i1 to i32
    %cond3A_42 = arith.constant 0 : i32
    %cond3A_43 = arith.cmpi ne, %convert_element_type3A_41, %cond3A_42 : i32
    scf.if %cond3A_43 {
      %eq3A_524 = arith.constant 3 : i32
      %eq3A_525 = vector.broadcast %eq3A_524 : i32 to vector<1000x1xi32>
      %eq3A_526 = arith.cmpi eq, %get3A_6, %eq3A_525 : vector<1000x1xi32>
      %jit3A = arith.constant 0.000000e+00 : f32
      %broadcast_in_dim3A = vector.shape_cast %eq3A_526 : vector<1000x1xi1> to vector<1000x1xi1>
      %broadcast_in_dim3A_527 = vector.broadcast %broadcast_in_dim3A : vector<1000x1xi1> to vector<1000x128xi1>
      %broadcast_in_dim3A_528 = vector.broadcast %jit3A : f32 to vector<1000x128xf32>
      %select_n3A = arith.select %broadcast_in_dim3A_527, %get3A_3, %broadcast_in_dim3A_528 : vector<1000x128xi1>, vector<1000x128xf32>
      %reduce_sum3A = arith.constant dense<0.000000e+00> : vector<128xf32>
      %reduce_sum3A_529 = vector.multi_reduction <add>, %select_n3A, %reduce_sum3A [0] : vector<1000x128xf32> to vector<128xf32>
      %broadcast_in_dim3A_530 = arith.constant 1.000000e+00 : f32
      %broadcast_in_dim3A_531 = vector.broadcast %broadcast_in_dim3A_530 : f32 to vector<1000x128xf32>
      %jit3A_532 = arith.constant 0.000000e+00 : f32
      %broadcast_in_dim3A_533 = vector.shape_cast %eq3A_526 : vector<1000x1xi1> to vector<1000x1xi1>
      %broadcast_in_dim3A_534 = vector.broadcast %broadcast_in_dim3A_533 : vector<1000x1xi1> to vector<1000x128xi1>
      %broadcast_in_dim3A_535 = vector.broadcast %jit3A_532 : f32 to vector<1000x128xf32>
      %select_n3A_536 = arith.select %broadcast_in_dim3A_534, %broadcast_in_dim3A_531, %broadcast_in_dim3A_535 : vector<1000x128xi1>, vector<1000x128xf32>
      %reduce_sum3A_537 = arith.constant dense<0.000000e+00> : vector<128xf32>
      %reduce_sum3A_538 = vector.multi_reduction <add>, %select_n3A_536, %reduce_sum3A_537 [0] : vector<1000x128xf32> to vector<128xf32>
      %jit3A_539 = arith.constant 0xFF800000 : f32
      %broadcast_in_dim3A_540 = vector.shape_cast %eq3A_526 : vector<1000x1xi1> to vector<1000x1xi1>
      %broadcast_in_dim3A_541 = vector.broadcast %broadcast_in_dim3A_540 : vector<1000x1xi1> to vector<1000x128xi1>
      %broadcast_in_dim3A_542 = vector.broadcast %jit3A_539 : f32 to vector<1000x128xf32>
      %select_n3A_543 = arith.select %broadcast_in_dim3A_541, %get3A_3, %broadcast_in_dim3A_542 : vector<1000x128xi1>, vector<1000x128xf32>
      %reduce_max3A_544 = arith.constant dense<0xFF800000> : vector<128xf32>
      %reduce_max3A_545 = vector.multi_reduction <maximumf>, %select_n3A_543, %reduce_max3A_544 [0] : vector<1000x128xf32> to vector<128xf32>
      %get3A_546 = arith.constant 3 : index
      %get3A_547 = arith.constant 0 : index
      %get3A_548 = vector.load %arg3[%get3A_546, %get3A_547] : memref<64x128xf32, #tpu.memory_space<vmem>>, vector<1x128xf32>
      %broadcast_in_dim3A_549 = vector.shape_cast %reduce_sum3A_529 : vector<128xf32> to vector<1x128xf32>
      %add3A = arith.addf %get3A_548, %broadcast_in_dim3A_549 : vector<1x128xf32>
      %swap3A = arith.constant 3 : index
      %swap3A_550 = arith.constant 0 : index
      %swap3A_551 = vector.load %arg3[%swap3A, %swap3A_550] : memref<64x128xf32, #tpu.memory_space<vmem>>, vector<1x128xf32>
      tpu.vector_store %arg3[%swap3A, %swap3A_550], %add3A {strides = array<i32>} : memref<64x128xf32, #tpu.memory_space<vmem>>, vector<1x128xf32>,
      %get3A_552 = arith.constant 3 : index
      %get3A_553 = arith.constant 0 : index
      %get3A_554 = vector.load %arg4[%get3A_552, %get3A_553] : memref<64x128xf32, #tpu.memory_space<vmem>>, vector<1x128xf32>
      %broadcast_in_dim3A_555 = vector.shape_cast %reduce_sum3A_538 : vector<128xf32> to vector<1x128xf32>
      %add3A_556 = arith.addf %get3A_554, %broadcast_in_dim3A_555 : vector<1x128xf32>
      %swap3A_557 = arith.constant 3 : index
      %swap3A_558 = arith.constant 0 : index
      %swap3A_559 = vector.load %arg4[%swap3A_557, %swap3A_558] : memref<64x128xf32, #tpu.memory_space<vmem>>, vector<1x128xf32>
      tpu.vector_store %arg4[%swap3A_557, %swap3A_558], %add3A_556 {strides = array<i32>} : memref<64x128xf32, #tpu.memory_space<vmem>>, vector<1x128xf32>,
      %get3A_560 = arith.constant 3 : index
      %get3A_561 = arith.constant 0 : index
      %get3A_562 = vector.load %arg5[%get3A_560, %get3A_561] : memref<64x128xf32, #tpu.memory_space<vmem>>, vector<1x128xf32>
      %broadcast_in_dim3A_563 = vector.shape_cast %reduce_max3A_545 : vector<128xf32> to vector<1x128xf32>
      %max3A = arith.maximumf %get3A_562, %broadcast_in_dim3A_563 : vector<1x128xf32>
      %swap3A_564 = arith.constant 3 : index
      %swap3A_565 = arith.constant 0 : index
      %swap3A_566 = vector.load %arg5[%swap3A_564, %swap3A_565] : memref<64x128xf32, #tpu.memory_space<vmem>>, vector<1x128xf32>
      tpu.vector_store %arg5[%swap3A_564, %swap3A_565], %max3A {strides = array<i32>} : memref<64x128xf32, #tpu.memory_space<vmem>>, vector<1x128xf32>,
    } else {
    }
    %le3A_44 = arith.constant 4 : i32
    %le3A_45 = arith.cmpi sle, %reduce_min3A_10, %le3A_44 : i32
    %ge3A_46 = arith.constant 4 : i32
    %ge3A_47 = arith.cmpi sge, %reduce_max3A_14, %ge3A_46 : i32
    %and3A_48 = arith.andi %le3A_45, %ge3A_47 : i1
    %convert_element_type3A_49 = arith.extui %and3A_48 : i1 to i32
    %cond3A_50 = arith.constant 0 : i32
    %cond3A_51 = arith.cmpi ne, %convert_element_type3A_49, %cond3A_50 : i32
    scf.if %cond3A_51 {
      %eq3A_524 = arith.constant 4 : i32
      %eq3A_525 = vector.broadcast %eq3A_524 : i32 to vector<1000x1xi32>
      %eq3A_526 = arith.cmpi eq, %get3A_6, %eq3A_525 : vector<1000x1xi32>
      %jit3A = arith.constant 0.000000e+00 : f32
      %broadcast_in_dim3A = vector.shape_cast %eq3A_526 : vector<1000x1xi1> to vector<1000x1xi1>
      %broadcast_in_dim3A_527 = vector.broadcast %broadcast_in_dim3A : vector<1000x1xi1> to vector<1000x128xi1>
      %broadcast_in_dim3A_528 = vector.broadcast %jit3A : f32 to vector<1000x128xf32>
      %select_n3A = arith.select %broadcast_in_dim3A_527, %get3A_3, %broadcast_in_dim3A_528 : vector<1000x128xi1>, vector<1000x128xf32>
      %reduce_sum3A = arith.constant dense<0.000000e+00> : vector<128xf32>
      %reduce_sum3A_529 = vector.multi_reduction <add>, %select_n3A, %reduce_sum3A [0] : vector<1000x128xf32> to vector<128xf32>
      %broadcast_in_dim3A_530 = arith.constant 1.000000e+00 : f32
      %broadcast_in_dim3A_531 = vector.broadcast %broadcast_in_dim3A_530 : f32 to vector<1000x128xf32>
      %jit3A_532 = arith.constant 0.000000e+00 : f32
      %broadcast_in_dim3A_533 = vector.shape_cast %eq3A_526 : vector<1000x1xi1> to vector<1000x1xi1>
      %broadcast_in_dim3A_534 = vector.broadcast %broadcast_in_dim3A_533 : vector<1000x1xi1> to vector<1000x128xi1>
      %broadcast_in_dim3A_535 = vector.broadcast %jit3A_532 : f32 to vector<1000x128xf32>
      %select_n3A_536 = arith.select %broadcast_in_dim3A_534, %broadcast_in_dim3A_531, %broadcast_in_dim3A_535 : vector<1000x128xi1>, vector<1000x128xf32>
      %reduce_sum3A_537 = arith.constant dense<0.000000e+00> : vector<128xf32>
      %reduce_sum3A_538 = vector.multi_reduction <add>, %select_n3A_536, %reduce_sum3A_537 [0] : vector<1000x128xf32> to vector<128xf32>
      %jit3A_539 = arith.constant 0xFF800000 : f32
      %broadcast_in_dim3A_540 = vector.shape_cast %eq3A_526 : vector<1000x1xi1> to vector<1000x1xi1>
      %broadcast_in_dim3A_541 = vector.broadcast %broadcast_in_dim3A_540 : vector<1000x1xi1> to vector<1000x128xi1>
      %broadcast_in_dim3A_542 = vector.broadcast %jit3A_539 : f32 to vector<1000x128xf32>
      %select_n3A_543 = arith.select %broadcast_in_dim3A_541, %get3A_3, %broadcast_in_dim3A_542 : vector<1000x128xi1>, vector<1000x128xf32>
      %reduce_max3A_544 = arith.constant dense<0xFF800000> : vector<128xf32>
      %reduce_max3A_545 = vector.multi_reduction <maximumf>, %select_n3A_543, %reduce_max3A_544 [0] : vector<1000x128xf32> to vector<128xf32>
      %get3A_546 = arith.constant 4 : index
      %get3A_547 = arith.constant 0 : index
      %get3A_548 = vector.load %arg3[%get3A_546, %get3A_547] : memref<64x128xf32, #tpu.memory_space<vmem>>, vector<1x128xf32>
      %broadcast_in_dim3A_549 = vector.shape_cast %reduce_sum3A_529 : vector<128xf32> to vector<1x128xf32>
      %add3A = arith.addf %get3A_548, %broadcast_in_dim3A_549 : vector<1x128xf32>
      %swap3A = arith.constant 4 : index
      %swap3A_550 = arith.constant 0 : index
      %swap3A_551 = vector.load %arg3[%swap3A, %swap3A_550] : memref<64x128xf32, #tpu.memory_space<vmem>>, vector<1x128xf32>
      tpu.vector_store %arg3[%swap3A, %swap3A_550], %add3A {strides = array<i32>} : memref<64x128xf32, #tpu.memory_space<vmem>>, vector<1x128xf32>,
      %get3A_552 = arith.constant 4 : index
      %get3A_553 = arith.constant 0 : index
      %get3A_554 = vector.load %arg4[%get3A_552, %get3A_553] : memref<64x128xf32, #tpu.memory_space<vmem>>, vector<1x128xf32>
      %broadcast_in_dim3A_555 = vector.shape_cast %reduce_sum3A_538 : vector<128xf32> to vector<1x128xf32>
      %add3A_556 = arith.addf %get3A_554, %broadcast_in_dim3A_555 : vector<1x128xf32>
      %swap3A_557 = arith.constant 4 : index
      %swap3A_558 = arith.constant 0 : index
      %swap3A_559 = vector.load %arg4[%swap3A_557, %swap3A_558] : memref<64x128xf32, #tpu.memory_space<vmem>>, vector<1x128xf32>
      tpu.vector_store %arg4[%swap3A_557, %swap3A_558], %add3A_556 {strides = array<i32>} : memref<64x128xf32, #tpu.memory_space<vmem>>, vector<1x128xf32>,
      %get3A_560 = arith.constant 4 : index
      %get3A_561 = arith.constant 0 : index
      %get3A_562 = vector.load %arg5[%get3A_560, %get3A_561] : memref<64x128xf32, #tpu.memory_space<vmem>>, vector<1x128xf32>
      %broadcast_in_dim3A_563 = vector.shape_cast %reduce_max3A_545 : vector<128xf32> to vector<1x128xf32>
      %max3A = arith.maximumf %get3A_562, %broadcast_in_dim3A_563 : vector<1x128xf32>
      %swap3A_564 = arith.constant 4 : index
      %swap3A_565 = arith.constant 0 : index
      %swap3A_566 = vector.load %arg5[%swap3A_564, %swap3A_565] : memref<64x128xf32, #tpu.memory_space<vmem>>, vector<1x128xf32>
      tpu.vector_store %arg5[%swap3A_564, %swap3A_565], %max3A {strides = array<i32>} : memref<64x128xf32, #tpu.memory_space<vmem>>, vector<1x128xf32>,
    } else {
    }
    %le3A_52 = arith.constant 5 : i32
    %le3A_53 = arith.cmpi sle, %reduce_min3A_10, %le3A_52 : i32
    %ge3A_54 = arith.constant 5 : i32
    %ge3A_55 = arith.cmpi sge, %reduce_max3A_14, %ge3A_54 : i32
    %and3A_56 = arith.andi %le3A_53, %ge3A_55 : i1
    %convert_element_type3A_57 = arith.extui %and3A_56 : i1 to i32
    %cond3A_58 = arith.constant 0 : i32
    %cond3A_59 = arith.cmpi ne, %convert_element_type3A_57, %cond3A_58 : i32
    scf.if %cond3A_59 {
      %eq3A_524 = arith.constant 5 : i32
      %eq3A_525 = vector.broadcast %eq3A_524 : i32 to vector<1000x1xi32>
      %eq3A_526 = arith.cmpi eq, %get3A_6, %eq3A_525 : vector<1000x1xi32>
      %jit3A = arith.constant 0.000000e+00 : f32
      %broadcast_in_dim3A = vector.shape_cast %eq3A_526 : vector<1000x1xi1> to vector<1000x1xi1>
      %broadcast_in_dim3A_527 = vector.broadcast %broadcast_in_dim3A : vector<1000x1xi1> to vector<1000x128xi1>
      %broadcast_in_dim3A_528 = vector.broadcast %jit3A : f32 to vector<1000x128xf32>
      %select_n3A = arith.select %broadcast_in_dim3A_527, %get3A_3, %broadcast_in_dim3A_528 : vector<1000x128xi1>, vector<1000x128xf32>
      %reduce_sum3A = arith.constant dense<0.000000e+00> : vector<128xf32>
      %reduce_sum3A_529 = vector.multi_reduction <add>, %select_n3A, %reduce_sum3A [0] : vector<1000x128xf32> to vector<128xf32>
      %broadcast_in_dim3A_530 = arith.constant 1.000000e+00 : f32
      %broadcast_in_dim3A_531 = vector.broadcast %broadcast_in_dim3A_530 : f32 to vector<1000x128xf32>
      %jit3A_532 = arith.constant 0.000000e+00 : f32
      %broadcast_in_dim3A_533 = vector.shape_cast %eq3A_526 : vector<1000x1xi1> to vector<1000x1xi1>
      %broadcast_in_dim3A_534 = vector.broadcast %broadcast_in_dim3A_533 : vector<1000x1xi1> to vector<1000x128xi1>
      %broadcast_in_dim3A_535 = vector.broadcast %jit3A_532 : f32 to vector<1000x128xf32>
      %select_n3A_536 = arith.select %broadcast_in_dim3A_534, %broadcast_in_dim3A_531, %broadcast_in_dim3A_535 : vector<1000x128xi1>, vector<1000x128xf32>
      %reduce_sum3A_537 = arith.constant dense<0.000000e+00> : vector<128xf32>
      %reduce_sum3A_538 = vector.multi_reduction <add>, %select_n3A_536, %reduce_sum3A_537 [0] : vector<1000x128xf32> to vector<128xf32>
      %jit3A_539 = arith.constant 0xFF800000 : f32
      %broadcast_in_dim3A_540 = vector.shape_cast %eq3A_526 : vector<1000x1xi1> to vector<1000x1xi1>
      %broadcast_in_dim3A_541 = vector.broadcast %broadcast_in_dim3A_540 : vector<1000x1xi1> to vector<1000x128xi1>
      %broadcast_in_dim3A_542 = vector.broadcast %jit3A_539 : f32 to vector<1000x128xf32>
      %select_n3A_543 = arith.select %broadcast_in_dim3A_541, %get3A_3, %broadcast_in_dim3A_542 : vector<1000x128xi1>, vector<1000x128xf32>
      %reduce_max3A_544 = arith.constant dense<0xFF800000> : vector<128xf32>
      %reduce_max3A_545 = vector.multi_reduction <maximumf>, %select_n3A_543, %reduce_max3A_544 [0] : vector<1000x128xf32> to vector<128xf32>
      %get3A_546 = arith.constant 5 : index
      %get3A_547 = arith.constant 0 : index
      %get3A_548 = vector.load %arg3[%get3A_546, %get3A_547] : memref<64x128xf32, #tpu.memory_space<vmem>>, vector<1x128xf32>
      %broadcast_in_dim3A_549 = vector.shape_cast %reduce_sum3A_529 : vector<128xf32> to vector<1x128xf32>
      %add3A = arith.addf %get3A_548, %broadcast_in_dim3A_549 : vector<1x128xf32>
      %swap3A = arith.constant 5 : index
      %swap3A_550 = arith.constant 0 : index
      %swap3A_551 = vector.load %arg3[%swap3A, %swap3A_550] : memref<64x128xf32, #tpu.memory_space<vmem>>, vector<1x128xf32>
      tpu.vector_store %arg3[%swap3A, %swap3A_550], %add3A {strides = array<i32>} : memref<64x128xf32, #tpu.memory_space<vmem>>, vector<1x128xf32>,
      %get3A_552 = arith.constant 5 : index
      %get3A_553 = arith.constant 0 : index
      %get3A_554 = vector.load %arg4[%get3A_552, %get3A_553] : memref<64x128xf32, #tpu.memory_space<vmem>>, vector<1x128xf32>
      %broadcast_in_dim3A_555 = vector.shape_cast %reduce_sum3A_538 : vector<128xf32> to vector<1x128xf32>
      %add3A_556 = arith.addf %get3A_554, %broadcast_in_dim3A_555 : vector<1x128xf32>
      %swap3A_557 = arith.constant 5 : index
      %swap3A_558 = arith.constant 0 : index
      %swap3A_559 = vector.load %arg4[%swap3A_557, %swap3A_558] : memref<64x128xf32, #tpu.memory_space<vmem>>, vector<1x128xf32>
      tpu.vector_store %arg4[%swap3A_557, %swap3A_558], %add3A_556 {strides = array<i32>} : memref<64x128xf32, #tpu.memory_space<vmem>>, vector<1x128xf32>,
      %get3A_560 = arith.constant 5 : index
      %get3A_561 = arith.constant 0 : index
      %get3A_562 = vector.load %arg5[%get3A_560, %get3A_561] : memref<64x128xf32, #tpu.memory_space<vmem>>, vector<1x128xf32>
      %broadcast_in_dim3A_563 = vector.shape_cast %reduce_max3A_545 : vector<128xf32> to vector<1x128xf32>
      %max3A = arith.maximumf %get3A_562, %broadcast_in_dim3A_563 : vector<1x128xf32>
      %swap3A_564 = arith.constant 5 : index
      %swap3A_565 = arith.constant 0 : index
      %swap3A_566 = vector.load %arg5[%swap3A_564, %swap3A_565] : memref<64x128xf32, #tpu.memory_space<vmem>>, vector<1x128xf32>
      tpu.vector_store %arg5[%swap3A_564, %swap3A_565], %max3A {strides = array<i32>} : memref<64x128xf32, #tpu.memory_space<vmem>>, vector<1x128xf32>,
    } else {
    }
    %le3A_60 = arith.constant 6 : i32
    %le3A_61 = arith.cmpi sle, %reduce_min3A_10, %le3A_60 : i32
    %ge3A_62 = arith.constant 6 : i32
    %ge3A_63 = arith.cmpi sge, %reduce_max3A_14, %ge3A_62 : i32
    %and3A_64 = arith.andi %le3A_61, %ge3A_63 : i1
    %convert_element_type3A_65 = arith.extui %and3A_64 : i1 to i32
    %cond3A_66 = arith.constant 0 : i32
    %cond3A_67 = arith.cmpi ne, %convert_element_type3A_65, %cond3A_66 : i32
    scf.if %cond3A_67 {
      %eq3A_524 = arith.constant 6 : i32
      %eq3A_525 = vector.broadcast %eq3A_524 : i32 to vector<1000x1xi32>
      %eq3A_526 = arith.cmpi eq, %get3A_6, %eq3A_525 : vector<1000x1xi32>
      %jit3A = arith.constant 0.000000e+00 : f32
      %broadcast_in_dim3A = vector.shape_cast %eq3A_526 : vector<1000x1xi1> to vector<1000x1xi1>
      %broadcast_in_dim3A_527 = vector.broadcast %broadcast_in_dim3A : vector<1000x1xi1> to vector<1000x128xi1>
      %broadcast_in_dim3A_528 = vector.broadcast %jit3A : f32 to vector<1000x128xf32>
      %select_n3A = arith.select %broadcast_in_dim3A_527, %get3A_3, %broadcast_in_dim3A_528 : vector<1000x128xi1>, vector<1000x128xf32>
      %reduce_sum3A = arith.constant dense<0.000000e+00> : vector<128xf32>
      %reduce_sum3A_529 = vector.multi_reduction <add>, %select_n3A, %reduce_sum3A [0] : vector<1000x128xf32> to vector<128xf32>
      %broadcast_in_dim3A_530 = arith.constant 1.000000e+00 : f32
      %broadcast_in_dim3A_531 = vector.broadcast %broadcast_in_dim3A_530 : f32 to vector<1000x128xf32>
      %jit3A_532 = arith.constant 0.000000e+00 : f32
      %broadcast_in_dim3A_533 = vector.shape_cast %eq3A_526 : vector<1000x1xi1> to vector<1000x1xi1>
      %broadcast_in_dim3A_534 = vector.broadcast %broadcast_in_dim3A_533 : vector<1000x1xi1> to vector<1000x128xi1>
      %broadcast_in_dim3A_535 = vector.broadcast %jit3A_532 : f32 to vector<1000x128xf32>
      %select_n3A_536 = arith.select %broadcast_in_dim3A_534, %broadcast_in_dim3A_531, %broadcast_in_dim3A_535 : vector<1000x128xi1>, vector<1000x128xf32>
      %reduce_sum3A_537 = arith.constant dense<0.000000e+00> : vector<128xf32>
      %reduce_sum3A_538 = vector.multi_reduction <add>, %select_n3A_536, %reduce_sum3A_537 [0] : vector<1000x128xf32> to vector<128xf32>
      %jit3A_539 = arith.constant 0xFF800000 : f32
      %broadcast_in_dim3A_540 = vector.shape_cast %eq3A_526 : vector<1000x1xi1> to vector<1000x1xi1>
      %broadcast_in_dim3A_541 = vector.broadcast %broadcast_in_dim3A_540 : vector<1000x1xi1> to vector<1000x128xi1>
      %broadcast_in_dim3A_542 = vector.broadcast %jit3A_539 : f32 to vector<1000x128xf32>
      %select_n3A_543 = arith.select %broadcast_in_dim3A_541, %get3A_3, %broadcast_in_dim3A_542 : vector<1000x128xi1>, vector<1000x128xf32>
      %reduce_max3A_544 = arith.constant dense<0xFF800000> : vector<128xf32>
      %reduce_max3A_545 = vector.multi_reduction <maximumf>, %select_n3A_543, %reduce_max3A_544 [0] : vector<1000x128xf32> to vector<128xf32>
      %get3A_546 = arith.constant 6 : index
      %get3A_547 = arith.constant 0 : index
      %get3A_548 = vector.load %arg3[%get3A_546, %get3A_547] : memref<64x128xf32, #tpu.memory_space<vmem>>, vector<1x128xf32>
      %broadcast_in_dim3A_549 = vector.shape_cast %reduce_sum3A_529 : vector<128xf32> to vector<1x128xf32>
      %add3A = arith.addf %get3A_548, %broadcast_in_dim3A_549 : vector<1x128xf32>
      %swap3A = arith.constant 6 : index
      %swap3A_550 = arith.constant 0 : index
      %swap3A_551 = vector.load %arg3[%swap3A, %swap3A_550] : memref<64x128xf32, #tpu.memory_space<vmem>>, vector<1x128xf32>
      tpu.vector_store %arg3[%swap3A, %swap3A_550], %add3A {strides = array<i32>} : memref<64x128xf32, #tpu.memory_space<vmem>>, vector<1x128xf32>,
      %get3A_552 = arith.constant 6 : index
      %get3A_553 = arith.constant 0 : index
      %get3A_554 = vector.load %arg4[%get3A_552, %get3A_553] : memref<64x128xf32, #tpu.memory_space<vmem>>, vector<1x128xf32>
      %broadcast_in_dim3A_555 = vector.shape_cast %reduce_sum3A_538 : vector<128xf32> to vector<1x128xf32>
      %add3A_556 = arith.addf %get3A_554, %broadcast_in_dim3A_555 : vector<1x128xf32>
      %swap3A_557 = arith.constant 6 : index
      %swap3A_558 = arith.constant 0 : index
      %swap3A_559 = vector.load %arg4[%swap3A_557, %swap3A_558] : memref<64x128xf32, #tpu.memory_space<vmem>>, vector<1x128xf32>
      tpu.vector_store %arg4[%swap3A_557, %swap3A_558], %add3A_556 {strides = array<i32>} : memref<64x128xf32, #tpu.memory_space<vmem>>, vector<1x128xf32>,
      %get3A_560 = arith.constant 6 : index
      %get3A_561 = arith.constant 0 : index
      %get3A_562 = vector.load %arg5[%get3A_560, %get3A_561] : memref<64x128xf32, #tpu.memory_space<vmem>>, vector<1x128xf32>
      %broadcast_in_dim3A_563 = vector.shape_cast %reduce_max3A_545 : vector<128xf32> to vector<1x128xf32>
      %max3A = arith.maximumf %get3A_562, %broadcast_in_dim3A_563 : vector<1x128xf32>
      %swap3A_564 = arith.constant 6 : index
      %swap3A_565 = arith.constant 0 : index
      %swap3A_566 = vector.load %arg5[%swap3A_564, %swap3A_565] : memref<64x128xf32, #tpu.memory_space<vmem>>, vector<1x128xf32>
      tpu.vector_store %arg5[%swap3A_564, %swap3A_565], %max3A {strides = array<i32>} : memref<64x128xf32, #tpu.memory_space<vmem>>, vector<1x128xf32>,
    } else {
    }
    %le3A_68 = arith.constant 7 : i32
    %le3A_69 = arith.cmpi sle, %reduce_min3A_10, %le3A_68 : i32
    %ge3A_70 = arith.constant 7 : i32
    %ge3A_71 = arith.cmpi sge, %reduce_max3A_14, %ge3A_70 : i32
    %and3A_72 = arith.andi %le3A_69, %ge3A_71 : i1
    %convert_element_type3A_73 = arith.extui %and3A_72 : i1 to i32
    %cond3A_74 = arith.constant 0 : i32
    %cond3A_75 = arith.cmpi ne, %convert_element_type3A_73, %cond3A_74 : i32
    scf.if %cond3A_75 {
      %eq3A_524 = arith.constant 7 : i32
      %eq3A_525 = vector.broadcast %eq3A_524 : i32 to vector<1000x1xi32>
      %eq3A_526 = arith.cmpi eq, %get3A_6, %eq3A_525 : vector<1000x1xi32>
      %jit3A = arith.constant 0.000000e+00 : f32
      %broadcast_in_dim3A = vector.shape_cast %eq3A_526 : vector<1000x1xi1> to vector<1000x1xi1>
      %broadcast_in_dim3A_527 = vector.broadcast %broadcast_in_dim3A : vector<1000x1xi1> to vector<1000x128xi1>
      %broadcast_in_dim3A_528 = vector.broadcast %jit3A : f32 to vector<1000x128xf32>
      %select_n3A = arith.select %broadcast_in_dim3A_527, %get3A_3, %broadcast_in_dim3A_528 : vector<1000x128xi1>, vector<1000x128xf32>
      %reduce_sum3A = arith.constant dense<0.000000e+00> : vector<128xf32>
      %reduce_sum3A_529 = vector.multi_reduction <add>, %select_n3A, %reduce_sum3A [0] : vector<1000x128xf32> to vector<128xf32>
      %broadcast_in_dim3A_530 = arith.constant 1.000000e+00 : f32
      %broadcast_in_dim3A_531 = vector.broadcast %broadcast_in_dim3A_530 : f32 to vector<1000x128xf32>
      %jit3A_532 = arith.constant 0.000000e+00 : f32
      %broadcast_in_dim3A_533 = vector.shape_cast %eq3A_526 : vector<1000x1xi1> to vector<1000x1xi1>
      %broadcast_in_dim3A_534 = vector.broadcast %broadcast_in_dim3A_533 : vector<1000x1xi1> to vector<1000x128xi1>
      %broadcast_in_dim3A_535 = vector.broadcast %jit3A_532 : f32 to vector<1000x128xf32>
      %select_n3A_536 = arith.select %broadcast_in_dim3A_534, %broadcast_in_dim3A_531, %broadcast_in_dim3A_535 : vector<1000x128xi1>, vector<1000x128xf32>
      %reduce_sum3A_537 = arith.constant dense<0.000000e+00> : vector<128xf32>
      %reduce_sum3A_538 = vector.multi_reduction <add>, %select_n3A_536, %reduce_sum3A_537 [0] : vector<1000x128xf32> to vector<128xf32>
      %jit3A_539 = arith.constant 0xFF800000 : f32
      %broadcast_in_dim3A_540 = vector.shape_cast %eq3A_526 : vector<1000x1xi1> to vector<1000x1xi1>
      %broadcast_in_dim3A_541 = vector.broadcast %broadcast_in_dim3A_540 : vector<1000x1xi1> to vector<1000x128xi1>
      %broadcast_in_dim3A_542 = vector.broadcast %jit3A_539 : f32 to vector<1000x128xf32>
      %select_n3A_543 = arith.select %broadcast_in_dim3A_541, %get3A_3, %broadcast_in_dim3A_542 : vector<1000x128xi1>, vector<1000x128xf32>
      %reduce_max3A_544 = arith.constant dense<0xFF800000> : vector<128xf32>
      %reduce_max3A_545 = vector.multi_reduction <maximumf>, %select_n3A_543, %reduce_max3A_544 [0] : vector<1000x128xf32> to vector<128xf32>
      %get3A_546 = arith.constant 7 : index
      %get3A_547 = arith.constant 0 : index
      %get3A_548 = vector.load %arg3[%get3A_546, %get3A_547] : memref<64x128xf32, #tpu.memory_space<vmem>>, vector<1x128xf32>
      %broadcast_in_dim3A_549 = vector.shape_cast %reduce_sum3A_529 : vector<128xf32> to vector<1x128xf32>
      %add3A = arith.addf %get3A_548, %broadcast_in_dim3A_549 : vector<1x128xf32>
      %swap3A = arith.constant 7 : index
      %swap3A_550 = arith.constant 0 : index
      %swap3A_551 = vector.load %arg3[%swap3A, %swap3A_550] : memref<64x128xf32, #tpu.memory_space<vmem>>, vector<1x128xf32>
      tpu.vector_store %arg3[%swap3A, %swap3A_550], %add3A {strides = array<i32>} : memref<64x128xf32, #tpu.memory_space<vmem>>, vector<1x128xf32>,
      %get3A_552 = arith.constant 7 : index
      %get3A_553 = arith.constant 0 : index
      %get3A_554 = vector.load %arg4[%get3A_552, %get3A_553] : memref<64x128xf32, #tpu.memory_space<vmem>>, vector<1x128xf32>
      %broadcast_in_dim3A_555 = vector.shape_cast %reduce_sum3A_538 : vector<128xf32> to vector<1x128xf32>
      %add3A_556 = arith.addf %get3A_554, %broadcast_in_dim3A_555 : vector<1x128xf32>
      %swap3A_557 = arith.constant 7 : index
      %swap3A_558 = arith.constant 0 : index
      %swap3A_559 = vector.load %arg4[%swap3A_557, %swap3A_558] : memref<64x128xf32, #tpu.memory_space<vmem>>, vector<1x128xf32>
      tpu.vector_store %arg4[%swap3A_557, %swap3A_558], %add3A_556 {strides = array<i32>} : memref<64x128xf32, #tpu.memory_space<vmem>>, vector<1x128xf32>,
      %get3A_560 = arith.constant 7 : index
      %get3A_561 = arith.constant 0 : index
      %get3A_562 = vector.load %arg5[%get3A_560, %get3A_561] : memref<64x128xf32, #tpu.memory_space<vmem>>, vector<1x128xf32>
      %broadcast_in_dim3A_563 = vector.shape_cast %reduce_max3A_545 : vector<128xf32> to vector<1x128xf32>
      %max3A = arith.maximumf %get3A_562, %broadcast_in_dim3A_563 : vector<1x128xf32>
      %swap3A_564 = arith.constant 7 : index
      %swap3A_565 = arith.constant 0 : index
      %swap3A_566 = vector.load %arg5[%swap3A_564, %swap3A_565] : memref<64x128xf32, #tpu.memory_space<vmem>>, vector<1x128xf32>
      tpu.vector_store %arg5[%swap3A_564, %swap3A_565], %max3A {strides = array<i32>} : memref<64x128xf32, #tpu.memory_space<vmem>>, vector<1x128xf32>,
    } else {
    }
    %le3A_76 = arith.constant 8 : i32
    %le3A_77 = arith.cmpi sle, %reduce_min3A_10, %le3A_76 : i32
    %ge3A_78 = arith.constant 8 : i32
    %ge3A_79 = arith.cmpi sge, %reduce_max3A_14, %ge3A_78 : i32
    %and3A_80 = arith.andi %le3A_77, %ge3A_79 : i1
    %convert_element_type3A_81 = arith.extui %and3A_80 : i1 to i32
    %cond3A_82 = arith.constant 0 : i32
    %cond3A_83 = arith.cmpi ne, %convert_element_type3A_81, %cond3A_82 : i32
    scf.if %cond3A_83 {
      %eq3A_524 = arith.constant 8 : i32
      %eq3A_525 = vector.broadcast %eq3A_524 : i32 to vector<1000x1xi32>
      %eq3A_526 = arith.cmpi eq, %get3A_6, %eq3A_525 : vector<1000x1xi32>
      %jit3A = arith.constant 0.000000e+00 : f32
      %broadcast_in_dim3A = vector.shape_cast %eq3A_526 : vector<1000x1xi1> to vector<1000x1xi1>
      %broadcast_in_dim3A_527 = vector.broadcast %broadcast_in_dim3A : vector<1000x1xi1> to vector<1000x128xi1>
      %broadcast_in_dim3A_528 = vector.broadcast %jit3A : f32 to vector<1000x128xf32>
      %select_n3A = arith.select %broadcast_in_dim3A_527, %get3A_3, %broadcast_in_dim3A_528 : vector<1000x128xi1>, vector<1000x128xf32>
      %reduce_sum3A = arith.constant dense<0.000000e+00> : vector<128xf32>
      %reduce_sum3A_529 = vector.multi_reduction <add>, %select_n3A, %reduce_sum3A [0] : vector<1000x128xf32> to vector<128xf32>
      %broadcast_in_dim3A_530 = arith.constant 1.000000e+00 : f32
      %broadcast_in_dim3A_531 = vector.broadcast %broadcast_in_dim3A_530 : f32 to vector<1000x128xf32>
      %jit3A_532 = arith.constant 0.000000e+00 : f32
      %broadcast_in_dim3A_533 = vector.shape_cast %eq3A_526 : vector<1000x1xi1> to vector<1000x1xi1>
      %broadcast_in_dim3A_534 = vector.broadcast %broadcast_in_dim3A_533 : vector<1000x1xi1> to vector<1000x128xi1>
      %broadcast_in_dim3A_535 = vector.broadcast %jit3A_532 : f32 to vector<1000x128xf32>
      %select_n3A_536 = arith.select %broadcast_in_dim3A_534, %broadcast_in_dim3A_531, %broadcast_in_dim3A_535 : vector<1000x128xi1>, vector<1000x128xf32>
      %reduce_sum3A_537 = arith.constant dense<0.000000e+00> : vector<128xf32>
      %reduce_sum3A_538 = vector.multi_reduction <add>, %select_n3A_536, %reduce_sum3A_537 [0] : vector<1000x128xf32> to vector<128xf32>
      %jit3A_539 = arith.constant 0xFF800000 : f32
      %broadcast_in_dim3A_540 = vector.shape_cast %eq3A_526 : vector<1000x1xi1> to vector<1000x1xi1>
      %broadcast_in_dim3A_541 = vector.broadcast %broadcast_in_dim3A_540 : vector<1000x1xi1> to vector<1000x128xi1>
      %broadcast_in_dim3A_542 = vector.broadcast %jit3A_539 : f32 to vector<1000x128xf32>
      %select_n3A_543 = arith.select %broadcast_in_dim3A_541, %get3A_3, %broadcast_in_dim3A_542 : vector<1000x128xi1>, vector<1000x128xf32>
      %reduce_max3A_544 = arith.constant dense<0xFF800000> : vector<128xf32>
      %reduce_max3A_545 = vector.multi_reduction <maximumf>, %select_n3A_543, %reduce_max3A_544 [0] : vector<1000x128xf32> to vector<128xf32>
      %get3A_546 = arith.constant 8 : index
      %get3A_547 = arith.constant 0 : index
      %get3A_548 = vector.load %arg3[%get3A_546, %get3A_547] : memref<64x128xf32, #tpu.memory_space<vmem>>, vector<1x128xf32>
      %broadcast_in_dim3A_549 = vector.shape_cast %reduce_sum3A_529 : vector<128xf32> to vector<1x128xf32>
      %add3A = arith.addf %get3A_548, %broadcast_in_dim3A_549 : vector<1x128xf32>
      %swap3A = arith.constant 8 : index
      %swap3A_550 = arith.constant 0 : index
      %swap3A_551 = vector.load %arg3[%swap3A, %swap3A_550] : memref<64x128xf32, #tpu.memory_space<vmem>>, vector<1x128xf32>
      tpu.vector_store %arg3[%swap3A, %swap3A_550], %add3A {strides = array<i32>} : memref<64x128xf32, #tpu.memory_space<vmem>>, vector<1x128xf32>,
      %get3A_552 = arith.constant 8 : index
      %get3A_553 = arith.constant 0 : index
      %get3A_554 = vector.load %arg4[%get3A_552, %get3A_553] : memref<64x128xf32, #tpu.memory_space<vmem>>, vector<1x128xf32>
      %broadcast_in_dim3A_555 = vector.shape_cast %reduce_sum3A_538 : vector<128xf32> to vector<1x128xf32>
      %add3A_556 = arith.addf %get3A_554, %broadcast_in_dim3A_555 : vector<1x128xf32>
      %swap3A_557 = arith.constant 8 : index
      %swap3A_558 = arith.constant 0 : index
      %swap3A_559 = vector.load %arg4[%swap3A_557, %swap3A_558] : memref<64x128xf32, #tpu.memory_space<vmem>>, vector<1x128xf32>
      tpu.vector_store %arg4[%swap3A_557, %swap3A_558], %add3A_556 {strides = array<i32>} : memref<64x128xf32, #tpu.memory_space<vmem>>, vector<1x128xf32>,
      %get3A_560 = arith.constant 8 : index
      %get3A_561 = arith.constant 0 : index
      %get3A_562 = vector.load %arg5[%get3A_560, %get3A_561] : memref<64x128xf32, #tpu.memory_space<vmem>>, vector<1x128xf32>
      %broadcast_in_dim3A_563 = vector.shape_cast %reduce_max3A_545 : vector<128xf32> to vector<1x128xf32>
      %max3A = arith.maximumf %get3A_562, %broadcast_in_dim3A_563 : vector<1x128xf32>
      %swap3A_564 = arith.constant 8 : index
      %swap3A_565 = arith.constant 0 : index
      %swap3A_566 = vector.load %arg5[%swap3A_564, %swap3A_565] : memref<64x128xf32, #tpu.memory_space<vmem>>, vector<1x128xf32>
      tpu.vector_store %arg5[%swap3A_564, %swap3A_565], %max3A {strides = array<i32>} : memref<64x128xf32, #tpu.memory_space<vmem>>, vector<1x128xf32>,
    } else {
    }
    %le3A_84 = arith.constant 9 : i32
    %le3A_85 = arith.cmpi sle, %reduce_min3A_10, %le3A_84 : i32
    %ge3A_86 = arith.constant 9 : i32
    %ge3A_87 = arith.cmpi sge, %reduce_max3A_14, %ge3A_86 : i32
    %and3A_88 = arith.andi %le3A_85, %ge3A_87 : i1
    %convert_element_type3A_89 = arith.extui %and3A_88 : i1 to i32
    %cond3A_90 = arith.constant 0 : i32
    %cond3A_91 = arith.cmpi ne, %convert_element_type3A_89, %cond3A_90 : i32
    scf.if %cond3A_91 {
      %eq3A_524 = arith.constant 9 : i32
      %eq3A_525 = vector.broadcast %eq3A_524 : i32 to vector<1000x1xi32>
      %eq3A_526 = arith.cmpi eq, %get3A_6, %eq3A_525 : vector<1000x1xi32>
      %jit3A = arith.constant 0.000000e+00 : f32
      %broadcast_in_dim3A = vector.shape_cast %eq3A_526 : vector<1000x1xi1> to vector<1000x1xi1>
      %broadcast_in_dim3A_527 = vector.broadcast %broadcast_in_dim3A : vector<1000x1xi1> to vector<1000x128xi1>
      %broadcast_in_dim3A_528 = vector.broadcast %jit3A : f32 to vector<1000x128xf32>
      %select_n3A = arith.select %broadcast_in_dim3A_527, %get3A_3, %broadcast_in_dim3A_528 : vector<1000x128xi1>, vector<1000x128xf32>
      %reduce_sum3A = arith.constant dense<0.000000e+00> : vector<128xf32>
      %reduce_sum3A_529 = vector.multi_reduction <add>, %select_n3A, %reduce_sum3A [0] : vector<1000x128xf32> to vector<128xf32>
      %broadcast_in_dim3A_530 = arith.constant 1.000000e+00 : f32
      %broadcast_in_dim3A_531 = vector.broadcast %broadcast_in_dim3A_530 : f32 to vector<1000x128xf32>
      %jit3A_532 = arith.constant 0.000000e+00 : f32
      %broadcast_in_dim3A_533 = vector.shape_cast %eq3A_526 : vector<1000x1xi1> to vector<1000x1xi1>
      %broadcast_in_dim3A_534 = vector.broadcast %broadcast_in_dim3A_533 : vector<1000x1xi1> to vector<1000x128xi1>
      %broadcast_in_dim3A_535 = vector.broadcast %jit3A_532 : f32 to vector<1000x128xf32>
      %select_n3A_536 = arith.select %broadcast_in_dim3A_534, %broadcast_in_dim3A_531, %broadcast_in_dim3A_535 : vector<1000x128xi1>, vector<1000x128xf32>
      %reduce_sum3A_537 = arith.constant dense<0.000000e+00> : vector<128xf32>
      %reduce_sum3A_538 = vector.multi_reduction <add>, %select_n3A_536, %reduce_sum3A_537 [0] : vector<1000x128xf32> to vector<128xf32>
      %jit3A_539 = arith.constant 0xFF800000 : f32
      %broadcast_in_dim3A_540 = vector.shape_cast %eq3A_526 : vector<1000x1xi1> to vector<1000x1xi1>
      %broadcast_in_dim3A_541 = vector.broadcast %broadcast_in_dim3A_540 : vector<1000x1xi1> to vector<1000x128xi1>
      %broadcast_in_dim3A_542 = vector.broadcast %jit3A_539 : f32 to vector<1000x128xf32>
      %select_n3A_543 = arith.select %broadcast_in_dim3A_541, %get3A_3, %broadcast_in_dim3A_542 : vector<1000x128xi1>, vector<1000x128xf32>
      %reduce_max3A_544 = arith.constant dense<0xFF800000> : vector<128xf32>
      %reduce_max3A_545 = vector.multi_reduction <maximumf>, %select_n3A_543, %reduce_max3A_544 [0] : vector<1000x128xf32> to vector<128xf32>
      %get3A_546 = arith.constant 9 : index
      %get3A_547 = arith.constant 0 : index
      %get3A_548 = vector.load %arg3[%get3A_546, %get3A_547] : memref<64x128xf32, #tpu.memory_space<vmem>>, vector<1x128xf32>
      %broadcast_in_dim3A_549 = vector.shape_cast %reduce_sum3A_529 : vector<128xf32> to vector<1x128xf32>
      %add3A = arith.addf %get3A_548, %broadcast_in_dim3A_549 : vector<1x128xf32>
      %swap3A = arith.constant 9 : index
      %swap3A_550 = arith.constant 0 : index
      %swap3A_551 = vector.load %arg3[%swap3A, %swap3A_550] : memref<64x128xf32, #tpu.memory_space<vmem>>, vector<1x128xf32>
      tpu.vector_store %arg3[%swap3A, %swap3A_550], %add3A {strides = array<i32>} : memref<64x128xf32, #tpu.memory_space<vmem>>, vector<1x128xf32>,
      %get3A_552 = arith.constant 9 : index
      %get3A_553 = arith.constant 0 : index
      %get3A_554 = vector.load %arg4[%get3A_552, %get3A_553] : memref<64x128xf32, #tpu.memory_space<vmem>>, vector<1x128xf32>
      %broadcast_in_dim3A_555 = vector.shape_cast %reduce_sum3A_538 : vector<128xf32> to vector<1x128xf32>
      %add3A_556 = arith.addf %get3A_554, %broadcast_in_dim3A_555 : vector<1x128xf32>
      %swap3A_557 = arith.constant 9 : index
      %swap3A_558 = arith.constant 0 : index
      %swap3A_559 = vector.load %arg4[%swap3A_557, %swap3A_558] : memref<64x128xf32, #tpu.memory_space<vmem>>, vector<1x128xf32>
      tpu.vector_store %arg4[%swap3A_557, %swap3A_558], %add3A_556 {strides = array<i32>} : memref<64x128xf32, #tpu.memory_space<vmem>>, vector<1x128xf32>,
      %get3A_560 = arith.constant 9 : index
      %get3A_561 = arith.constant 0 : index
      %get3A_562 = vector.load %arg5[%get3A_560, %get3A_561] : memref<64x128xf32, #tpu.memory_space<vmem>>, vector<1x128xf32>
      %broadcast_in_dim3A_563 = vector.shape_cast %reduce_max3A_545 : vector<128xf32> to vector<1x128xf32>
      %max3A = arith.maximumf %get3A_562, %broadcast_in_dim3A_563 : vector<1x128xf32>
      %swap3A_564 = arith.constant 9 : index
      %swap3A_565 = arith.constant 0 : index
      %swap3A_566 = vector.load %arg5[%swap3A_564, %swap3A_565] : memref<64x128xf32, #tpu.memory_space<vmem>>, vector<1x128xf32>
      tpu.vector_store %arg5[%swap3A_564, %swap3A_565], %max3A {strides = array<i32>} : memref<64x128xf32, #tpu.memory_space<vmem>>, vector<1x128xf32>,
    } else {
    }
    %le3A_92 = arith.constant 10 : i32
    %le3A_93 = arith.cmpi sle, %reduce_min3A_10, %le3A_92 : i32
    %ge3A_94 = arith.constant 10 : i32
    %ge3A_95 = arith.cmpi sge, %reduce_max3A_14, %ge3A_94 : i32
    %and3A_96 = arith.andi %le3A_93, %ge3A_95 : i1
    %convert_element_type3A_97 = arith.extui %and3A_96 : i1 to i32
    %cond3A_98 = arith.constant 0 : i32
    %cond3A_99 = arith.cmpi ne, %convert_element_type3A_97, %cond3A_98 : i32
    scf.if %cond3A_99 {
      %eq3A_524 = arith.constant 10 : i32
      %eq3A_525 = vector.broadcast %eq3A_524 : i32 to vector<1000x1xi32>
      %eq3A_526 = arith.cmpi eq, %get3A_6, %eq3A_525 : vector<1000x1xi32>
      %jit3A = arith.constant 0.000000e+00 : f32
      %broadcast_in_dim3A = vector.shape_cast %eq3A_526 : vector<1000x1xi1> to vector<1000x1xi1>
      %broadcast_in_dim3A_527 = vector.broadcast %broadcast_in_dim3A : vector<1000x1xi1> to vector<1000x128xi1>
      %broadcast_in_dim3A_528 = vector.broadcast %jit3A : f32 to vector<1000x128xf32>
      %select_n3A = arith.select %broadcast_in_dim3A_527, %get3A_3, %broadcast_in_dim3A_528 : vector<1000x128xi1>, vector<1000x128xf32>
      %reduce_sum3A = arith.constant dense<0.000000e+00> : vector<128xf32>
      %reduce_sum3A_529 = vector.multi_reduction <add>, %select_n3A, %reduce_sum3A [0] : vector<1000x128xf32> to vector<128xf32>
      %broadcast_in_dim3A_530 = arith.constant 1.000000e+00 : f32
      %broadcast_in_dim3A_531 = vector.broadcast %broadcast_in_dim3A_530 : f32 to vector<1000x128xf32>
      %jit3A_532 = arith.constant 0.000000e+00 : f32
      %broadcast_in_dim3A_533 = vector.shape_cast %eq3A_526 : vector<1000x1xi1> to vector<1000x1xi1>
      %broadcast_in_dim3A_534 = vector.broadcast %broadcast_in_dim3A_533 : vector<1000x1xi1> to vector<1000x128xi1>
      %broadcast_in_dim3A_535 = vector.broadcast %jit3A_532 : f32 to vector<1000x128xf32>
      %select_n3A_536 = arith.select %broadcast_in_dim3A_534, %broadcast_in_dim3A_531, %broadcast_in_dim3A_535 : vector<1000x128xi1>, vector<1000x128xf32>
      %reduce_sum3A_537 = arith.constant dense<0.000000e+00> : vector<128xf32>
      %reduce_sum3A_538 = vector.multi_reduction <add>, %select_n3A_536, %reduce_sum3A_537 [0] : vector<1000x128xf32> to vector<128xf32>
      %jit3A_539 = arith.constant 0xFF800000 : f32
      %broadcast_in_dim3A_540 = vector.shape_cast %eq3A_526 : vector<1000x1xi1> to vector<1000x1xi1>
      %broadcast_in_dim3A_541 = vector.broadcast %broadcast_in_dim3A_540 : vector<1000x1xi1> to vector<1000x128xi1>
      %broadcast_in_dim3A_542 = vector.broadcast %jit3A_539 : f32 to vector<1000x128xf32>
      %select_n3A_543 = arith.select %broadcast_in_dim3A_541, %get3A_3, %broadcast_in_dim3A_542 : vector<1000x128xi1>, vector<1000x128xf32>
      %reduce_max3A_544 = arith.constant dense<0xFF800000> : vector<128xf32>
      %reduce_max3A_545 = vector.multi_reduction <maximumf>, %select_n3A_543, %reduce_max3A_544 [0] : vector<1000x128xf32> to vector<128xf32>
      %get3A_546 = arith.constant 10 : index
      %get3A_547 = arith.constant 0 : index
      %get3A_548 = vector.load %arg3[%get3A_546, %get3A_547] : memref<64x128xf32, #tpu.memory_space<vmem>>, vector<1x128xf32>
      %broadcast_in_dim3A_549 = vector.shape_cast %reduce_sum3A_529 : vector<128xf32> to vector<1x128xf32>
      %add3A = arith.addf %get3A_548, %broadcast_in_dim3A_549 : vector<1x128xf32>
      %swap3A = arith.constant 10 : index
      %swap3A_550 = arith.constant 0 : index
      %swap3A_551 = vector.load %arg3[%swap3A, %swap3A_550] : memref<64x128xf32, #tpu.memory_space<vmem>>, vector<1x128xf32>
      tpu.vector_store %arg3[%swap3A, %swap3A_550], %add3A {strides = array<i32>} : memref<64x128xf32, #tpu.memory_space<vmem>>, vector<1x128xf32>,
      %get3A_552 = arith.constant 10 : index
      %get3A_553 = arith.constant 0 : index
      %get3A_554 = vector.load %arg4[%get3A_552, %get3A_553] : memref<64x128xf32, #tpu.memory_space<vmem>>, vector<1x128xf32>
      %broadcast_in_dim3A_555 = vector.shape_cast %reduce_sum3A_538 : vector<128xf32> to vector<1x128xf32>
      %add3A_556 = arith.addf %get3A_554, %broadcast_in_dim3A_555 : vector<1x128xf32>
      %swap3A_557 = arith.constant 10 : index
      %swap3A_558 = arith.constant 0 : index
      %swap3A_559 = vector.load %arg4[%swap3A_557, %swap3A_558] : memref<64x128xf32, #tpu.memory_space<vmem>>, vector<1x128xf32>
      tpu.vector_store %arg4[%swap3A_557, %swap3A_558], %add3A_556 {strides = array<i32>} : memref<64x128xf32, #tpu.memory_space<vmem>>, vector<1x128xf32>,
      %get3A_560 = arith.constant 10 : index
      %get3A_561 = arith.constant 0 : index
      %get3A_562 = vector.load %arg5[%get3A_560, %get3A_561] : memref<64x128xf32, #tpu.memory_space<vmem>>, vector<1x128xf32>
      %broadcast_in_dim3A_563 = vector.shape_cast %reduce_max3A_545 : vector<128xf32> to vector<1x128xf32>
      %max3A = arith.maximumf %get3A_562, %broadcast_in_dim3A_563 : vector<1x128xf32>
      %swap3A_564 = arith.constant 10 : index
      %swap3A_565 = arith.constant 0 : index
      %swap3A_566 = vector.load %arg5[%swap3A_564, %swap3A_565] : memref<64x128xf32, #tpu.memory_space<vmem>>, vector<1x128xf32>
      tpu.vector_store %arg5[%swap3A_564, %swap3A_565], %max3A {strides = array<i32>} : memref<64x128xf32, #tpu.memory_space<vmem>>, vector<1x128xf32>,
    } else {
    }
    %le3A_100 = arith.constant 11 : i32
    %le3A_101 = arith.cmpi sle, %reduce_min3A_10, %le3A_100 : i32
    %ge3A_102 = arith.constant 11 : i32
    %ge3A_103 = arith.cmpi sge, %reduce_max3A_14, %ge3A_102 : i32
    %and3A_104 = arith.andi %le3A_101, %ge3A_103 : i1
    %convert_element_type3A_105 = arith.extui %and3A_104 : i1 to i32
    %cond3A_106 = arith.constant 0 : i32
    %cond3A_107 = arith.cmpi ne, %convert_element_type3A_105, %cond3A_106 : i32
    scf.if %cond3A_107 {
      %eq3A_524 = arith.constant 11 : i32
      %eq3A_525 = vector.broadcast %eq3A_524 : i32 to vector<1000x1xi32>
      %eq3A_526 = arith.cmpi eq, %get3A_6, %eq3A_525 : vector<1000x1xi32>
      %jit3A = arith.constant 0.000000e+00 : f32
      %broadcast_in_dim3A = vector.shape_cast %eq3A_526 : vector<1000x1xi1> to vector<1000x1xi1>
      %broadcast_in_dim3A_527 = vector.broadcast %broadcast_in_dim3A : vector<1000x1xi1> to vector<1000x128xi1>
      %broadcast_in_dim3A_528 = vector.broadcast %jit3A : f32 to vector<1000x128xf32>
      %select_n3A = arith.select %broadcast_in_dim3A_527, %get3A_3, %broadcast_in_dim3A_528 : vector<1000x128xi1>, vector<1000x128xf32>
      %reduce_sum3A = arith.constant dense<0.000000e+00> : vector<128xf32>
      %reduce_sum3A_529 = vector.multi_reduction <add>, %select_n3A, %reduce_sum3A [0] : vector<1000x128xf32> to vector<128xf32>
      %broadcast_in_dim3A_530 = arith.constant 1.000000e+00 : f32
      %broadcast_in_dim3A_531 = vector.broadcast %broadcast_in_dim3A_530 : f32 to vector<1000x128xf32>
      %jit3A_532 = arith.constant 0.000000e+00 : f32
      %broadcast_in_dim3A_533 = vector.shape_cast %eq3A_526 : vector<1000x1xi1> to vector<1000x1xi1>
      %broadcast_in_dim3A_534 = vector.broadcast %broadcast_in_dim3A_533 : vector<1000x1xi1> to vector<1000x128xi1>
      %broadcast_in_dim3A_535 = vector.broadcast %jit3A_532 : f32 to vector<1000x128xf32>
      %select_n3A_536 = arith.select %broadcast_in_dim3A_534, %broadcast_in_dim3A_531, %broadcast_in_dim3A_535 : vector<1000x128xi1>, vector<1000x128xf32>
      %reduce_sum3A_537 = arith.constant dense<0.000000e+00> : vector<128xf32>
      %reduce_sum3A_538 = vector.multi_reduction <add>, %select_n3A_536, %reduce_sum3A_537 [0] : vector<1000x128xf32> to vector<128xf32>
      %jit3A_539 = arith.constant 0xFF800000 : f32
      %broadcast_in_dim3A_540 = vector.shape_cast %eq3A_526 : vector<1000x1xi1> to vector<1000x1xi1>
      %broadcast_in_dim3A_541 = vector.broadcast %broadcast_in_dim3A_540 : vector<1000x1xi1> to vector<1000x128xi1>
      %broadcast_in_dim3A_542 = vector.broadcast %jit3A_539 : f32 to vector<1000x128xf32>
      %select_n3A_543 = arith.select %broadcast_in_dim3A_541, %get3A_3, %broadcast_in_dim3A_542 : vector<1000x128xi1>, vector<1000x128xf32>
      %reduce_max3A_544 = arith.constant dense<0xFF800000> : vector<128xf32>
      %reduce_max3A_545 = vector.multi_reduction <maximumf>, %select_n3A_543, %reduce_max3A_544 [0] : vector<1000x128xf32> to vector<128xf32>
      %get3A_546 = arith.constant 11 : index
      %get3A_547 = arith.constant 0 : index
      %get3A_548 = vector.load %arg3[%get3A_546, %get3A_547] : memref<64x128xf32, #tpu.memory_space<vmem>>, vector<1x128xf32>
      %broadcast_in_dim3A_549 = vector.shape_cast %reduce_sum3A_529 : vector<128xf32> to vector<1x128xf32>
      %add3A = arith.addf %get3A_548, %broadcast_in_dim3A_549 : vector<1x128xf32>
      %swap3A = arith.constant 11 : index
      %swap3A_550 = arith.constant 0 : index
      %swap3A_551 = vector.load %arg3[%swap3A, %swap3A_550] : memref<64x128xf32, #tpu.memory_space<vmem>>, vector<1x128xf32>
      tpu.vector_store %arg3[%swap3A, %swap3A_550], %add3A {strides = array<i32>} : memref<64x128xf32, #tpu.memory_space<vmem>>, vector<1x128xf32>,
      %get3A_552 = arith.constant 11 : index
      %get3A_553 = arith.constant 0 : index
      %get3A_554 = vector.load %arg4[%get3A_552, %get3A_553] : memref<64x128xf32, #tpu.memory_space<vmem>>, vector<1x128xf32>
      %broadcast_in_dim3A_555 = vector.shape_cast %reduce_sum3A_538 : vector<128xf32> to vector<1x128xf32>
      %add3A_556 = arith.addf %get3A_554, %broadcast_in_dim3A_555 : vector<1x128xf32>
      %swap3A_557 = arith.constant 11 : index
      %swap3A_558 = arith.constant 0 : index
      %swap3A_559 = vector.load %arg4[%swap3A_557, %swap3A_558] : memref<64x128xf32, #tpu.memory_space<vmem>>, vector<1x128xf32>
      tpu.vector_store %arg4[%swap3A_557, %swap3A_558], %add3A_556 {strides = array<i32>} : memref<64x128xf32, #tpu.memory_space<vmem>>, vector<1x128xf32>,
      %get3A_560 = arith.constant 11 : index
      %get3A_561 = arith.constant 0 : index
      %get3A_562 = vector.load %arg5[%get3A_560, %get3A_561] : memref<64x128xf32, #tpu.memory_space<vmem>>, vector<1x128xf32>
      %broadcast_in_dim3A_563 = vector.shape_cast %reduce_max3A_545 : vector<128xf32> to vector<1x128xf32>
      %max3A = arith.maximumf %get3A_562, %broadcast_in_dim3A_563 : vector<1x128xf32>
      %swap3A_564 = arith.constant 11 : index
      %swap3A_565 = arith.constant 0 : index
      %swap3A_566 = vector.load %arg5[%swap3A_564, %swap3A_565] : memref<64x128xf32, #tpu.memory_space<vmem>>, vector<1x128xf32>
      tpu.vector_store %arg5[%swap3A_564, %swap3A_565], %max3A {strides = array<i32>} : memref<64x128xf32, #tpu.memory_space<vmem>>, vector<1x128xf32>,
    } else {
    }
    %le3A_108 = arith.constant 12 : i32
    %le3A_109 = arith.cmpi sle, %reduce_min3A_10, %le3A_108 : i32
    %ge3A_110 = arith.constant 12 : i32
    %ge3A_111 = arith.cmpi sge, %reduce_max3A_14, %ge3A_110 : i32
    %and3A_112 = arith.andi %le3A_109, %ge3A_111 : i1
    %convert_element_type3A_113 = arith.extui %and3A_112 : i1 to i32
    %cond3A_114 = arith.constant 0 : i32
    %cond3A_115 = arith.cmpi ne, %convert_element_type3A_113, %cond3A_114 : i32
    scf.if %cond3A_115 {
      %eq3A_524 = arith.constant 12 : i32
      %eq3A_525 = vector.broadcast %eq3A_524 : i32 to vector<1000x1xi32>
      %eq3A_526 = arith.cmpi eq, %get3A_6, %eq3A_525 : vector<1000x1xi32>
      %jit3A = arith.constant 0.000000e+00 : f32
      %broadcast_in_dim3A = vector.shape_cast %eq3A_526 : vector<1000x1xi1> to vector<1000x1xi1>
      %broadcast_in_dim3A_527 = vector.broadcast %broadcast_in_dim3A : vector<1000x1xi1> to vector<1000x128xi1>
      %broadcast_in_dim3A_528 = vector.broadcast %jit3A : f32 to vector<1000x128xf32>
      %select_n3A = arith.select %broadcast_in_dim3A_527, %get3A_3, %broadcast_in_dim3A_528 : vector<1000x128xi1>, vector<1000x128xf32>
      %reduce_sum3A = arith.constant dense<0.000000e+00> : vector<128xf32>
      %reduce_sum3A_529 = vector.multi_reduction <add>, %select_n3A, %reduce_sum3A [0] : vector<1000x128xf32> to vector<128xf32>
      %broadcast_in_dim3A_530 = arith.constant 1.000000e+00 : f32
      %broadcast_in_dim3A_531 = vector.broadcast %broadcast_in_dim3A_530 : f32 to vector<1000x128xf32>
      %jit3A_532 = arith.constant 0.000000e+00 : f32
      %broadcast_in_dim3A_533 = vector.shape_cast %eq3A_526 : vector<1000x1xi1> to vector<1000x1xi1>
      %broadcast_in_dim3A_534 = vector.broadcast %broadcast_in_dim3A_533 : vector<1000x1xi1> to vector<1000x128xi1>
      %broadcast_in_dim3A_535 = vector.broadcast %jit3A_532 : f32 to vector<1000x128xf32>
      %select_n3A_536 = arith.select %broadcast_in_dim3A_534, %broadcast_in_dim3A_531, %broadcast_in_dim3A_535 : vector<1000x128xi1>, vector<1000x128xf32>
      %reduce_sum3A_537 = arith.constant dense<0.000000e+00> : vector<128xf32>
      %reduce_sum3A_538 = vector.multi_reduction <add>, %select_n3A_536, %reduce_sum3A_537 [0] : vector<1000x128xf32> to vector<128xf32>
      %jit3A_539 = arith.constant 0xFF800000 : f32
      %broadcast_in_dim3A_540 = vector.shape_cast %eq3A_526 : vector<1000x1xi1> to vector<1000x1xi1>
      %broadcast_in_dim3A_541 = vector.broadcast %broadcast_in_dim3A_540 : vector<1000x1xi1> to vector<1000x128xi1>
      %broadcast_in_dim3A_542 = vector.broadcast %jit3A_539 : f32 to vector<1000x128xf32>
      %select_n3A_543 = arith.select %broadcast_in_dim3A_541, %get3A_3, %broadcast_in_dim3A_542 : vector<1000x128xi1>, vector<1000x128xf32>
      %reduce_max3A_544 = arith.constant dense<0xFF800000> : vector<128xf32>
      %reduce_max3A_545 = vector.multi_reduction <maximumf>, %select_n3A_543, %reduce_max3A_544 [0] : vector<1000x128xf32> to vector<128xf32>
      %get3A_546 = arith.constant 12 : index
      %get3A_547 = arith.constant 0 : index
      %get3A_548 = vector.load %arg3[%get3A_546, %get3A_547] : memref<64x128xf32, #tpu.memory_space<vmem>>, vector<1x128xf32>
      %broadcast_in_dim3A_549 = vector.shape_cast %reduce_sum3A_529 : vector<128xf32> to vector<1x128xf32>
      %add3A = arith.addf %get3A_548, %broadcast_in_dim3A_549 : vector<1x128xf32>
      %swap3A = arith.constant 12 : index
      %swap3A_550 = arith.constant 0 : index
      %swap3A_551 = vector.load %arg3[%swap3A, %swap3A_550] : memref<64x128xf32, #tpu.memory_space<vmem>>, vector<1x128xf32>
      tpu.vector_store %arg3[%swap3A, %swap3A_550], %add3A {strides = array<i32>} : memref<64x128xf32, #tpu.memory_space<vmem>>, vector<1x128xf32>,
      %get3A_552 = arith.constant 12 : index
      %get3A_553 = arith.constant 0 : index
      %get3A_554 = vector.load %arg4[%get3A_552, %get3A_553] : memref<64x128xf32, #tpu.memory_space<vmem>>, vector<1x128xf32>
      %broadcast_in_dim3A_555 = vector.shape_cast %reduce_sum3A_538 : vector<128xf32> to vector<1x128xf32>
      %add3A_556 = arith.addf %get3A_554, %broadcast_in_dim3A_555 : vector<1x128xf32>
      %swap3A_557 = arith.constant 12 : index
      %swap3A_558 = arith.constant 0 : index
      %swap3A_559 = vector.load %arg4[%swap3A_557, %swap3A_558] : memref<64x128xf32, #tpu.memory_space<vmem>>, vector<1x128xf32>
      tpu.vector_store %arg4[%swap3A_557, %swap3A_558], %add3A_556 {strides = array<i32>} : memref<64x128xf32, #tpu.memory_space<vmem>>, vector<1x128xf32>,
      %get3A_560 = arith.constant 12 : index
      %get3A_561 = arith.constant 0 : index
      %get3A_562 = vector.load %arg5[%get3A_560, %get3A_561] : memref<64x128xf32, #tpu.memory_space<vmem>>, vector<1x128xf32>
      %broadcast_in_dim3A_563 = vector.shape_cast %reduce_max3A_545 : vector<128xf32> to vector<1x128xf32>
      %max3A = arith.maximumf %get3A_562, %broadcast_in_dim3A_563 : vector<1x128xf32>
      %swap3A_564 = arith.constant 12 : index
      %swap3A_565 = arith.constant 0 : index
      %swap3A_566 = vector.load %arg5[%swap3A_564, %swap3A_565] : memref<64x128xf32, #tpu.memory_space<vmem>>, vector<1x128xf32>
      tpu.vector_store %arg5[%swap3A_564, %swap3A_565], %max3A {strides = array<i32>} : memref<64x128xf32, #tpu.memory_space<vmem>>, vector<1x128xf32>,
    } else {
    }
    %le3A_116 = arith.constant 13 : i32
    %le3A_117 = arith.cmpi sle, %reduce_min3A_10, %le3A_116 : i32
    %ge3A_118 = arith.constant 13 : i32
    %ge3A_119 = arith.cmpi sge, %reduce_max3A_14, %ge3A_118 : i32
    %and3A_120 = arith.andi %le3A_117, %ge3A_119 : i1
    %convert_element_type3A_121 = arith.extui %and3A_120 : i1 to i32
    %cond3A_122 = arith.constant 0 : i32
    %cond3A_123 = arith.cmpi ne, %convert_element_type3A_121, %cond3A_122 : i32
    scf.if %cond3A_123 {
      %eq3A_524 = arith.constant 13 : i32
      %eq3A_525 = vector.broadcast %eq3A_524 : i32 to vector<1000x1xi32>
      %eq3A_526 = arith.cmpi eq, %get3A_6, %eq3A_525 : vector<1000x1xi32>
      %jit3A = arith.constant 0.000000e+00 : f32
      %broadcast_in_dim3A = vector.shape_cast %eq3A_526 : vector<1000x1xi1> to vector<1000x1xi1>
      %broadcast_in_dim3A_527 = vector.broadcast %broadcast_in_dim3A : vector<1000x1xi1> to vector<1000x128xi1>
      %broadcast_in_dim3A_528 = vector.broadcast %jit3A : f32 to vector<1000x128xf32>
      %select_n3A = arith.select %broadcast_in_dim3A_527, %get3A_3, %broadcast_in_dim3A_528 : vector<1000x128xi1>, vector<1000x128xf32>
      %reduce_sum3A = arith.constant dense<0.000000e+00> : vector<128xf32>
      %reduce_sum3A_529 = vector.multi_reduction <add>, %select_n3A, %reduce_sum3A [0] : vector<1000x128xf32> to vector<128xf32>
      %broadcast_in_dim3A_530 = arith.constant 1.000000e+00 : f32
      %broadcast_in_dim3A_531 = vector.broadcast %broadcast_in_dim3A_530 : f32 to vector<1000x128xf32>
      %jit3A_532 = arith.constant 0.000000e+00 : f32
      %broadcast_in_dim3A_533 = vector.shape_cast %eq3A_526 : vector<1000x1xi1> to vector<1000x1xi1>
      %broadcast_in_dim3A_534 = vector.broadcast %broadcast_in_dim3A_533 : vector<1000x1xi1> to vector<1000x128xi1>
      %broadcast_in_dim3A_535 = vector.broadcast %jit3A_532 : f32 to vector<1000x128xf32>
      %select_n3A_536 = arith.select %broadcast_in_dim3A_534, %broadcast_in_dim3A_531, %broadcast_in_dim3A_535 : vector<1000x128xi1>, vector<1000x128xf32>
      %reduce_sum3A_537 = arith.constant dense<0.000000e+00> : vector<128xf32>
      %reduce_sum3A_538 = vector.multi_reduction <add>, %select_n3A_536, %reduce_sum3A_537 [0] : vector<1000x128xf32> to vector<128xf32>
      %jit3A_539 = arith.constant 0xFF800000 : f32
      %broadcast_in_dim3A_540 = vector.shape_cast %eq3A_526 : vector<1000x1xi1> to vector<1000x1xi1>
      %broadcast_in_dim3A_541 = vector.broadcast %broadcast_in_dim3A_540 : vector<1000x1xi1> to vector<1000x128xi1>
      %broadcast_in_dim3A_542 = vector.broadcast %jit3A_539 : f32 to vector<1000x128xf32>
      %select_n3A_543 = arith.select %broadcast_in_dim3A_541, %get3A_3, %broadcast_in_dim3A_542 : vector<1000x128xi1>, vector<1000x128xf32>
      %reduce_max3A_544 = arith.constant dense<0xFF800000> : vector<128xf32>
      %reduce_max3A_545 = vector.multi_reduction <maximumf>, %select_n3A_543, %reduce_max3A_544 [0] : vector<1000x128xf32> to vector<128xf32>
      %get3A_546 = arith.constant 13 : index
      %get3A_547 = arith.constant 0 : index
      %get3A_548 = vector.load %arg3[%get3A_546, %get3A_547] : memref<64x128xf32, #tpu.memory_space<vmem>>, vector<1x128xf32>
      %broadcast_in_dim3A_549 = vector.shape_cast %reduce_sum3A_529 : vector<128xf32> to vector<1x128xf32>
      %add3A = arith.addf %get3A_548, %broadcast_in_dim3A_549 : vector<1x128xf32>
      %swap3A = arith.constant 13 : index
      %swap3A_550 = arith.constant 0 : index
      %swap3A_551 = vector.load %arg3[%swap3A, %swap3A_550] : memref<64x128xf32, #tpu.memory_space<vmem>>, vector<1x128xf32>
      tpu.vector_store %arg3[%swap3A, %swap3A_550], %add3A {strides = array<i32>} : memref<64x128xf32, #tpu.memory_space<vmem>>, vector<1x128xf32>,
      %get3A_552 = arith.constant 13 : index
      %get3A_553 = arith.constant 0 : index
      %get3A_554 = vector.load %arg4[%get3A_552, %get3A_553] : memref<64x128xf32, #tpu.memory_space<vmem>>, vector<1x128xf32>
      %broadcast_in_dim3A_555 = vector.shape_cast %reduce_sum3A_538 : vector<128xf32> to vector<1x128xf32>
      %add3A_556 = arith.addf %get3A_554, %broadcast_in_dim3A_555 : vector<1x128xf32>
      %swap3A_557 = arith.constant 13 : index
      %swap3A_558 = arith.constant 0 : index
      %swap3A_559 = vector.load %arg4[%swap3A_557, %swap3A_558] : memref<64x128xf32, #tpu.memory_space<vmem>>, vector<1x128xf32>
      tpu.vector_store %arg4[%swap3A_557, %swap3A_558], %add3A_556 {strides = array<i32>} : memref<64x128xf32, #tpu.memory_space<vmem>>, vector<1x128xf32>,
      %get3A_560 = arith.constant 13 : index
      %get3A_561 = arith.constant 0 : index
      %get3A_562 = vector.load %arg5[%get3A_560, %get3A_561] : memref<64x128xf32, #tpu.memory_space<vmem>>, vector<1x128xf32>
      %broadcast_in_dim3A_563 = vector.shape_cast %reduce_max3A_545 : vector<128xf32> to vector<1x128xf32>
      %max3A = arith.maximumf %get3A_562, %broadcast_in_dim3A_563 : vector<1x128xf32>
      %swap3A_564 = arith.constant 13 : index
      %swap3A_565 = arith.constant 0 : index
      %swap3A_566 = vector.load %arg5[%swap3A_564, %swap3A_565] : memref<64x128xf32, #tpu.memory_space<vmem>>, vector<1x128xf32>
      tpu.vector_store %arg5[%swap3A_564, %swap3A_565], %max3A {strides = array<i32>} : memref<64x128xf32, #tpu.memory_space<vmem>>, vector<1x128xf32>,
    } else {
    }
    %le3A_124 = arith.constant 14 : i32
    %le3A_125 = arith.cmpi sle, %reduce_min3A_10, %le3A_124 : i32
    %ge3A_126 = arith.constant 14 : i32
    %ge3A_127 = arith.cmpi sge, %reduce_max3A_14, %ge3A_126 : i32
    %and3A_128 = arith.andi %le3A_125, %ge3A_127 : i1
    %convert_element_type3A_129 = arith.extui %and3A_128 : i1 to i32
    %cond3A_130 = arith.constant 0 : i32
    %cond3A_131 = arith.cmpi ne, %convert_element_type3A_129, %cond3A_130 : i32
    scf.if %cond3A_131 {
      %eq3A_524 = arith.constant 14 : i32
      %eq3A_525 = vector.broadcast %eq3A_524 : i32 to vector<1000x1xi32>
      %eq3A_526 = arith.cmpi eq, %get3A_6, %eq3A_525 : vector<1000x1xi32>
      %jit3A = arith.constant 0.000000e+00 : f32
      %broadcast_in_dim3A = vector.shape_cast %eq3A_526 : vector<1000x1xi1> to vector<1000x1xi1>
      %broadcast_in_dim3A_527 = vector.broadcast %broadcast_in_dim3A : vector<1000x1xi1> to vector<1000x128xi1>
      %broadcast_in_dim3A_528 = vector.broadcast %jit3A : f32 to vector<1000x128xf32>
      %select_n3A = arith.select %broadcast_in_dim3A_527, %get3A_3, %broadcast_in_dim3A_528 : vector<1000x128xi1>, vector<1000x128xf32>
      %reduce_sum3A = arith.constant dense<0.000000e+00> : vector<128xf32>
      %reduce_sum3A_529 = vector.multi_reduction <add>, %select_n3A, %reduce_sum3A [0] : vector<1000x128xf32> to vector<128xf32>
      %broadcast_in_dim3A_530 = arith.constant 1.000000e+00 : f32
      %broadcast_in_dim3A_531 = vector.broadcast %broadcast_in_dim3A_530 : f32 to vector<1000x128xf32>
      %jit3A_532 = arith.constant 0.000000e+00 : f32
      %broadcast_in_dim3A_533 = vector.shape_cast %eq3A_526 : vector<1000x1xi1> to vector<1000x1xi1>
      %broadcast_in_dim3A_534 = vector.broadcast %broadcast_in_dim3A_533 : vector<1000x1xi1> to vector<1000x128xi1>
      %broadcast_in_dim3A_535 = vector.broadcast %jit3A_532 : f32 to vector<1000x128xf32>
      %select_n3A_536 = arith.select %broadcast_in_dim3A_534, %broadcast_in_dim3A_531, %broadcast_in_dim3A_535 : vector<1000x128xi1>, vector<1000x128xf32>
      %reduce_sum3A_537 = arith.constant dense<0.000000e+00> : vector<128xf32>
      %reduce_sum3A_538 = vector.multi_reduction <add>, %select_n3A_536, %reduce_sum3A_537 [0] : vector<1000x128xf32> to vector<128xf32>
      %jit3A_539 = arith.constant 0xFF800000 : f32
      %broadcast_in_dim3A_540 = vector.shape_cast %eq3A_526 : vector<1000x1xi1> to vector<1000x1xi1>
      %broadcast_in_dim3A_541 = vector.broadcast %broadcast_in_dim3A_540 : vector<1000x1xi1> to vector<1000x128xi1>
      %broadcast_in_dim3A_542 = vector.broadcast %jit3A_539 : f32 to vector<1000x128xf32>
      %select_n3A_543 = arith.select %broadcast_in_dim3A_541, %get3A_3, %broadcast_in_dim3A_542 : vector<1000x128xi1>, vector<1000x128xf32>
      %reduce_max3A_544 = arith.constant dense<0xFF800000> : vector<128xf32>
      %reduce_max3A_545 = vector.multi_reduction <maximumf>, %select_n3A_543, %reduce_max3A_544 [0] : vector<1000x128xf32> to vector<128xf32>
      %get3A_546 = arith.constant 14 : index
      %get3A_547 = arith.constant 0 : index
      %get3A_548 = vector.load %arg3[%get3A_546, %get3A_547] : memref<64x128xf32, #tpu.memory_space<vmem>>, vector<1x128xf32>
      %broadcast_in_dim3A_549 = vector.shape_cast %reduce_sum3A_529 : vector<128xf32> to vector<1x128xf32>
      %add3A = arith.addf %get3A_548, %broadcast_in_dim3A_549 : vector<1x128xf32>
      %swap3A = arith.constant 14 : index
      %swap3A_550 = arith.constant 0 : index
      %swap3A_551 = vector.load %arg3[%swap3A, %swap3A_550] : memref<64x128xf32, #tpu.memory_space<vmem>>, vector<1x128xf32>
      tpu.vector_store %arg3[%swap3A, %swap3A_550], %add3A {strides = array<i32>} : memref<64x128xf32, #tpu.memory_space<vmem>>, vector<1x128xf32>,
      %get3A_552 = arith.constant 14 : index
      %get3A_553 = arith.constant 0 : index
      %get3A_554 = vector.load %arg4[%get3A_552, %get3A_553] : memref<64x128xf32, #tpu.memory_space<vmem>>, vector<1x128xf32>
      %broadcast_in_dim3A_555 = vector.shape_cast %reduce_sum3A_538 : vector<128xf32> to vector<1x128xf32>
      %add3A_556 = arith.addf %get3A_554, %broadcast_in_dim3A_555 : vector<1x128xf32>
      %swap3A_557 = arith.constant 14 : index
      %swap3A_558 = arith.constant 0 : index
      %swap3A_559 = vector.load %arg4[%swap3A_557, %swap3A_558] : memref<64x128xf32, #tpu.memory_space<vmem>>, vector<1x128xf32>
      tpu.vector_store %arg4[%swap3A_557, %swap3A_558], %add3A_556 {strides = array<i32>} : memref<64x128xf32, #tpu.memory_space<vmem>>, vector<1x128xf32>,
      %get3A_560 = arith.constant 14 : index
      %get3A_561 = arith.constant 0 : index
      %get3A_562 = vector.load %arg5[%get3A_560, %get3A_561] : memref<64x128xf32, #tpu.memory_space<vmem>>, vector<1x128xf32>
      %broadcast_in_dim3A_563 = vector.shape_cast %reduce_max3A_545 : vector<128xf32> to vector<1x128xf32>
      %max3A = arith.maximumf %get3A_562, %broadcast_in_dim3A_563 : vector<1x128xf32>
      %swap3A_564 = arith.constant 14 : index
      %swap3A_565 = arith.constant 0 : index
      %swap3A_566 = vector.load %arg5[%swap3A_564, %swap3A_565] : memref<64x128xf32, #tpu.memory_space<vmem>>, vector<1x128xf32>
      tpu.vector_store %arg5[%swap3A_564, %swap3A_565], %max3A {strides = array<i32>} : memref<64x128xf32, #tpu.memory_space<vmem>>, vector<1x128xf32>,
    } else {
    }
    %le3A_132 = arith.constant 15 : i32
    %le3A_133 = arith.cmpi sle, %reduce_min3A_10, %le3A_132 : i32
    %ge3A_134 = arith.constant 15 : i32
    %ge3A_135 = arith.cmpi sge, %reduce_max3A_14, %ge3A_134 : i32
    %and3A_136 = arith.andi %le3A_133, %ge3A_135 : i1
    %convert_element_type3A_137 = arith.extui %and3A_136 : i1 to i32
    %cond3A_138 = arith.constant 0 : i32
    %cond3A_139 = arith.cmpi ne, %convert_element_type3A_137, %cond3A_138 : i32
    scf.if %cond3A_139 {
      %eq3A_524 = arith.constant 15 : i32
      %eq3A_525 = vector.broadcast %eq3A_524 : i32 to vector<1000x1xi32>
      %eq3A_526 = arith.cmpi eq, %get3A_6, %eq3A_525 : vector<1000x1xi32>
      %jit3A = arith.constant 0.000000e+00 : f32
      %broadcast_in_dim3A = vector.shape_cast %eq3A_526 : vector<1000x1xi1> to vector<1000x1xi1>
      %broadcast_in_dim3A_527 = vector.broadcast %broadcast_in_dim3A : vector<1000x1xi1> to vector<1000x128xi1>
      %broadcast_in_dim3A_528 = vector.broadcast %jit3A : f32 to vector<1000x128xf32>
      %select_n3A = arith.select %broadcast_in_dim3A_527, %get3A_3, %broadcast_in_dim3A_528 : vector<1000x128xi1>, vector<1000x128xf32>
      %reduce_sum3A = arith.constant dense<0.000000e+00> : vector<128xf32>
      %reduce_sum3A_529 = vector.multi_reduction <add>, %select_n3A, %reduce_sum3A [0] : vector<1000x128xf32> to vector<128xf32>
      %broadcast_in_dim3A_530 = arith.constant 1.000000e+00 : f32
      %broadcast_in_dim3A_531 = vector.broadcast %broadcast_in_dim3A_530 : f32 to vector<1000x128xf32>
      %jit3A_532 = arith.constant 0.000000e+00 : f32
      %broadcast_in_dim3A_533 = vector.shape_cast %eq3A_526 : vector<1000x1xi1> to vector<1000x1xi1>
      %broadcast_in_dim3A_534 = vector.broadcast %broadcast_in_dim3A_533 : vector<1000x1xi1> to vector<1000x128xi1>
      %broadcast_in_dim3A_535 = vector.broadcast %jit3A_532 : f32 to vector<1000x128xf32>
      %select_n3A_536 = arith.select %broadcast_in_dim3A_534, %broadcast_in_dim3A_531, %broadcast_in_dim3A_535 : vector<1000x128xi1>, vector<1000x128xf32>
      %reduce_sum3A_537 = arith.constant dense<0.000000e+00> : vector<128xf32>
      %reduce_sum3A_538 = vector.multi_reduction <add>, %select_n3A_536, %reduce_sum3A_537 [0] : vector<1000x128xf32> to vector<128xf32>
      %jit3A_539 = arith.constant 0xFF800000 : f32
      %broadcast_in_dim3A_540 = vector.shape_cast %eq3A_526 : vector<1000x1xi1> to vector<1000x1xi1>
      %broadcast_in_dim3A_541 = vector.broadcast %broadcast_in_dim3A_540 : vector<1000x1xi1> to vector<1000x128xi1>
      %broadcast_in_dim3A_542 = vector.broadcast %jit3A_539 : f32 to vector<1000x128xf32>
      %select_n3A_543 = arith.select %broadcast_in_dim3A_541, %get3A_3, %broadcast_in_dim3A_542 : vector<1000x128xi1>, vector<1000x128xf32>
      %reduce_max3A_544 = arith.constant dense<0xFF800000> : vector<128xf32>
      %reduce_max3A_545 = vector.multi_reduction <maximumf>, %select_n3A_543, %reduce_max3A_544 [0] : vector<1000x128xf32> to vector<128xf32>
      %get3A_546 = arith.constant 15 : index
      %get3A_547 = arith.constant 0 : index
      %get3A_548 = vector.load %arg3[%get3A_546, %get3A_547] : memref<64x128xf32, #tpu.memory_space<vmem>>, vector<1x128xf32>
      %broadcast_in_dim3A_549 = vector.shape_cast %reduce_sum3A_529 : vector<128xf32> to vector<1x128xf32>
      %add3A = arith.addf %get3A_548, %broadcast_in_dim3A_549 : vector<1x128xf32>
      %swap3A = arith.constant 15 : index
      %swap3A_550 = arith.constant 0 : index
      %swap3A_551 = vector.load %arg3[%swap3A, %swap3A_550] : memref<64x128xf32, #tpu.memory_space<vmem>>, vector<1x128xf32>
      tpu.vector_store %arg3[%swap3A, %swap3A_550], %add3A {strides = array<i32>} : memref<64x128xf32, #tpu.memory_space<vmem>>, vector<1x128xf32>,
      %get3A_552 = arith.constant 15 : index
      %get3A_553 = arith.constant 0 : index
      %get3A_554 = vector.load %arg4[%get3A_552, %get3A_553] : memref<64x128xf32, #tpu.memory_space<vmem>>, vector<1x128xf32>
      %broadcast_in_dim3A_555 = vector.shape_cast %reduce_sum3A_538 : vector<128xf32> to vector<1x128xf32>
      %add3A_556 = arith.addf %get3A_554, %broadcast_in_dim3A_555 : vector<1x128xf32>
      %swap3A_557 = arith.constant 15 : index
      %swap3A_558 = arith.constant 0 : index
      %swap3A_559 = vector.load %arg4[%swap3A_557, %swap3A_558] : memref<64x128xf32, #tpu.memory_space<vmem>>, vector<1x128xf32>
      tpu.vector_store %arg4[%swap3A_557, %swap3A_558], %add3A_556 {strides = array<i32>} : memref<64x128xf32, #tpu.memory_space<vmem>>, vector<1x128xf32>,
      %get3A_560 = arith.constant 15 : index
      %get3A_561 = arith.constant 0 : index
      %get3A_562 = vector.load %arg5[%get3A_560, %get3A_561] : memref<64x128xf32, #tpu.memory_space<vmem>>, vector<1x128xf32>
      %broadcast_in_dim3A_563 = vector.shape_cast %reduce_max3A_545 : vector<128xf32> to vector<1x128xf32>
      %max3A = arith.maximumf %get3A_562, %broadcast_in_dim3A_563 : vector<1x128xf32>
      %swap3A_564 = arith.constant 15 : index
      %swap3A_565 = arith.constant 0 : index
      %swap3A_566 = vector.load %arg5[%swap3A_564, %swap3A_565] : memref<64x128xf32, #tpu.memory_space<vmem>>, vector<1x128xf32>
      tpu.vector_store %arg5[%swap3A_564, %swap3A_565], %max3A {strides = array<i32>} : memref<64x128xf32, #tpu.memory_space<vmem>>, vector<1x128xf32>,
    } else {
    }
    %le3A_140 = arith.constant 16 : i32
    %le3A_141 = arith.cmpi sle, %reduce_min3A_10, %le3A_140 : i32
    %ge3A_142 = arith.constant 16 : i32
    %ge3A_143 = arith.cmpi sge, %reduce_max3A_14, %ge3A_142 : i32
    %and3A_144 = arith.andi %le3A_141, %ge3A_143 : i1
    %convert_element_type3A_145 = arith.extui %and3A_144 : i1 to i32
    %cond3A_146 = arith.constant 0 : i32
    %cond3A_147 = arith.cmpi ne, %convert_element_type3A_145, %cond3A_146 : i32
    scf.if %cond3A_147 {
      %eq3A_524 = arith.constant 16 : i32
      %eq3A_525 = vector.broadcast %eq3A_524 : i32 to vector<1000x1xi32>
      %eq3A_526 = arith.cmpi eq, %get3A_6, %eq3A_525 : vector<1000x1xi32>
      %jit3A = arith.constant 0.000000e+00 : f32
      %broadcast_in_dim3A = vector.shape_cast %eq3A_526 : vector<1000x1xi1> to vector<1000x1xi1>
      %broadcast_in_dim3A_527 = vector.broadcast %broadcast_in_dim3A : vector<1000x1xi1> to vector<1000x128xi1>
      %broadcast_in_dim3A_528 = vector.broadcast %jit3A : f32 to vector<1000x128xf32>
      %select_n3A = arith.select %broadcast_in_dim3A_527, %get3A_3, %broadcast_in_dim3A_528 : vector<1000x128xi1>, vector<1000x128xf32>
      %reduce_sum3A = arith.constant dense<0.000000e+00> : vector<128xf32>
      %reduce_sum3A_529 = vector.multi_reduction <add>, %select_n3A, %reduce_sum3A [0] : vector<1000x128xf32> to vector<128xf32>
      %broadcast_in_dim3A_530 = arith.constant 1.000000e+00 : f32
      %broadcast_in_dim3A_531 = vector.broadcast %broadcast_in_dim3A_530 : f32 to vector<1000x128xf32>
      %jit3A_532 = arith.constant 0.000000e+00 : f32
      %broadcast_in_dim3A_533 = vector.shape_cast %eq3A_526 : vector<1000x1xi1> to vector<1000x1xi1>
      %broadcast_in_dim3A_534 = vector.broadcast %broadcast_in_dim3A_533 : vector<1000x1xi1> to vector<1000x128xi1>
      %broadcast_in_dim3A_535 = vector.broadcast %jit3A_532 : f32 to vector<1000x128xf32>
      %select_n3A_536 = arith.select %broadcast_in_dim3A_534, %broadcast_in_dim3A_531, %broadcast_in_dim3A_535 : vector<1000x128xi1>, vector<1000x128xf32>
      %reduce_sum3A_537 = arith.constant dense<0.000000e+00> : vector<128xf32>
      %reduce_sum3A_538 = vector.multi_reduction <add>, %select_n3A_536, %reduce_sum3A_537 [0] : vector<1000x128xf32> to vector<128xf32>
      %jit3A_539 = arith.constant 0xFF800000 : f32
      %broadcast_in_dim3A_540 = vector.shape_cast %eq3A_526 : vector<1000x1xi1> to vector<1000x1xi1>
      %broadcast_in_dim3A_541 = vector.broadcast %broadcast_in_dim3A_540 : vector<1000x1xi1> to vector<1000x128xi1>
      %broadcast_in_dim3A_542 = vector.broadcast %jit3A_539 : f32 to vector<1000x128xf32>
      %select_n3A_543 = arith.select %broadcast_in_dim3A_541, %get3A_3, %broadcast_in_dim3A_542 : vector<1000x128xi1>, vector<1000x128xf32>
      %reduce_max3A_544 = arith.constant dense<0xFF800000> : vector<128xf32>
      %reduce_max3A_545 = vector.multi_reduction <maximumf>, %select_n3A_543, %reduce_max3A_544 [0] : vector<1000x128xf32> to vector<128xf32>
      %get3A_546 = arith.constant 16 : index
      %get3A_547 = arith.constant 0 : index
      %get3A_548 = vector.load %arg3[%get3A_546, %get3A_547] : memref<64x128xf32, #tpu.memory_space<vmem>>, vector<1x128xf32>
      %broadcast_in_dim3A_549 = vector.shape_cast %reduce_sum3A_529 : vector<128xf32> to vector<1x128xf32>
      %add3A = arith.addf %get3A_548, %broadcast_in_dim3A_549 : vector<1x128xf32>
      %swap3A = arith.constant 16 : index
      %swap3A_550 = arith.constant 0 : index
      %swap3A_551 = vector.load %arg3[%swap3A, %swap3A_550] : memref<64x128xf32, #tpu.memory_space<vmem>>, vector<1x128xf32>
      tpu.vector_store %arg3[%swap3A, %swap3A_550], %add3A {strides = array<i32>} : memref<64x128xf32, #tpu.memory_space<vmem>>, vector<1x128xf32>,
      %get3A_552 = arith.constant 16 : index
      %get3A_553 = arith.constant 0 : index
      %get3A_554 = vector.load %arg4[%get3A_552, %get3A_553] : memref<64x128xf32, #tpu.memory_space<vmem>>, vector<1x128xf32>
      %broadcast_in_dim3A_555 = vector.shape_cast %reduce_sum3A_538 : vector<128xf32> to vector<1x128xf32>
      %add3A_556 = arith.addf %get3A_554, %broadcast_in_dim3A_555 : vector<1x128xf32>
      %swap3A_557 = arith.constant 16 : index
      %swap3A_558 = arith.constant 0 : index
      %swap3A_559 = vector.load %arg4[%swap3A_557, %swap3A_558] : memref<64x128xf32, #tpu.memory_space<vmem>>, vector<1x128xf32>
      tpu.vector_store %arg4[%swap3A_557, %swap3A_558], %add3A_556 {strides = array<i32>} : memref<64x128xf32, #tpu.memory_space<vmem>>, vector<1x128xf32>,
      %get3A_560 = arith.constant 16 : index
      %get3A_561 = arith.constant 0 : index
      %get3A_562 = vector.load %arg5[%get3A_560, %get3A_561] : memref<64x128xf32, #tpu.memory_space<vmem>>, vector<1x128xf32>
      %broadcast_in_dim3A_563 = vector.shape_cast %reduce_max3A_545 : vector<128xf32> to vector<1x128xf32>
      %max3A = arith.maximumf %get3A_562, %broadcast_in_dim3A_563 : vector<1x128xf32>
      %swap3A_564 = arith.constant 16 : index
      %swap3A_565 = arith.constant 0 : index
      %swap3A_566 = vector.load %arg5[%swap3A_564, %swap3A_565] : memref<64x128xf32, #tpu.memory_space<vmem>>, vector<1x128xf32>
      tpu.vector_store %arg5[%swap3A_564, %swap3A_565], %max3A {strides = array<i32>} : memref<64x128xf32, #tpu.memory_space<vmem>>, vector<1x128xf32>,
    } else {
    }
    %le3A_148 = arith.constant 17 : i32
    %le3A_149 = arith.cmpi sle, %reduce_min3A_10, %le3A_148 : i32
    %ge3A_150 = arith.constant 17 : i32
    %ge3A_151 = arith.cmpi sge, %reduce_max3A_14, %ge3A_150 : i32
    %and3A_152 = arith.andi %le3A_149, %ge3A_151 : i1
    %convert_element_type3A_153 = arith.extui %and3A_152 : i1 to i32
    %cond3A_154 = arith.constant 0 : i32
    %cond3A_155 = arith.cmpi ne, %convert_element_type3A_153, %cond3A_154 : i32
    scf.if %cond3A_155 {
      %eq3A_524 = arith.constant 17 : i32
      %eq3A_525 = vector.broadcast %eq3A_524 : i32 to vector<1000x1xi32>
      %eq3A_526 = arith.cmpi eq, %get3A_6, %eq3A_525 : vector<1000x1xi32>
      %jit3A = arith.constant 0.000000e+00 : f32
      %broadcast_in_dim3A = vector.shape_cast %eq3A_526 : vector<1000x1xi1> to vector<1000x1xi1>
      %broadcast_in_dim3A_527 = vector.broadcast %broadcast_in_dim3A : vector<1000x1xi1> to vector<1000x128xi1>
      %broadcast_in_dim3A_528 = vector.broadcast %jit3A : f32 to vector<1000x128xf32>
      %select_n3A = arith.select %broadcast_in_dim3A_527, %get3A_3, %broadcast_in_dim3A_528 : vector<1000x128xi1>, vector<1000x128xf32>
      %reduce_sum3A = arith.constant dense<0.000000e+00> : vector<128xf32>
      %reduce_sum3A_529 = vector.multi_reduction <add>, %select_n3A, %reduce_sum3A [0] : vector<1000x128xf32> to vector<128xf32>
      %broadcast_in_dim3A_530 = arith.constant 1.000000e+00 : f32
      %broadcast_in_dim3A_531 = vector.broadcast %broadcast_in_dim3A_530 : f32 to vector<1000x128xf32>
      %jit3A_532 = arith.constant 0.000000e+00 : f32
      %broadcast_in_dim3A_533 = vector.shape_cast %eq3A_526 : vector<1000x1xi1> to vector<1000x1xi1>
      %broadcast_in_dim3A_534 = vector.broadcast %broadcast_in_dim3A_533 : vector<1000x1xi1> to vector<1000x128xi1>
      %broadcast_in_dim3A_535 = vector.broadcast %jit3A_532 : f32 to vector<1000x128xf32>
      %select_n3A_536 = arith.select %broadcast_in_dim3A_534, %broadcast_in_dim3A_531, %broadcast_in_dim3A_535 : vector<1000x128xi1>, vector<1000x128xf32>
      %reduce_sum3A_537 = arith.constant dense<0.000000e+00> : vector<128xf32>
      %reduce_sum3A_538 = vector.multi_reduction <add>, %select_n3A_536, %reduce_sum3A_537 [0] : vector<1000x128xf32> to vector<128xf32>
      %jit3A_539 = arith.constant 0xFF800000 : f32
      %broadcast_in_dim3A_540 = vector.shape_cast %eq3A_526 : vector<1000x1xi1> to vector<1000x1xi1>
      %broadcast_in_dim3A_541 = vector.broadcast %broadcast_in_dim3A_540 : vector<1000x1xi1> to vector<1000x128xi1>
      %broadcast_in_dim3A_542 = vector.broadcast %jit3A_539 : f32 to vector<1000x128xf32>
      %select_n3A_543 = arith.select %broadcast_in_dim3A_541, %get3A_3, %broadcast_in_dim3A_542 : vector<1000x128xi1>, vector<1000x128xf32>
      %reduce_max3A_544 = arith.constant dense<0xFF800000> : vector<128xf32>
      %reduce_max3A_545 = vector.multi_reduction <maximumf>, %select_n3A_543, %reduce_max3A_544 [0] : vector<1000x128xf32> to vector<128xf32>
      %get3A_546 = arith.constant 17 : index
      %get3A_547 = arith.constant 0 : index
      %get3A_548 = vector.load %arg3[%get3A_546, %get3A_547] : memref<64x128xf32, #tpu.memory_space<vmem>>, vector<1x128xf32>
      %broadcast_in_dim3A_549 = vector.shape_cast %reduce_sum3A_529 : vector<128xf32> to vector<1x128xf32>
      %add3A = arith.addf %get3A_548, %broadcast_in_dim3A_549 : vector<1x128xf32>
      %swap3A = arith.constant 17 : index
      %swap3A_550 = arith.constant 0 : index
      %swap3A_551 = vector.load %arg3[%swap3A, %swap3A_550] : memref<64x128xf32, #tpu.memory_space<vmem>>, vector<1x128xf32>
      tpu.vector_store %arg3[%swap3A, %swap3A_550], %add3A {strides = array<i32>} : memref<64x128xf32, #tpu.memory_space<vmem>>, vector<1x128xf32>,
      %get3A_552 = arith.constant 17 : index
      %get3A_553 = arith.constant 0 : index
      %get3A_554 = vector.load %arg4[%get3A_552, %get3A_553] : memref<64x128xf32, #tpu.memory_space<vmem>>, vector<1x128xf32>
      %broadcast_in_dim3A_555 = vector.shape_cast %reduce_sum3A_538 : vector<128xf32> to vector<1x128xf32>
      %add3A_556 = arith.addf %get3A_554, %broadcast_in_dim3A_555 : vector<1x128xf32>
      %swap3A_557 = arith.constant 17 : index
      %swap3A_558 = arith.constant 0 : index
      %swap3A_559 = vector.load %arg4[%swap3A_557, %swap3A_558] : memref<64x128xf32, #tpu.memory_space<vmem>>, vector<1x128xf32>
      tpu.vector_store %arg4[%swap3A_557, %swap3A_558], %add3A_556 {strides = array<i32>} : memref<64x128xf32, #tpu.memory_space<vmem>>, vector<1x128xf32>,
      %get3A_560 = arith.constant 17 : index
      %get3A_561 = arith.constant 0 : index
      %get3A_562 = vector.load %arg5[%get3A_560, %get3A_561] : memref<64x128xf32, #tpu.memory_space<vmem>>, vector<1x128xf32>
      %broadcast_in_dim3A_563 = vector.shape_cast %reduce_max3A_545 : vector<128xf32> to vector<1x128xf32>
      %max3A = arith.maximumf %get3A_562, %broadcast_in_dim3A_563 : vector<1x128xf32>
      %swap3A_564 = arith.constant 17 : index
      %swap3A_565 = arith.constant 0 : index
      %swap3A_566 = vector.load %arg5[%swap3A_564, %swap3A_565] : memref<64x128xf32, #tpu.memory_space<vmem>>, vector<1x128xf32>
      tpu.vector_store %arg5[%swap3A_564, %swap3A_565], %max3A {strides = array<i32>} : memref<64x128xf32, #tpu.memory_space<vmem>>, vector<1x128xf32>,
    } else {
    }
    %le3A_156 = arith.constant 18 : i32
    %le3A_157 = arith.cmpi sle, %reduce_min3A_10, %le3A_156 : i32
    %ge3A_158 = arith.constant 18 : i32
    %ge3A_159 = arith.cmpi sge, %reduce_max3A_14, %ge3A_158 : i32
    %and3A_160 = arith.andi %le3A_157, %ge3A_159 : i1
    %convert_element_type3A_161 = arith.extui %and3A_160 : i1 to i32
    %cond3A_162 = arith.constant 0 : i32
    %cond3A_163 = arith.cmpi ne, %convert_element_type3A_161, %cond3A_162 : i32
    scf.if %cond3A_163 {
      %eq3A_524 = arith.constant 18 : i32
      %eq3A_525 = vector.broadcast %eq3A_524 : i32 to vector<1000x1xi32>
      %eq3A_526 = arith.cmpi eq, %get3A_6, %eq3A_525 : vector<1000x1xi32>
      %jit3A = arith.constant 0.000000e+00 : f32
      %broadcast_in_dim3A = vector.shape_cast %eq3A_526 : vector<1000x1xi1> to vector<1000x1xi1>
      %broadcast_in_dim3A_527 = vector.broadcast %broadcast_in_dim3A : vector<1000x1xi1> to vector<1000x128xi1>
      %broadcast_in_dim3A_528 = vector.broadcast %jit3A : f32 to vector<1000x128xf32>
      %select_n3A = arith.select %broadcast_in_dim3A_527, %get3A_3, %broadcast_in_dim3A_528 : vector<1000x128xi1>, vector<1000x128xf32>
      %reduce_sum3A = arith.constant dense<0.000000e+00> : vector<128xf32>
      %reduce_sum3A_529 = vector.multi_reduction <add>, %select_n3A, %reduce_sum3A [0] : vector<1000x128xf32> to vector<128xf32>
      %broadcast_in_dim3A_530 = arith.constant 1.000000e+00 : f32
      %broadcast_in_dim3A_531 = vector.broadcast %broadcast_in_dim3A_530 : f32 to vector<1000x128xf32>
      %jit3A_532 = arith.constant 0.000000e+00 : f32
      %broadcast_in_dim3A_533 = vector.shape_cast %eq3A_526 : vector<1000x1xi1> to vector<1000x1xi1>
      %broadcast_in_dim3A_534 = vector.broadcast %broadcast_in_dim3A_533 : vector<1000x1xi1> to vector<1000x128xi1>
      %broadcast_in_dim3A_535 = vector.broadcast %jit3A_532 : f32 to vector<1000x128xf32>
      %select_n3A_536 = arith.select %broadcast_in_dim3A_534, %broadcast_in_dim3A_531, %broadcast_in_dim3A_535 : vector<1000x128xi1>, vector<1000x128xf32>
      %reduce_sum3A_537 = arith.constant dense<0.000000e+00> : vector<128xf32>
      %reduce_sum3A_538 = vector.multi_reduction <add>, %select_n3A_536, %reduce_sum3A_537 [0] : vector<1000x128xf32> to vector<128xf32>
      %jit3A_539 = arith.constant 0xFF800000 : f32
      %broadcast_in_dim3A_540 = vector.shape_cast %eq3A_526 : vector<1000x1xi1> to vector<1000x1xi1>
      %broadcast_in_dim3A_541 = vector.broadcast %broadcast_in_dim3A_540 : vector<1000x1xi1> to vector<1000x128xi1>
      %broadcast_in_dim3A_542 = vector.broadcast %jit3A_539 : f32 to vector<1000x128xf32>
      %select_n3A_543 = arith.select %broadcast_in_dim3A_541, %get3A_3, %broadcast_in_dim3A_542 : vector<1000x128xi1>, vector<1000x128xf32>
      %reduce_max3A_544 = arith.constant dense<0xFF800000> : vector<128xf32>
      %reduce_max3A_545 = vector.multi_reduction <maximumf>, %select_n3A_543, %reduce_max3A_544 [0] : vector<1000x128xf32> to vector<128xf32>
      %get3A_546 = arith.constant 18 : index
      %get3A_547 = arith.constant 0 : index
      %get3A_548 = vector.load %arg3[%get3A_546, %get3A_547] : memref<64x128xf32, #tpu.memory_space<vmem>>, vector<1x128xf32>
      %broadcast_in_dim3A_549 = vector.shape_cast %reduce_sum3A_529 : vector<128xf32> to vector<1x128xf32>
      %add3A = arith.addf %get3A_548, %broadcast_in_dim3A_549 : vector<1x128xf32>
      %swap3A = arith.constant 18 : index
      %swap3A_550 = arith.constant 0 : index
      %swap3A_551 = vector.load %arg3[%swap3A, %swap3A_550] : memref<64x128xf32, #tpu.memory_space<vmem>>, vector<1x128xf32>
      tpu.vector_store %arg3[%swap3A, %swap3A_550], %add3A {strides = array<i32>} : memref<64x128xf32, #tpu.memory_space<vmem>>, vector<1x128xf32>,
      %get3A_552 = arith.constant 18 : index
      %get3A_553 = arith.constant 0 : index
      %get3A_554 = vector.load %arg4[%get3A_552, %get3A_553] : memref<64x128xf32, #tpu.memory_space<vmem>>, vector<1x128xf32>
      %broadcast_in_dim3A_555 = vector.shape_cast %reduce_sum3A_538 : vector<128xf32> to vector<1x128xf32>
      %add3A_556 = arith.addf %get3A_554, %broadcast_in_dim3A_555 : vector<1x128xf32>
      %swap3A_557 = arith.constant 18 : index
      %swap3A_558 = arith.constant 0 : index
      %swap3A_559 = vector.load %arg4[%swap3A_557, %swap3A_558] : memref<64x128xf32, #tpu.memory_space<vmem>>, vector<1x128xf32>
      tpu.vector_store %arg4[%swap3A_557, %swap3A_558], %add3A_556 {strides = array<i32>} : memref<64x128xf32, #tpu.memory_space<vmem>>, vector<1x128xf32>,
      %get3A_560 = arith.constant 18 : index
      %get3A_561 = arith.constant 0 : index
      %get3A_562 = vector.load %arg5[%get3A_560, %get3A_561] : memref<64x128xf32, #tpu.memory_space<vmem>>, vector<1x128xf32>
      %broadcast_in_dim3A_563 = vector.shape_cast %reduce_max3A_545 : vector<128xf32> to vector<1x128xf32>
      %max3A = arith.maximumf %get3A_562, %broadcast_in_dim3A_563 : vector<1x128xf32>
      %swap3A_564 = arith.constant 18 : index
      %swap3A_565 = arith.constant 0 : index
      %swap3A_566 = vector.load %arg5[%swap3A_564, %swap3A_565] : memref<64x128xf32, #tpu.memory_space<vmem>>, vector<1x128xf32>
      tpu.vector_store %arg5[%swap3A_564, %swap3A_565], %max3A {strides = array<i32>} : memref<64x128xf32, #tpu.memory_space<vmem>>, vector<1x128xf32>,
    } else {
    }
    %le3A_164 = arith.constant 19 : i32
    %le3A_165 = arith.cmpi sle, %reduce_min3A_10, %le3A_164 : i32
    %ge3A_166 = arith.constant 19 : i32
    %ge3A_167 = arith.cmpi sge, %reduce_max3A_14, %ge3A_166 : i32
    %and3A_168 = arith.andi %le3A_165, %ge3A_167 : i1
    %convert_element_type3A_169 = arith.extui %and3A_168 : i1 to i32
    %cond3A_170 = arith.constant 0 : i32
    %cond3A_171 = arith.cmpi ne, %convert_element_type3A_169, %cond3A_170 : i32
    scf.if %cond3A_171 {
      %eq3A_524 = arith.constant 19 : i32
      %eq3A_525 = vector.broadcast %eq3A_524 : i32 to vector<1000x1xi32>
      %eq3A_526 = arith.cmpi eq, %get3A_6, %eq3A_525 : vector<1000x1xi32>
      %jit3A = arith.constant 0.000000e+00 : f32
      %broadcast_in_dim3A = vector.shape_cast %eq3A_526 : vector<1000x1xi1> to vector<1000x1xi1>
      %broadcast_in_dim3A_527 = vector.broadcast %broadcast_in_dim3A : vector<1000x1xi1> to vector<1000x128xi1>
      %broadcast_in_dim3A_528 = vector.broadcast %jit3A : f32 to vector<1000x128xf32>
      %select_n3A = arith.select %broadcast_in_dim3A_527, %get3A_3, %broadcast_in_dim3A_528 : vector<1000x128xi1>, vector<1000x128xf32>
      %reduce_sum3A = arith.constant dense<0.000000e+00> : vector<128xf32>
      %reduce_sum3A_529 = vector.multi_reduction <add>, %select_n3A, %reduce_sum3A [0] : vector<1000x128xf32> to vector<128xf32>
      %broadcast_in_dim3A_530 = arith.constant 1.000000e+00 : f32
      %broadcast_in_dim3A_531 = vector.broadcast %broadcast_in_dim3A_530 : f32 to vector<1000x128xf32>
      %jit3A_532 = arith.constant 0.000000e+00 : f32
      %broadcast_in_dim3A_533 = vector.shape_cast %eq3A_526 : vector<1000x1xi1> to vector<1000x1xi1>
      %broadcast_in_dim3A_534 = vector.broadcast %broadcast_in_dim3A_533 : vector<1000x1xi1> to vector<1000x128xi1>
      %broadcast_in_dim3A_535 = vector.broadcast %jit3A_532 : f32 to vector<1000x128xf32>
      %select_n3A_536 = arith.select %broadcast_in_dim3A_534, %broadcast_in_dim3A_531, %broadcast_in_dim3A_535 : vector<1000x128xi1>, vector<1000x128xf32>
      %reduce_sum3A_537 = arith.constant dense<0.000000e+00> : vector<128xf32>
      %reduce_sum3A_538 = vector.multi_reduction <add>, %select_n3A_536, %reduce_sum3A_537 [0] : vector<1000x128xf32> to vector<128xf32>
      %jit3A_539 = arith.constant 0xFF800000 : f32
      %broadcast_in_dim3A_540 = vector.shape_cast %eq3A_526 : vector<1000x1xi1> to vector<1000x1xi1>
      %broadcast_in_dim3A_541 = vector.broadcast %broadcast_in_dim3A_540 : vector<1000x1xi1> to vector<1000x128xi1>
      %broadcast_in_dim3A_542 = vector.broadcast %jit3A_539 : f32 to vector<1000x128xf32>
      %select_n3A_543 = arith.select %broadcast_in_dim3A_541, %get3A_3, %broadcast_in_dim3A_542 : vector<1000x128xi1>, vector<1000x128xf32>
      %reduce_max3A_544 = arith.constant dense<0xFF800000> : vector<128xf32>
      %reduce_max3A_545 = vector.multi_reduction <maximumf>, %select_n3A_543, %reduce_max3A_544 [0] : vector<1000x128xf32> to vector<128xf32>
      %get3A_546 = arith.constant 19 : index
      %get3A_547 = arith.constant 0 : index
      %get3A_548 = vector.load %arg3[%get3A_546, %get3A_547] : memref<64x128xf32, #tpu.memory_space<vmem>>, vector<1x128xf32>
      %broadcast_in_dim3A_549 = vector.shape_cast %reduce_sum3A_529 : vector<128xf32> to vector<1x128xf32>
      %add3A = arith.addf %get3A_548, %broadcast_in_dim3A_549 : vector<1x128xf32>
      %swap3A = arith.constant 19 : index
      %swap3A_550 = arith.constant 0 : index
      %swap3A_551 = vector.load %arg3[%swap3A, %swap3A_550] : memref<64x128xf32, #tpu.memory_space<vmem>>, vector<1x128xf32>
      tpu.vector_store %arg3[%swap3A, %swap3A_550], %add3A {strides = array<i32>} : memref<64x128xf32, #tpu.memory_space<vmem>>, vector<1x128xf32>,
      %get3A_552 = arith.constant 19 : index
      %get3A_553 = arith.constant 0 : index
      %get3A_554 = vector.load %arg4[%get3A_552, %get3A_553] : memref<64x128xf32, #tpu.memory_space<vmem>>, vector<1x128xf32>
      %broadcast_in_dim3A_555 = vector.shape_cast %reduce_sum3A_538 : vector<128xf32> to vector<1x128xf32>
      %add3A_556 = arith.addf %get3A_554, %broadcast_in_dim3A_555 : vector<1x128xf32>
      %swap3A_557 = arith.constant 19 : index
      %swap3A_558 = arith.constant 0 : index
      %swap3A_559 = vector.load %arg4[%swap3A_557, %swap3A_558] : memref<64x128xf32, #tpu.memory_space<vmem>>, vector<1x128xf32>
      tpu.vector_store %arg4[%swap3A_557, %swap3A_558], %add3A_556 {strides = array<i32>} : memref<64x128xf32, #tpu.memory_space<vmem>>, vector<1x128xf32>,
      %get3A_560 = arith.constant 19 : index
      %get3A_561 = arith.constant 0 : index
      %get3A_562 = vector.load %arg5[%get3A_560, %get3A_561] : memref<64x128xf32, #tpu.memory_space<vmem>>, vector<1x128xf32>
      %broadcast_in_dim3A_563 = vector.shape_cast %reduce_max3A_545 : vector<128xf32> to vector<1x128xf32>
      %max3A = arith.maximumf %get3A_562, %broadcast_in_dim3A_563 : vector<1x128xf32>
      %swap3A_564 = arith.constant 19 : index
      %swap3A_565 = arith.constant 0 : index
      %swap3A_566 = vector.load %arg5[%swap3A_564, %swap3A_565] : memref<64x128xf32, #tpu.memory_space<vmem>>, vector<1x128xf32>
      tpu.vector_store %arg5[%swap3A_564, %swap3A_565], %max3A {strides = array<i32>} : memref<64x128xf32, #tpu.memory_space<vmem>>, vector<1x128xf32>,
    } else {
    }
    %le3A_172 = arith.constant 20 : i32
    %le3A_173 = arith.cmpi sle, %reduce_min3A_10, %le3A_172 : i32
    %ge3A_174 = arith.constant 20 : i32
    %ge3A_175 = arith.cmpi sge, %reduce_max3A_14, %ge3A_174 : i32
    %and3A_176 = arith.andi %le3A_173, %ge3A_175 : i1
    %convert_element_type3A_177 = arith.extui %and3A_176 : i1 to i32
    %cond3A_178 = arith.constant 0 : i32
    %cond3A_179 = arith.cmpi ne, %convert_element_type3A_177, %cond3A_178 : i32
    scf.if %cond3A_179 {
      %eq3A_524 = arith.constant 20 : i32
      %eq3A_525 = vector.broadcast %eq3A_524 : i32 to vector<1000x1xi32>
      %eq3A_526 = arith.cmpi eq, %get3A_6, %eq3A_525 : vector<1000x1xi32>
      %jit3A = arith.constant 0.000000e+00 : f32
      %broadcast_in_dim3A = vector.shape_cast %eq3A_526 : vector<1000x1xi1> to vector<1000x1xi1>
      %broadcast_in_dim3A_527 = vector.broadcast %broadcast_in_dim3A : vector<1000x1xi1> to vector<1000x128xi1>
      %broadcast_in_dim3A_528 = vector.broadcast %jit3A : f32 to vector<1000x128xf32>
      %select_n3A = arith.select %broadcast_in_dim3A_527, %get3A_3, %broadcast_in_dim3A_528 : vector<1000x128xi1>, vector<1000x128xf32>
      %reduce_sum3A = arith.constant dense<0.000000e+00> : vector<128xf32>
      %reduce_sum3A_529 = vector.multi_reduction <add>, %select_n3A, %reduce_sum3A [0] : vector<1000x128xf32> to vector<128xf32>
      %broadcast_in_dim3A_530 = arith.constant 1.000000e+00 : f32
      %broadcast_in_dim3A_531 = vector.broadcast %broadcast_in_dim3A_530 : f32 to vector<1000x128xf32>
      %jit3A_532 = arith.constant 0.000000e+00 : f32
      %broadcast_in_dim3A_533 = vector.shape_cast %eq3A_526 : vector<1000x1xi1> to vector<1000x1xi1>
      %broadcast_in_dim3A_534 = vector.broadcast %broadcast_in_dim3A_533 : vector<1000x1xi1> to vector<1000x128xi1>
      %broadcast_in_dim3A_535 = vector.broadcast %jit3A_532 : f32 to vector<1000x128xf32>
      %select_n3A_536 = arith.select %broadcast_in_dim3A_534, %broadcast_in_dim3A_531, %broadcast_in_dim3A_535 : vector<1000x128xi1>, vector<1000x128xf32>
      %reduce_sum3A_537 = arith.constant dense<0.000000e+00> : vector<128xf32>
      %reduce_sum3A_538 = vector.multi_reduction <add>, %select_n3A_536, %reduce_sum3A_537 [0] : vector<1000x128xf32> to vector<128xf32>
      %jit3A_539 = arith.constant 0xFF800000 : f32
      %broadcast_in_dim3A_540 = vector.shape_cast %eq3A_526 : vector<1000x1xi1> to vector<1000x1xi1>
      %broadcast_in_dim3A_541 = vector.broadcast %broadcast_in_dim3A_540 : vector<1000x1xi1> to vector<1000x128xi1>
      %broadcast_in_dim3A_542 = vector.broadcast %jit3A_539 : f32 to vector<1000x128xf32>
      %select_n3A_543 = arith.select %broadcast_in_dim3A_541, %get3A_3, %broadcast_in_dim3A_542 : vector<1000x128xi1>, vector<1000x128xf32>
      %reduce_max3A_544 = arith.constant dense<0xFF800000> : vector<128xf32>
      %reduce_max3A_545 = vector.multi_reduction <maximumf>, %select_n3A_543, %reduce_max3A_544 [0] : vector<1000x128xf32> to vector<128xf32>
      %get3A_546 = arith.constant 20 : index
      %get3A_547 = arith.constant 0 : index
      %get3A_548 = vector.load %arg3[%get3A_546, %get3A_547] : memref<64x128xf32, #tpu.memory_space<vmem>>, vector<1x128xf32>
      %broadcast_in_dim3A_549 = vector.shape_cast %reduce_sum3A_529 : vector<128xf32> to vector<1x128xf32>
      %add3A = arith.addf %get3A_548, %broadcast_in_dim3A_549 : vector<1x128xf32>
      %swap3A = arith.constant 20 : index
      %swap3A_550 = arith.constant 0 : index
      %swap3A_551 = vector.load %arg3[%swap3A, %swap3A_550] : memref<64x128xf32, #tpu.memory_space<vmem>>, vector<1x128xf32>
      tpu.vector_store %arg3[%swap3A, %swap3A_550], %add3A {strides = array<i32>} : memref<64x128xf32, #tpu.memory_space<vmem>>, vector<1x128xf32>,
      %get3A_552 = arith.constant 20 : index
      %get3A_553 = arith.constant 0 : index
      %get3A_554 = vector.load %arg4[%get3A_552, %get3A_553] : memref<64x128xf32, #tpu.memory_space<vmem>>, vector<1x128xf32>
      %broadcast_in_dim3A_555 = vector.shape_cast %reduce_sum3A_538 : vector<128xf32> to vector<1x128xf32>
      %add3A_556 = arith.addf %get3A_554, %broadcast_in_dim3A_555 : vector<1x128xf32>
      %swap3A_557 = arith.constant 20 : index
      %swap3A_558 = arith.constant 0 : index
      %swap3A_559 = vector.load %arg4[%swap3A_557, %swap3A_558] : memref<64x128xf32, #tpu.memory_space<vmem>>, vector<1x128xf32>
      tpu.vector_store %arg4[%swap3A_557, %swap3A_558], %add3A_556 {strides = array<i32>} : memref<64x128xf32, #tpu.memory_space<vmem>>, vector<1x128xf32>,
      %get3A_560 = arith.constant 20 : index
      %get3A_561 = arith.constant 0 : index
      %get3A_562 = vector.load %arg5[%get3A_560, %get3A_561] : memref<64x128xf32, #tpu.memory_space<vmem>>, vector<1x128xf32>
      %broadcast_in_dim3A_563 = vector.shape_cast %reduce_max3A_545 : vector<128xf32> to vector<1x128xf32>
      %max3A = arith.maximumf %get3A_562, %broadcast_in_dim3A_563 : vector<1x128xf32>
      %swap3A_564 = arith.constant 20 : index
      %swap3A_565 = arith.constant 0 : index
      %swap3A_566 = vector.load %arg5[%swap3A_564, %swap3A_565] : memref<64x128xf32, #tpu.memory_space<vmem>>, vector<1x128xf32>
      tpu.vector_store %arg5[%swap3A_564, %swap3A_565], %max3A {strides = array<i32>} : memref<64x128xf32, #tpu.memory_space<vmem>>, vector<1x128xf32>,
    } else {
    }
    %le3A_180 = arith.constant 21 : i32
    %le3A_181 = arith.cmpi sle, %reduce_min3A_10, %le3A_180 : i32
    %ge3A_182 = arith.constant 21 : i32
    %ge3A_183 = arith.cmpi sge, %reduce_max3A_14, %ge3A_182 : i32
    %and3A_184 = arith.andi %le3A_181, %ge3A_183 : i1
    %convert_element_type3A_185 = arith.extui %and3A_184 : i1 to i32
    %cond3A_186 = arith.constant 0 : i32
    %cond3A_187 = arith.cmpi ne, %convert_element_type3A_185, %cond3A_186 : i32
    scf.if %cond3A_187 {
      %eq3A_524 = arith.constant 21 : i32
      %eq3A_525 = vector.broadcast %eq3A_524 : i32 to vector<1000x1xi32>
      %eq3A_526 = arith.cmpi eq, %get3A_6, %eq3A_525 : vector<1000x1xi32>
      %jit3A = arith.constant 0.000000e+00 : f32
      %broadcast_in_dim3A = vector.shape_cast %eq3A_526 : vector<1000x1xi1> to vector<1000x1xi1>
      %broadcast_in_dim3A_527 = vector.broadcast %broadcast_in_dim3A : vector<1000x1xi1> to vector<1000x128xi1>
      %broadcast_in_dim3A_528 = vector.broadcast %jit3A : f32 to vector<1000x128xf32>
      %select_n3A = arith.select %broadcast_in_dim3A_527, %get3A_3, %broadcast_in_dim3A_528 : vector<1000x128xi1>, vector<1000x128xf32>
      %reduce_sum3A = arith.constant dense<0.000000e+00> : vector<128xf32>
      %reduce_sum3A_529 = vector.multi_reduction <add>, %select_n3A, %reduce_sum3A [0] : vector<1000x128xf32> to vector<128xf32>
      %broadcast_in_dim3A_530 = arith.constant 1.000000e+00 : f32
      %broadcast_in_dim3A_531 = vector.broadcast %broadcast_in_dim3A_530 : f32 to vector<1000x128xf32>
      %jit3A_532 = arith.constant 0.000000e+00 : f32
      %broadcast_in_dim3A_533 = vector.shape_cast %eq3A_526 : vector<1000x1xi1> to vector<1000x1xi1>
      %broadcast_in_dim3A_534 = vector.broadcast %broadcast_in_dim3A_533 : vector<1000x1xi1> to vector<1000x128xi1>
      %broadcast_in_dim3A_535 = vector.broadcast %jit3A_532 : f32 to vector<1000x128xf32>
      %select_n3A_536 = arith.select %broadcast_in_dim3A_534, %broadcast_in_dim3A_531, %broadcast_in_dim3A_535 : vector<1000x128xi1>, vector<1000x128xf32>
      %reduce_sum3A_537 = arith.constant dense<0.000000e+00> : vector<128xf32>
      %reduce_sum3A_538 = vector.multi_reduction <add>, %select_n3A_536, %reduce_sum3A_537 [0] : vector<1000x128xf32> to vector<128xf32>
      %jit3A_539 = arith.constant 0xFF800000 : f32
      %broadcast_in_dim3A_540 = vector.shape_cast %eq3A_526 : vector<1000x1xi1> to vector<1000x1xi1>
      %broadcast_in_dim3A_541 = vector.broadcast %broadcast_in_dim3A_540 : vector<1000x1xi1> to vector<1000x128xi1>
      %broadcast_in_dim3A_542 = vector.broadcast %jit3A_539 : f32 to vector<1000x128xf32>
      %select_n3A_543 = arith.select %broadcast_in_dim3A_541, %get3A_3, %broadcast_in_dim3A_542 : vector<1000x128xi1>, vector<1000x128xf32>
      %reduce_max3A_544 = arith.constant dense<0xFF800000> : vector<128xf32>
      %reduce_max3A_545 = vector.multi_reduction <maximumf>, %select_n3A_543, %reduce_max3A_544 [0] : vector<1000x128xf32> to vector<128xf32>
      %get3A_546 = arith.constant 21 : index
      %get3A_547 = arith.constant 0 : index
      %get3A_548 = vector.load %arg3[%get3A_546, %get3A_547] : memref<64x128xf32, #tpu.memory_space<vmem>>, vector<1x128xf32>
      %broadcast_in_dim3A_549 = vector.shape_cast %reduce_sum3A_529 : vector<128xf32> to vector<1x128xf32>
      %add3A = arith.addf %get3A_548, %broadcast_in_dim3A_549 : vector<1x128xf32>
      %swap3A = arith.constant 21 : index
      %swap3A_550 = arith.constant 0 : index
      %swap3A_551 = vector.load %arg3[%swap3A, %swap3A_550] : memref<64x128xf32, #tpu.memory_space<vmem>>, vector<1x128xf32>
      tpu.vector_store %arg3[%swap3A, %swap3A_550], %add3A {strides = array<i32>} : memref<64x128xf32, #tpu.memory_space<vmem>>, vector<1x128xf32>,
      %get3A_552 = arith.constant 21 : index
      %get3A_553 = arith.constant 0 : index
      %get3A_554 = vector.load %arg4[%get3A_552, %get3A_553] : memref<64x128xf32, #tpu.memory_space<vmem>>, vector<1x128xf32>
      %broadcast_in_dim3A_555 = vector.shape_cast %reduce_sum3A_538 : vector<128xf32> to vector<1x128xf32>
      %add3A_556 = arith.addf %get3A_554, %broadcast_in_dim3A_555 : vector<1x128xf32>
      %swap3A_557 = arith.constant 21 : index
      %swap3A_558 = arith.constant 0 : index
      %swap3A_559 = vector.load %arg4[%swap3A_557, %swap3A_558] : memref<64x128xf32, #tpu.memory_space<vmem>>, vector<1x128xf32>
      tpu.vector_store %arg4[%swap3A_557, %swap3A_558], %add3A_556 {strides = array<i32>} : memref<64x128xf32, #tpu.memory_space<vmem>>, vector<1x128xf32>,
      %get3A_560 = arith.constant 21 : index
      %get3A_561 = arith.constant 0 : index
      %get3A_562 = vector.load %arg5[%get3A_560, %get3A_561] : memref<64x128xf32, #tpu.memory_space<vmem>>, vector<1x128xf32>
      %broadcast_in_dim3A_563 = vector.shape_cast %reduce_max3A_545 : vector<128xf32> to vector<1x128xf32>
      %max3A = arith.maximumf %get3A_562, %broadcast_in_dim3A_563 : vector<1x128xf32>
      %swap3A_564 = arith.constant 21 : index
      %swap3A_565 = arith.constant 0 : index
      %swap3A_566 = vector.load %arg5[%swap3A_564, %swap3A_565] : memref<64x128xf32, #tpu.memory_space<vmem>>, vector<1x128xf32>
      tpu.vector_store %arg5[%swap3A_564, %swap3A_565], %max3A {strides = array<i32>} : memref<64x128xf32, #tpu.memory_space<vmem>>, vector<1x128xf32>,
    } else {
    }
    %le3A_188 = arith.constant 22 : i32
    %le3A_189 = arith.cmpi sle, %reduce_min3A_10, %le3A_188 : i32
    %ge3A_190 = arith.constant 22 : i32
    %ge3A_191 = arith.cmpi sge, %reduce_max3A_14, %ge3A_190 : i32
    %and3A_192 = arith.andi %le3A_189, %ge3A_191 : i1
    %convert_element_type3A_193 = arith.extui %and3A_192 : i1 to i32
    %cond3A_194 = arith.constant 0 : i32
    %cond3A_195 = arith.cmpi ne, %convert_element_type3A_193, %cond3A_194 : i32
    scf.if %cond3A_195 {
      %eq3A_524 = arith.constant 22 : i32
      %eq3A_525 = vector.broadcast %eq3A_524 : i32 to vector<1000x1xi32>
      %eq3A_526 = arith.cmpi eq, %get3A_6, %eq3A_525 : vector<1000x1xi32>
      %jit3A = arith.constant 0.000000e+00 : f32
      %broadcast_in_dim3A = vector.shape_cast %eq3A_526 : vector<1000x1xi1> to vector<1000x1xi1>
      %broadcast_in_dim3A_527 = vector.broadcast %broadcast_in_dim3A : vector<1000x1xi1> to vector<1000x128xi1>
      %broadcast_in_dim3A_528 = vector.broadcast %jit3A : f32 to vector<1000x128xf32>
      %select_n3A = arith.select %broadcast_in_dim3A_527, %get3A_3, %broadcast_in_dim3A_528 : vector<1000x128xi1>, vector<1000x128xf32>
      %reduce_sum3A = arith.constant dense<0.000000e+00> : vector<128xf32>
      %reduce_sum3A_529 = vector.multi_reduction <add>, %select_n3A, %reduce_sum3A [0] : vector<1000x128xf32> to vector<128xf32>
      %broadcast_in_dim3A_530 = arith.constant 1.000000e+00 : f32
      %broadcast_in_dim3A_531 = vector.broadcast %broadcast_in_dim3A_530 : f32 to vector<1000x128xf32>
      %jit3A_532 = arith.constant 0.000000e+00 : f32
      %broadcast_in_dim3A_533 = vector.shape_cast %eq3A_526 : vector<1000x1xi1> to vector<1000x1xi1>
      %broadcast_in_dim3A_534 = vector.broadcast %broadcast_in_dim3A_533 : vector<1000x1xi1> to vector<1000x128xi1>
      %broadcast_in_dim3A_535 = vector.broadcast %jit3A_532 : f32 to vector<1000x128xf32>
      %select_n3A_536 = arith.select %broadcast_in_dim3A_534, %broadcast_in_dim3A_531, %broadcast_in_dim3A_535 : vector<1000x128xi1>, vector<1000x128xf32>
      %reduce_sum3A_537 = arith.constant dense<0.000000e+00> : vector<128xf32>
      %reduce_sum3A_538 = vector.multi_reduction <add>, %select_n3A_536, %reduce_sum3A_537 [0] : vector<1000x128xf32> to vector<128xf32>
      %jit3A_539 = arith.constant 0xFF800000 : f32
      %broadcast_in_dim3A_540 = vector.shape_cast %eq3A_526 : vector<1000x1xi1> to vector<1000x1xi1>
      %broadcast_in_dim3A_541 = vector.broadcast %broadcast_in_dim3A_540 : vector<1000x1xi1> to vector<1000x128xi1>
      %broadcast_in_dim3A_542 = vector.broadcast %jit3A_539 : f32 to vector<1000x128xf32>
      %select_n3A_543 = arith.select %broadcast_in_dim3A_541, %get3A_3, %broadcast_in_dim3A_542 : vector<1000x128xi1>, vector<1000x128xf32>
      %reduce_max3A_544 = arith.constant dense<0xFF800000> : vector<128xf32>
      %reduce_max3A_545 = vector.multi_reduction <maximumf>, %select_n3A_543, %reduce_max3A_544 [0] : vector<1000x128xf32> to vector<128xf32>
      %get3A_546 = arith.constant 22 : index
      %get3A_547 = arith.constant 0 : index
      %get3A_548 = vector.load %arg3[%get3A_546, %get3A_547] : memref<64x128xf32, #tpu.memory_space<vmem>>, vector<1x128xf32>
      %broadcast_in_dim3A_549 = vector.shape_cast %reduce_sum3A_529 : vector<128xf32> to vector<1x128xf32>
      %add3A = arith.addf %get3A_548, %broadcast_in_dim3A_549 : vector<1x128xf32>
      %swap3A = arith.constant 22 : index
      %swap3A_550 = arith.constant 0 : index
      %swap3A_551 = vector.load %arg3[%swap3A, %swap3A_550] : memref<64x128xf32, #tpu.memory_space<vmem>>, vector<1x128xf32>
      tpu.vector_store %arg3[%swap3A, %swap3A_550], %add3A {strides = array<i32>} : memref<64x128xf32, #tpu.memory_space<vmem>>, vector<1x128xf32>,
      %get3A_552 = arith.constant 22 : index
      %get3A_553 = arith.constant 0 : index
      %get3A_554 = vector.load %arg4[%get3A_552, %get3A_553] : memref<64x128xf32, #tpu.memory_space<vmem>>, vector<1x128xf32>
      %broadcast_in_dim3A_555 = vector.shape_cast %reduce_sum3A_538 : vector<128xf32> to vector<1x128xf32>
      %add3A_556 = arith.addf %get3A_554, %broadcast_in_dim3A_555 : vector<1x128xf32>
      %swap3A_557 = arith.constant 22 : index
      %swap3A_558 = arith.constant 0 : index
      %swap3A_559 = vector.load %arg4[%swap3A_557, %swap3A_558] : memref<64x128xf32, #tpu.memory_space<vmem>>, vector<1x128xf32>
      tpu.vector_store %arg4[%swap3A_557, %swap3A_558], %add3A_556 {strides = array<i32>} : memref<64x128xf32, #tpu.memory_space<vmem>>, vector<1x128xf32>,
      %get3A_560 = arith.constant 22 : index
      %get3A_561 = arith.constant 0 : index
      %get3A_562 = vector.load %arg5[%get3A_560, %get3A_561] : memref<64x128xf32, #tpu.memory_space<vmem>>, vector<1x128xf32>
      %broadcast_in_dim3A_563 = vector.shape_cast %reduce_max3A_545 : vector<128xf32> to vector<1x128xf32>
      %max3A = arith.maximumf %get3A_562, %broadcast_in_dim3A_563 : vector<1x128xf32>
      %swap3A_564 = arith.constant 22 : index
      %swap3A_565 = arith.constant 0 : index
      %swap3A_566 = vector.load %arg5[%swap3A_564, %swap3A_565] : memref<64x128xf32, #tpu.memory_space<vmem>>, vector<1x128xf32>
      tpu.vector_store %arg5[%swap3A_564, %swap3A_565], %max3A {strides = array<i32>} : memref<64x128xf32, #tpu.memory_space<vmem>>, vector<1x128xf32>,
    } else {
    }
    %le3A_196 = arith.constant 23 : i32
    %le3A_197 = arith.cmpi sle, %reduce_min3A_10, %le3A_196 : i32
    %ge3A_198 = arith.constant 23 : i32
    %ge3A_199 = arith.cmpi sge, %reduce_max3A_14, %ge3A_198 : i32
    %and3A_200 = arith.andi %le3A_197, %ge3A_199 : i1
    %convert_element_type3A_201 = arith.extui %and3A_200 : i1 to i32
    %cond3A_202 = arith.constant 0 : i32
    %cond3A_203 = arith.cmpi ne, %convert_element_type3A_201, %cond3A_202 : i32
    scf.if %cond3A_203 {
      %eq3A_524 = arith.constant 23 : i32
      %eq3A_525 = vector.broadcast %eq3A_524 : i32 to vector<1000x1xi32>
      %eq3A_526 = arith.cmpi eq, %get3A_6, %eq3A_525 : vector<1000x1xi32>
      %jit3A = arith.constant 0.000000e+00 : f32
      %broadcast_in_dim3A = vector.shape_cast %eq3A_526 : vector<1000x1xi1> to vector<1000x1xi1>
      %broadcast_in_dim3A_527 = vector.broadcast %broadcast_in_dim3A : vector<1000x1xi1> to vector<1000x128xi1>
      %broadcast_in_dim3A_528 = vector.broadcast %jit3A : f32 to vector<1000x128xf32>
      %select_n3A = arith.select %broadcast_in_dim3A_527, %get3A_3, %broadcast_in_dim3A_528 : vector<1000x128xi1>, vector<1000x128xf32>
      %reduce_sum3A = arith.constant dense<0.000000e+00> : vector<128xf32>
      %reduce_sum3A_529 = vector.multi_reduction <add>, %select_n3A, %reduce_sum3A [0] : vector<1000x128xf32> to vector<128xf32>
      %broadcast_in_dim3A_530 = arith.constant 1.000000e+00 : f32
      %broadcast_in_dim3A_531 = vector.broadcast %broadcast_in_dim3A_530 : f32 to vector<1000x128xf32>
      %jit3A_532 = arith.constant 0.000000e+00 : f32
      %broadcast_in_dim3A_533 = vector.shape_cast %eq3A_526 : vector<1000x1xi1> to vector<1000x1xi1>
      %broadcast_in_dim3A_534 = vector.broadcast %broadcast_in_dim3A_533 : vector<1000x1xi1> to vector<1000x128xi1>
      %broadcast_in_dim3A_535 = vector.broadcast %jit3A_532 : f32 to vector<1000x128xf32>
      %select_n3A_536 = arith.select %broadcast_in_dim3A_534, %broadcast_in_dim3A_531, %broadcast_in_dim3A_535 : vector<1000x128xi1>, vector<1000x128xf32>
      %reduce_sum3A_537 = arith.constant dense<0.000000e+00> : vector<128xf32>
      %reduce_sum3A_538 = vector.multi_reduction <add>, %select_n3A_536, %reduce_sum3A_537 [0] : vector<1000x128xf32> to vector<128xf32>
      %jit3A_539 = arith.constant 0xFF800000 : f32
      %broadcast_in_dim3A_540 = vector.shape_cast %eq3A_526 : vector<1000x1xi1> to vector<1000x1xi1>
      %broadcast_in_dim3A_541 = vector.broadcast %broadcast_in_dim3A_540 : vector<1000x1xi1> to vector<1000x128xi1>
      %broadcast_in_dim3A_542 = vector.broadcast %jit3A_539 : f32 to vector<1000x128xf32>
      %select_n3A_543 = arith.select %broadcast_in_dim3A_541, %get3A_3, %broadcast_in_dim3A_542 : vector<1000x128xi1>, vector<1000x128xf32>
      %reduce_max3A_544 = arith.constant dense<0xFF800000> : vector<128xf32>
      %reduce_max3A_545 = vector.multi_reduction <maximumf>, %select_n3A_543, %reduce_max3A_544 [0] : vector<1000x128xf32> to vector<128xf32>
      %get3A_546 = arith.constant 23 : index
      %get3A_547 = arith.constant 0 : index
      %get3A_548 = vector.load %arg3[%get3A_546, %get3A_547] : memref<64x128xf32, #tpu.memory_space<vmem>>, vector<1x128xf32>
      %broadcast_in_dim3A_549 = vector.shape_cast %reduce_sum3A_529 : vector<128xf32> to vector<1x128xf32>
      %add3A = arith.addf %get3A_548, %broadcast_in_dim3A_549 : vector<1x128xf32>
      %swap3A = arith.constant 23 : index
      %swap3A_550 = arith.constant 0 : index
      %swap3A_551 = vector.load %arg3[%swap3A, %swap3A_550] : memref<64x128xf32, #tpu.memory_space<vmem>>, vector<1x128xf32>
      tpu.vector_store %arg3[%swap3A, %swap3A_550], %add3A {strides = array<i32>} : memref<64x128xf32, #tpu.memory_space<vmem>>, vector<1x128xf32>,
      %get3A_552 = arith.constant 23 : index
      %get3A_553 = arith.constant 0 : index
      %get3A_554 = vector.load %arg4[%get3A_552, %get3A_553] : memref<64x128xf32, #tpu.memory_space<vmem>>, vector<1x128xf32>
      %broadcast_in_dim3A_555 = vector.shape_cast %reduce_sum3A_538 : vector<128xf32> to vector<1x128xf32>
      %add3A_556 = arith.addf %get3A_554, %broadcast_in_dim3A_555 : vector<1x128xf32>
      %swap3A_557 = arith.constant 23 : index
      %swap3A_558 = arith.constant 0 : index
      %swap3A_559 = vector.load %arg4[%swap3A_557, %swap3A_558] : memref<64x128xf32, #tpu.memory_space<vmem>>, vector<1x128xf32>
      tpu.vector_store %arg4[%swap3A_557, %swap3A_558], %add3A_556 {strides = array<i32>} : memref<64x128xf32, #tpu.memory_space<vmem>>, vector<1x128xf32>,
      %get3A_560 = arith.constant 23 : index
      %get3A_561 = arith.constant 0 : index
      %get3A_562 = vector.load %arg5[%get3A_560, %get3A_561] : memref<64x128xf32, #tpu.memory_space<vmem>>, vector<1x128xf32>
      %broadcast_in_dim3A_563 = vector.shape_cast %reduce_max3A_545 : vector<128xf32> to vector<1x128xf32>
      %max3A = arith.maximumf %get3A_562, %broadcast_in_dim3A_563 : vector<1x128xf32>
      %swap3A_564 = arith.constant 23 : index
      %swap3A_565 = arith.constant 0 : index
      %swap3A_566 = vector.load %arg5[%swap3A_564, %swap3A_565] : memref<64x128xf32, #tpu.memory_space<vmem>>, vector<1x128xf32>
      tpu.vector_store %arg5[%swap3A_564, %swap3A_565], %max3A {strides = array<i32>} : memref<64x128xf32, #tpu.memory_space<vmem>>, vector<1x128xf32>,
    } else {
    }
    %le3A_204 = arith.constant 24 : i32
    %le3A_205 = arith.cmpi sle, %reduce_min3A_10, %le3A_204 : i32
    %ge3A_206 = arith.constant 24 : i32
    %ge3A_207 = arith.cmpi sge, %reduce_max3A_14, %ge3A_206 : i32
    %and3A_208 = arith.andi %le3A_205, %ge3A_207 : i1
    %convert_element_type3A_209 = arith.extui %and3A_208 : i1 to i32
    %cond3A_210 = arith.constant 0 : i32
    %cond3A_211 = arith.cmpi ne, %convert_element_type3A_209, %cond3A_210 : i32
    scf.if %cond3A_211 {
      %eq3A_524 = arith.constant 24 : i32
      %eq3A_525 = vector.broadcast %eq3A_524 : i32 to vector<1000x1xi32>
      %eq3A_526 = arith.cmpi eq, %get3A_6, %eq3A_525 : vector<1000x1xi32>
      %jit3A = arith.constant 0.000000e+00 : f32
      %broadcast_in_dim3A = vector.shape_cast %eq3A_526 : vector<1000x1xi1> to vector<1000x1xi1>
      %broadcast_in_dim3A_527 = vector.broadcast %broadcast_in_dim3A : vector<1000x1xi1> to vector<1000x128xi1>
      %broadcast_in_dim3A_528 = vector.broadcast %jit3A : f32 to vector<1000x128xf32>
      %select_n3A = arith.select %broadcast_in_dim3A_527, %get3A_3, %broadcast_in_dim3A_528 : vector<1000x128xi1>, vector<1000x128xf32>
      %reduce_sum3A = arith.constant dense<0.000000e+00> : vector<128xf32>
      %reduce_sum3A_529 = vector.multi_reduction <add>, %select_n3A, %reduce_sum3A [0] : vector<1000x128xf32> to vector<128xf32>
      %broadcast_in_dim3A_530 = arith.constant 1.000000e+00 : f32
      %broadcast_in_dim3A_531 = vector.broadcast %broadcast_in_dim3A_530 : f32 to vector<1000x128xf32>
      %jit3A_532 = arith.constant 0.000000e+00 : f32
      %broadcast_in_dim3A_533 = vector.shape_cast %eq3A_526 : vector<1000x1xi1> to vector<1000x1xi1>
      %broadcast_in_dim3A_534 = vector.broadcast %broadcast_in_dim3A_533 : vector<1000x1xi1> to vector<1000x128xi1>
      %broadcast_in_dim3A_535 = vector.broadcast %jit3A_532 : f32 to vector<1000x128xf32>
      %select_n3A_536 = arith.select %broadcast_in_dim3A_534, %broadcast_in_dim3A_531, %broadcast_in_dim3A_535 : vector<1000x128xi1>, vector<1000x128xf32>
      %reduce_sum3A_537 = arith.constant dense<0.000000e+00> : vector<128xf32>
      %reduce_sum3A_538 = vector.multi_reduction <add>, %select_n3A_536, %reduce_sum3A_537 [0] : vector<1000x128xf32> to vector<128xf32>
      %jit3A_539 = arith.constant 0xFF800000 : f32
      %broadcast_in_dim3A_540 = vector.shape_cast %eq3A_526 : vector<1000x1xi1> to vector<1000x1xi1>
      %broadcast_in_dim3A_541 = vector.broadcast %broadcast_in_dim3A_540 : vector<1000x1xi1> to vector<1000x128xi1>
      %broadcast_in_dim3A_542 = vector.broadcast %jit3A_539 : f32 to vector<1000x128xf32>
      %select_n3A_543 = arith.select %broadcast_in_dim3A_541, %get3A_3, %broadcast_in_dim3A_542 : vector<1000x128xi1>, vector<1000x128xf32>
      %reduce_max3A_544 = arith.constant dense<0xFF800000> : vector<128xf32>
      %reduce_max3A_545 = vector.multi_reduction <maximumf>, %select_n3A_543, %reduce_max3A_544 [0] : vector<1000x128xf32> to vector<128xf32>
      %get3A_546 = arith.constant 24 : index
      %get3A_547 = arith.constant 0 : index
      %get3A_548 = vector.load %arg3[%get3A_546, %get3A_547] : memref<64x128xf32, #tpu.memory_space<vmem>>, vector<1x128xf32>
      %broadcast_in_dim3A_549 = vector.shape_cast %reduce_sum3A_529 : vector<128xf32> to vector<1x128xf32>
      %add3A = arith.addf %get3A_548, %broadcast_in_dim3A_549 : vector<1x128xf32>
      %swap3A = arith.constant 24 : index
      %swap3A_550 = arith.constant 0 : index
      %swap3A_551 = vector.load %arg3[%swap3A, %swap3A_550] : memref<64x128xf32, #tpu.memory_space<vmem>>, vector<1x128xf32>
      tpu.vector_store %arg3[%swap3A, %swap3A_550], %add3A {strides = array<i32>} : memref<64x128xf32, #tpu.memory_space<vmem>>, vector<1x128xf32>,
      %get3A_552 = arith.constant 24 : index
      %get3A_553 = arith.constant 0 : index
      %get3A_554 = vector.load %arg4[%get3A_552, %get3A_553] : memref<64x128xf32, #tpu.memory_space<vmem>>, vector<1x128xf32>
      %broadcast_in_dim3A_555 = vector.shape_cast %reduce_sum3A_538 : vector<128xf32> to vector<1x128xf32>
      %add3A_556 = arith.addf %get3A_554, %broadcast_in_dim3A_555 : vector<1x128xf32>
      %swap3A_557 = arith.constant 24 : index
      %swap3A_558 = arith.constant 0 : index
      %swap3A_559 = vector.load %arg4[%swap3A_557, %swap3A_558] : memref<64x128xf32, #tpu.memory_space<vmem>>, vector<1x128xf32>
      tpu.vector_store %arg4[%swap3A_557, %swap3A_558], %add3A_556 {strides = array<i32>} : memref<64x128xf32, #tpu.memory_space<vmem>>, vector<1x128xf32>,
      %get3A_560 = arith.constant 24 : index
      %get3A_561 = arith.constant 0 : index
      %get3A_562 = vector.load %arg5[%get3A_560, %get3A_561] : memref<64x128xf32, #tpu.memory_space<vmem>>, vector<1x128xf32>
      %broadcast_in_dim3A_563 = vector.shape_cast %reduce_max3A_545 : vector<128xf32> to vector<1x128xf32>
      %max3A = arith.maximumf %get3A_562, %broadcast_in_dim3A_563 : vector<1x128xf32>
      %swap3A_564 = arith.constant 24 : index
      %swap3A_565 = arith.constant 0 : index
      %swap3A_566 = vector.load %arg5[%swap3A_564, %swap3A_565] : memref<64x128xf32, #tpu.memory_space<vmem>>, vector<1x128xf32>
      tpu.vector_store %arg5[%swap3A_564, %swap3A_565], %max3A {strides = array<i32>} : memref<64x128xf32, #tpu.memory_space<vmem>>, vector<1x128xf32>,
    } else {
    }
    %le3A_212 = arith.constant 25 : i32
    %le3A_213 = arith.cmpi sle, %reduce_min3A_10, %le3A_212 : i32
    %ge3A_214 = arith.constant 25 : i32
    %ge3A_215 = arith.cmpi sge, %reduce_max3A_14, %ge3A_214 : i32
    %and3A_216 = arith.andi %le3A_213, %ge3A_215 : i1
    %convert_element_type3A_217 = arith.extui %and3A_216 : i1 to i32
    %cond3A_218 = arith.constant 0 : i32
    %cond3A_219 = arith.cmpi ne, %convert_element_type3A_217, %cond3A_218 : i32
    scf.if %cond3A_219 {
      %eq3A_524 = arith.constant 25 : i32
      %eq3A_525 = vector.broadcast %eq3A_524 : i32 to vector<1000x1xi32>
      %eq3A_526 = arith.cmpi eq, %get3A_6, %eq3A_525 : vector<1000x1xi32>
      %jit3A = arith.constant 0.000000e+00 : f32
      %broadcast_in_dim3A = vector.shape_cast %eq3A_526 : vector<1000x1xi1> to vector<1000x1xi1>
      %broadcast_in_dim3A_527 = vector.broadcast %broadcast_in_dim3A : vector<1000x1xi1> to vector<1000x128xi1>
      %broadcast_in_dim3A_528 = vector.broadcast %jit3A : f32 to vector<1000x128xf32>
      %select_n3A = arith.select %broadcast_in_dim3A_527, %get3A_3, %broadcast_in_dim3A_528 : vector<1000x128xi1>, vector<1000x128xf32>
      %reduce_sum3A = arith.constant dense<0.000000e+00> : vector<128xf32>
      %reduce_sum3A_529 = vector.multi_reduction <add>, %select_n3A, %reduce_sum3A [0] : vector<1000x128xf32> to vector<128xf32>
      %broadcast_in_dim3A_530 = arith.constant 1.000000e+00 : f32
      %broadcast_in_dim3A_531 = vector.broadcast %broadcast_in_dim3A_530 : f32 to vector<1000x128xf32>
      %jit3A_532 = arith.constant 0.000000e+00 : f32
      %broadcast_in_dim3A_533 = vector.shape_cast %eq3A_526 : vector<1000x1xi1> to vector<1000x1xi1>
      %broadcast_in_dim3A_534 = vector.broadcast %broadcast_in_dim3A_533 : vector<1000x1xi1> to vector<1000x128xi1>
      %broadcast_in_dim3A_535 = vector.broadcast %jit3A_532 : f32 to vector<1000x128xf32>
      %select_n3A_536 = arith.select %broadcast_in_dim3A_534, %broadcast_in_dim3A_531, %broadcast_in_dim3A_535 : vector<1000x128xi1>, vector<1000x128xf32>
      %reduce_sum3A_537 = arith.constant dense<0.000000e+00> : vector<128xf32>
      %reduce_sum3A_538 = vector.multi_reduction <add>, %select_n3A_536, %reduce_sum3A_537 [0] : vector<1000x128xf32> to vector<128xf32>
      %jit3A_539 = arith.constant 0xFF800000 : f32
      %broadcast_in_dim3A_540 = vector.shape_cast %eq3A_526 : vector<1000x1xi1> to vector<1000x1xi1>
      %broadcast_in_dim3A_541 = vector.broadcast %broadcast_in_dim3A_540 : vector<1000x1xi1> to vector<1000x128xi1>
      %broadcast_in_dim3A_542 = vector.broadcast %jit3A_539 : f32 to vector<1000x128xf32>
      %select_n3A_543 = arith.select %broadcast_in_dim3A_541, %get3A_3, %broadcast_in_dim3A_542 : vector<1000x128xi1>, vector<1000x128xf32>
      %reduce_max3A_544 = arith.constant dense<0xFF800000> : vector<128xf32>
      %reduce_max3A_545 = vector.multi_reduction <maximumf>, %select_n3A_543, %reduce_max3A_544 [0] : vector<1000x128xf32> to vector<128xf32>
      %get3A_546 = arith.constant 25 : index
      %get3A_547 = arith.constant 0 : index
      %get3A_548 = vector.load %arg3[%get3A_546, %get3A_547] : memref<64x128xf32, #tpu.memory_space<vmem>>, vector<1x128xf32>
      %broadcast_in_dim3A_549 = vector.shape_cast %reduce_sum3A_529 : vector<128xf32> to vector<1x128xf32>
      %add3A = arith.addf %get3A_548, %broadcast_in_dim3A_549 : vector<1x128xf32>
      %swap3A = arith.constant 25 : index
      %swap3A_550 = arith.constant 0 : index
      %swap3A_551 = vector.load %arg3[%swap3A, %swap3A_550] : memref<64x128xf32, #tpu.memory_space<vmem>>, vector<1x128xf32>
      tpu.vector_store %arg3[%swap3A, %swap3A_550], %add3A {strides = array<i32>} : memref<64x128xf32, #tpu.memory_space<vmem>>, vector<1x128xf32>,
      %get3A_552 = arith.constant 25 : index
      %get3A_553 = arith.constant 0 : index
      %get3A_554 = vector.load %arg4[%get3A_552, %get3A_553] : memref<64x128xf32, #tpu.memory_space<vmem>>, vector<1x128xf32>
      %broadcast_in_dim3A_555 = vector.shape_cast %reduce_sum3A_538 : vector<128xf32> to vector<1x128xf32>
      %add3A_556 = arith.addf %get3A_554, %broadcast_in_dim3A_555 : vector<1x128xf32>
      %swap3A_557 = arith.constant 25 : index
      %swap3A_558 = arith.constant 0 : index
      %swap3A_559 = vector.load %arg4[%swap3A_557, %swap3A_558] : memref<64x128xf32, #tpu.memory_space<vmem>>, vector<1x128xf32>
      tpu.vector_store %arg4[%swap3A_557, %swap3A_558], %add3A_556 {strides = array<i32>} : memref<64x128xf32, #tpu.memory_space<vmem>>, vector<1x128xf32>,
      %get3A_560 = arith.constant 25 : index
      %get3A_561 = arith.constant 0 : index
      %get3A_562 = vector.load %arg5[%get3A_560, %get3A_561] : memref<64x128xf32, #tpu.memory_space<vmem>>, vector<1x128xf32>
      %broadcast_in_dim3A_563 = vector.shape_cast %reduce_max3A_545 : vector<128xf32> to vector<1x128xf32>
      %max3A = arith.maximumf %get3A_562, %broadcast_in_dim3A_563 : vector<1x128xf32>
      %swap3A_564 = arith.constant 25 : index
      %swap3A_565 = arith.constant 0 : index
      %swap3A_566 = vector.load %arg5[%swap3A_564, %swap3A_565] : memref<64x128xf32, #tpu.memory_space<vmem>>, vector<1x128xf32>
      tpu.vector_store %arg5[%swap3A_564, %swap3A_565], %max3A {strides = array<i32>} : memref<64x128xf32, #tpu.memory_space<vmem>>, vector<1x128xf32>,
    } else {
    }
    %le3A_220 = arith.constant 26 : i32
    %le3A_221 = arith.cmpi sle, %reduce_min3A_10, %le3A_220 : i32
    %ge3A_222 = arith.constant 26 : i32
    %ge3A_223 = arith.cmpi sge, %reduce_max3A_14, %ge3A_222 : i32
    %and3A_224 = arith.andi %le3A_221, %ge3A_223 : i1
    %convert_element_type3A_225 = arith.extui %and3A_224 : i1 to i32
    %cond3A_226 = arith.constant 0 : i32
    %cond3A_227 = arith.cmpi ne, %convert_element_type3A_225, %cond3A_226 : i32
    scf.if %cond3A_227 {
      %eq3A_524 = arith.constant 26 : i32
      %eq3A_525 = vector.broadcast %eq3A_524 : i32 to vector<1000x1xi32>
      %eq3A_526 = arith.cmpi eq, %get3A_6, %eq3A_525 : vector<1000x1xi32>
      %jit3A = arith.constant 0.000000e+00 : f32
      %broadcast_in_dim3A = vector.shape_cast %eq3A_526 : vector<1000x1xi1> to vector<1000x1xi1>
      %broadcast_in_dim3A_527 = vector.broadcast %broadcast_in_dim3A : vector<1000x1xi1> to vector<1000x128xi1>
      %broadcast_in_dim3A_528 = vector.broadcast %jit3A : f32 to vector<1000x128xf32>
      %select_n3A = arith.select %broadcast_in_dim3A_527, %get3A_3, %broadcast_in_dim3A_528 : vector<1000x128xi1>, vector<1000x128xf32>
      %reduce_sum3A = arith.constant dense<0.000000e+00> : vector<128xf32>
      %reduce_sum3A_529 = vector.multi_reduction <add>, %select_n3A, %reduce_sum3A [0] : vector<1000x128xf32> to vector<128xf32>
      %broadcast_in_dim3A_530 = arith.constant 1.000000e+00 : f32
      %broadcast_in_dim3A_531 = vector.broadcast %broadcast_in_dim3A_530 : f32 to vector<1000x128xf32>
      %jit3A_532 = arith.constant 0.000000e+00 : f32
      %broadcast_in_dim3A_533 = vector.shape_cast %eq3A_526 : vector<1000x1xi1> to vector<1000x1xi1>
      %broadcast_in_dim3A_534 = vector.broadcast %broadcast_in_dim3A_533 : vector<1000x1xi1> to vector<1000x128xi1>
      %broadcast_in_dim3A_535 = vector.broadcast %jit3A_532 : f32 to vector<1000x128xf32>
      %select_n3A_536 = arith.select %broadcast_in_dim3A_534, %broadcast_in_dim3A_531, %broadcast_in_dim3A_535 : vector<1000x128xi1>, vector<1000x128xf32>
      %reduce_sum3A_537 = arith.constant dense<0.000000e+00> : vector<128xf32>
      %reduce_sum3A_538 = vector.multi_reduction <add>, %select_n3A_536, %reduce_sum3A_537 [0] : vector<1000x128xf32> to vector<128xf32>
      %jit3A_539 = arith.constant 0xFF800000 : f32
      %broadcast_in_dim3A_540 = vector.shape_cast %eq3A_526 : vector<1000x1xi1> to vector<1000x1xi1>
      %broadcast_in_dim3A_541 = vector.broadcast %broadcast_in_dim3A_540 : vector<1000x1xi1> to vector<1000x128xi1>
      %broadcast_in_dim3A_542 = vector.broadcast %jit3A_539 : f32 to vector<1000x128xf32>
      %select_n3A_543 = arith.select %broadcast_in_dim3A_541, %get3A_3, %broadcast_in_dim3A_542 : vector<1000x128xi1>, vector<1000x128xf32>
      %reduce_max3A_544 = arith.constant dense<0xFF800000> : vector<128xf32>
      %reduce_max3A_545 = vector.multi_reduction <maximumf>, %select_n3A_543, %reduce_max3A_544 [0] : vector<1000x128xf32> to vector<128xf32>
      %get3A_546 = arith.constant 26 : index
      %get3A_547 = arith.constant 0 : index
      %get3A_548 = vector.load %arg3[%get3A_546, %get3A_547] : memref<64x128xf32, #tpu.memory_space<vmem>>, vector<1x128xf32>
      %broadcast_in_dim3A_549 = vector.shape_cast %reduce_sum3A_529 : vector<128xf32> to vector<1x128xf32>
      %add3A = arith.addf %get3A_548, %broadcast_in_dim3A_549 : vector<1x128xf32>
      %swap3A = arith.constant 26 : index
      %swap3A_550 = arith.constant 0 : index
      %swap3A_551 = vector.load %arg3[%swap3A, %swap3A_550] : memref<64x128xf32, #tpu.memory_space<vmem>>, vector<1x128xf32>
      tpu.vector_store %arg3[%swap3A, %swap3A_550], %add3A {strides = array<i32>} : memref<64x128xf32, #tpu.memory_space<vmem>>, vector<1x128xf32>,
      %get3A_552 = arith.constant 26 : index
      %get3A_553 = arith.constant 0 : index
      %get3A_554 = vector.load %arg4[%get3A_552, %get3A_553] : memref<64x128xf32, #tpu.memory_space<vmem>>, vector<1x128xf32>
      %broadcast_in_dim3A_555 = vector.shape_cast %reduce_sum3A_538 : vector<128xf32> to vector<1x128xf32>
      %add3A_556 = arith.addf %get3A_554, %broadcast_in_dim3A_555 : vector<1x128xf32>
      %swap3A_557 = arith.constant 26 : index
      %swap3A_558 = arith.constant 0 : index
      %swap3A_559 = vector.load %arg4[%swap3A_557, %swap3A_558] : memref<64x128xf32, #tpu.memory_space<vmem>>, vector<1x128xf32>
      tpu.vector_store %arg4[%swap3A_557, %swap3A_558], %add3A_556 {strides = array<i32>} : memref<64x128xf32, #tpu.memory_space<vmem>>, vector<1x128xf32>,
      %get3A_560 = arith.constant 26 : index
      %get3A_561 = arith.constant 0 : index
      %get3A_562 = vector.load %arg5[%get3A_560, %get3A_561] : memref<64x128xf32, #tpu.memory_space<vmem>>, vector<1x128xf32>
      %broadcast_in_dim3A_563 = vector.shape_cast %reduce_max3A_545 : vector<128xf32> to vector<1x128xf32>
      %max3A = arith.maximumf %get3A_562, %broadcast_in_dim3A_563 : vector<1x128xf32>
      %swap3A_564 = arith.constant 26 : index
      %swap3A_565 = arith.constant 0 : index
      %swap3A_566 = vector.load %arg5[%swap3A_564, %swap3A_565] : memref<64x128xf32, #tpu.memory_space<vmem>>, vector<1x128xf32>
      tpu.vector_store %arg5[%swap3A_564, %swap3A_565], %max3A {strides = array<i32>} : memref<64x128xf32, #tpu.memory_space<vmem>>, vector<1x128xf32>,
    } else {
    }
    %le3A_228 = arith.constant 27 : i32
    %le3A_229 = arith.cmpi sle, %reduce_min3A_10, %le3A_228 : i32
    %ge3A_230 = arith.constant 27 : i32
    %ge3A_231 = arith.cmpi sge, %reduce_max3A_14, %ge3A_230 : i32
    %and3A_232 = arith.andi %le3A_229, %ge3A_231 : i1
    %convert_element_type3A_233 = arith.extui %and3A_232 : i1 to i32
    %cond3A_234 = arith.constant 0 : i32
    %cond3A_235 = arith.cmpi ne, %convert_element_type3A_233, %cond3A_234 : i32
    scf.if %cond3A_235 {
      %eq3A_524 = arith.constant 27 : i32
      %eq3A_525 = vector.broadcast %eq3A_524 : i32 to vector<1000x1xi32>
      %eq3A_526 = arith.cmpi eq, %get3A_6, %eq3A_525 : vector<1000x1xi32>
      %jit3A = arith.constant 0.000000e+00 : f32
      %broadcast_in_dim3A = vector.shape_cast %eq3A_526 : vector<1000x1xi1> to vector<1000x1xi1>
      %broadcast_in_dim3A_527 = vector.broadcast %broadcast_in_dim3A : vector<1000x1xi1> to vector<1000x128xi1>
      %broadcast_in_dim3A_528 = vector.broadcast %jit3A : f32 to vector<1000x128xf32>
      %select_n3A = arith.select %broadcast_in_dim3A_527, %get3A_3, %broadcast_in_dim3A_528 : vector<1000x128xi1>, vector<1000x128xf32>
      %reduce_sum3A = arith.constant dense<0.000000e+00> : vector<128xf32>
      %reduce_sum3A_529 = vector.multi_reduction <add>, %select_n3A, %reduce_sum3A [0] : vector<1000x128xf32> to vector<128xf32>
      %broadcast_in_dim3A_530 = arith.constant 1.000000e+00 : f32
      %broadcast_in_dim3A_531 = vector.broadcast %broadcast_in_dim3A_530 : f32 to vector<1000x128xf32>
      %jit3A_532 = arith.constant 0.000000e+00 : f32
      %broadcast_in_dim3A_533 = vector.shape_cast %eq3A_526 : vector<1000x1xi1> to vector<1000x1xi1>
      %broadcast_in_dim3A_534 = vector.broadcast %broadcast_in_dim3A_533 : vector<1000x1xi1> to vector<1000x128xi1>
      %broadcast_in_dim3A_535 = vector.broadcast %jit3A_532 : f32 to vector<1000x128xf32>
      %select_n3A_536 = arith.select %broadcast_in_dim3A_534, %broadcast_in_dim3A_531, %broadcast_in_dim3A_535 : vector<1000x128xi1>, vector<1000x128xf32>
      %reduce_sum3A_537 = arith.constant dense<0.000000e+00> : vector<128xf32>
      %reduce_sum3A_538 = vector.multi_reduction <add>, %select_n3A_536, %reduce_sum3A_537 [0] : vector<1000x128xf32> to vector<128xf32>
      %jit3A_539 = arith.constant 0xFF800000 : f32
      %broadcast_in_dim3A_540 = vector.shape_cast %eq3A_526 : vector<1000x1xi1> to vector<1000x1xi1>
      %broadcast_in_dim3A_541 = vector.broadcast %broadcast_in_dim3A_540 : vector<1000x1xi1> to vector<1000x128xi1>
      %broadcast_in_dim3A_542 = vector.broadcast %jit3A_539 : f32 to vector<1000x128xf32>
      %select_n3A_543 = arith.select %broadcast_in_dim3A_541, %get3A_3, %broadcast_in_dim3A_542 : vector<1000x128xi1>, vector<1000x128xf32>
      %reduce_max3A_544 = arith.constant dense<0xFF800000> : vector<128xf32>
      %reduce_max3A_545 = vector.multi_reduction <maximumf>, %select_n3A_543, %reduce_max3A_544 [0] : vector<1000x128xf32> to vector<128xf32>
      %get3A_546 = arith.constant 27 : index
      %get3A_547 = arith.constant 0 : index
      %get3A_548 = vector.load %arg3[%get3A_546, %get3A_547] : memref<64x128xf32, #tpu.memory_space<vmem>>, vector<1x128xf32>
      %broadcast_in_dim3A_549 = vector.shape_cast %reduce_sum3A_529 : vector<128xf32> to vector<1x128xf32>
      %add3A = arith.addf %get3A_548, %broadcast_in_dim3A_549 : vector<1x128xf32>
      %swap3A = arith.constant 27 : index
      %swap3A_550 = arith.constant 0 : index
      %swap3A_551 = vector.load %arg3[%swap3A, %swap3A_550] : memref<64x128xf32, #tpu.memory_space<vmem>>, vector<1x128xf32>
      tpu.vector_store %arg3[%swap3A, %swap3A_550], %add3A {strides = array<i32>} : memref<64x128xf32, #tpu.memory_space<vmem>>, vector<1x128xf32>,
      %get3A_552 = arith.constant 27 : index
      %get3A_553 = arith.constant 0 : index
      %get3A_554 = vector.load %arg4[%get3A_552, %get3A_553] : memref<64x128xf32, #tpu.memory_space<vmem>>, vector<1x128xf32>
      %broadcast_in_dim3A_555 = vector.shape_cast %reduce_sum3A_538 : vector<128xf32> to vector<1x128xf32>
      %add3A_556 = arith.addf %get3A_554, %broadcast_in_dim3A_555 : vector<1x128xf32>
      %swap3A_557 = arith.constant 27 : index
      %swap3A_558 = arith.constant 0 : index
      %swap3A_559 = vector.load %arg4[%swap3A_557, %swap3A_558] : memref<64x128xf32, #tpu.memory_space<vmem>>, vector<1x128xf32>
      tpu.vector_store %arg4[%swap3A_557, %swap3A_558], %add3A_556 {strides = array<i32>} : memref<64x128xf32, #tpu.memory_space<vmem>>, vector<1x128xf32>,
      %get3A_560 = arith.constant 27 : index
      %get3A_561 = arith.constant 0 : index
      %get3A_562 = vector.load %arg5[%get3A_560, %get3A_561] : memref<64x128xf32, #tpu.memory_space<vmem>>, vector<1x128xf32>
      %broadcast_in_dim3A_563 = vector.shape_cast %reduce_max3A_545 : vector<128xf32> to vector<1x128xf32>
      %max3A = arith.maximumf %get3A_562, %broadcast_in_dim3A_563 : vector<1x128xf32>
      %swap3A_564 = arith.constant 27 : index
      %swap3A_565 = arith.constant 0 : index
      %swap3A_566 = vector.load %arg5[%swap3A_564, %swap3A_565] : memref<64x128xf32, #tpu.memory_space<vmem>>, vector<1x128xf32>
      tpu.vector_store %arg5[%swap3A_564, %swap3A_565], %max3A {strides = array<i32>} : memref<64x128xf32, #tpu.memory_space<vmem>>, vector<1x128xf32>,
    } else {
    }
    %le3A_236 = arith.constant 28 : i32
    %le3A_237 = arith.cmpi sle, %reduce_min3A_10, %le3A_236 : i32
    %ge3A_238 = arith.constant 28 : i32
    %ge3A_239 = arith.cmpi sge, %reduce_max3A_14, %ge3A_238 : i32
    %and3A_240 = arith.andi %le3A_237, %ge3A_239 : i1
    %convert_element_type3A_241 = arith.extui %and3A_240 : i1 to i32
    %cond3A_242 = arith.constant 0 : i32
    %cond3A_243 = arith.cmpi ne, %convert_element_type3A_241, %cond3A_242 : i32
    scf.if %cond3A_243 {
      %eq3A_524 = arith.constant 28 : i32
      %eq3A_525 = vector.broadcast %eq3A_524 : i32 to vector<1000x1xi32>
      %eq3A_526 = arith.cmpi eq, %get3A_6, %eq3A_525 : vector<1000x1xi32>
      %jit3A = arith.constant 0.000000e+00 : f32
      %broadcast_in_dim3A = vector.shape_cast %eq3A_526 : vector<1000x1xi1> to vector<1000x1xi1>
      %broadcast_in_dim3A_527 = vector.broadcast %broadcast_in_dim3A : vector<1000x1xi1> to vector<1000x128xi1>
      %broadcast_in_dim3A_528 = vector.broadcast %jit3A : f32 to vector<1000x128xf32>
      %select_n3A = arith.select %broadcast_in_dim3A_527, %get3A_3, %broadcast_in_dim3A_528 : vector<1000x128xi1>, vector<1000x128xf32>
      %reduce_sum3A = arith.constant dense<0.000000e+00> : vector<128xf32>
      %reduce_sum3A_529 = vector.multi_reduction <add>, %select_n3A, %reduce_sum3A [0] : vector<1000x128xf32> to vector<128xf32>
      %broadcast_in_dim3A_530 = arith.constant 1.000000e+00 : f32
      %broadcast_in_dim3A_531 = vector.broadcast %broadcast_in_dim3A_530 : f32 to vector<1000x128xf32>
      %jit3A_532 = arith.constant 0.000000e+00 : f32
      %broadcast_in_dim3A_533 = vector.shape_cast %eq3A_526 : vector<1000x1xi1> to vector<1000x1xi1>
      %broadcast_in_dim3A_534 = vector.broadcast %broadcast_in_dim3A_533 : vector<1000x1xi1> to vector<1000x128xi1>
      %broadcast_in_dim3A_535 = vector.broadcast %jit3A_532 : f32 to vector<1000x128xf32>
      %select_n3A_536 = arith.select %broadcast_in_dim3A_534, %broadcast_in_dim3A_531, %broadcast_in_dim3A_535 : vector<1000x128xi1>, vector<1000x128xf32>
      %reduce_sum3A_537 = arith.constant dense<0.000000e+00> : vector<128xf32>
      %reduce_sum3A_538 = vector.multi_reduction <add>, %select_n3A_536, %reduce_sum3A_537 [0] : vector<1000x128xf32> to vector<128xf32>
      %jit3A_539 = arith.constant 0xFF800000 : f32
      %broadcast_in_dim3A_540 = vector.shape_cast %eq3A_526 : vector<1000x1xi1> to vector<1000x1xi1>
      %broadcast_in_dim3A_541 = vector.broadcast %broadcast_in_dim3A_540 : vector<1000x1xi1> to vector<1000x128xi1>
      %broadcast_in_dim3A_542 = vector.broadcast %jit3A_539 : f32 to vector<1000x128xf32>
      %select_n3A_543 = arith.select %broadcast_in_dim3A_541, %get3A_3, %broadcast_in_dim3A_542 : vector<1000x128xi1>, vector<1000x128xf32>
      %reduce_max3A_544 = arith.constant dense<0xFF800000> : vector<128xf32>
      %reduce_max3A_545 = vector.multi_reduction <maximumf>, %select_n3A_543, %reduce_max3A_544 [0] : vector<1000x128xf32> to vector<128xf32>
      %get3A_546 = arith.constant 28 : index
      %get3A_547 = arith.constant 0 : index
      %get3A_548 = vector.load %arg3[%get3A_546, %get3A_547] : memref<64x128xf32, #tpu.memory_space<vmem>>, vector<1x128xf32>
      %broadcast_in_dim3A_549 = vector.shape_cast %reduce_sum3A_529 : vector<128xf32> to vector<1x128xf32>
      %add3A = arith.addf %get3A_548, %broadcast_in_dim3A_549 : vector<1x128xf32>
      %swap3A = arith.constant 28 : index
      %swap3A_550 = arith.constant 0 : index
      %swap3A_551 = vector.load %arg3[%swap3A, %swap3A_550] : memref<64x128xf32, #tpu.memory_space<vmem>>, vector<1x128xf32>
      tpu.vector_store %arg3[%swap3A, %swap3A_550], %add3A {strides = array<i32>} : memref<64x128xf32, #tpu.memory_space<vmem>>, vector<1x128xf32>,
      %get3A_552 = arith.constant 28 : index
      %get3A_553 = arith.constant 0 : index
      %get3A_554 = vector.load %arg4[%get3A_552, %get3A_553] : memref<64x128xf32, #tpu.memory_space<vmem>>, vector<1x128xf32>
      %broadcast_in_dim3A_555 = vector.shape_cast %reduce_sum3A_538 : vector<128xf32> to vector<1x128xf32>
      %add3A_556 = arith.addf %get3A_554, %broadcast_in_dim3A_555 : vector<1x128xf32>
      %swap3A_557 = arith.constant 28 : index
      %swap3A_558 = arith.constant 0 : index
      %swap3A_559 = vector.load %arg4[%swap3A_557, %swap3A_558] : memref<64x128xf32, #tpu.memory_space<vmem>>, vector<1x128xf32>
      tpu.vector_store %arg4[%swap3A_557, %swap3A_558], %add3A_556 {strides = array<i32>} : memref<64x128xf32, #tpu.memory_space<vmem>>, vector<1x128xf32>,
      %get3A_560 = arith.constant 28 : index
      %get3A_561 = arith.constant 0 : index
      %get3A_562 = vector.load %arg5[%get3A_560, %get3A_561] : memref<64x128xf32, #tpu.memory_space<vmem>>, vector<1x128xf32>
      %broadcast_in_dim3A_563 = vector.shape_cast %reduce_max3A_545 : vector<128xf32> to vector<1x128xf32>
      %max3A = arith.maximumf %get3A_562, %broadcast_in_dim3A_563 : vector<1x128xf32>
      %swap3A_564 = arith.constant 28 : index
      %swap3A_565 = arith.constant 0 : index
      %swap3A_566 = vector.load %arg5[%swap3A_564, %swap3A_565] : memref<64x128xf32, #tpu.memory_space<vmem>>, vector<1x128xf32>
      tpu.vector_store %arg5[%swap3A_564, %swap3A_565], %max3A {strides = array<i32>} : memref<64x128xf32, #tpu.memory_space<vmem>>, vector<1x128xf32>,
    } else {
    }
    %le3A_244 = arith.constant 29 : i32
    %le3A_245 = arith.cmpi sle, %reduce_min3A_10, %le3A_244 : i32
    %ge3A_246 = arith.constant 29 : i32
    %ge3A_247 = arith.cmpi sge, %reduce_max3A_14, %ge3A_246 : i32
    %and3A_248 = arith.andi %le3A_245, %ge3A_247 : i1
    %convert_element_type3A_249 = arith.extui %and3A_248 : i1 to i32
    %cond3A_250 = arith.constant 0 : i32
    %cond3A_251 = arith.cmpi ne, %convert_element_type3A_249, %cond3A_250 : i32
    scf.if %cond3A_251 {
      %eq3A_524 = arith.constant 29 : i32
      %eq3A_525 = vector.broadcast %eq3A_524 : i32 to vector<1000x1xi32>
      %eq3A_526 = arith.cmpi eq, %get3A_6, %eq3A_525 : vector<1000x1xi32>
      %jit3A = arith.constant 0.000000e+00 : f32
      %broadcast_in_dim3A = vector.shape_cast %eq3A_526 : vector<1000x1xi1> to vector<1000x1xi1>
      %broadcast_in_dim3A_527 = vector.broadcast %broadcast_in_dim3A : vector<1000x1xi1> to vector<1000x128xi1>
      %broadcast_in_dim3A_528 = vector.broadcast %jit3A : f32 to vector<1000x128xf32>
      %select_n3A = arith.select %broadcast_in_dim3A_527, %get3A_3, %broadcast_in_dim3A_528 : vector<1000x128xi1>, vector<1000x128xf32>
      %reduce_sum3A = arith.constant dense<0.000000e+00> : vector<128xf32>
      %reduce_sum3A_529 = vector.multi_reduction <add>, %select_n3A, %reduce_sum3A [0] : vector<1000x128xf32> to vector<128xf32>
      %broadcast_in_dim3A_530 = arith.constant 1.000000e+00 : f32
      %broadcast_in_dim3A_531 = vector.broadcast %broadcast_in_dim3A_530 : f32 to vector<1000x128xf32>
      %jit3A_532 = arith.constant 0.000000e+00 : f32
      %broadcast_in_dim3A_533 = vector.shape_cast %eq3A_526 : vector<1000x1xi1> to vector<1000x1xi1>
      %broadcast_in_dim3A_534 = vector.broadcast %broadcast_in_dim3A_533 : vector<1000x1xi1> to vector<1000x128xi1>
      %broadcast_in_dim3A_535 = vector.broadcast %jit3A_532 : f32 to vector<1000x128xf32>
      %select_n3A_536 = arith.select %broadcast_in_dim3A_534, %broadcast_in_dim3A_531, %broadcast_in_dim3A_535 : vector<1000x128xi1>, vector<1000x128xf32>
      %reduce_sum3A_537 = arith.constant dense<0.000000e+00> : vector<128xf32>
      %reduce_sum3A_538 = vector.multi_reduction <add>, %select_n3A_536, %reduce_sum3A_537 [0] : vector<1000x128xf32> to vector<128xf32>
      %jit3A_539 = arith.constant 0xFF800000 : f32
      %broadcast_in_dim3A_540 = vector.shape_cast %eq3A_526 : vector<1000x1xi1> to vector<1000x1xi1>
      %broadcast_in_dim3A_541 = vector.broadcast %broadcast_in_dim3A_540 : vector<1000x1xi1> to vector<1000x128xi1>
      %broadcast_in_dim3A_542 = vector.broadcast %jit3A_539 : f32 to vector<1000x128xf32>
      %select_n3A_543 = arith.select %broadcast_in_dim3A_541, %get3A_3, %broadcast_in_dim3A_542 : vector<1000x128xi1>, vector<1000x128xf32>
      %reduce_max3A_544 = arith.constant dense<0xFF800000> : vector<128xf32>
      %reduce_max3A_545 = vector.multi_reduction <maximumf>, %select_n3A_543, %reduce_max3A_544 [0] : vector<1000x128xf32> to vector<128xf32>
      %get3A_546 = arith.constant 29 : index
      %get3A_547 = arith.constant 0 : index
      %get3A_548 = vector.load %arg3[%get3A_546, %get3A_547] : memref<64x128xf32, #tpu.memory_space<vmem>>, vector<1x128xf32>
      %broadcast_in_dim3A_549 = vector.shape_cast %reduce_sum3A_529 : vector<128xf32> to vector<1x128xf32>
      %add3A = arith.addf %get3A_548, %broadcast_in_dim3A_549 : vector<1x128xf32>
      %swap3A = arith.constant 29 : index
      %swap3A_550 = arith.constant 0 : index
      %swap3A_551 = vector.load %arg3[%swap3A, %swap3A_550] : memref<64x128xf32, #tpu.memory_space<vmem>>, vector<1x128xf32>
      tpu.vector_store %arg3[%swap3A, %swap3A_550], %add3A {strides = array<i32>} : memref<64x128xf32, #tpu.memory_space<vmem>>, vector<1x128xf32>,
      %get3A_552 = arith.constant 29 : index
      %get3A_553 = arith.constant 0 : index
      %get3A_554 = vector.load %arg4[%get3A_552, %get3A_553] : memref<64x128xf32, #tpu.memory_space<vmem>>, vector<1x128xf32>
      %broadcast_in_dim3A_555 = vector.shape_cast %reduce_sum3A_538 : vector<128xf32> to vector<1x128xf32>
      %add3A_556 = arith.addf %get3A_554, %broadcast_in_dim3A_555 : vector<1x128xf32>
      %swap3A_557 = arith.constant 29 : index
      %swap3A_558 = arith.constant 0 : index
      %swap3A_559 = vector.load %arg4[%swap3A_557, %swap3A_558] : memref<64x128xf32, #tpu.memory_space<vmem>>, vector<1x128xf32>
      tpu.vector_store %arg4[%swap3A_557, %swap3A_558], %add3A_556 {strides = array<i32>} : memref<64x128xf32, #tpu.memory_space<vmem>>, vector<1x128xf32>,
      %get3A_560 = arith.constant 29 : index
      %get3A_561 = arith.constant 0 : index
      %get3A_562 = vector.load %arg5[%get3A_560, %get3A_561] : memref<64x128xf32, #tpu.memory_space<vmem>>, vector<1x128xf32>
      %broadcast_in_dim3A_563 = vector.shape_cast %reduce_max3A_545 : vector<128xf32> to vector<1x128xf32>
      %max3A = arith.maximumf %get3A_562, %broadcast_in_dim3A_563 : vector<1x128xf32>
      %swap3A_564 = arith.constant 29 : index
      %swap3A_565 = arith.constant 0 : index
      %swap3A_566 = vector.load %arg5[%swap3A_564, %swap3A_565] : memref<64x128xf32, #tpu.memory_space<vmem>>, vector<1x128xf32>
      tpu.vector_store %arg5[%swap3A_564, %swap3A_565], %max3A {strides = array<i32>} : memref<64x128xf32, #tpu.memory_space<vmem>>, vector<1x128xf32>,
    } else {
    }
    %le3A_252 = arith.constant 30 : i32
    %le3A_253 = arith.cmpi sle, %reduce_min3A_10, %le3A_252 : i32
    %ge3A_254 = arith.constant 30 : i32
    %ge3A_255 = arith.cmpi sge, %reduce_max3A_14, %ge3A_254 : i32
    %and3A_256 = arith.andi %le3A_253, %ge3A_255 : i1
    %convert_element_type3A_257 = arith.extui %and3A_256 : i1 to i32
    %cond3A_258 = arith.constant 0 : i32
    %cond3A_259 = arith.cmpi ne, %convert_element_type3A_257, %cond3A_258 : i32
    scf.if %cond3A_259 {
      %eq3A_524 = arith.constant 30 : i32
      %eq3A_525 = vector.broadcast %eq3A_524 : i32 to vector<1000x1xi32>
      %eq3A_526 = arith.cmpi eq, %get3A_6, %eq3A_525 : vector<1000x1xi32>
      %jit3A = arith.constant 0.000000e+00 : f32
      %broadcast_in_dim3A = vector.shape_cast %eq3A_526 : vector<1000x1xi1> to vector<1000x1xi1>
      %broadcast_in_dim3A_527 = vector.broadcast %broadcast_in_dim3A : vector<1000x1xi1> to vector<1000x128xi1>
      %broadcast_in_dim3A_528 = vector.broadcast %jit3A : f32 to vector<1000x128xf32>
      %select_n3A = arith.select %broadcast_in_dim3A_527, %get3A_3, %broadcast_in_dim3A_528 : vector<1000x128xi1>, vector<1000x128xf32>
      %reduce_sum3A = arith.constant dense<0.000000e+00> : vector<128xf32>
      %reduce_sum3A_529 = vector.multi_reduction <add>, %select_n3A, %reduce_sum3A [0] : vector<1000x128xf32> to vector<128xf32>
      %broadcast_in_dim3A_530 = arith.constant 1.000000e+00 : f32
      %broadcast_in_dim3A_531 = vector.broadcast %broadcast_in_dim3A_530 : f32 to vector<1000x128xf32>
      %jit3A_532 = arith.constant 0.000000e+00 : f32
      %broadcast_in_dim3A_533 = vector.shape_cast %eq3A_526 : vector<1000x1xi1> to vector<1000x1xi1>
      %broadcast_in_dim3A_534 = vector.broadcast %broadcast_in_dim3A_533 : vector<1000x1xi1> to vector<1000x128xi1>
      %broadcast_in_dim3A_535 = vector.broadcast %jit3A_532 : f32 to vector<1000x128xf32>
      %select_n3A_536 = arith.select %broadcast_in_dim3A_534, %broadcast_in_dim3A_531, %broadcast_in_dim3A_535 : vector<1000x128xi1>, vector<1000x128xf32>
      %reduce_sum3A_537 = arith.constant dense<0.000000e+00> : vector<128xf32>
      %reduce_sum3A_538 = vector.multi_reduction <add>, %select_n3A_536, %reduce_sum3A_537 [0] : vector<1000x128xf32> to vector<128xf32>
      %jit3A_539 = arith.constant 0xFF800000 : f32
      %broadcast_in_dim3A_540 = vector.shape_cast %eq3A_526 : vector<1000x1xi1> to vector<1000x1xi1>
      %broadcast_in_dim3A_541 = vector.broadcast %broadcast_in_dim3A_540 : vector<1000x1xi1> to vector<1000x128xi1>
      %broadcast_in_dim3A_542 = vector.broadcast %jit3A_539 : f32 to vector<1000x128xf32>
      %select_n3A_543 = arith.select %broadcast_in_dim3A_541, %get3A_3, %broadcast_in_dim3A_542 : vector<1000x128xi1>, vector<1000x128xf32>
      %reduce_max3A_544 = arith.constant dense<0xFF800000> : vector<128xf32>
      %reduce_max3A_545 = vector.multi_reduction <maximumf>, %select_n3A_543, %reduce_max3A_544 [0] : vector<1000x128xf32> to vector<128xf32>
      %get3A_546 = arith.constant 30 : index
      %get3A_547 = arith.constant 0 : index
      %get3A_548 = vector.load %arg3[%get3A_546, %get3A_547] : memref<64x128xf32, #tpu.memory_space<vmem>>, vector<1x128xf32>
      %broadcast_in_dim3A_549 = vector.shape_cast %reduce_sum3A_529 : vector<128xf32> to vector<1x128xf32>
      %add3A = arith.addf %get3A_548, %broadcast_in_dim3A_549 : vector<1x128xf32>
      %swap3A = arith.constant 30 : index
      %swap3A_550 = arith.constant 0 : index
      %swap3A_551 = vector.load %arg3[%swap3A, %swap3A_550] : memref<64x128xf32, #tpu.memory_space<vmem>>, vector<1x128xf32>
      tpu.vector_store %arg3[%swap3A, %swap3A_550], %add3A {strides = array<i32>} : memref<64x128xf32, #tpu.memory_space<vmem>>, vector<1x128xf32>,
      %get3A_552 = arith.constant 30 : index
      %get3A_553 = arith.constant 0 : index
      %get3A_554 = vector.load %arg4[%get3A_552, %get3A_553] : memref<64x128xf32, #tpu.memory_space<vmem>>, vector<1x128xf32>
      %broadcast_in_dim3A_555 = vector.shape_cast %reduce_sum3A_538 : vector<128xf32> to vector<1x128xf32>
      %add3A_556 = arith.addf %get3A_554, %broadcast_in_dim3A_555 : vector<1x128xf32>
      %swap3A_557 = arith.constant 30 : index
      %swap3A_558 = arith.constant 0 : index
      %swap3A_559 = vector.load %arg4[%swap3A_557, %swap3A_558] : memref<64x128xf32, #tpu.memory_space<vmem>>, vector<1x128xf32>
      tpu.vector_store %arg4[%swap3A_557, %swap3A_558], %add3A_556 {strides = array<i32>} : memref<64x128xf32, #tpu.memory_space<vmem>>, vector<1x128xf32>,
      %get3A_560 = arith.constant 30 : index
      %get3A_561 = arith.constant 0 : index
      %get3A_562 = vector.load %arg5[%get3A_560, %get3A_561] : memref<64x128xf32, #tpu.memory_space<vmem>>, vector<1x128xf32>
      %broadcast_in_dim3A_563 = vector.shape_cast %reduce_max3A_545 : vector<128xf32> to vector<1x128xf32>
      %max3A = arith.maximumf %get3A_562, %broadcast_in_dim3A_563 : vector<1x128xf32>
      %swap3A_564 = arith.constant 30 : index
      %swap3A_565 = arith.constant 0 : index
      %swap3A_566 = vector.load %arg5[%swap3A_564, %swap3A_565] : memref<64x128xf32, #tpu.memory_space<vmem>>, vector<1x128xf32>
      tpu.vector_store %arg5[%swap3A_564, %swap3A_565], %max3A {strides = array<i32>} : memref<64x128xf32, #tpu.memory_space<vmem>>, vector<1x128xf32>,
    } else {
    }
    %le3A_260 = arith.constant 31 : i32
    %le3A_261 = arith.cmpi sle, %reduce_min3A_10, %le3A_260 : i32
    %ge3A_262 = arith.constant 31 : i32
    %ge3A_263 = arith.cmpi sge, %reduce_max3A_14, %ge3A_262 : i32
    %and3A_264 = arith.andi %le3A_261, %ge3A_263 : i1
    %convert_element_type3A_265 = arith.extui %and3A_264 : i1 to i32
    %cond3A_266 = arith.constant 0 : i32
    %cond3A_267 = arith.cmpi ne, %convert_element_type3A_265, %cond3A_266 : i32
    scf.if %cond3A_267 {
      %eq3A_524 = arith.constant 31 : i32
      %eq3A_525 = vector.broadcast %eq3A_524 : i32 to vector<1000x1xi32>
      %eq3A_526 = arith.cmpi eq, %get3A_6, %eq3A_525 : vector<1000x1xi32>
      %jit3A = arith.constant 0.000000e+00 : f32
      %broadcast_in_dim3A = vector.shape_cast %eq3A_526 : vector<1000x1xi1> to vector<1000x1xi1>
      %broadcast_in_dim3A_527 = vector.broadcast %broadcast_in_dim3A : vector<1000x1xi1> to vector<1000x128xi1>
      %broadcast_in_dim3A_528 = vector.broadcast %jit3A : f32 to vector<1000x128xf32>
      %select_n3A = arith.select %broadcast_in_dim3A_527, %get3A_3, %broadcast_in_dim3A_528 : vector<1000x128xi1>, vector<1000x128xf32>
      %reduce_sum3A = arith.constant dense<0.000000e+00> : vector<128xf32>
      %reduce_sum3A_529 = vector.multi_reduction <add>, %select_n3A, %reduce_sum3A [0] : vector<1000x128xf32> to vector<128xf32>
      %broadcast_in_dim3A_530 = arith.constant 1.000000e+00 : f32
      %broadcast_in_dim3A_531 = vector.broadcast %broadcast_in_dim3A_530 : f32 to vector<1000x128xf32>
      %jit3A_532 = arith.constant 0.000000e+00 : f32
      %broadcast_in_dim3A_533 = vector.shape_cast %eq3A_526 : vector<1000x1xi1> to vector<1000x1xi1>
      %broadcast_in_dim3A_534 = vector.broadcast %broadcast_in_dim3A_533 : vector<1000x1xi1> to vector<1000x128xi1>
      %broadcast_in_dim3A_535 = vector.broadcast %jit3A_532 : f32 to vector<1000x128xf32>
      %select_n3A_536 = arith.select %broadcast_in_dim3A_534, %broadcast_in_dim3A_531, %broadcast_in_dim3A_535 : vector<1000x128xi1>, vector<1000x128xf32>
      %reduce_sum3A_537 = arith.constant dense<0.000000e+00> : vector<128xf32>
      %reduce_sum3A_538 = vector.multi_reduction <add>, %select_n3A_536, %reduce_sum3A_537 [0] : vector<1000x128xf32> to vector<128xf32>
      %jit3A_539 = arith.constant 0xFF800000 : f32
      %broadcast_in_dim3A_540 = vector.shape_cast %eq3A_526 : vector<1000x1xi1> to vector<1000x1xi1>
      %broadcast_in_dim3A_541 = vector.broadcast %broadcast_in_dim3A_540 : vector<1000x1xi1> to vector<1000x128xi1>
      %broadcast_in_dim3A_542 = vector.broadcast %jit3A_539 : f32 to vector<1000x128xf32>
      %select_n3A_543 = arith.select %broadcast_in_dim3A_541, %get3A_3, %broadcast_in_dim3A_542 : vector<1000x128xi1>, vector<1000x128xf32>
      %reduce_max3A_544 = arith.constant dense<0xFF800000> : vector<128xf32>
      %reduce_max3A_545 = vector.multi_reduction <maximumf>, %select_n3A_543, %reduce_max3A_544 [0] : vector<1000x128xf32> to vector<128xf32>
      %get3A_546 = arith.constant 31 : index
      %get3A_547 = arith.constant 0 : index
      %get3A_548 = vector.load %arg3[%get3A_546, %get3A_547] : memref<64x128xf32, #tpu.memory_space<vmem>>, vector<1x128xf32>
      %broadcast_in_dim3A_549 = vector.shape_cast %reduce_sum3A_529 : vector<128xf32> to vector<1x128xf32>
      %add3A = arith.addf %get3A_548, %broadcast_in_dim3A_549 : vector<1x128xf32>
      %swap3A = arith.constant 31 : index
      %swap3A_550 = arith.constant 0 : index
      %swap3A_551 = vector.load %arg3[%swap3A, %swap3A_550] : memref<64x128xf32, #tpu.memory_space<vmem>>, vector<1x128xf32>
      tpu.vector_store %arg3[%swap3A, %swap3A_550], %add3A {strides = array<i32>} : memref<64x128xf32, #tpu.memory_space<vmem>>, vector<1x128xf32>,
      %get3A_552 = arith.constant 31 : index
      %get3A_553 = arith.constant 0 : index
      %get3A_554 = vector.load %arg4[%get3A_552, %get3A_553] : memref<64x128xf32, #tpu.memory_space<vmem>>, vector<1x128xf32>
      %broadcast_in_dim3A_555 = vector.shape_cast %reduce_sum3A_538 : vector<128xf32> to vector<1x128xf32>
      %add3A_556 = arith.addf %get3A_554, %broadcast_in_dim3A_555 : vector<1x128xf32>
      %swap3A_557 = arith.constant 31 : index
      %swap3A_558 = arith.constant 0 : index
      %swap3A_559 = vector.load %arg4[%swap3A_557, %swap3A_558] : memref<64x128xf32, #tpu.memory_space<vmem>>, vector<1x128xf32>
      tpu.vector_store %arg4[%swap3A_557, %swap3A_558], %add3A_556 {strides = array<i32>} : memref<64x128xf32, #tpu.memory_space<vmem>>, vector<1x128xf32>,
      %get3A_560 = arith.constant 31 : index
      %get3A_561 = arith.constant 0 : index
      %get3A_562 = vector.load %arg5[%get3A_560, %get3A_561] : memref<64x128xf32, #tpu.memory_space<vmem>>, vector<1x128xf32>
      %broadcast_in_dim3A_563 = vector.shape_cast %reduce_max3A_545 : vector<128xf32> to vector<1x128xf32>
      %max3A = arith.maximumf %get3A_562, %broadcast_in_dim3A_563 : vector<1x128xf32>
      %swap3A_564 = arith.constant 31 : index
      %swap3A_565 = arith.constant 0 : index
      %swap3A_566 = vector.load %arg5[%swap3A_564, %swap3A_565] : memref<64x128xf32, #tpu.memory_space<vmem>>, vector<1x128xf32>
      tpu.vector_store %arg5[%swap3A_564, %swap3A_565], %max3A {strides = array<i32>} : memref<64x128xf32, #tpu.memory_space<vmem>>, vector<1x128xf32>,
    } else {
    }
    %le3A_268 = arith.constant 32 : i32
    %le3A_269 = arith.cmpi sle, %reduce_min3A_10, %le3A_268 : i32
    %ge3A_270 = arith.constant 32 : i32
    %ge3A_271 = arith.cmpi sge, %reduce_max3A_14, %ge3A_270 : i32
    %and3A_272 = arith.andi %le3A_269, %ge3A_271 : i1
    %convert_element_type3A_273 = arith.extui %and3A_272 : i1 to i32
    %cond3A_274 = arith.constant 0 : i32
    %cond3A_275 = arith.cmpi ne, %convert_element_type3A_273, %cond3A_274 : i32
    scf.if %cond3A_275 {
      %eq3A_524 = arith.constant 32 : i32
      %eq3A_525 = vector.broadcast %eq3A_524 : i32 to vector<1000x1xi32>
      %eq3A_526 = arith.cmpi eq, %get3A_6, %eq3A_525 : vector<1000x1xi32>
      %jit3A = arith.constant 0.000000e+00 : f32
      %broadcast_in_dim3A = vector.shape_cast %eq3A_526 : vector<1000x1xi1> to vector<1000x1xi1>
      %broadcast_in_dim3A_527 = vector.broadcast %broadcast_in_dim3A : vector<1000x1xi1> to vector<1000x128xi1>
      %broadcast_in_dim3A_528 = vector.broadcast %jit3A : f32 to vector<1000x128xf32>
      %select_n3A = arith.select %broadcast_in_dim3A_527, %get3A_3, %broadcast_in_dim3A_528 : vector<1000x128xi1>, vector<1000x128xf32>
      %reduce_sum3A = arith.constant dense<0.000000e+00> : vector<128xf32>
      %reduce_sum3A_529 = vector.multi_reduction <add>, %select_n3A, %reduce_sum3A [0] : vector<1000x128xf32> to vector<128xf32>
      %broadcast_in_dim3A_530 = arith.constant 1.000000e+00 : f32
      %broadcast_in_dim3A_531 = vector.broadcast %broadcast_in_dim3A_530 : f32 to vector<1000x128xf32>
      %jit3A_532 = arith.constant 0.000000e+00 : f32
      %broadcast_in_dim3A_533 = vector.shape_cast %eq3A_526 : vector<1000x1xi1> to vector<1000x1xi1>
      %broadcast_in_dim3A_534 = vector.broadcast %broadcast_in_dim3A_533 : vector<1000x1xi1> to vector<1000x128xi1>
      %broadcast_in_dim3A_535 = vector.broadcast %jit3A_532 : f32 to vector<1000x128xf32>
      %select_n3A_536 = arith.select %broadcast_in_dim3A_534, %broadcast_in_dim3A_531, %broadcast_in_dim3A_535 : vector<1000x128xi1>, vector<1000x128xf32>
      %reduce_sum3A_537 = arith.constant dense<0.000000e+00> : vector<128xf32>
      %reduce_sum3A_538 = vector.multi_reduction <add>, %select_n3A_536, %reduce_sum3A_537 [0] : vector<1000x128xf32> to vector<128xf32>
      %jit3A_539 = arith.constant 0xFF800000 : f32
      %broadcast_in_dim3A_540 = vector.shape_cast %eq3A_526 : vector<1000x1xi1> to vector<1000x1xi1>
      %broadcast_in_dim3A_541 = vector.broadcast %broadcast_in_dim3A_540 : vector<1000x1xi1> to vector<1000x128xi1>
      %broadcast_in_dim3A_542 = vector.broadcast %jit3A_539 : f32 to vector<1000x128xf32>
      %select_n3A_543 = arith.select %broadcast_in_dim3A_541, %get3A_3, %broadcast_in_dim3A_542 : vector<1000x128xi1>, vector<1000x128xf32>
      %reduce_max3A_544 = arith.constant dense<0xFF800000> : vector<128xf32>
      %reduce_max3A_545 = vector.multi_reduction <maximumf>, %select_n3A_543, %reduce_max3A_544 [0] : vector<1000x128xf32> to vector<128xf32>
      %get3A_546 = arith.constant 32 : index
      %get3A_547 = arith.constant 0 : index
      %get3A_548 = vector.load %arg3[%get3A_546, %get3A_547] : memref<64x128xf32, #tpu.memory_space<vmem>>, vector<1x128xf32>
      %broadcast_in_dim3A_549 = vector.shape_cast %reduce_sum3A_529 : vector<128xf32> to vector<1x128xf32>
      %add3A = arith.addf %get3A_548, %broadcast_in_dim3A_549 : vector<1x128xf32>
      %swap3A = arith.constant 32 : index
      %swap3A_550 = arith.constant 0 : index
      %swap3A_551 = vector.load %arg3[%swap3A, %swap3A_550] : memref<64x128xf32, #tpu.memory_space<vmem>>, vector<1x128xf32>
      tpu.vector_store %arg3[%swap3A, %swap3A_550], %add3A {strides = array<i32>} : memref<64x128xf32, #tpu.memory_space<vmem>>, vector<1x128xf32>,
      %get3A_552 = arith.constant 32 : index
      %get3A_553 = arith.constant 0 : index
      %get3A_554 = vector.load %arg4[%get3A_552, %get3A_553] : memref<64x128xf32, #tpu.memory_space<vmem>>, vector<1x128xf32>
      %broadcast_in_dim3A_555 = vector.shape_cast %reduce_sum3A_538 : vector<128xf32> to vector<1x128xf32>
      %add3A_556 = arith.addf %get3A_554, %broadcast_in_dim3A_555 : vector<1x128xf32>
      %swap3A_557 = arith.constant 32 : index
      %swap3A_558 = arith.constant 0 : index
      %swap3A_559 = vector.load %arg4[%swap3A_557, %swap3A_558] : memref<64x128xf32, #tpu.memory_space<vmem>>, vector<1x128xf32>
      tpu.vector_store %arg4[%swap3A_557, %swap3A_558], %add3A_556 {strides = array<i32>} : memref<64x128xf32, #tpu.memory_space<vmem>>, vector<1x128xf32>,
      %get3A_560 = arith.constant 32 : index
      %get3A_561 = arith.constant 0 : index
      %get3A_562 = vector.load %arg5[%get3A_560, %get3A_561] : memref<64x128xf32, #tpu.memory_space<vmem>>, vector<1x128xf32>
      %broadcast_in_dim3A_563 = vector.shape_cast %reduce_max3A_545 : vector<128xf32> to vector<1x128xf32>
      %max3A = arith.maximumf %get3A_562, %broadcast_in_dim3A_563 : vector<1x128xf32>
      %swap3A_564 = arith.constant 32 : index
      %swap3A_565 = arith.constant 0 : index
      %swap3A_566 = vector.load %arg5[%swap3A_564, %swap3A_565] : memref<64x128xf32, #tpu.memory_space<vmem>>, vector<1x128xf32>
      tpu.vector_store %arg5[%swap3A_564, %swap3A_565], %max3A {strides = array<i32>} : memref<64x128xf32, #tpu.memory_space<vmem>>, vector<1x128xf32>,
    } else {
    }
    %le3A_276 = arith.constant 33 : i32
    %le3A_277 = arith.cmpi sle, %reduce_min3A_10, %le3A_276 : i32
    %ge3A_278 = arith.constant 33 : i32
    %ge3A_279 = arith.cmpi sge, %reduce_max3A_14, %ge3A_278 : i32
    %and3A_280 = arith.andi %le3A_277, %ge3A_279 : i1
    %convert_element_type3A_281 = arith.extui %and3A_280 : i1 to i32
    %cond3A_282 = arith.constant 0 : i32
    %cond3A_283 = arith.cmpi ne, %convert_element_type3A_281, %cond3A_282 : i32
    scf.if %cond3A_283 {
      %eq3A_524 = arith.constant 33 : i32
      %eq3A_525 = vector.broadcast %eq3A_524 : i32 to vector<1000x1xi32>
      %eq3A_526 = arith.cmpi eq, %get3A_6, %eq3A_525 : vector<1000x1xi32>
      %jit3A = arith.constant 0.000000e+00 : f32
      %broadcast_in_dim3A = vector.shape_cast %eq3A_526 : vector<1000x1xi1> to vector<1000x1xi1>
      %broadcast_in_dim3A_527 = vector.broadcast %broadcast_in_dim3A : vector<1000x1xi1> to vector<1000x128xi1>
      %broadcast_in_dim3A_528 = vector.broadcast %jit3A : f32 to vector<1000x128xf32>
      %select_n3A = arith.select %broadcast_in_dim3A_527, %get3A_3, %broadcast_in_dim3A_528 : vector<1000x128xi1>, vector<1000x128xf32>
      %reduce_sum3A = arith.constant dense<0.000000e+00> : vector<128xf32>
      %reduce_sum3A_529 = vector.multi_reduction <add>, %select_n3A, %reduce_sum3A [0] : vector<1000x128xf32> to vector<128xf32>
      %broadcast_in_dim3A_530 = arith.constant 1.000000e+00 : f32
      %broadcast_in_dim3A_531 = vector.broadcast %broadcast_in_dim3A_530 : f32 to vector<1000x128xf32>
      %jit3A_532 = arith.constant 0.000000e+00 : f32
      %broadcast_in_dim3A_533 = vector.shape_cast %eq3A_526 : vector<1000x1xi1> to vector<1000x1xi1>
      %broadcast_in_dim3A_534 = vector.broadcast %broadcast_in_dim3A_533 : vector<1000x1xi1> to vector<1000x128xi1>
      %broadcast_in_dim3A_535 = vector.broadcast %jit3A_532 : f32 to vector<1000x128xf32>
      %select_n3A_536 = arith.select %broadcast_in_dim3A_534, %broadcast_in_dim3A_531, %broadcast_in_dim3A_535 : vector<1000x128xi1>, vector<1000x128xf32>
      %reduce_sum3A_537 = arith.constant dense<0.000000e+00> : vector<128xf32>
      %reduce_sum3A_538 = vector.multi_reduction <add>, %select_n3A_536, %reduce_sum3A_537 [0] : vector<1000x128xf32> to vector<128xf32>
      %jit3A_539 = arith.constant 0xFF800000 : f32
      %broadcast_in_dim3A_540 = vector.shape_cast %eq3A_526 : vector<1000x1xi1> to vector<1000x1xi1>
      %broadcast_in_dim3A_541 = vector.broadcast %broadcast_in_dim3A_540 : vector<1000x1xi1> to vector<1000x128xi1>
      %broadcast_in_dim3A_542 = vector.broadcast %jit3A_539 : f32 to vector<1000x128xf32>
      %select_n3A_543 = arith.select %broadcast_in_dim3A_541, %get3A_3, %broadcast_in_dim3A_542 : vector<1000x128xi1>, vector<1000x128xf32>
      %reduce_max3A_544 = arith.constant dense<0xFF800000> : vector<128xf32>
      %reduce_max3A_545 = vector.multi_reduction <maximumf>, %select_n3A_543, %reduce_max3A_544 [0] : vector<1000x128xf32> to vector<128xf32>
      %get3A_546 = arith.constant 33 : index
      %get3A_547 = arith.constant 0 : index
      %get3A_548 = vector.load %arg3[%get3A_546, %get3A_547] : memref<64x128xf32, #tpu.memory_space<vmem>>, vector<1x128xf32>
      %broadcast_in_dim3A_549 = vector.shape_cast %reduce_sum3A_529 : vector<128xf32> to vector<1x128xf32>
      %add3A = arith.addf %get3A_548, %broadcast_in_dim3A_549 : vector<1x128xf32>
      %swap3A = arith.constant 33 : index
      %swap3A_550 = arith.constant 0 : index
      %swap3A_551 = vector.load %arg3[%swap3A, %swap3A_550] : memref<64x128xf32, #tpu.memory_space<vmem>>, vector<1x128xf32>
      tpu.vector_store %arg3[%swap3A, %swap3A_550], %add3A {strides = array<i32>} : memref<64x128xf32, #tpu.memory_space<vmem>>, vector<1x128xf32>,
      %get3A_552 = arith.constant 33 : index
      %get3A_553 = arith.constant 0 : index
      %get3A_554 = vector.load %arg4[%get3A_552, %get3A_553] : memref<64x128xf32, #tpu.memory_space<vmem>>, vector<1x128xf32>
      %broadcast_in_dim3A_555 = vector.shape_cast %reduce_sum3A_538 : vector<128xf32> to vector<1x128xf32>
      %add3A_556 = arith.addf %get3A_554, %broadcast_in_dim3A_555 : vector<1x128xf32>
      %swap3A_557 = arith.constant 33 : index
      %swap3A_558 = arith.constant 0 : index
      %swap3A_559 = vector.load %arg4[%swap3A_557, %swap3A_558] : memref<64x128xf32, #tpu.memory_space<vmem>>, vector<1x128xf32>
      tpu.vector_store %arg4[%swap3A_557, %swap3A_558], %add3A_556 {strides = array<i32>} : memref<64x128xf32, #tpu.memory_space<vmem>>, vector<1x128xf32>,
      %get3A_560 = arith.constant 33 : index
      %get3A_561 = arith.constant 0 : index
      %get3A_562 = vector.load %arg5[%get3A_560, %get3A_561] : memref<64x128xf32, #tpu.memory_space<vmem>>, vector<1x128xf32>
      %broadcast_in_dim3A_563 = vector.shape_cast %reduce_max3A_545 : vector<128xf32> to vector<1x128xf32>
      %max3A = arith.maximumf %get3A_562, %broadcast_in_dim3A_563 : vector<1x128xf32>
      %swap3A_564 = arith.constant 33 : index
      %swap3A_565 = arith.constant 0 : index
      %swap3A_566 = vector.load %arg5[%swap3A_564, %swap3A_565] : memref<64x128xf32, #tpu.memory_space<vmem>>, vector<1x128xf32>
      tpu.vector_store %arg5[%swap3A_564, %swap3A_565], %max3A {strides = array<i32>} : memref<64x128xf32, #tpu.memory_space<vmem>>, vector<1x128xf32>,
    } else {
    }
    %le3A_284 = arith.constant 34 : i32
    %le3A_285 = arith.cmpi sle, %reduce_min3A_10, %le3A_284 : i32
    %ge3A_286 = arith.constant 34 : i32
    %ge3A_287 = arith.cmpi sge, %reduce_max3A_14, %ge3A_286 : i32
    %and3A_288 = arith.andi %le3A_285, %ge3A_287 : i1
    %convert_element_type3A_289 = arith.extui %and3A_288 : i1 to i32
    %cond3A_290 = arith.constant 0 : i32
    %cond3A_291 = arith.cmpi ne, %convert_element_type3A_289, %cond3A_290 : i32
    scf.if %cond3A_291 {
      %eq3A_524 = arith.constant 34 : i32
      %eq3A_525 = vector.broadcast %eq3A_524 : i32 to vector<1000x1xi32>
      %eq3A_526 = arith.cmpi eq, %get3A_6, %eq3A_525 : vector<1000x1xi32>
      %jit3A = arith.constant 0.000000e+00 : f32
      %broadcast_in_dim3A = vector.shape_cast %eq3A_526 : vector<1000x1xi1> to vector<1000x1xi1>
      %broadcast_in_dim3A_527 = vector.broadcast %broadcast_in_dim3A : vector<1000x1xi1> to vector<1000x128xi1>
      %broadcast_in_dim3A_528 = vector.broadcast %jit3A : f32 to vector<1000x128xf32>
      %select_n3A = arith.select %broadcast_in_dim3A_527, %get3A_3, %broadcast_in_dim3A_528 : vector<1000x128xi1>, vector<1000x128xf32>
      %reduce_sum3A = arith.constant dense<0.000000e+00> : vector<128xf32>
      %reduce_sum3A_529 = vector.multi_reduction <add>, %select_n3A, %reduce_sum3A [0] : vector<1000x128xf32> to vector<128xf32>
      %broadcast_in_dim3A_530 = arith.constant 1.000000e+00 : f32
      %broadcast_in_dim3A_531 = vector.broadcast %broadcast_in_dim3A_530 : f32 to vector<1000x128xf32>
      %jit3A_532 = arith.constant 0.000000e+00 : f32
      %broadcast_in_dim3A_533 = vector.shape_cast %eq3A_526 : vector<1000x1xi1> to vector<1000x1xi1>
      %broadcast_in_dim3A_534 = vector.broadcast %broadcast_in_dim3A_533 : vector<1000x1xi1> to vector<1000x128xi1>
      %broadcast_in_dim3A_535 = vector.broadcast %jit3A_532 : f32 to vector<1000x128xf32>
      %select_n3A_536 = arith.select %broadcast_in_dim3A_534, %broadcast_in_dim3A_531, %broadcast_in_dim3A_535 : vector<1000x128xi1>, vector<1000x128xf32>
      %reduce_sum3A_537 = arith.constant dense<0.000000e+00> : vector<128xf32>
      %reduce_sum3A_538 = vector.multi_reduction <add>, %select_n3A_536, %reduce_sum3A_537 [0] : vector<1000x128xf32> to vector<128xf32>
      %jit3A_539 = arith.constant 0xFF800000 : f32
      %broadcast_in_dim3A_540 = vector.shape_cast %eq3A_526 : vector<1000x1xi1> to vector<1000x1xi1>
      %broadcast_in_dim3A_541 = vector.broadcast %broadcast_in_dim3A_540 : vector<1000x1xi1> to vector<1000x128xi1>
      %broadcast_in_dim3A_542 = vector.broadcast %jit3A_539 : f32 to vector<1000x128xf32>
      %select_n3A_543 = arith.select %broadcast_in_dim3A_541, %get3A_3, %broadcast_in_dim3A_542 : vector<1000x128xi1>, vector<1000x128xf32>
      %reduce_max3A_544 = arith.constant dense<0xFF800000> : vector<128xf32>
      %reduce_max3A_545 = vector.multi_reduction <maximumf>, %select_n3A_543, %reduce_max3A_544 [0] : vector<1000x128xf32> to vector<128xf32>
      %get3A_546 = arith.constant 34 : index
      %get3A_547 = arith.constant 0 : index
      %get3A_548 = vector.load %arg3[%get3A_546, %get3A_547] : memref<64x128xf32, #tpu.memory_space<vmem>>, vector<1x128xf32>
      %broadcast_in_dim3A_549 = vector.shape_cast %reduce_sum3A_529 : vector<128xf32> to vector<1x128xf32>
      %add3A = arith.addf %get3A_548, %broadcast_in_dim3A_549 : vector<1x128xf32>
      %swap3A = arith.constant 34 : index
      %swap3A_550 = arith.constant 0 : index
      %swap3A_551 = vector.load %arg3[%swap3A, %swap3A_550] : memref<64x128xf32, #tpu.memory_space<vmem>>, vector<1x128xf32>
      tpu.vector_store %arg3[%swap3A, %swap3A_550], %add3A {strides = array<i32>} : memref<64x128xf32, #tpu.memory_space<vmem>>, vector<1x128xf32>,
      %get3A_552 = arith.constant 34 : index
      %get3A_553 = arith.constant 0 : index
      %get3A_554 = vector.load %arg4[%get3A_552, %get3A_553] : memref<64x128xf32, #tpu.memory_space<vmem>>, vector<1x128xf32>
      %broadcast_in_dim3A_555 = vector.shape_cast %reduce_sum3A_538 : vector<128xf32> to vector<1x128xf32>
      %add3A_556 = arith.addf %get3A_554, %broadcast_in_dim3A_555 : vector<1x128xf32>
      %swap3A_557 = arith.constant 34 : index
      %swap3A_558 = arith.constant 0 : index
      %swap3A_559 = vector.load %arg4[%swap3A_557, %swap3A_558] : memref<64x128xf32, #tpu.memory_space<vmem>>, vector<1x128xf32>
      tpu.vector_store %arg4[%swap3A_557, %swap3A_558], %add3A_556 {strides = array<i32>} : memref<64x128xf32, #tpu.memory_space<vmem>>, vector<1x128xf32>,
      %get3A_560 = arith.constant 34 : index
      %get3A_561 = arith.constant 0 : index
      %get3A_562 = vector.load %arg5[%get3A_560, %get3A_561] : memref<64x128xf32, #tpu.memory_space<vmem>>, vector<1x128xf32>
      %broadcast_in_dim3A_563 = vector.shape_cast %reduce_max3A_545 : vector<128xf32> to vector<1x128xf32>
      %max3A = arith.maximumf %get3A_562, %broadcast_in_dim3A_563 : vector<1x128xf32>
      %swap3A_564 = arith.constant 34 : index
      %swap3A_565 = arith.constant 0 : index
      %swap3A_566 = vector.load %arg5[%swap3A_564, %swap3A_565] : memref<64x128xf32, #tpu.memory_space<vmem>>, vector<1x128xf32>
      tpu.vector_store %arg5[%swap3A_564, %swap3A_565], %max3A {strides = array<i32>} : memref<64x128xf32, #tpu.memory_space<vmem>>, vector<1x128xf32>,
    } else {
    }
    %le3A_292 = arith.constant 35 : i32
    %le3A_293 = arith.cmpi sle, %reduce_min3A_10, %le3A_292 : i32
    %ge3A_294 = arith.constant 35 : i32
    %ge3A_295 = arith.cmpi sge, %reduce_max3A_14, %ge3A_294 : i32
    %and3A_296 = arith.andi %le3A_293, %ge3A_295 : i1
    %convert_element_type3A_297 = arith.extui %and3A_296 : i1 to i32
    %cond3A_298 = arith.constant 0 : i32
    %cond3A_299 = arith.cmpi ne, %convert_element_type3A_297, %cond3A_298 : i32
    scf.if %cond3A_299 {
      %eq3A_524 = arith.constant 35 : i32
      %eq3A_525 = vector.broadcast %eq3A_524 : i32 to vector<1000x1xi32>
      %eq3A_526 = arith.cmpi eq, %get3A_6, %eq3A_525 : vector<1000x1xi32>
      %jit3A = arith.constant 0.000000e+00 : f32
      %broadcast_in_dim3A = vector.shape_cast %eq3A_526 : vector<1000x1xi1> to vector<1000x1xi1>
      %broadcast_in_dim3A_527 = vector.broadcast %broadcast_in_dim3A : vector<1000x1xi1> to vector<1000x128xi1>
      %broadcast_in_dim3A_528 = vector.broadcast %jit3A : f32 to vector<1000x128xf32>
      %select_n3A = arith.select %broadcast_in_dim3A_527, %get3A_3, %broadcast_in_dim3A_528 : vector<1000x128xi1>, vector<1000x128xf32>
      %reduce_sum3A = arith.constant dense<0.000000e+00> : vector<128xf32>
      %reduce_sum3A_529 = vector.multi_reduction <add>, %select_n3A, %reduce_sum3A [0] : vector<1000x128xf32> to vector<128xf32>
      %broadcast_in_dim3A_530 = arith.constant 1.000000e+00 : f32
      %broadcast_in_dim3A_531 = vector.broadcast %broadcast_in_dim3A_530 : f32 to vector<1000x128xf32>
      %jit3A_532 = arith.constant 0.000000e+00 : f32
      %broadcast_in_dim3A_533 = vector.shape_cast %eq3A_526 : vector<1000x1xi1> to vector<1000x1xi1>
      %broadcast_in_dim3A_534 = vector.broadcast %broadcast_in_dim3A_533 : vector<1000x1xi1> to vector<1000x128xi1>
      %broadcast_in_dim3A_535 = vector.broadcast %jit3A_532 : f32 to vector<1000x128xf32>
      %select_n3A_536 = arith.select %broadcast_in_dim3A_534, %broadcast_in_dim3A_531, %broadcast_in_dim3A_535 : vector<1000x128xi1>, vector<1000x128xf32>
      %reduce_sum3A_537 = arith.constant dense<0.000000e+00> : vector<128xf32>
      %reduce_sum3A_538 = vector.multi_reduction <add>, %select_n3A_536, %reduce_sum3A_537 [0] : vector<1000x128xf32> to vector<128xf32>
      %jit3A_539 = arith.constant 0xFF800000 : f32
      %broadcast_in_dim3A_540 = vector.shape_cast %eq3A_526 : vector<1000x1xi1> to vector<1000x1xi1>
      %broadcast_in_dim3A_541 = vector.broadcast %broadcast_in_dim3A_540 : vector<1000x1xi1> to vector<1000x128xi1>
      %broadcast_in_dim3A_542 = vector.broadcast %jit3A_539 : f32 to vector<1000x128xf32>
      %select_n3A_543 = arith.select %broadcast_in_dim3A_541, %get3A_3, %broadcast_in_dim3A_542 : vector<1000x128xi1>, vector<1000x128xf32>
      %reduce_max3A_544 = arith.constant dense<0xFF800000> : vector<128xf32>
      %reduce_max3A_545 = vector.multi_reduction <maximumf>, %select_n3A_543, %reduce_max3A_544 [0] : vector<1000x128xf32> to vector<128xf32>
      %get3A_546 = arith.constant 35 : index
      %get3A_547 = arith.constant 0 : index
      %get3A_548 = vector.load %arg3[%get3A_546, %get3A_547] : memref<64x128xf32, #tpu.memory_space<vmem>>, vector<1x128xf32>
      %broadcast_in_dim3A_549 = vector.shape_cast %reduce_sum3A_529 : vector<128xf32> to vector<1x128xf32>
      %add3A = arith.addf %get3A_548, %broadcast_in_dim3A_549 : vector<1x128xf32>
      %swap3A = arith.constant 35 : index
      %swap3A_550 = arith.constant 0 : index
      %swap3A_551 = vector.load %arg3[%swap3A, %swap3A_550] : memref<64x128xf32, #tpu.memory_space<vmem>>, vector<1x128xf32>
      tpu.vector_store %arg3[%swap3A, %swap3A_550], %add3A {strides = array<i32>} : memref<64x128xf32, #tpu.memory_space<vmem>>, vector<1x128xf32>,
      %get3A_552 = arith.constant 35 : index
      %get3A_553 = arith.constant 0 : index
      %get3A_554 = vector.load %arg4[%get3A_552, %get3A_553] : memref<64x128xf32, #tpu.memory_space<vmem>>, vector<1x128xf32>
      %broadcast_in_dim3A_555 = vector.shape_cast %reduce_sum3A_538 : vector<128xf32> to vector<1x128xf32>
      %add3A_556 = arith.addf %get3A_554, %broadcast_in_dim3A_555 : vector<1x128xf32>
      %swap3A_557 = arith.constant 35 : index
      %swap3A_558 = arith.constant 0 : index
      %swap3A_559 = vector.load %arg4[%swap3A_557, %swap3A_558] : memref<64x128xf32, #tpu.memory_space<vmem>>, vector<1x128xf32>
      tpu.vector_store %arg4[%swap3A_557, %swap3A_558], %add3A_556 {strides = array<i32>} : memref<64x128xf32, #tpu.memory_space<vmem>>, vector<1x128xf32>,
      %get3A_560 = arith.constant 35 : index
      %get3A_561 = arith.constant 0 : index
      %get3A_562 = vector.load %arg5[%get3A_560, %get3A_561] : memref<64x128xf32, #tpu.memory_space<vmem>>, vector<1x128xf32>
      %broadcast_in_dim3A_563 = vector.shape_cast %reduce_max3A_545 : vector<128xf32> to vector<1x128xf32>
      %max3A = arith.maximumf %get3A_562, %broadcast_in_dim3A_563 : vector<1x128xf32>
      %swap3A_564 = arith.constant 35 : index
      %swap3A_565 = arith.constant 0 : index
      %swap3A_566 = vector.load %arg5[%swap3A_564, %swap3A_565] : memref<64x128xf32, #tpu.memory_space<vmem>>, vector<1x128xf32>
      tpu.vector_store %arg5[%swap3A_564, %swap3A_565], %max3A {strides = array<i32>} : memref<64x128xf32, #tpu.memory_space<vmem>>, vector<1x128xf32>,
    } else {
    }
    %le3A_300 = arith.constant 36 : i32
    %le3A_301 = arith.cmpi sle, %reduce_min3A_10, %le3A_300 : i32
    %ge3A_302 = arith.constant 36 : i32
    %ge3A_303 = arith.cmpi sge, %reduce_max3A_14, %ge3A_302 : i32
    %and3A_304 = arith.andi %le3A_301, %ge3A_303 : i1
    %convert_element_type3A_305 = arith.extui %and3A_304 : i1 to i32
    %cond3A_306 = arith.constant 0 : i32
    %cond3A_307 = arith.cmpi ne, %convert_element_type3A_305, %cond3A_306 : i32
    scf.if %cond3A_307 {
      %eq3A_524 = arith.constant 36 : i32
      %eq3A_525 = vector.broadcast %eq3A_524 : i32 to vector<1000x1xi32>
      %eq3A_526 = arith.cmpi eq, %get3A_6, %eq3A_525 : vector<1000x1xi32>
      %jit3A = arith.constant 0.000000e+00 : f32
      %broadcast_in_dim3A = vector.shape_cast %eq3A_526 : vector<1000x1xi1> to vector<1000x1xi1>
      %broadcast_in_dim3A_527 = vector.broadcast %broadcast_in_dim3A : vector<1000x1xi1> to vector<1000x128xi1>
      %broadcast_in_dim3A_528 = vector.broadcast %jit3A : f32 to vector<1000x128xf32>
      %select_n3A = arith.select %broadcast_in_dim3A_527, %get3A_3, %broadcast_in_dim3A_528 : vector<1000x128xi1>, vector<1000x128xf32>
      %reduce_sum3A = arith.constant dense<0.000000e+00> : vector<128xf32>
      %reduce_sum3A_529 = vector.multi_reduction <add>, %select_n3A, %reduce_sum3A [0] : vector<1000x128xf32> to vector<128xf32>
      %broadcast_in_dim3A_530 = arith.constant 1.000000e+00 : f32
      %broadcast_in_dim3A_531 = vector.broadcast %broadcast_in_dim3A_530 : f32 to vector<1000x128xf32>
      %jit3A_532 = arith.constant 0.000000e+00 : f32
      %broadcast_in_dim3A_533 = vector.shape_cast %eq3A_526 : vector<1000x1xi1> to vector<1000x1xi1>
      %broadcast_in_dim3A_534 = vector.broadcast %broadcast_in_dim3A_533 : vector<1000x1xi1> to vector<1000x128xi1>
      %broadcast_in_dim3A_535 = vector.broadcast %jit3A_532 : f32 to vector<1000x128xf32>
      %select_n3A_536 = arith.select %broadcast_in_dim3A_534, %broadcast_in_dim3A_531, %broadcast_in_dim3A_535 : vector<1000x128xi1>, vector<1000x128xf32>
      %reduce_sum3A_537 = arith.constant dense<0.000000e+00> : vector<128xf32>
      %reduce_sum3A_538 = vector.multi_reduction <add>, %select_n3A_536, %reduce_sum3A_537 [0] : vector<1000x128xf32> to vector<128xf32>
      %jit3A_539 = arith.constant 0xFF800000 : f32
      %broadcast_in_dim3A_540 = vector.shape_cast %eq3A_526 : vector<1000x1xi1> to vector<1000x1xi1>
      %broadcast_in_dim3A_541 = vector.broadcast %broadcast_in_dim3A_540 : vector<1000x1xi1> to vector<1000x128xi1>
      %broadcast_in_dim3A_542 = vector.broadcast %jit3A_539 : f32 to vector<1000x128xf32>
      %select_n3A_543 = arith.select %broadcast_in_dim3A_541, %get3A_3, %broadcast_in_dim3A_542 : vector<1000x128xi1>, vector<1000x128xf32>
      %reduce_max3A_544 = arith.constant dense<0xFF800000> : vector<128xf32>
      %reduce_max3A_545 = vector.multi_reduction <maximumf>, %select_n3A_543, %reduce_max3A_544 [0] : vector<1000x128xf32> to vector<128xf32>
      %get3A_546 = arith.constant 36 : index
      %get3A_547 = arith.constant 0 : index
      %get3A_548 = vector.load %arg3[%get3A_546, %get3A_547] : memref<64x128xf32, #tpu.memory_space<vmem>>, vector<1x128xf32>
      %broadcast_in_dim3A_549 = vector.shape_cast %reduce_sum3A_529 : vector<128xf32> to vector<1x128xf32>
      %add3A = arith.addf %get3A_548, %broadcast_in_dim3A_549 : vector<1x128xf32>
      %swap3A = arith.constant 36 : index
      %swap3A_550 = arith.constant 0 : index
      %swap3A_551 = vector.load %arg3[%swap3A, %swap3A_550] : memref<64x128xf32, #tpu.memory_space<vmem>>, vector<1x128xf32>
      tpu.vector_store %arg3[%swap3A, %swap3A_550], %add3A {strides = array<i32>} : memref<64x128xf32, #tpu.memory_space<vmem>>, vector<1x128xf32>,
      %get3A_552 = arith.constant 36 : index
      %get3A_553 = arith.constant 0 : index
      %get3A_554 = vector.load %arg4[%get3A_552, %get3A_553] : memref<64x128xf32, #tpu.memory_space<vmem>>, vector<1x128xf32>
      %broadcast_in_dim3A_555 = vector.shape_cast %reduce_sum3A_538 : vector<128xf32> to vector<1x128xf32>
      %add3A_556 = arith.addf %get3A_554, %broadcast_in_dim3A_555 : vector<1x128xf32>
      %swap3A_557 = arith.constant 36 : index
      %swap3A_558 = arith.constant 0 : index
      %swap3A_559 = vector.load %arg4[%swap3A_557, %swap3A_558] : memref<64x128xf32, #tpu.memory_space<vmem>>, vector<1x128xf32>
      tpu.vector_store %arg4[%swap3A_557, %swap3A_558], %add3A_556 {strides = array<i32>} : memref<64x128xf32, #tpu.memory_space<vmem>>, vector<1x128xf32>,
      %get3A_560 = arith.constant 36 : index
      %get3A_561 = arith.constant 0 : index
      %get3A_562 = vector.load %arg5[%get3A_560, %get3A_561] : memref<64x128xf32, #tpu.memory_space<vmem>>, vector<1x128xf32>
      %broadcast_in_dim3A_563 = vector.shape_cast %reduce_max3A_545 : vector<128xf32> to vector<1x128xf32>
      %max3A = arith.maximumf %get3A_562, %broadcast_in_dim3A_563 : vector<1x128xf32>
      %swap3A_564 = arith.constant 36 : index
      %swap3A_565 = arith.constant 0 : index
      %swap3A_566 = vector.load %arg5[%swap3A_564, %swap3A_565] : memref<64x128xf32, #tpu.memory_space<vmem>>, vector<1x128xf32>
      tpu.vector_store %arg5[%swap3A_564, %swap3A_565], %max3A {strides = array<i32>} : memref<64x128xf32, #tpu.memory_space<vmem>>, vector<1x128xf32>,
    } else {
    }
    %le3A_308 = arith.constant 37 : i32
    %le3A_309 = arith.cmpi sle, %reduce_min3A_10, %le3A_308 : i32
    %ge3A_310 = arith.constant 37 : i32
    %ge3A_311 = arith.cmpi sge, %reduce_max3A_14, %ge3A_310 : i32
    %and3A_312 = arith.andi %le3A_309, %ge3A_311 : i1
    %convert_element_type3A_313 = arith.extui %and3A_312 : i1 to i32
    %cond3A_314 = arith.constant 0 : i32
    %cond3A_315 = arith.cmpi ne, %convert_element_type3A_313, %cond3A_314 : i32
    scf.if %cond3A_315 {
      %eq3A_524 = arith.constant 37 : i32
      %eq3A_525 = vector.broadcast %eq3A_524 : i32 to vector<1000x1xi32>
      %eq3A_526 = arith.cmpi eq, %get3A_6, %eq3A_525 : vector<1000x1xi32>
      %jit3A = arith.constant 0.000000e+00 : f32
      %broadcast_in_dim3A = vector.shape_cast %eq3A_526 : vector<1000x1xi1> to vector<1000x1xi1>
      %broadcast_in_dim3A_527 = vector.broadcast %broadcast_in_dim3A : vector<1000x1xi1> to vector<1000x128xi1>
      %broadcast_in_dim3A_528 = vector.broadcast %jit3A : f32 to vector<1000x128xf32>
      %select_n3A = arith.select %broadcast_in_dim3A_527, %get3A_3, %broadcast_in_dim3A_528 : vector<1000x128xi1>, vector<1000x128xf32>
      %reduce_sum3A = arith.constant dense<0.000000e+00> : vector<128xf32>
      %reduce_sum3A_529 = vector.multi_reduction <add>, %select_n3A, %reduce_sum3A [0] : vector<1000x128xf32> to vector<128xf32>
      %broadcast_in_dim3A_530 = arith.constant 1.000000e+00 : f32
      %broadcast_in_dim3A_531 = vector.broadcast %broadcast_in_dim3A_530 : f32 to vector<1000x128xf32>
      %jit3A_532 = arith.constant 0.000000e+00 : f32
      %broadcast_in_dim3A_533 = vector.shape_cast %eq3A_526 : vector<1000x1xi1> to vector<1000x1xi1>
      %broadcast_in_dim3A_534 = vector.broadcast %broadcast_in_dim3A_533 : vector<1000x1xi1> to vector<1000x128xi1>
      %broadcast_in_dim3A_535 = vector.broadcast %jit3A_532 : f32 to vector<1000x128xf32>
      %select_n3A_536 = arith.select %broadcast_in_dim3A_534, %broadcast_in_dim3A_531, %broadcast_in_dim3A_535 : vector<1000x128xi1>, vector<1000x128xf32>
      %reduce_sum3A_537 = arith.constant dense<0.000000e+00> : vector<128xf32>
      %reduce_sum3A_538 = vector.multi_reduction <add>, %select_n3A_536, %reduce_sum3A_537 [0] : vector<1000x128xf32> to vector<128xf32>
      %jit3A_539 = arith.constant 0xFF800000 : f32
      %broadcast_in_dim3A_540 = vector.shape_cast %eq3A_526 : vector<1000x1xi1> to vector<1000x1xi1>
      %broadcast_in_dim3A_541 = vector.broadcast %broadcast_in_dim3A_540 : vector<1000x1xi1> to vector<1000x128xi1>
      %broadcast_in_dim3A_542 = vector.broadcast %jit3A_539 : f32 to vector<1000x128xf32>
      %select_n3A_543 = arith.select %broadcast_in_dim3A_541, %get3A_3, %broadcast_in_dim3A_542 : vector<1000x128xi1>, vector<1000x128xf32>
      %reduce_max3A_544 = arith.constant dense<0xFF800000> : vector<128xf32>
      %reduce_max3A_545 = vector.multi_reduction <maximumf>, %select_n3A_543, %reduce_max3A_544 [0] : vector<1000x128xf32> to vector<128xf32>
      %get3A_546 = arith.constant 37 : index
      %get3A_547 = arith.constant 0 : index
      %get3A_548 = vector.load %arg3[%get3A_546, %get3A_547] : memref<64x128xf32, #tpu.memory_space<vmem>>, vector<1x128xf32>
      %broadcast_in_dim3A_549 = vector.shape_cast %reduce_sum3A_529 : vector<128xf32> to vector<1x128xf32>
      %add3A = arith.addf %get3A_548, %broadcast_in_dim3A_549 : vector<1x128xf32>
      %swap3A = arith.constant 37 : index
      %swap3A_550 = arith.constant 0 : index
      %swap3A_551 = vector.load %arg3[%swap3A, %swap3A_550] : memref<64x128xf32, #tpu.memory_space<vmem>>, vector<1x128xf32>
      tpu.vector_store %arg3[%swap3A, %swap3A_550], %add3A {strides = array<i32>} : memref<64x128xf32, #tpu.memory_space<vmem>>, vector<1x128xf32>,
      %get3A_552 = arith.constant 37 : index
      %get3A_553 = arith.constant 0 : index
      %get3A_554 = vector.load %arg4[%get3A_552, %get3A_553] : memref<64x128xf32, #tpu.memory_space<vmem>>, vector<1x128xf32>
      %broadcast_in_dim3A_555 = vector.shape_cast %reduce_sum3A_538 : vector<128xf32> to vector<1x128xf32>
      %add3A_556 = arith.addf %get3A_554, %broadcast_in_dim3A_555 : vector<1x128xf32>
      %swap3A_557 = arith.constant 37 : index
      %swap3A_558 = arith.constant 0 : index
      %swap3A_559 = vector.load %arg4[%swap3A_557, %swap3A_558] : memref<64x128xf32, #tpu.memory_space<vmem>>, vector<1x128xf32>
      tpu.vector_store %arg4[%swap3A_557, %swap3A_558], %add3A_556 {strides = array<i32>} : memref<64x128xf32, #tpu.memory_space<vmem>>, vector<1x128xf32>,
      %get3A_560 = arith.constant 37 : index
      %get3A_561 = arith.constant 0 : index
      %get3A_562 = vector.load %arg5[%get3A_560, %get3A_561] : memref<64x128xf32, #tpu.memory_space<vmem>>, vector<1x128xf32>
      %broadcast_in_dim3A_563 = vector.shape_cast %reduce_max3A_545 : vector<128xf32> to vector<1x128xf32>
      %max3A = arith.maximumf %get3A_562, %broadcast_in_dim3A_563 : vector<1x128xf32>
      %swap3A_564 = arith.constant 37 : index
      %swap3A_565 = arith.constant 0 : index
      %swap3A_566 = vector.load %arg5[%swap3A_564, %swap3A_565] : memref<64x128xf32, #tpu.memory_space<vmem>>, vector<1x128xf32>
      tpu.vector_store %arg5[%swap3A_564, %swap3A_565], %max3A {strides = array<i32>} : memref<64x128xf32, #tpu.memory_space<vmem>>, vector<1x128xf32>,
    } else {
    }
    %le3A_316 = arith.constant 38 : i32
    %le3A_317 = arith.cmpi sle, %reduce_min3A_10, %le3A_316 : i32
    %ge3A_318 = arith.constant 38 : i32
    %ge3A_319 = arith.cmpi sge, %reduce_max3A_14, %ge3A_318 : i32
    %and3A_320 = arith.andi %le3A_317, %ge3A_319 : i1
    %convert_element_type3A_321 = arith.extui %and3A_320 : i1 to i32
    %cond3A_322 = arith.constant 0 : i32
    %cond3A_323 = arith.cmpi ne, %convert_element_type3A_321, %cond3A_322 : i32
    scf.if %cond3A_323 {
      %eq3A_524 = arith.constant 38 : i32
      %eq3A_525 = vector.broadcast %eq3A_524 : i32 to vector<1000x1xi32>
      %eq3A_526 = arith.cmpi eq, %get3A_6, %eq3A_525 : vector<1000x1xi32>
      %jit3A = arith.constant 0.000000e+00 : f32
      %broadcast_in_dim3A = vector.shape_cast %eq3A_526 : vector<1000x1xi1> to vector<1000x1xi1>
      %broadcast_in_dim3A_527 = vector.broadcast %broadcast_in_dim3A : vector<1000x1xi1> to vector<1000x128xi1>
      %broadcast_in_dim3A_528 = vector.broadcast %jit3A : f32 to vector<1000x128xf32>
      %select_n3A = arith.select %broadcast_in_dim3A_527, %get3A_3, %broadcast_in_dim3A_528 : vector<1000x128xi1>, vector<1000x128xf32>
      %reduce_sum3A = arith.constant dense<0.000000e+00> : vector<128xf32>
      %reduce_sum3A_529 = vector.multi_reduction <add>, %select_n3A, %reduce_sum3A [0] : vector<1000x128xf32> to vector<128xf32>
      %broadcast_in_dim3A_530 = arith.constant 1.000000e+00 : f32
      %broadcast_in_dim3A_531 = vector.broadcast %broadcast_in_dim3A_530 : f32 to vector<1000x128xf32>
      %jit3A_532 = arith.constant 0.000000e+00 : f32
      %broadcast_in_dim3A_533 = vector.shape_cast %eq3A_526 : vector<1000x1xi1> to vector<1000x1xi1>
      %broadcast_in_dim3A_534 = vector.broadcast %broadcast_in_dim3A_533 : vector<1000x1xi1> to vector<1000x128xi1>
      %broadcast_in_dim3A_535 = vector.broadcast %jit3A_532 : f32 to vector<1000x128xf32>
      %select_n3A_536 = arith.select %broadcast_in_dim3A_534, %broadcast_in_dim3A_531, %broadcast_in_dim3A_535 : vector<1000x128xi1>, vector<1000x128xf32>
      %reduce_sum3A_537 = arith.constant dense<0.000000e+00> : vector<128xf32>
      %reduce_sum3A_538 = vector.multi_reduction <add>, %select_n3A_536, %reduce_sum3A_537 [0] : vector<1000x128xf32> to vector<128xf32>
      %jit3A_539 = arith.constant 0xFF800000 : f32
      %broadcast_in_dim3A_540 = vector.shape_cast %eq3A_526 : vector<1000x1xi1> to vector<1000x1xi1>
      %broadcast_in_dim3A_541 = vector.broadcast %broadcast_in_dim3A_540 : vector<1000x1xi1> to vector<1000x128xi1>
      %broadcast_in_dim3A_542 = vector.broadcast %jit3A_539 : f32 to vector<1000x128xf32>
      %select_n3A_543 = arith.select %broadcast_in_dim3A_541, %get3A_3, %broadcast_in_dim3A_542 : vector<1000x128xi1>, vector<1000x128xf32>
      %reduce_max3A_544 = arith.constant dense<0xFF800000> : vector<128xf32>
      %reduce_max3A_545 = vector.multi_reduction <maximumf>, %select_n3A_543, %reduce_max3A_544 [0] : vector<1000x128xf32> to vector<128xf32>
      %get3A_546 = arith.constant 38 : index
      %get3A_547 = arith.constant 0 : index
      %get3A_548 = vector.load %arg3[%get3A_546, %get3A_547] : memref<64x128xf32, #tpu.memory_space<vmem>>, vector<1x128xf32>
      %broadcast_in_dim3A_549 = vector.shape_cast %reduce_sum3A_529 : vector<128xf32> to vector<1x128xf32>
      %add3A = arith.addf %get3A_548, %broadcast_in_dim3A_549 : vector<1x128xf32>
      %swap3A = arith.constant 38 : index
      %swap3A_550 = arith.constant 0 : index
      %swap3A_551 = vector.load %arg3[%swap3A, %swap3A_550] : memref<64x128xf32, #tpu.memory_space<vmem>>, vector<1x128xf32>
      tpu.vector_store %arg3[%swap3A, %swap3A_550], %add3A {strides = array<i32>} : memref<64x128xf32, #tpu.memory_space<vmem>>, vector<1x128xf32>,
      %get3A_552 = arith.constant 38 : index
      %get3A_553 = arith.constant 0 : index
      %get3A_554 = vector.load %arg4[%get3A_552, %get3A_553] : memref<64x128xf32, #tpu.memory_space<vmem>>, vector<1x128xf32>
      %broadcast_in_dim3A_555 = vector.shape_cast %reduce_sum3A_538 : vector<128xf32> to vector<1x128xf32>
      %add3A_556 = arith.addf %get3A_554, %broadcast_in_dim3A_555 : vector<1x128xf32>
      %swap3A_557 = arith.constant 38 : index
      %swap3A_558 = arith.constant 0 : index
      %swap3A_559 = vector.load %arg4[%swap3A_557, %swap3A_558] : memref<64x128xf32, #tpu.memory_space<vmem>>, vector<1x128xf32>
      tpu.vector_store %arg4[%swap3A_557, %swap3A_558], %add3A_556 {strides = array<i32>} : memref<64x128xf32, #tpu.memory_space<vmem>>, vector<1x128xf32>,
      %get3A_560 = arith.constant 38 : index
      %get3A_561 = arith.constant 0 : index
      %get3A_562 = vector.load %arg5[%get3A_560, %get3A_561] : memref<64x128xf32, #tpu.memory_space<vmem>>, vector<1x128xf32>
      %broadcast_in_dim3A_563 = vector.shape_cast %reduce_max3A_545 : vector<128xf32> to vector<1x128xf32>
      %max3A = arith.maximumf %get3A_562, %broadcast_in_dim3A_563 : vector<1x128xf32>
      %swap3A_564 = arith.constant 38 : index
      %swap3A_565 = arith.constant 0 : index
      %swap3A_566 = vector.load %arg5[%swap3A_564, %swap3A_565] : memref<64x128xf32, #tpu.memory_space<vmem>>, vector<1x128xf32>
      tpu.vector_store %arg5[%swap3A_564, %swap3A_565], %max3A {strides = array<i32>} : memref<64x128xf32, #tpu.memory_space<vmem>>, vector<1x128xf32>,
    } else {
    }
    %le3A_324 = arith.constant 39 : i32
    %le3A_325 = arith.cmpi sle, %reduce_min3A_10, %le3A_324 : i32
    %ge3A_326 = arith.constant 39 : i32
    %ge3A_327 = arith.cmpi sge, %reduce_max3A_14, %ge3A_326 : i32
    %and3A_328 = arith.andi %le3A_325, %ge3A_327 : i1
    %convert_element_type3A_329 = arith.extui %and3A_328 : i1 to i32
    %cond3A_330 = arith.constant 0 : i32
    %cond3A_331 = arith.cmpi ne, %convert_element_type3A_329, %cond3A_330 : i32
    scf.if %cond3A_331 {
      %eq3A_524 = arith.constant 39 : i32
      %eq3A_525 = vector.broadcast %eq3A_524 : i32 to vector<1000x1xi32>
      %eq3A_526 = arith.cmpi eq, %get3A_6, %eq3A_525 : vector<1000x1xi32>
      %jit3A = arith.constant 0.000000e+00 : f32
      %broadcast_in_dim3A = vector.shape_cast %eq3A_526 : vector<1000x1xi1> to vector<1000x1xi1>
      %broadcast_in_dim3A_527 = vector.broadcast %broadcast_in_dim3A : vector<1000x1xi1> to vector<1000x128xi1>
      %broadcast_in_dim3A_528 = vector.broadcast %jit3A : f32 to vector<1000x128xf32>
      %select_n3A = arith.select %broadcast_in_dim3A_527, %get3A_3, %broadcast_in_dim3A_528 : vector<1000x128xi1>, vector<1000x128xf32>
      %reduce_sum3A = arith.constant dense<0.000000e+00> : vector<128xf32>
      %reduce_sum3A_529 = vector.multi_reduction <add>, %select_n3A, %reduce_sum3A [0] : vector<1000x128xf32> to vector<128xf32>
      %broadcast_in_dim3A_530 = arith.constant 1.000000e+00 : f32
      %broadcast_in_dim3A_531 = vector.broadcast %broadcast_in_dim3A_530 : f32 to vector<1000x128xf32>
      %jit3A_532 = arith.constant 0.000000e+00 : f32
      %broadcast_in_dim3A_533 = vector.shape_cast %eq3A_526 : vector<1000x1xi1> to vector<1000x1xi1>
      %broadcast_in_dim3A_534 = vector.broadcast %broadcast_in_dim3A_533 : vector<1000x1xi1> to vector<1000x128xi1>
      %broadcast_in_dim3A_535 = vector.broadcast %jit3A_532 : f32 to vector<1000x128xf32>
      %select_n3A_536 = arith.select %broadcast_in_dim3A_534, %broadcast_in_dim3A_531, %broadcast_in_dim3A_535 : vector<1000x128xi1>, vector<1000x128xf32>
      %reduce_sum3A_537 = arith.constant dense<0.000000e+00> : vector<128xf32>
      %reduce_sum3A_538 = vector.multi_reduction <add>, %select_n3A_536, %reduce_sum3A_537 [0] : vector<1000x128xf32> to vector<128xf32>
      %jit3A_539 = arith.constant 0xFF800000 : f32
      %broadcast_in_dim3A_540 = vector.shape_cast %eq3A_526 : vector<1000x1xi1> to vector<1000x1xi1>
      %broadcast_in_dim3A_541 = vector.broadcast %broadcast_in_dim3A_540 : vector<1000x1xi1> to vector<1000x128xi1>
      %broadcast_in_dim3A_542 = vector.broadcast %jit3A_539 : f32 to vector<1000x128xf32>
      %select_n3A_543 = arith.select %broadcast_in_dim3A_541, %get3A_3, %broadcast_in_dim3A_542 : vector<1000x128xi1>, vector<1000x128xf32>
      %reduce_max3A_544 = arith.constant dense<0xFF800000> : vector<128xf32>
      %reduce_max3A_545 = vector.multi_reduction <maximumf>, %select_n3A_543, %reduce_max3A_544 [0] : vector<1000x128xf32> to vector<128xf32>
      %get3A_546 = arith.constant 39 : index
      %get3A_547 = arith.constant 0 : index
      %get3A_548 = vector.load %arg3[%get3A_546, %get3A_547] : memref<64x128xf32, #tpu.memory_space<vmem>>, vector<1x128xf32>
      %broadcast_in_dim3A_549 = vector.shape_cast %reduce_sum3A_529 : vector<128xf32> to vector<1x128xf32>
      %add3A = arith.addf %get3A_548, %broadcast_in_dim3A_549 : vector<1x128xf32>
      %swap3A = arith.constant 39 : index
      %swap3A_550 = arith.constant 0 : index
      %swap3A_551 = vector.load %arg3[%swap3A, %swap3A_550] : memref<64x128xf32, #tpu.memory_space<vmem>>, vector<1x128xf32>
      tpu.vector_store %arg3[%swap3A, %swap3A_550], %add3A {strides = array<i32>} : memref<64x128xf32, #tpu.memory_space<vmem>>, vector<1x128xf32>,
      %get3A_552 = arith.constant 39 : index
      %get3A_553 = arith.constant 0 : index
      %get3A_554 = vector.load %arg4[%get3A_552, %get3A_553] : memref<64x128xf32, #tpu.memory_space<vmem>>, vector<1x128xf32>
      %broadcast_in_dim3A_555 = vector.shape_cast %reduce_sum3A_538 : vector<128xf32> to vector<1x128xf32>
      %add3A_556 = arith.addf %get3A_554, %broadcast_in_dim3A_555 : vector<1x128xf32>
      %swap3A_557 = arith.constant 39 : index
      %swap3A_558 = arith.constant 0 : index
      %swap3A_559 = vector.load %arg4[%swap3A_557, %swap3A_558] : memref<64x128xf32, #tpu.memory_space<vmem>>, vector<1x128xf32>
      tpu.vector_store %arg4[%swap3A_557, %swap3A_558], %add3A_556 {strides = array<i32>} : memref<64x128xf32, #tpu.memory_space<vmem>>, vector<1x128xf32>,
      %get3A_560 = arith.constant 39 : index
      %get3A_561 = arith.constant 0 : index
      %get3A_562 = vector.load %arg5[%get3A_560, %get3A_561] : memref<64x128xf32, #tpu.memory_space<vmem>>, vector<1x128xf32>
      %broadcast_in_dim3A_563 = vector.shape_cast %reduce_max3A_545 : vector<128xf32> to vector<1x128xf32>
      %max3A = arith.maximumf %get3A_562, %broadcast_in_dim3A_563 : vector<1x128xf32>
      %swap3A_564 = arith.constant 39 : index
      %swap3A_565 = arith.constant 0 : index
      %swap3A_566 = vector.load %arg5[%swap3A_564, %swap3A_565] : memref<64x128xf32, #tpu.memory_space<vmem>>, vector<1x128xf32>
      tpu.vector_store %arg5[%swap3A_564, %swap3A_565], %max3A {strides = array<i32>} : memref<64x128xf32, #tpu.memory_space<vmem>>, vector<1x128xf32>,
    } else {
    }
    %le3A_332 = arith.constant 40 : i32
    %le3A_333 = arith.cmpi sle, %reduce_min3A_10, %le3A_332 : i32
    %ge3A_334 = arith.constant 40 : i32
    %ge3A_335 = arith.cmpi sge, %reduce_max3A_14, %ge3A_334 : i32
    %and3A_336 = arith.andi %le3A_333, %ge3A_335 : i1
    %convert_element_type3A_337 = arith.extui %and3A_336 : i1 to i32
    %cond3A_338 = arith.constant 0 : i32
    %cond3A_339 = arith.cmpi ne, %convert_element_type3A_337, %cond3A_338 : i32
    scf.if %cond3A_339 {
      %eq3A_524 = arith.constant 40 : i32
      %eq3A_525 = vector.broadcast %eq3A_524 : i32 to vector<1000x1xi32>
      %eq3A_526 = arith.cmpi eq, %get3A_6, %eq3A_525 : vector<1000x1xi32>
      %jit3A = arith.constant 0.000000e+00 : f32
      %broadcast_in_dim3A = vector.shape_cast %eq3A_526 : vector<1000x1xi1> to vector<1000x1xi1>
      %broadcast_in_dim3A_527 = vector.broadcast %broadcast_in_dim3A : vector<1000x1xi1> to vector<1000x128xi1>
      %broadcast_in_dim3A_528 = vector.broadcast %jit3A : f32 to vector<1000x128xf32>
      %select_n3A = arith.select %broadcast_in_dim3A_527, %get3A_3, %broadcast_in_dim3A_528 : vector<1000x128xi1>, vector<1000x128xf32>
      %reduce_sum3A = arith.constant dense<0.000000e+00> : vector<128xf32>
      %reduce_sum3A_529 = vector.multi_reduction <add>, %select_n3A, %reduce_sum3A [0] : vector<1000x128xf32> to vector<128xf32>
      %broadcast_in_dim3A_530 = arith.constant 1.000000e+00 : f32
      %broadcast_in_dim3A_531 = vector.broadcast %broadcast_in_dim3A_530 : f32 to vector<1000x128xf32>
      %jit3A_532 = arith.constant 0.000000e+00 : f32
      %broadcast_in_dim3A_533 = vector.shape_cast %eq3A_526 : vector<1000x1xi1> to vector<1000x1xi1>
      %broadcast_in_dim3A_534 = vector.broadcast %broadcast_in_dim3A_533 : vector<1000x1xi1> to vector<1000x128xi1>
      %broadcast_in_dim3A_535 = vector.broadcast %jit3A_532 : f32 to vector<1000x128xf32>
      %select_n3A_536 = arith.select %broadcast_in_dim3A_534, %broadcast_in_dim3A_531, %broadcast_in_dim3A_535 : vector<1000x128xi1>, vector<1000x128xf32>
      %reduce_sum3A_537 = arith.constant dense<0.000000e+00> : vector<128xf32>
      %reduce_sum3A_538 = vector.multi_reduction <add>, %select_n3A_536, %reduce_sum3A_537 [0] : vector<1000x128xf32> to vector<128xf32>
      %jit3A_539 = arith.constant 0xFF800000 : f32
      %broadcast_in_dim3A_540 = vector.shape_cast %eq3A_526 : vector<1000x1xi1> to vector<1000x1xi1>
      %broadcast_in_dim3A_541 = vector.broadcast %broadcast_in_dim3A_540 : vector<1000x1xi1> to vector<1000x128xi1>
      %broadcast_in_dim3A_542 = vector.broadcast %jit3A_539 : f32 to vector<1000x128xf32>
      %select_n3A_543 = arith.select %broadcast_in_dim3A_541, %get3A_3, %broadcast_in_dim3A_542 : vector<1000x128xi1>, vector<1000x128xf32>
      %reduce_max3A_544 = arith.constant dense<0xFF800000> : vector<128xf32>
      %reduce_max3A_545 = vector.multi_reduction <maximumf>, %select_n3A_543, %reduce_max3A_544 [0] : vector<1000x128xf32> to vector<128xf32>
      %get3A_546 = arith.constant 40 : index
      %get3A_547 = arith.constant 0 : index
      %get3A_548 = vector.load %arg3[%get3A_546, %get3A_547] : memref<64x128xf32, #tpu.memory_space<vmem>>, vector<1x128xf32>
      %broadcast_in_dim3A_549 = vector.shape_cast %reduce_sum3A_529 : vector<128xf32> to vector<1x128xf32>
      %add3A = arith.addf %get3A_548, %broadcast_in_dim3A_549 : vector<1x128xf32>
      %swap3A = arith.constant 40 : index
      %swap3A_550 = arith.constant 0 : index
      %swap3A_551 = vector.load %arg3[%swap3A, %swap3A_550] : memref<64x128xf32, #tpu.memory_space<vmem>>, vector<1x128xf32>
      tpu.vector_store %arg3[%swap3A, %swap3A_550], %add3A {strides = array<i32>} : memref<64x128xf32, #tpu.memory_space<vmem>>, vector<1x128xf32>,
      %get3A_552 = arith.constant 40 : index
      %get3A_553 = arith.constant 0 : index
      %get3A_554 = vector.load %arg4[%get3A_552, %get3A_553] : memref<64x128xf32, #tpu.memory_space<vmem>>, vector<1x128xf32>
      %broadcast_in_dim3A_555 = vector.shape_cast %reduce_sum3A_538 : vector<128xf32> to vector<1x128xf32>
      %add3A_556 = arith.addf %get3A_554, %broadcast_in_dim3A_555 : vector<1x128xf32>
      %swap3A_557 = arith.constant 40 : index
      %swap3A_558 = arith.constant 0 : index
      %swap3A_559 = vector.load %arg4[%swap3A_557, %swap3A_558] : memref<64x128xf32, #tpu.memory_space<vmem>>, vector<1x128xf32>
      tpu.vector_store %arg4[%swap3A_557, %swap3A_558], %add3A_556 {strides = array<i32>} : memref<64x128xf32, #tpu.memory_space<vmem>>, vector<1x128xf32>,
      %get3A_560 = arith.constant 40 : index
      %get3A_561 = arith.constant 0 : index
      %get3A_562 = vector.load %arg5[%get3A_560, %get3A_561] : memref<64x128xf32, #tpu.memory_space<vmem>>, vector<1x128xf32>
      %broadcast_in_dim3A_563 = vector.shape_cast %reduce_max3A_545 : vector<128xf32> to vector<1x128xf32>
      %max3A = arith.maximumf %get3A_562, %broadcast_in_dim3A_563 : vector<1x128xf32>
      %swap3A_564 = arith.constant 40 : index
      %swap3A_565 = arith.constant 0 : index
      %swap3A_566 = vector.load %arg5[%swap3A_564, %swap3A_565] : memref<64x128xf32, #tpu.memory_space<vmem>>, vector<1x128xf32>
      tpu.vector_store %arg5[%swap3A_564, %swap3A_565], %max3A {strides = array<i32>} : memref<64x128xf32, #tpu.memory_space<vmem>>, vector<1x128xf32>,
    } else {
    }
    %le3A_340 = arith.constant 41 : i32
    %le3A_341 = arith.cmpi sle, %reduce_min3A_10, %le3A_340 : i32
    %ge3A_342 = arith.constant 41 : i32
    %ge3A_343 = arith.cmpi sge, %reduce_max3A_14, %ge3A_342 : i32
    %and3A_344 = arith.andi %le3A_341, %ge3A_343 : i1
    %convert_element_type3A_345 = arith.extui %and3A_344 : i1 to i32
    %cond3A_346 = arith.constant 0 : i32
    %cond3A_347 = arith.cmpi ne, %convert_element_type3A_345, %cond3A_346 : i32
    scf.if %cond3A_347 {
      %eq3A_524 = arith.constant 41 : i32
      %eq3A_525 = vector.broadcast %eq3A_524 : i32 to vector<1000x1xi32>
      %eq3A_526 = arith.cmpi eq, %get3A_6, %eq3A_525 : vector<1000x1xi32>
      %jit3A = arith.constant 0.000000e+00 : f32
      %broadcast_in_dim3A = vector.shape_cast %eq3A_526 : vector<1000x1xi1> to vector<1000x1xi1>
      %broadcast_in_dim3A_527 = vector.broadcast %broadcast_in_dim3A : vector<1000x1xi1> to vector<1000x128xi1>
      %broadcast_in_dim3A_528 = vector.broadcast %jit3A : f32 to vector<1000x128xf32>
      %select_n3A = arith.select %broadcast_in_dim3A_527, %get3A_3, %broadcast_in_dim3A_528 : vector<1000x128xi1>, vector<1000x128xf32>
      %reduce_sum3A = arith.constant dense<0.000000e+00> : vector<128xf32>
      %reduce_sum3A_529 = vector.multi_reduction <add>, %select_n3A, %reduce_sum3A [0] : vector<1000x128xf32> to vector<128xf32>
      %broadcast_in_dim3A_530 = arith.constant 1.000000e+00 : f32
      %broadcast_in_dim3A_531 = vector.broadcast %broadcast_in_dim3A_530 : f32 to vector<1000x128xf32>
      %jit3A_532 = arith.constant 0.000000e+00 : f32
      %broadcast_in_dim3A_533 = vector.shape_cast %eq3A_526 : vector<1000x1xi1> to vector<1000x1xi1>
      %broadcast_in_dim3A_534 = vector.broadcast %broadcast_in_dim3A_533 : vector<1000x1xi1> to vector<1000x128xi1>
      %broadcast_in_dim3A_535 = vector.broadcast %jit3A_532 : f32 to vector<1000x128xf32>
      %select_n3A_536 = arith.select %broadcast_in_dim3A_534, %broadcast_in_dim3A_531, %broadcast_in_dim3A_535 : vector<1000x128xi1>, vector<1000x128xf32>
      %reduce_sum3A_537 = arith.constant dense<0.000000e+00> : vector<128xf32>
      %reduce_sum3A_538 = vector.multi_reduction <add>, %select_n3A_536, %reduce_sum3A_537 [0] : vector<1000x128xf32> to vector<128xf32>
      %jit3A_539 = arith.constant 0xFF800000 : f32
      %broadcast_in_dim3A_540 = vector.shape_cast %eq3A_526 : vector<1000x1xi1> to vector<1000x1xi1>
      %broadcast_in_dim3A_541 = vector.broadcast %broadcast_in_dim3A_540 : vector<1000x1xi1> to vector<1000x128xi1>
      %broadcast_in_dim3A_542 = vector.broadcast %jit3A_539 : f32 to vector<1000x128xf32>
      %select_n3A_543 = arith.select %broadcast_in_dim3A_541, %get3A_3, %broadcast_in_dim3A_542 : vector<1000x128xi1>, vector<1000x128xf32>
      %reduce_max3A_544 = arith.constant dense<0xFF800000> : vector<128xf32>
      %reduce_max3A_545 = vector.multi_reduction <maximumf>, %select_n3A_543, %reduce_max3A_544 [0] : vector<1000x128xf32> to vector<128xf32>
      %get3A_546 = arith.constant 41 : index
      %get3A_547 = arith.constant 0 : index
      %get3A_548 = vector.load %arg3[%get3A_546, %get3A_547] : memref<64x128xf32, #tpu.memory_space<vmem>>, vector<1x128xf32>
      %broadcast_in_dim3A_549 = vector.shape_cast %reduce_sum3A_529 : vector<128xf32> to vector<1x128xf32>
      %add3A = arith.addf %get3A_548, %broadcast_in_dim3A_549 : vector<1x128xf32>
      %swap3A = arith.constant 41 : index
      %swap3A_550 = arith.constant 0 : index
      %swap3A_551 = vector.load %arg3[%swap3A, %swap3A_550] : memref<64x128xf32, #tpu.memory_space<vmem>>, vector<1x128xf32>
      tpu.vector_store %arg3[%swap3A, %swap3A_550], %add3A {strides = array<i32>} : memref<64x128xf32, #tpu.memory_space<vmem>>, vector<1x128xf32>,
      %get3A_552 = arith.constant 41 : index
      %get3A_553 = arith.constant 0 : index
      %get3A_554 = vector.load %arg4[%get3A_552, %get3A_553] : memref<64x128xf32, #tpu.memory_space<vmem>>, vector<1x128xf32>
      %broadcast_in_dim3A_555 = vector.shape_cast %reduce_sum3A_538 : vector<128xf32> to vector<1x128xf32>
      %add3A_556 = arith.addf %get3A_554, %broadcast_in_dim3A_555 : vector<1x128xf32>
      %swap3A_557 = arith.constant 41 : index
      %swap3A_558 = arith.constant 0 : index
      %swap3A_559 = vector.load %arg4[%swap3A_557, %swap3A_558] : memref<64x128xf32, #tpu.memory_space<vmem>>, vector<1x128xf32>
      tpu.vector_store %arg4[%swap3A_557, %swap3A_558], %add3A_556 {strides = array<i32>} : memref<64x128xf32, #tpu.memory_space<vmem>>, vector<1x128xf32>,
      %get3A_560 = arith.constant 41 : index
      %get3A_561 = arith.constant 0 : index
      %get3A_562 = vector.load %arg5[%get3A_560, %get3A_561] : memref<64x128xf32, #tpu.memory_space<vmem>>, vector<1x128xf32>
      %broadcast_in_dim3A_563 = vector.shape_cast %reduce_max3A_545 : vector<128xf32> to vector<1x128xf32>
      %max3A = arith.maximumf %get3A_562, %broadcast_in_dim3A_563 : vector<1x128xf32>
      %swap3A_564 = arith.constant 41 : index
      %swap3A_565 = arith.constant 0 : index
      %swap3A_566 = vector.load %arg5[%swap3A_564, %swap3A_565] : memref<64x128xf32, #tpu.memory_space<vmem>>, vector<1x128xf32>
      tpu.vector_store %arg5[%swap3A_564, %swap3A_565], %max3A {strides = array<i32>} : memref<64x128xf32, #tpu.memory_space<vmem>>, vector<1x128xf32>,
    } else {
    }
    %le3A_348 = arith.constant 42 : i32
    %le3A_349 = arith.cmpi sle, %reduce_min3A_10, %le3A_348 : i32
    %ge3A_350 = arith.constant 42 : i32
    %ge3A_351 = arith.cmpi sge, %reduce_max3A_14, %ge3A_350 : i32
    %and3A_352 = arith.andi %le3A_349, %ge3A_351 : i1
    %convert_element_type3A_353 = arith.extui %and3A_352 : i1 to i32
    %cond3A_354 = arith.constant 0 : i32
    %cond3A_355 = arith.cmpi ne, %convert_element_type3A_353, %cond3A_354 : i32
    scf.if %cond3A_355 {
      %eq3A_524 = arith.constant 42 : i32
      %eq3A_525 = vector.broadcast %eq3A_524 : i32 to vector<1000x1xi32>
      %eq3A_526 = arith.cmpi eq, %get3A_6, %eq3A_525 : vector<1000x1xi32>
      %jit3A = arith.constant 0.000000e+00 : f32
      %broadcast_in_dim3A = vector.shape_cast %eq3A_526 : vector<1000x1xi1> to vector<1000x1xi1>
      %broadcast_in_dim3A_527 = vector.broadcast %broadcast_in_dim3A : vector<1000x1xi1> to vector<1000x128xi1>
      %broadcast_in_dim3A_528 = vector.broadcast %jit3A : f32 to vector<1000x128xf32>
      %select_n3A = arith.select %broadcast_in_dim3A_527, %get3A_3, %broadcast_in_dim3A_528 : vector<1000x128xi1>, vector<1000x128xf32>
      %reduce_sum3A = arith.constant dense<0.000000e+00> : vector<128xf32>
      %reduce_sum3A_529 = vector.multi_reduction <add>, %select_n3A, %reduce_sum3A [0] : vector<1000x128xf32> to vector<128xf32>
      %broadcast_in_dim3A_530 = arith.constant 1.000000e+00 : f32
      %broadcast_in_dim3A_531 = vector.broadcast %broadcast_in_dim3A_530 : f32 to vector<1000x128xf32>
      %jit3A_532 = arith.constant 0.000000e+00 : f32
      %broadcast_in_dim3A_533 = vector.shape_cast %eq3A_526 : vector<1000x1xi1> to vector<1000x1xi1>
      %broadcast_in_dim3A_534 = vector.broadcast %broadcast_in_dim3A_533 : vector<1000x1xi1> to vector<1000x128xi1>
      %broadcast_in_dim3A_535 = vector.broadcast %jit3A_532 : f32 to vector<1000x128xf32>
      %select_n3A_536 = arith.select %broadcast_in_dim3A_534, %broadcast_in_dim3A_531, %broadcast_in_dim3A_535 : vector<1000x128xi1>, vector<1000x128xf32>
      %reduce_sum3A_537 = arith.constant dense<0.000000e+00> : vector<128xf32>
      %reduce_sum3A_538 = vector.multi_reduction <add>, %select_n3A_536, %reduce_sum3A_537 [0] : vector<1000x128xf32> to vector<128xf32>
      %jit3A_539 = arith.constant 0xFF800000 : f32
      %broadcast_in_dim3A_540 = vector.shape_cast %eq3A_526 : vector<1000x1xi1> to vector<1000x1xi1>
      %broadcast_in_dim3A_541 = vector.broadcast %broadcast_in_dim3A_540 : vector<1000x1xi1> to vector<1000x128xi1>
      %broadcast_in_dim3A_542 = vector.broadcast %jit3A_539 : f32 to vector<1000x128xf32>
      %select_n3A_543 = arith.select %broadcast_in_dim3A_541, %get3A_3, %broadcast_in_dim3A_542 : vector<1000x128xi1>, vector<1000x128xf32>
      %reduce_max3A_544 = arith.constant dense<0xFF800000> : vector<128xf32>
      %reduce_max3A_545 = vector.multi_reduction <maximumf>, %select_n3A_543, %reduce_max3A_544 [0] : vector<1000x128xf32> to vector<128xf32>
      %get3A_546 = arith.constant 42 : index
      %get3A_547 = arith.constant 0 : index
      %get3A_548 = vector.load %arg3[%get3A_546, %get3A_547] : memref<64x128xf32, #tpu.memory_space<vmem>>, vector<1x128xf32>
      %broadcast_in_dim3A_549 = vector.shape_cast %reduce_sum3A_529 : vector<128xf32> to vector<1x128xf32>
      %add3A = arith.addf %get3A_548, %broadcast_in_dim3A_549 : vector<1x128xf32>
      %swap3A = arith.constant 42 : index
      %swap3A_550 = arith.constant 0 : index
      %swap3A_551 = vector.load %arg3[%swap3A, %swap3A_550] : memref<64x128xf32, #tpu.memory_space<vmem>>, vector<1x128xf32>
      tpu.vector_store %arg3[%swap3A, %swap3A_550], %add3A {strides = array<i32>} : memref<64x128xf32, #tpu.memory_space<vmem>>, vector<1x128xf32>,
      %get3A_552 = arith.constant 42 : index
      %get3A_553 = arith.constant 0 : index
      %get3A_554 = vector.load %arg4[%get3A_552, %get3A_553] : memref<64x128xf32, #tpu.memory_space<vmem>>, vector<1x128xf32>
      %broadcast_in_dim3A_555 = vector.shape_cast %reduce_sum3A_538 : vector<128xf32> to vector<1x128xf32>
      %add3A_556 = arith.addf %get3A_554, %broadcast_in_dim3A_555 : vector<1x128xf32>
      %swap3A_557 = arith.constant 42 : index
      %swap3A_558 = arith.constant 0 : index
      %swap3A_559 = vector.load %arg4[%swap3A_557, %swap3A_558] : memref<64x128xf32, #tpu.memory_space<vmem>>, vector<1x128xf32>
      tpu.vector_store %arg4[%swap3A_557, %swap3A_558], %add3A_556 {strides = array<i32>} : memref<64x128xf32, #tpu.memory_space<vmem>>, vector<1x128xf32>,
      %get3A_560 = arith.constant 42 : index
      %get3A_561 = arith.constant 0 : index
      %get3A_562 = vector.load %arg5[%get3A_560, %get3A_561] : memref<64x128xf32, #tpu.memory_space<vmem>>, vector<1x128xf32>
      %broadcast_in_dim3A_563 = vector.shape_cast %reduce_max3A_545 : vector<128xf32> to vector<1x128xf32>
      %max3A = arith.maximumf %get3A_562, %broadcast_in_dim3A_563 : vector<1x128xf32>
      %swap3A_564 = arith.constant 42 : index
      %swap3A_565 = arith.constant 0 : index
      %swap3A_566 = vector.load %arg5[%swap3A_564, %swap3A_565] : memref<64x128xf32, #tpu.memory_space<vmem>>, vector<1x128xf32>
      tpu.vector_store %arg5[%swap3A_564, %swap3A_565], %max3A {strides = array<i32>} : memref<64x128xf32, #tpu.memory_space<vmem>>, vector<1x128xf32>,
    } else {
    }
    %le3A_356 = arith.constant 43 : i32
    %le3A_357 = arith.cmpi sle, %reduce_min3A_10, %le3A_356 : i32
    %ge3A_358 = arith.constant 43 : i32
    %ge3A_359 = arith.cmpi sge, %reduce_max3A_14, %ge3A_358 : i32
    %and3A_360 = arith.andi %le3A_357, %ge3A_359 : i1
    %convert_element_type3A_361 = arith.extui %and3A_360 : i1 to i32
    %cond3A_362 = arith.constant 0 : i32
    %cond3A_363 = arith.cmpi ne, %convert_element_type3A_361, %cond3A_362 : i32
    scf.if %cond3A_363 {
      %eq3A_524 = arith.constant 43 : i32
      %eq3A_525 = vector.broadcast %eq3A_524 : i32 to vector<1000x1xi32>
      %eq3A_526 = arith.cmpi eq, %get3A_6, %eq3A_525 : vector<1000x1xi32>
      %jit3A = arith.constant 0.000000e+00 : f32
      %broadcast_in_dim3A = vector.shape_cast %eq3A_526 : vector<1000x1xi1> to vector<1000x1xi1>
      %broadcast_in_dim3A_527 = vector.broadcast %broadcast_in_dim3A : vector<1000x1xi1> to vector<1000x128xi1>
      %broadcast_in_dim3A_528 = vector.broadcast %jit3A : f32 to vector<1000x128xf32>
      %select_n3A = arith.select %broadcast_in_dim3A_527, %get3A_3, %broadcast_in_dim3A_528 : vector<1000x128xi1>, vector<1000x128xf32>
      %reduce_sum3A = arith.constant dense<0.000000e+00> : vector<128xf32>
      %reduce_sum3A_529 = vector.multi_reduction <add>, %select_n3A, %reduce_sum3A [0] : vector<1000x128xf32> to vector<128xf32>
      %broadcast_in_dim3A_530 = arith.constant 1.000000e+00 : f32
      %broadcast_in_dim3A_531 = vector.broadcast %broadcast_in_dim3A_530 : f32 to vector<1000x128xf32>
      %jit3A_532 = arith.constant 0.000000e+00 : f32
      %broadcast_in_dim3A_533 = vector.shape_cast %eq3A_526 : vector<1000x1xi1> to vector<1000x1xi1>
      %broadcast_in_dim3A_534 = vector.broadcast %broadcast_in_dim3A_533 : vector<1000x1xi1> to vector<1000x128xi1>
      %broadcast_in_dim3A_535 = vector.broadcast %jit3A_532 : f32 to vector<1000x128xf32>
      %select_n3A_536 = arith.select %broadcast_in_dim3A_534, %broadcast_in_dim3A_531, %broadcast_in_dim3A_535 : vector<1000x128xi1>, vector<1000x128xf32>
      %reduce_sum3A_537 = arith.constant dense<0.000000e+00> : vector<128xf32>
      %reduce_sum3A_538 = vector.multi_reduction <add>, %select_n3A_536, %reduce_sum3A_537 [0] : vector<1000x128xf32> to vector<128xf32>
      %jit3A_539 = arith.constant 0xFF800000 : f32
      %broadcast_in_dim3A_540 = vector.shape_cast %eq3A_526 : vector<1000x1xi1> to vector<1000x1xi1>
      %broadcast_in_dim3A_541 = vector.broadcast %broadcast_in_dim3A_540 : vector<1000x1xi1> to vector<1000x128xi1>
      %broadcast_in_dim3A_542 = vector.broadcast %jit3A_539 : f32 to vector<1000x128xf32>
      %select_n3A_543 = arith.select %broadcast_in_dim3A_541, %get3A_3, %broadcast_in_dim3A_542 : vector<1000x128xi1>, vector<1000x128xf32>
      %reduce_max3A_544 = arith.constant dense<0xFF800000> : vector<128xf32>
      %reduce_max3A_545 = vector.multi_reduction <maximumf>, %select_n3A_543, %reduce_max3A_544 [0] : vector<1000x128xf32> to vector<128xf32>
      %get3A_546 = arith.constant 43 : index
      %get3A_547 = arith.constant 0 : index
      %get3A_548 = vector.load %arg3[%get3A_546, %get3A_547] : memref<64x128xf32, #tpu.memory_space<vmem>>, vector<1x128xf32>
      %broadcast_in_dim3A_549 = vector.shape_cast %reduce_sum3A_529 : vector<128xf32> to vector<1x128xf32>
      %add3A = arith.addf %get3A_548, %broadcast_in_dim3A_549 : vector<1x128xf32>
      %swap3A = arith.constant 43 : index
      %swap3A_550 = arith.constant 0 : index
      %swap3A_551 = vector.load %arg3[%swap3A, %swap3A_550] : memref<64x128xf32, #tpu.memory_space<vmem>>, vector<1x128xf32>
      tpu.vector_store %arg3[%swap3A, %swap3A_550], %add3A {strides = array<i32>} : memref<64x128xf32, #tpu.memory_space<vmem>>, vector<1x128xf32>,
      %get3A_552 = arith.constant 43 : index
      %get3A_553 = arith.constant 0 : index
      %get3A_554 = vector.load %arg4[%get3A_552, %get3A_553] : memref<64x128xf32, #tpu.memory_space<vmem>>, vector<1x128xf32>
      %broadcast_in_dim3A_555 = vector.shape_cast %reduce_sum3A_538 : vector<128xf32> to vector<1x128xf32>
      %add3A_556 = arith.addf %get3A_554, %broadcast_in_dim3A_555 : vector<1x128xf32>
      %swap3A_557 = arith.constant 43 : index
      %swap3A_558 = arith.constant 0 : index
      %swap3A_559 = vector.load %arg4[%swap3A_557, %swap3A_558] : memref<64x128xf32, #tpu.memory_space<vmem>>, vector<1x128xf32>
      tpu.vector_store %arg4[%swap3A_557, %swap3A_558], %add3A_556 {strides = array<i32>} : memref<64x128xf32, #tpu.memory_space<vmem>>, vector<1x128xf32>,
      %get3A_560 = arith.constant 43 : index
      %get3A_561 = arith.constant 0 : index
      %get3A_562 = vector.load %arg5[%get3A_560, %get3A_561] : memref<64x128xf32, #tpu.memory_space<vmem>>, vector<1x128xf32>
      %broadcast_in_dim3A_563 = vector.shape_cast %reduce_max3A_545 : vector<128xf32> to vector<1x128xf32>
      %max3A = arith.maximumf %get3A_562, %broadcast_in_dim3A_563 : vector<1x128xf32>
      %swap3A_564 = arith.constant 43 : index
      %swap3A_565 = arith.constant 0 : index
      %swap3A_566 = vector.load %arg5[%swap3A_564, %swap3A_565] : memref<64x128xf32, #tpu.memory_space<vmem>>, vector<1x128xf32>
      tpu.vector_store %arg5[%swap3A_564, %swap3A_565], %max3A {strides = array<i32>} : memref<64x128xf32, #tpu.memory_space<vmem>>, vector<1x128xf32>,
    } else {
    }
    %le3A_364 = arith.constant 44 : i32
    %le3A_365 = arith.cmpi sle, %reduce_min3A_10, %le3A_364 : i32
    %ge3A_366 = arith.constant 44 : i32
    %ge3A_367 = arith.cmpi sge, %reduce_max3A_14, %ge3A_366 : i32
    %and3A_368 = arith.andi %le3A_365, %ge3A_367 : i1
    %convert_element_type3A_369 = arith.extui %and3A_368 : i1 to i32
    %cond3A_370 = arith.constant 0 : i32
    %cond3A_371 = arith.cmpi ne, %convert_element_type3A_369, %cond3A_370 : i32
    scf.if %cond3A_371 {
      %eq3A_524 = arith.constant 44 : i32
      %eq3A_525 = vector.broadcast %eq3A_524 : i32 to vector<1000x1xi32>
      %eq3A_526 = arith.cmpi eq, %get3A_6, %eq3A_525 : vector<1000x1xi32>
      %jit3A = arith.constant 0.000000e+00 : f32
      %broadcast_in_dim3A = vector.shape_cast %eq3A_526 : vector<1000x1xi1> to vector<1000x1xi1>
      %broadcast_in_dim3A_527 = vector.broadcast %broadcast_in_dim3A : vector<1000x1xi1> to vector<1000x128xi1>
      %broadcast_in_dim3A_528 = vector.broadcast %jit3A : f32 to vector<1000x128xf32>
      %select_n3A = arith.select %broadcast_in_dim3A_527, %get3A_3, %broadcast_in_dim3A_528 : vector<1000x128xi1>, vector<1000x128xf32>
      %reduce_sum3A = arith.constant dense<0.000000e+00> : vector<128xf32>
      %reduce_sum3A_529 = vector.multi_reduction <add>, %select_n3A, %reduce_sum3A [0] : vector<1000x128xf32> to vector<128xf32>
      %broadcast_in_dim3A_530 = arith.constant 1.000000e+00 : f32
      %broadcast_in_dim3A_531 = vector.broadcast %broadcast_in_dim3A_530 : f32 to vector<1000x128xf32>
      %jit3A_532 = arith.constant 0.000000e+00 : f32
      %broadcast_in_dim3A_533 = vector.shape_cast %eq3A_526 : vector<1000x1xi1> to vector<1000x1xi1>
      %broadcast_in_dim3A_534 = vector.broadcast %broadcast_in_dim3A_533 : vector<1000x1xi1> to vector<1000x128xi1>
      %broadcast_in_dim3A_535 = vector.broadcast %jit3A_532 : f32 to vector<1000x128xf32>
      %select_n3A_536 = arith.select %broadcast_in_dim3A_534, %broadcast_in_dim3A_531, %broadcast_in_dim3A_535 : vector<1000x128xi1>, vector<1000x128xf32>
      %reduce_sum3A_537 = arith.constant dense<0.000000e+00> : vector<128xf32>
      %reduce_sum3A_538 = vector.multi_reduction <add>, %select_n3A_536, %reduce_sum3A_537 [0] : vector<1000x128xf32> to vector<128xf32>
      %jit3A_539 = arith.constant 0xFF800000 : f32
      %broadcast_in_dim3A_540 = vector.shape_cast %eq3A_526 : vector<1000x1xi1> to vector<1000x1xi1>
      %broadcast_in_dim3A_541 = vector.broadcast %broadcast_in_dim3A_540 : vector<1000x1xi1> to vector<1000x128xi1>
      %broadcast_in_dim3A_542 = vector.broadcast %jit3A_539 : f32 to vector<1000x128xf32>
      %select_n3A_543 = arith.select %broadcast_in_dim3A_541, %get3A_3, %broadcast_in_dim3A_542 : vector<1000x128xi1>, vector<1000x128xf32>
      %reduce_max3A_544 = arith.constant dense<0xFF800000> : vector<128xf32>
      %reduce_max3A_545 = vector.multi_reduction <maximumf>, %select_n3A_543, %reduce_max3A_544 [0] : vector<1000x128xf32> to vector<128xf32>
      %get3A_546 = arith.constant 44 : index
      %get3A_547 = arith.constant 0 : index
      %get3A_548 = vector.load %arg3[%get3A_546, %get3A_547] : memref<64x128xf32, #tpu.memory_space<vmem>>, vector<1x128xf32>
      %broadcast_in_dim3A_549 = vector.shape_cast %reduce_sum3A_529 : vector<128xf32> to vector<1x128xf32>
      %add3A = arith.addf %get3A_548, %broadcast_in_dim3A_549 : vector<1x128xf32>
      %swap3A = arith.constant 44 : index
      %swap3A_550 = arith.constant 0 : index
      %swap3A_551 = vector.load %arg3[%swap3A, %swap3A_550] : memref<64x128xf32, #tpu.memory_space<vmem>>, vector<1x128xf32>
      tpu.vector_store %arg3[%swap3A, %swap3A_550], %add3A {strides = array<i32>} : memref<64x128xf32, #tpu.memory_space<vmem>>, vector<1x128xf32>,
      %get3A_552 = arith.constant 44 : index
      %get3A_553 = arith.constant 0 : index
      %get3A_554 = vector.load %arg4[%get3A_552, %get3A_553] : memref<64x128xf32, #tpu.memory_space<vmem>>, vector<1x128xf32>
      %broadcast_in_dim3A_555 = vector.shape_cast %reduce_sum3A_538 : vector<128xf32> to vector<1x128xf32>
      %add3A_556 = arith.addf %get3A_554, %broadcast_in_dim3A_555 : vector<1x128xf32>
      %swap3A_557 = arith.constant 44 : index
      %swap3A_558 = arith.constant 0 : index
      %swap3A_559 = vector.load %arg4[%swap3A_557, %swap3A_558] : memref<64x128xf32, #tpu.memory_space<vmem>>, vector<1x128xf32>
      tpu.vector_store %arg4[%swap3A_557, %swap3A_558], %add3A_556 {strides = array<i32>} : memref<64x128xf32, #tpu.memory_space<vmem>>, vector<1x128xf32>,
      %get3A_560 = arith.constant 44 : index
      %get3A_561 = arith.constant 0 : index
      %get3A_562 = vector.load %arg5[%get3A_560, %get3A_561] : memref<64x128xf32, #tpu.memory_space<vmem>>, vector<1x128xf32>
      %broadcast_in_dim3A_563 = vector.shape_cast %reduce_max3A_545 : vector<128xf32> to vector<1x128xf32>
      %max3A = arith.maximumf %get3A_562, %broadcast_in_dim3A_563 : vector<1x128xf32>
      %swap3A_564 = arith.constant 44 : index
      %swap3A_565 = arith.constant 0 : index
      %swap3A_566 = vector.load %arg5[%swap3A_564, %swap3A_565] : memref<64x128xf32, #tpu.memory_space<vmem>>, vector<1x128xf32>
      tpu.vector_store %arg5[%swap3A_564, %swap3A_565], %max3A {strides = array<i32>} : memref<64x128xf32, #tpu.memory_space<vmem>>, vector<1x128xf32>,
    } else {
    }
    %le3A_372 = arith.constant 45 : i32
    %le3A_373 = arith.cmpi sle, %reduce_min3A_10, %le3A_372 : i32
    %ge3A_374 = arith.constant 45 : i32
    %ge3A_375 = arith.cmpi sge, %reduce_max3A_14, %ge3A_374 : i32
    %and3A_376 = arith.andi %le3A_373, %ge3A_375 : i1
    %convert_element_type3A_377 = arith.extui %and3A_376 : i1 to i32
    %cond3A_378 = arith.constant 0 : i32
    %cond3A_379 = arith.cmpi ne, %convert_element_type3A_377, %cond3A_378 : i32
    scf.if %cond3A_379 {
      %eq3A_524 = arith.constant 45 : i32
      %eq3A_525 = vector.broadcast %eq3A_524 : i32 to vector<1000x1xi32>
      %eq3A_526 = arith.cmpi eq, %get3A_6, %eq3A_525 : vector<1000x1xi32>
      %jit3A = arith.constant 0.000000e+00 : f32
      %broadcast_in_dim3A = vector.shape_cast %eq3A_526 : vector<1000x1xi1> to vector<1000x1xi1>
      %broadcast_in_dim3A_527 = vector.broadcast %broadcast_in_dim3A : vector<1000x1xi1> to vector<1000x128xi1>
      %broadcast_in_dim3A_528 = vector.broadcast %jit3A : f32 to vector<1000x128xf32>
      %select_n3A = arith.select %broadcast_in_dim3A_527, %get3A_3, %broadcast_in_dim3A_528 : vector<1000x128xi1>, vector<1000x128xf32>
      %reduce_sum3A = arith.constant dense<0.000000e+00> : vector<128xf32>
      %reduce_sum3A_529 = vector.multi_reduction <add>, %select_n3A, %reduce_sum3A [0] : vector<1000x128xf32> to vector<128xf32>
      %broadcast_in_dim3A_530 = arith.constant 1.000000e+00 : f32
      %broadcast_in_dim3A_531 = vector.broadcast %broadcast_in_dim3A_530 : f32 to vector<1000x128xf32>
      %jit3A_532 = arith.constant 0.000000e+00 : f32
      %broadcast_in_dim3A_533 = vector.shape_cast %eq3A_526 : vector<1000x1xi1> to vector<1000x1xi1>
      %broadcast_in_dim3A_534 = vector.broadcast %broadcast_in_dim3A_533 : vector<1000x1xi1> to vector<1000x128xi1>
      %broadcast_in_dim3A_535 = vector.broadcast %jit3A_532 : f32 to vector<1000x128xf32>
      %select_n3A_536 = arith.select %broadcast_in_dim3A_534, %broadcast_in_dim3A_531, %broadcast_in_dim3A_535 : vector<1000x128xi1>, vector<1000x128xf32>
      %reduce_sum3A_537 = arith.constant dense<0.000000e+00> : vector<128xf32>
      %reduce_sum3A_538 = vector.multi_reduction <add>, %select_n3A_536, %reduce_sum3A_537 [0] : vector<1000x128xf32> to vector<128xf32>
      %jit3A_539 = arith.constant 0xFF800000 : f32
      %broadcast_in_dim3A_540 = vector.shape_cast %eq3A_526 : vector<1000x1xi1> to vector<1000x1xi1>
      %broadcast_in_dim3A_541 = vector.broadcast %broadcast_in_dim3A_540 : vector<1000x1xi1> to vector<1000x128xi1>
      %broadcast_in_dim3A_542 = vector.broadcast %jit3A_539 : f32 to vector<1000x128xf32>
      %select_n3A_543 = arith.select %broadcast_in_dim3A_541, %get3A_3, %broadcast_in_dim3A_542 : vector<1000x128xi1>, vector<1000x128xf32>
      %reduce_max3A_544 = arith.constant dense<0xFF800000> : vector<128xf32>
      %reduce_max3A_545 = vector.multi_reduction <maximumf>, %select_n3A_543, %reduce_max3A_544 [0] : vector<1000x128xf32> to vector<128xf32>
      %get3A_546 = arith.constant 45 : index
      %get3A_547 = arith.constant 0 : index
      %get3A_548 = vector.load %arg3[%get3A_546, %get3A_547] : memref<64x128xf32, #tpu.memory_space<vmem>>, vector<1x128xf32>
      %broadcast_in_dim3A_549 = vector.shape_cast %reduce_sum3A_529 : vector<128xf32> to vector<1x128xf32>
      %add3A = arith.addf %get3A_548, %broadcast_in_dim3A_549 : vector<1x128xf32>
      %swap3A = arith.constant 45 : index
      %swap3A_550 = arith.constant 0 : index
      %swap3A_551 = vector.load %arg3[%swap3A, %swap3A_550] : memref<64x128xf32, #tpu.memory_space<vmem>>, vector<1x128xf32>
      tpu.vector_store %arg3[%swap3A, %swap3A_550], %add3A {strides = array<i32>} : memref<64x128xf32, #tpu.memory_space<vmem>>, vector<1x128xf32>,
      %get3A_552 = arith.constant 45 : index
      %get3A_553 = arith.constant 0 : index
      %get3A_554 = vector.load %arg4[%get3A_552, %get3A_553] : memref<64x128xf32, #tpu.memory_space<vmem>>, vector<1x128xf32>
      %broadcast_in_dim3A_555 = vector.shape_cast %reduce_sum3A_538 : vector<128xf32> to vector<1x128xf32>
      %add3A_556 = arith.addf %get3A_554, %broadcast_in_dim3A_555 : vector<1x128xf32>
      %swap3A_557 = arith.constant 45 : index
      %swap3A_558 = arith.constant 0 : index
      %swap3A_559 = vector.load %arg4[%swap3A_557, %swap3A_558] : memref<64x128xf32, #tpu.memory_space<vmem>>, vector<1x128xf32>
      tpu.vector_store %arg4[%swap3A_557, %swap3A_558], %add3A_556 {strides = array<i32>} : memref<64x128xf32, #tpu.memory_space<vmem>>, vector<1x128xf32>,
      %get3A_560 = arith.constant 45 : index
      %get3A_561 = arith.constant 0 : index
      %get3A_562 = vector.load %arg5[%get3A_560, %get3A_561] : memref<64x128xf32, #tpu.memory_space<vmem>>, vector<1x128xf32>
      %broadcast_in_dim3A_563 = vector.shape_cast %reduce_max3A_545 : vector<128xf32> to vector<1x128xf32>
      %max3A = arith.maximumf %get3A_562, %broadcast_in_dim3A_563 : vector<1x128xf32>
      %swap3A_564 = arith.constant 45 : index
      %swap3A_565 = arith.constant 0 : index
      %swap3A_566 = vector.load %arg5[%swap3A_564, %swap3A_565] : memref<64x128xf32, #tpu.memory_space<vmem>>, vector<1x128xf32>
      tpu.vector_store %arg5[%swap3A_564, %swap3A_565], %max3A {strides = array<i32>} : memref<64x128xf32, #tpu.memory_space<vmem>>, vector<1x128xf32>,
    } else {
    }
    %le3A_380 = arith.constant 46 : i32
    %le3A_381 = arith.cmpi sle, %reduce_min3A_10, %le3A_380 : i32
    %ge3A_382 = arith.constant 46 : i32
    %ge3A_383 = arith.cmpi sge, %reduce_max3A_14, %ge3A_382 : i32
    %and3A_384 = arith.andi %le3A_381, %ge3A_383 : i1
    %convert_element_type3A_385 = arith.extui %and3A_384 : i1 to i32
    %cond3A_386 = arith.constant 0 : i32
    %cond3A_387 = arith.cmpi ne, %convert_element_type3A_385, %cond3A_386 : i32
    scf.if %cond3A_387 {
      %eq3A_524 = arith.constant 46 : i32
      %eq3A_525 = vector.broadcast %eq3A_524 : i32 to vector<1000x1xi32>
      %eq3A_526 = arith.cmpi eq, %get3A_6, %eq3A_525 : vector<1000x1xi32>
      %jit3A = arith.constant 0.000000e+00 : f32
      %broadcast_in_dim3A = vector.shape_cast %eq3A_526 : vector<1000x1xi1> to vector<1000x1xi1>
      %broadcast_in_dim3A_527 = vector.broadcast %broadcast_in_dim3A : vector<1000x1xi1> to vector<1000x128xi1>
      %broadcast_in_dim3A_528 = vector.broadcast %jit3A : f32 to vector<1000x128xf32>
      %select_n3A = arith.select %broadcast_in_dim3A_527, %get3A_3, %broadcast_in_dim3A_528 : vector<1000x128xi1>, vector<1000x128xf32>
      %reduce_sum3A = arith.constant dense<0.000000e+00> : vector<128xf32>
      %reduce_sum3A_529 = vector.multi_reduction <add>, %select_n3A, %reduce_sum3A [0] : vector<1000x128xf32> to vector<128xf32>
      %broadcast_in_dim3A_530 = arith.constant 1.000000e+00 : f32
      %broadcast_in_dim3A_531 = vector.broadcast %broadcast_in_dim3A_530 : f32 to vector<1000x128xf32>
      %jit3A_532 = arith.constant 0.000000e+00 : f32
      %broadcast_in_dim3A_533 = vector.shape_cast %eq3A_526 : vector<1000x1xi1> to vector<1000x1xi1>
      %broadcast_in_dim3A_534 = vector.broadcast %broadcast_in_dim3A_533 : vector<1000x1xi1> to vector<1000x128xi1>
      %broadcast_in_dim3A_535 = vector.broadcast %jit3A_532 : f32 to vector<1000x128xf32>
      %select_n3A_536 = arith.select %broadcast_in_dim3A_534, %broadcast_in_dim3A_531, %broadcast_in_dim3A_535 : vector<1000x128xi1>, vector<1000x128xf32>
      %reduce_sum3A_537 = arith.constant dense<0.000000e+00> : vector<128xf32>
      %reduce_sum3A_538 = vector.multi_reduction <add>, %select_n3A_536, %reduce_sum3A_537 [0] : vector<1000x128xf32> to vector<128xf32>
      %jit3A_539 = arith.constant 0xFF800000 : f32
      %broadcast_in_dim3A_540 = vector.shape_cast %eq3A_526 : vector<1000x1xi1> to vector<1000x1xi1>
      %broadcast_in_dim3A_541 = vector.broadcast %broadcast_in_dim3A_540 : vector<1000x1xi1> to vector<1000x128xi1>
      %broadcast_in_dim3A_542 = vector.broadcast %jit3A_539 : f32 to vector<1000x128xf32>
      %select_n3A_543 = arith.select %broadcast_in_dim3A_541, %get3A_3, %broadcast_in_dim3A_542 : vector<1000x128xi1>, vector<1000x128xf32>
      %reduce_max3A_544 = arith.constant dense<0xFF800000> : vector<128xf32>
      %reduce_max3A_545 = vector.multi_reduction <maximumf>, %select_n3A_543, %reduce_max3A_544 [0] : vector<1000x128xf32> to vector<128xf32>
      %get3A_546 = arith.constant 46 : index
      %get3A_547 = arith.constant 0 : index
      %get3A_548 = vector.load %arg3[%get3A_546, %get3A_547] : memref<64x128xf32, #tpu.memory_space<vmem>>, vector<1x128xf32>
      %broadcast_in_dim3A_549 = vector.shape_cast %reduce_sum3A_529 : vector<128xf32> to vector<1x128xf32>
      %add3A = arith.addf %get3A_548, %broadcast_in_dim3A_549 : vector<1x128xf32>
      %swap3A = arith.constant 46 : index
      %swap3A_550 = arith.constant 0 : index
      %swap3A_551 = vector.load %arg3[%swap3A, %swap3A_550] : memref<64x128xf32, #tpu.memory_space<vmem>>, vector<1x128xf32>
      tpu.vector_store %arg3[%swap3A, %swap3A_550], %add3A {strides = array<i32>} : memref<64x128xf32, #tpu.memory_space<vmem>>, vector<1x128xf32>,
      %get3A_552 = arith.constant 46 : index
      %get3A_553 = arith.constant 0 : index
      %get3A_554 = vector.load %arg4[%get3A_552, %get3A_553] : memref<64x128xf32, #tpu.memory_space<vmem>>, vector<1x128xf32>
      %broadcast_in_dim3A_555 = vector.shape_cast %reduce_sum3A_538 : vector<128xf32> to vector<1x128xf32>
      %add3A_556 = arith.addf %get3A_554, %broadcast_in_dim3A_555 : vector<1x128xf32>
      %swap3A_557 = arith.constant 46 : index
      %swap3A_558 = arith.constant 0 : index
      %swap3A_559 = vector.load %arg4[%swap3A_557, %swap3A_558] : memref<64x128xf32, #tpu.memory_space<vmem>>, vector<1x128xf32>
      tpu.vector_store %arg4[%swap3A_557, %swap3A_558], %add3A_556 {strides = array<i32>} : memref<64x128xf32, #tpu.memory_space<vmem>>, vector<1x128xf32>,
      %get3A_560 = arith.constant 46 : index
      %get3A_561 = arith.constant 0 : index
      %get3A_562 = vector.load %arg5[%get3A_560, %get3A_561] : memref<64x128xf32, #tpu.memory_space<vmem>>, vector<1x128xf32>
      %broadcast_in_dim3A_563 = vector.shape_cast %reduce_max3A_545 : vector<128xf32> to vector<1x128xf32>
      %max3A = arith.maximumf %get3A_562, %broadcast_in_dim3A_563 : vector<1x128xf32>
      %swap3A_564 = arith.constant 46 : index
      %swap3A_565 = arith.constant 0 : index
      %swap3A_566 = vector.load %arg5[%swap3A_564, %swap3A_565] : memref<64x128xf32, #tpu.memory_space<vmem>>, vector<1x128xf32>
      tpu.vector_store %arg5[%swap3A_564, %swap3A_565], %max3A {strides = array<i32>} : memref<64x128xf32, #tpu.memory_space<vmem>>, vector<1x128xf32>,
    } else {
    }
    %le3A_388 = arith.constant 47 : i32
    %le3A_389 = arith.cmpi sle, %reduce_min3A_10, %le3A_388 : i32
    %ge3A_390 = arith.constant 47 : i32
    %ge3A_391 = arith.cmpi sge, %reduce_max3A_14, %ge3A_390 : i32
    %and3A_392 = arith.andi %le3A_389, %ge3A_391 : i1
    %convert_element_type3A_393 = arith.extui %and3A_392 : i1 to i32
    %cond3A_394 = arith.constant 0 : i32
    %cond3A_395 = arith.cmpi ne, %convert_element_type3A_393, %cond3A_394 : i32
    scf.if %cond3A_395 {
      %eq3A_524 = arith.constant 47 : i32
      %eq3A_525 = vector.broadcast %eq3A_524 : i32 to vector<1000x1xi32>
      %eq3A_526 = arith.cmpi eq, %get3A_6, %eq3A_525 : vector<1000x1xi32>
      %jit3A = arith.constant 0.000000e+00 : f32
      %broadcast_in_dim3A = vector.shape_cast %eq3A_526 : vector<1000x1xi1> to vector<1000x1xi1>
      %broadcast_in_dim3A_527 = vector.broadcast %broadcast_in_dim3A : vector<1000x1xi1> to vector<1000x128xi1>
      %broadcast_in_dim3A_528 = vector.broadcast %jit3A : f32 to vector<1000x128xf32>
      %select_n3A = arith.select %broadcast_in_dim3A_527, %get3A_3, %broadcast_in_dim3A_528 : vector<1000x128xi1>, vector<1000x128xf32>
      %reduce_sum3A = arith.constant dense<0.000000e+00> : vector<128xf32>
      %reduce_sum3A_529 = vector.multi_reduction <add>, %select_n3A, %reduce_sum3A [0] : vector<1000x128xf32> to vector<128xf32>
      %broadcast_in_dim3A_530 = arith.constant 1.000000e+00 : f32
      %broadcast_in_dim3A_531 = vector.broadcast %broadcast_in_dim3A_530 : f32 to vector<1000x128xf32>
      %jit3A_532 = arith.constant 0.000000e+00 : f32
      %broadcast_in_dim3A_533 = vector.shape_cast %eq3A_526 : vector<1000x1xi1> to vector<1000x1xi1>
      %broadcast_in_dim3A_534 = vector.broadcast %broadcast_in_dim3A_533 : vector<1000x1xi1> to vector<1000x128xi1>
      %broadcast_in_dim3A_535 = vector.broadcast %jit3A_532 : f32 to vector<1000x128xf32>
      %select_n3A_536 = arith.select %broadcast_in_dim3A_534, %broadcast_in_dim3A_531, %broadcast_in_dim3A_535 : vector<1000x128xi1>, vector<1000x128xf32>
      %reduce_sum3A_537 = arith.constant dense<0.000000e+00> : vector<128xf32>
      %reduce_sum3A_538 = vector.multi_reduction <add>, %select_n3A_536, %reduce_sum3A_537 [0] : vector<1000x128xf32> to vector<128xf32>
      %jit3A_539 = arith.constant 0xFF800000 : f32
      %broadcast_in_dim3A_540 = vector.shape_cast %eq3A_526 : vector<1000x1xi1> to vector<1000x1xi1>
      %broadcast_in_dim3A_541 = vector.broadcast %broadcast_in_dim3A_540 : vector<1000x1xi1> to vector<1000x128xi1>
      %broadcast_in_dim3A_542 = vector.broadcast %jit3A_539 : f32 to vector<1000x128xf32>
      %select_n3A_543 = arith.select %broadcast_in_dim3A_541, %get3A_3, %broadcast_in_dim3A_542 : vector<1000x128xi1>, vector<1000x128xf32>
      %reduce_max3A_544 = arith.constant dense<0xFF800000> : vector<128xf32>
      %reduce_max3A_545 = vector.multi_reduction <maximumf>, %select_n3A_543, %reduce_max3A_544 [0] : vector<1000x128xf32> to vector<128xf32>
      %get3A_546 = arith.constant 47 : index
      %get3A_547 = arith.constant 0 : index
      %get3A_548 = vector.load %arg3[%get3A_546, %get3A_547] : memref<64x128xf32, #tpu.memory_space<vmem>>, vector<1x128xf32>
      %broadcast_in_dim3A_549 = vector.shape_cast %reduce_sum3A_529 : vector<128xf32> to vector<1x128xf32>
      %add3A = arith.addf %get3A_548, %broadcast_in_dim3A_549 : vector<1x128xf32>
      %swap3A = arith.constant 47 : index
      %swap3A_550 = arith.constant 0 : index
      %swap3A_551 = vector.load %arg3[%swap3A, %swap3A_550] : memref<64x128xf32, #tpu.memory_space<vmem>>, vector<1x128xf32>
      tpu.vector_store %arg3[%swap3A, %swap3A_550], %add3A {strides = array<i32>} : memref<64x128xf32, #tpu.memory_space<vmem>>, vector<1x128xf32>,
      %get3A_552 = arith.constant 47 : index
      %get3A_553 = arith.constant 0 : index
      %get3A_554 = vector.load %arg4[%get3A_552, %get3A_553] : memref<64x128xf32, #tpu.memory_space<vmem>>, vector<1x128xf32>
      %broadcast_in_dim3A_555 = vector.shape_cast %reduce_sum3A_538 : vector<128xf32> to vector<1x128xf32>
      %add3A_556 = arith.addf %get3A_554, %broadcast_in_dim3A_555 : vector<1x128xf32>
      %swap3A_557 = arith.constant 47 : index
      %swap3A_558 = arith.constant 0 : index
      %swap3A_559 = vector.load %arg4[%swap3A_557, %swap3A_558] : memref<64x128xf32, #tpu.memory_space<vmem>>, vector<1x128xf32>
      tpu.vector_store %arg4[%swap3A_557, %swap3A_558], %add3A_556 {strides = array<i32>} : memref<64x128xf32, #tpu.memory_space<vmem>>, vector<1x128xf32>,
      %get3A_560 = arith.constant 47 : index
      %get3A_561 = arith.constant 0 : index
      %get3A_562 = vector.load %arg5[%get3A_560, %get3A_561] : memref<64x128xf32, #tpu.memory_space<vmem>>, vector<1x128xf32>
      %broadcast_in_dim3A_563 = vector.shape_cast %reduce_max3A_545 : vector<128xf32> to vector<1x128xf32>
      %max3A = arith.maximumf %get3A_562, %broadcast_in_dim3A_563 : vector<1x128xf32>
      %swap3A_564 = arith.constant 47 : index
      %swap3A_565 = arith.constant 0 : index
      %swap3A_566 = vector.load %arg5[%swap3A_564, %swap3A_565] : memref<64x128xf32, #tpu.memory_space<vmem>>, vector<1x128xf32>
      tpu.vector_store %arg5[%swap3A_564, %swap3A_565], %max3A {strides = array<i32>} : memref<64x128xf32, #tpu.memory_space<vmem>>, vector<1x128xf32>,
    } else {
    }
    %le3A_396 = arith.constant 48 : i32
    %le3A_397 = arith.cmpi sle, %reduce_min3A_10, %le3A_396 : i32
    %ge3A_398 = arith.constant 48 : i32
    %ge3A_399 = arith.cmpi sge, %reduce_max3A_14, %ge3A_398 : i32
    %and3A_400 = arith.andi %le3A_397, %ge3A_399 : i1
    %convert_element_type3A_401 = arith.extui %and3A_400 : i1 to i32
    %cond3A_402 = arith.constant 0 : i32
    %cond3A_403 = arith.cmpi ne, %convert_element_type3A_401, %cond3A_402 : i32
    scf.if %cond3A_403 {
      %eq3A_524 = arith.constant 48 : i32
      %eq3A_525 = vector.broadcast %eq3A_524 : i32 to vector<1000x1xi32>
      %eq3A_526 = arith.cmpi eq, %get3A_6, %eq3A_525 : vector<1000x1xi32>
      %jit3A = arith.constant 0.000000e+00 : f32
      %broadcast_in_dim3A = vector.shape_cast %eq3A_526 : vector<1000x1xi1> to vector<1000x1xi1>
      %broadcast_in_dim3A_527 = vector.broadcast %broadcast_in_dim3A : vector<1000x1xi1> to vector<1000x128xi1>
      %broadcast_in_dim3A_528 = vector.broadcast %jit3A : f32 to vector<1000x128xf32>
      %select_n3A = arith.select %broadcast_in_dim3A_527, %get3A_3, %broadcast_in_dim3A_528 : vector<1000x128xi1>, vector<1000x128xf32>
      %reduce_sum3A = arith.constant dense<0.000000e+00> : vector<128xf32>
      %reduce_sum3A_529 = vector.multi_reduction <add>, %select_n3A, %reduce_sum3A [0] : vector<1000x128xf32> to vector<128xf32>
      %broadcast_in_dim3A_530 = arith.constant 1.000000e+00 : f32
      %broadcast_in_dim3A_531 = vector.broadcast %broadcast_in_dim3A_530 : f32 to vector<1000x128xf32>
      %jit3A_532 = arith.constant 0.000000e+00 : f32
      %broadcast_in_dim3A_533 = vector.shape_cast %eq3A_526 : vector<1000x1xi1> to vector<1000x1xi1>
      %broadcast_in_dim3A_534 = vector.broadcast %broadcast_in_dim3A_533 : vector<1000x1xi1> to vector<1000x128xi1>
      %broadcast_in_dim3A_535 = vector.broadcast %jit3A_532 : f32 to vector<1000x128xf32>
      %select_n3A_536 = arith.select %broadcast_in_dim3A_534, %broadcast_in_dim3A_531, %broadcast_in_dim3A_535 : vector<1000x128xi1>, vector<1000x128xf32>
      %reduce_sum3A_537 = arith.constant dense<0.000000e+00> : vector<128xf32>
      %reduce_sum3A_538 = vector.multi_reduction <add>, %select_n3A_536, %reduce_sum3A_537 [0] : vector<1000x128xf32> to vector<128xf32>
      %jit3A_539 = arith.constant 0xFF800000 : f32
      %broadcast_in_dim3A_540 = vector.shape_cast %eq3A_526 : vector<1000x1xi1> to vector<1000x1xi1>
      %broadcast_in_dim3A_541 = vector.broadcast %broadcast_in_dim3A_540 : vector<1000x1xi1> to vector<1000x128xi1>
      %broadcast_in_dim3A_542 = vector.broadcast %jit3A_539 : f32 to vector<1000x128xf32>
      %select_n3A_543 = arith.select %broadcast_in_dim3A_541, %get3A_3, %broadcast_in_dim3A_542 : vector<1000x128xi1>, vector<1000x128xf32>
      %reduce_max3A_544 = arith.constant dense<0xFF800000> : vector<128xf32>
      %reduce_max3A_545 = vector.multi_reduction <maximumf>, %select_n3A_543, %reduce_max3A_544 [0] : vector<1000x128xf32> to vector<128xf32>
      %get3A_546 = arith.constant 48 : index
      %get3A_547 = arith.constant 0 : index
      %get3A_548 = vector.load %arg3[%get3A_546, %get3A_547] : memref<64x128xf32, #tpu.memory_space<vmem>>, vector<1x128xf32>
      %broadcast_in_dim3A_549 = vector.shape_cast %reduce_sum3A_529 : vector<128xf32> to vector<1x128xf32>
      %add3A = arith.addf %get3A_548, %broadcast_in_dim3A_549 : vector<1x128xf32>
      %swap3A = arith.constant 48 : index
      %swap3A_550 = arith.constant 0 : index
      %swap3A_551 = vector.load %arg3[%swap3A, %swap3A_550] : memref<64x128xf32, #tpu.memory_space<vmem>>, vector<1x128xf32>
      tpu.vector_store %arg3[%swap3A, %swap3A_550], %add3A {strides = array<i32>} : memref<64x128xf32, #tpu.memory_space<vmem>>, vector<1x128xf32>,
      %get3A_552 = arith.constant 48 : index
      %get3A_553 = arith.constant 0 : index
      %get3A_554 = vector.load %arg4[%get3A_552, %get3A_553] : memref<64x128xf32, #tpu.memory_space<vmem>>, vector<1x128xf32>
      %broadcast_in_dim3A_555 = vector.shape_cast %reduce_sum3A_538 : vector<128xf32> to vector<1x128xf32>
      %add3A_556 = arith.addf %get3A_554, %broadcast_in_dim3A_555 : vector<1x128xf32>
      %swap3A_557 = arith.constant 48 : index
      %swap3A_558 = arith.constant 0 : index
      %swap3A_559 = vector.load %arg4[%swap3A_557, %swap3A_558] : memref<64x128xf32, #tpu.memory_space<vmem>>, vector<1x128xf32>
      tpu.vector_store %arg4[%swap3A_557, %swap3A_558], %add3A_556 {strides = array<i32>} : memref<64x128xf32, #tpu.memory_space<vmem>>, vector<1x128xf32>,
      %get3A_560 = arith.constant 48 : index
      %get3A_561 = arith.constant 0 : index
      %get3A_562 = vector.load %arg5[%get3A_560, %get3A_561] : memref<64x128xf32, #tpu.memory_space<vmem>>, vector<1x128xf32>
      %broadcast_in_dim3A_563 = vector.shape_cast %reduce_max3A_545 : vector<128xf32> to vector<1x128xf32>
      %max3A = arith.maximumf %get3A_562, %broadcast_in_dim3A_563 : vector<1x128xf32>
      %swap3A_564 = arith.constant 48 : index
      %swap3A_565 = arith.constant 0 : index
      %swap3A_566 = vector.load %arg5[%swap3A_564, %swap3A_565] : memref<64x128xf32, #tpu.memory_space<vmem>>, vector<1x128xf32>
      tpu.vector_store %arg5[%swap3A_564, %swap3A_565], %max3A {strides = array<i32>} : memref<64x128xf32, #tpu.memory_space<vmem>>, vector<1x128xf32>,
    } else {
    }
    %le3A_404 = arith.constant 49 : i32
    %le3A_405 = arith.cmpi sle, %reduce_min3A_10, %le3A_404 : i32
    %ge3A_406 = arith.constant 49 : i32
    %ge3A_407 = arith.cmpi sge, %reduce_max3A_14, %ge3A_406 : i32
    %and3A_408 = arith.andi %le3A_405, %ge3A_407 : i1
    %convert_element_type3A_409 = arith.extui %and3A_408 : i1 to i32
    %cond3A_410 = arith.constant 0 : i32
    %cond3A_411 = arith.cmpi ne, %convert_element_type3A_409, %cond3A_410 : i32
    scf.if %cond3A_411 {
      %eq3A_524 = arith.constant 49 : i32
      %eq3A_525 = vector.broadcast %eq3A_524 : i32 to vector<1000x1xi32>
      %eq3A_526 = arith.cmpi eq, %get3A_6, %eq3A_525 : vector<1000x1xi32>
      %jit3A = arith.constant 0.000000e+00 : f32
      %broadcast_in_dim3A = vector.shape_cast %eq3A_526 : vector<1000x1xi1> to vector<1000x1xi1>
      %broadcast_in_dim3A_527 = vector.broadcast %broadcast_in_dim3A : vector<1000x1xi1> to vector<1000x128xi1>
      %broadcast_in_dim3A_528 = vector.broadcast %jit3A : f32 to vector<1000x128xf32>
      %select_n3A = arith.select %broadcast_in_dim3A_527, %get3A_3, %broadcast_in_dim3A_528 : vector<1000x128xi1>, vector<1000x128xf32>
      %reduce_sum3A = arith.constant dense<0.000000e+00> : vector<128xf32>
      %reduce_sum3A_529 = vector.multi_reduction <add>, %select_n3A, %reduce_sum3A [0] : vector<1000x128xf32> to vector<128xf32>
      %broadcast_in_dim3A_530 = arith.constant 1.000000e+00 : f32
      %broadcast_in_dim3A_531 = vector.broadcast %broadcast_in_dim3A_530 : f32 to vector<1000x128xf32>
      %jit3A_532 = arith.constant 0.000000e+00 : f32
      %broadcast_in_dim3A_533 = vector.shape_cast %eq3A_526 : vector<1000x1xi1> to vector<1000x1xi1>
      %broadcast_in_dim3A_534 = vector.broadcast %broadcast_in_dim3A_533 : vector<1000x1xi1> to vector<1000x128xi1>
      %broadcast_in_dim3A_535 = vector.broadcast %jit3A_532 : f32 to vector<1000x128xf32>
      %select_n3A_536 = arith.select %broadcast_in_dim3A_534, %broadcast_in_dim3A_531, %broadcast_in_dim3A_535 : vector<1000x128xi1>, vector<1000x128xf32>
      %reduce_sum3A_537 = arith.constant dense<0.000000e+00> : vector<128xf32>
      %reduce_sum3A_538 = vector.multi_reduction <add>, %select_n3A_536, %reduce_sum3A_537 [0] : vector<1000x128xf32> to vector<128xf32>
      %jit3A_539 = arith.constant 0xFF800000 : f32
      %broadcast_in_dim3A_540 = vector.shape_cast %eq3A_526 : vector<1000x1xi1> to vector<1000x1xi1>
      %broadcast_in_dim3A_541 = vector.broadcast %broadcast_in_dim3A_540 : vector<1000x1xi1> to vector<1000x128xi1>
      %broadcast_in_dim3A_542 = vector.broadcast %jit3A_539 : f32 to vector<1000x128xf32>
      %select_n3A_543 = arith.select %broadcast_in_dim3A_541, %get3A_3, %broadcast_in_dim3A_542 : vector<1000x128xi1>, vector<1000x128xf32>
      %reduce_max3A_544 = arith.constant dense<0xFF800000> : vector<128xf32>
      %reduce_max3A_545 = vector.multi_reduction <maximumf>, %select_n3A_543, %reduce_max3A_544 [0] : vector<1000x128xf32> to vector<128xf32>
      %get3A_546 = arith.constant 49 : index
      %get3A_547 = arith.constant 0 : index
      %get3A_548 = vector.load %arg3[%get3A_546, %get3A_547] : memref<64x128xf32, #tpu.memory_space<vmem>>, vector<1x128xf32>
      %broadcast_in_dim3A_549 = vector.shape_cast %reduce_sum3A_529 : vector<128xf32> to vector<1x128xf32>
      %add3A = arith.addf %get3A_548, %broadcast_in_dim3A_549 : vector<1x128xf32>
      %swap3A = arith.constant 49 : index
      %swap3A_550 = arith.constant 0 : index
      %swap3A_551 = vector.load %arg3[%swap3A, %swap3A_550] : memref<64x128xf32, #tpu.memory_space<vmem>>, vector<1x128xf32>
      tpu.vector_store %arg3[%swap3A, %swap3A_550], %add3A {strides = array<i32>} : memref<64x128xf32, #tpu.memory_space<vmem>>, vector<1x128xf32>,
      %get3A_552 = arith.constant 49 : index
      %get3A_553 = arith.constant 0 : index
      %get3A_554 = vector.load %arg4[%get3A_552, %get3A_553] : memref<64x128xf32, #tpu.memory_space<vmem>>, vector<1x128xf32>
      %broadcast_in_dim3A_555 = vector.shape_cast %reduce_sum3A_538 : vector<128xf32> to vector<1x128xf32>
      %add3A_556 = arith.addf %get3A_554, %broadcast_in_dim3A_555 : vector<1x128xf32>
      %swap3A_557 = arith.constant 49 : index
      %swap3A_558 = arith.constant 0 : index
      %swap3A_559 = vector.load %arg4[%swap3A_557, %swap3A_558] : memref<64x128xf32, #tpu.memory_space<vmem>>, vector<1x128xf32>
      tpu.vector_store %arg4[%swap3A_557, %swap3A_558], %add3A_556 {strides = array<i32>} : memref<64x128xf32, #tpu.memory_space<vmem>>, vector<1x128xf32>,
      %get3A_560 = arith.constant 49 : index
      %get3A_561 = arith.constant 0 : index
      %get3A_562 = vector.load %arg5[%get3A_560, %get3A_561] : memref<64x128xf32, #tpu.memory_space<vmem>>, vector<1x128xf32>
      %broadcast_in_dim3A_563 = vector.shape_cast %reduce_max3A_545 : vector<128xf32> to vector<1x128xf32>
      %max3A = arith.maximumf %get3A_562, %broadcast_in_dim3A_563 : vector<1x128xf32>
      %swap3A_564 = arith.constant 49 : index
      %swap3A_565 = arith.constant 0 : index
      %swap3A_566 = vector.load %arg5[%swap3A_564, %swap3A_565] : memref<64x128xf32, #tpu.memory_space<vmem>>, vector<1x128xf32>
      tpu.vector_store %arg5[%swap3A_564, %swap3A_565], %max3A {strides = array<i32>} : memref<64x128xf32, #tpu.memory_space<vmem>>, vector<1x128xf32>,
    } else {
    }
    %le3A_412 = arith.constant 50 : i32
    %le3A_413 = arith.cmpi sle, %reduce_min3A_10, %le3A_412 : i32
    %ge3A_414 = arith.constant 50 : i32
    %ge3A_415 = arith.cmpi sge, %reduce_max3A_14, %ge3A_414 : i32
    %and3A_416 = arith.andi %le3A_413, %ge3A_415 : i1
    %convert_element_type3A_417 = arith.extui %and3A_416 : i1 to i32
    %cond3A_418 = arith.constant 0 : i32
    %cond3A_419 = arith.cmpi ne, %convert_element_type3A_417, %cond3A_418 : i32
    scf.if %cond3A_419 {
      %eq3A_524 = arith.constant 50 : i32
      %eq3A_525 = vector.broadcast %eq3A_524 : i32 to vector<1000x1xi32>
      %eq3A_526 = arith.cmpi eq, %get3A_6, %eq3A_525 : vector<1000x1xi32>
      %jit3A = arith.constant 0.000000e+00 : f32
      %broadcast_in_dim3A = vector.shape_cast %eq3A_526 : vector<1000x1xi1> to vector<1000x1xi1>
      %broadcast_in_dim3A_527 = vector.broadcast %broadcast_in_dim3A : vector<1000x1xi1> to vector<1000x128xi1>
      %broadcast_in_dim3A_528 = vector.broadcast %jit3A : f32 to vector<1000x128xf32>
      %select_n3A = arith.select %broadcast_in_dim3A_527, %get3A_3, %broadcast_in_dim3A_528 : vector<1000x128xi1>, vector<1000x128xf32>
      %reduce_sum3A = arith.constant dense<0.000000e+00> : vector<128xf32>
      %reduce_sum3A_529 = vector.multi_reduction <add>, %select_n3A, %reduce_sum3A [0] : vector<1000x128xf32> to vector<128xf32>
      %broadcast_in_dim3A_530 = arith.constant 1.000000e+00 : f32
      %broadcast_in_dim3A_531 = vector.broadcast %broadcast_in_dim3A_530 : f32 to vector<1000x128xf32>
      %jit3A_532 = arith.constant 0.000000e+00 : f32
      %broadcast_in_dim3A_533 = vector.shape_cast %eq3A_526 : vector<1000x1xi1> to vector<1000x1xi1>
      %broadcast_in_dim3A_534 = vector.broadcast %broadcast_in_dim3A_533 : vector<1000x1xi1> to vector<1000x128xi1>
      %broadcast_in_dim3A_535 = vector.broadcast %jit3A_532 : f32 to vector<1000x128xf32>
      %select_n3A_536 = arith.select %broadcast_in_dim3A_534, %broadcast_in_dim3A_531, %broadcast_in_dim3A_535 : vector<1000x128xi1>, vector<1000x128xf32>
      %reduce_sum3A_537 = arith.constant dense<0.000000e+00> : vector<128xf32>
      %reduce_sum3A_538 = vector.multi_reduction <add>, %select_n3A_536, %reduce_sum3A_537 [0] : vector<1000x128xf32> to vector<128xf32>
      %jit3A_539 = arith.constant 0xFF800000 : f32
      %broadcast_in_dim3A_540 = vector.shape_cast %eq3A_526 : vector<1000x1xi1> to vector<1000x1xi1>
      %broadcast_in_dim3A_541 = vector.broadcast %broadcast_in_dim3A_540 : vector<1000x1xi1> to vector<1000x128xi1>
      %broadcast_in_dim3A_542 = vector.broadcast %jit3A_539 : f32 to vector<1000x128xf32>
      %select_n3A_543 = arith.select %broadcast_in_dim3A_541, %get3A_3, %broadcast_in_dim3A_542 : vector<1000x128xi1>, vector<1000x128xf32>
      %reduce_max3A_544 = arith.constant dense<0xFF800000> : vector<128xf32>
      %reduce_max3A_545 = vector.multi_reduction <maximumf>, %select_n3A_543, %reduce_max3A_544 [0] : vector<1000x128xf32> to vector<128xf32>
      %get3A_546 = arith.constant 50 : index
      %get3A_547 = arith.constant 0 : index
      %get3A_548 = vector.load %arg3[%get3A_546, %get3A_547] : memref<64x128xf32, #tpu.memory_space<vmem>>, vector<1x128xf32>
      %broadcast_in_dim3A_549 = vector.shape_cast %reduce_sum3A_529 : vector<128xf32> to vector<1x128xf32>
      %add3A = arith.addf %get3A_548, %broadcast_in_dim3A_549 : vector<1x128xf32>
      %swap3A = arith.constant 50 : index
      %swap3A_550 = arith.constant 0 : index
      %swap3A_551 = vector.load %arg3[%swap3A, %swap3A_550] : memref<64x128xf32, #tpu.memory_space<vmem>>, vector<1x128xf32>
      tpu.vector_store %arg3[%swap3A, %swap3A_550], %add3A {strides = array<i32>} : memref<64x128xf32, #tpu.memory_space<vmem>>, vector<1x128xf32>,
      %get3A_552 = arith.constant 50 : index
      %get3A_553 = arith.constant 0 : index
      %get3A_554 = vector.load %arg4[%get3A_552, %get3A_553] : memref<64x128xf32, #tpu.memory_space<vmem>>, vector<1x128xf32>
      %broadcast_in_dim3A_555 = vector.shape_cast %reduce_sum3A_538 : vector<128xf32> to vector<1x128xf32>
      %add3A_556 = arith.addf %get3A_554, %broadcast_in_dim3A_555 : vector<1x128xf32>
      %swap3A_557 = arith.constant 50 : index
      %swap3A_558 = arith.constant 0 : index
      %swap3A_559 = vector.load %arg4[%swap3A_557, %swap3A_558] : memref<64x128xf32, #tpu.memory_space<vmem>>, vector<1x128xf32>
      tpu.vector_store %arg4[%swap3A_557, %swap3A_558], %add3A_556 {strides = array<i32>} : memref<64x128xf32, #tpu.memory_space<vmem>>, vector<1x128xf32>,
      %get3A_560 = arith.constant 50 : index
      %get3A_561 = arith.constant 0 : index
      %get3A_562 = vector.load %arg5[%get3A_560, %get3A_561] : memref<64x128xf32, #tpu.memory_space<vmem>>, vector<1x128xf32>
      %broadcast_in_dim3A_563 = vector.shape_cast %reduce_max3A_545 : vector<128xf32> to vector<1x128xf32>
      %max3A = arith.maximumf %get3A_562, %broadcast_in_dim3A_563 : vector<1x128xf32>
      %swap3A_564 = arith.constant 50 : index
      %swap3A_565 = arith.constant 0 : index
      %swap3A_566 = vector.load %arg5[%swap3A_564, %swap3A_565] : memref<64x128xf32, #tpu.memory_space<vmem>>, vector<1x128xf32>
      tpu.vector_store %arg5[%swap3A_564, %swap3A_565], %max3A {strides = array<i32>} : memref<64x128xf32, #tpu.memory_space<vmem>>, vector<1x128xf32>,
    } else {
    }
    %le3A_420 = arith.constant 51 : i32
    %le3A_421 = arith.cmpi sle, %reduce_min3A_10, %le3A_420 : i32
    %ge3A_422 = arith.constant 51 : i32
    %ge3A_423 = arith.cmpi sge, %reduce_max3A_14, %ge3A_422 : i32
    %and3A_424 = arith.andi %le3A_421, %ge3A_423 : i1
    %convert_element_type3A_425 = arith.extui %and3A_424 : i1 to i32
    %cond3A_426 = arith.constant 0 : i32
    %cond3A_427 = arith.cmpi ne, %convert_element_type3A_425, %cond3A_426 : i32
    scf.if %cond3A_427 {
      %eq3A_524 = arith.constant 51 : i32
      %eq3A_525 = vector.broadcast %eq3A_524 : i32 to vector<1000x1xi32>
      %eq3A_526 = arith.cmpi eq, %get3A_6, %eq3A_525 : vector<1000x1xi32>
      %jit3A = arith.constant 0.000000e+00 : f32
      %broadcast_in_dim3A = vector.shape_cast %eq3A_526 : vector<1000x1xi1> to vector<1000x1xi1>
      %broadcast_in_dim3A_527 = vector.broadcast %broadcast_in_dim3A : vector<1000x1xi1> to vector<1000x128xi1>
      %broadcast_in_dim3A_528 = vector.broadcast %jit3A : f32 to vector<1000x128xf32>
      %select_n3A = arith.select %broadcast_in_dim3A_527, %get3A_3, %broadcast_in_dim3A_528 : vector<1000x128xi1>, vector<1000x128xf32>
      %reduce_sum3A = arith.constant dense<0.000000e+00> : vector<128xf32>
      %reduce_sum3A_529 = vector.multi_reduction <add>, %select_n3A, %reduce_sum3A [0] : vector<1000x128xf32> to vector<128xf32>
      %broadcast_in_dim3A_530 = arith.constant 1.000000e+00 : f32
      %broadcast_in_dim3A_531 = vector.broadcast %broadcast_in_dim3A_530 : f32 to vector<1000x128xf32>
      %jit3A_532 = arith.constant 0.000000e+00 : f32
      %broadcast_in_dim3A_533 = vector.shape_cast %eq3A_526 : vector<1000x1xi1> to vector<1000x1xi1>
      %broadcast_in_dim3A_534 = vector.broadcast %broadcast_in_dim3A_533 : vector<1000x1xi1> to vector<1000x128xi1>
      %broadcast_in_dim3A_535 = vector.broadcast %jit3A_532 : f32 to vector<1000x128xf32>
      %select_n3A_536 = arith.select %broadcast_in_dim3A_534, %broadcast_in_dim3A_531, %broadcast_in_dim3A_535 : vector<1000x128xi1>, vector<1000x128xf32>
      %reduce_sum3A_537 = arith.constant dense<0.000000e+00> : vector<128xf32>
      %reduce_sum3A_538 = vector.multi_reduction <add>, %select_n3A_536, %reduce_sum3A_537 [0] : vector<1000x128xf32> to vector<128xf32>
      %jit3A_539 = arith.constant 0xFF800000 : f32
      %broadcast_in_dim3A_540 = vector.shape_cast %eq3A_526 : vector<1000x1xi1> to vector<1000x1xi1>
      %broadcast_in_dim3A_541 = vector.broadcast %broadcast_in_dim3A_540 : vector<1000x1xi1> to vector<1000x128xi1>
      %broadcast_in_dim3A_542 = vector.broadcast %jit3A_539 : f32 to vector<1000x128xf32>
      %select_n3A_543 = arith.select %broadcast_in_dim3A_541, %get3A_3, %broadcast_in_dim3A_542 : vector<1000x128xi1>, vector<1000x128xf32>
      %reduce_max3A_544 = arith.constant dense<0xFF800000> : vector<128xf32>
      %reduce_max3A_545 = vector.multi_reduction <maximumf>, %select_n3A_543, %reduce_max3A_544 [0] : vector<1000x128xf32> to vector<128xf32>
      %get3A_546 = arith.constant 51 : index
      %get3A_547 = arith.constant 0 : index
      %get3A_548 = vector.load %arg3[%get3A_546, %get3A_547] : memref<64x128xf32, #tpu.memory_space<vmem>>, vector<1x128xf32>
      %broadcast_in_dim3A_549 = vector.shape_cast %reduce_sum3A_529 : vector<128xf32> to vector<1x128xf32>
      %add3A = arith.addf %get3A_548, %broadcast_in_dim3A_549 : vector<1x128xf32>
      %swap3A = arith.constant 51 : index
      %swap3A_550 = arith.constant 0 : index
      %swap3A_551 = vector.load %arg3[%swap3A, %swap3A_550] : memref<64x128xf32, #tpu.memory_space<vmem>>, vector<1x128xf32>
      tpu.vector_store %arg3[%swap3A, %swap3A_550], %add3A {strides = array<i32>} : memref<64x128xf32, #tpu.memory_space<vmem>>, vector<1x128xf32>,
      %get3A_552 = arith.constant 51 : index
      %get3A_553 = arith.constant 0 : index
      %get3A_554 = vector.load %arg4[%get3A_552, %get3A_553] : memref<64x128xf32, #tpu.memory_space<vmem>>, vector<1x128xf32>
      %broadcast_in_dim3A_555 = vector.shape_cast %reduce_sum3A_538 : vector<128xf32> to vector<1x128xf32>
      %add3A_556 = arith.addf %get3A_554, %broadcast_in_dim3A_555 : vector<1x128xf32>
      %swap3A_557 = arith.constant 51 : index
      %swap3A_558 = arith.constant 0 : index
      %swap3A_559 = vector.load %arg4[%swap3A_557, %swap3A_558] : memref<64x128xf32, #tpu.memory_space<vmem>>, vector<1x128xf32>
      tpu.vector_store %arg4[%swap3A_557, %swap3A_558], %add3A_556 {strides = array<i32>} : memref<64x128xf32, #tpu.memory_space<vmem>>, vector<1x128xf32>,
      %get3A_560 = arith.constant 51 : index
      %get3A_561 = arith.constant 0 : index
      %get3A_562 = vector.load %arg5[%get3A_560, %get3A_561] : memref<64x128xf32, #tpu.memory_space<vmem>>, vector<1x128xf32>
      %broadcast_in_dim3A_563 = vector.shape_cast %reduce_max3A_545 : vector<128xf32> to vector<1x128xf32>
      %max3A = arith.maximumf %get3A_562, %broadcast_in_dim3A_563 : vector<1x128xf32>
      %swap3A_564 = arith.constant 51 : index
      %swap3A_565 = arith.constant 0 : index
      %swap3A_566 = vector.load %arg5[%swap3A_564, %swap3A_565] : memref<64x128xf32, #tpu.memory_space<vmem>>, vector<1x128xf32>
      tpu.vector_store %arg5[%swap3A_564, %swap3A_565], %max3A {strides = array<i32>} : memref<64x128xf32, #tpu.memory_space<vmem>>, vector<1x128xf32>,
    } else {
    }
    %le3A_428 = arith.constant 52 : i32
    %le3A_429 = arith.cmpi sle, %reduce_min3A_10, %le3A_428 : i32
    %ge3A_430 = arith.constant 52 : i32
    %ge3A_431 = arith.cmpi sge, %reduce_max3A_14, %ge3A_430 : i32
    %and3A_432 = arith.andi %le3A_429, %ge3A_431 : i1
    %convert_element_type3A_433 = arith.extui %and3A_432 : i1 to i32
    %cond3A_434 = arith.constant 0 : i32
    %cond3A_435 = arith.cmpi ne, %convert_element_type3A_433, %cond3A_434 : i32
    scf.if %cond3A_435 {
      %eq3A_524 = arith.constant 52 : i32
      %eq3A_525 = vector.broadcast %eq3A_524 : i32 to vector<1000x1xi32>
      %eq3A_526 = arith.cmpi eq, %get3A_6, %eq3A_525 : vector<1000x1xi32>
      %jit3A = arith.constant 0.000000e+00 : f32
      %broadcast_in_dim3A = vector.shape_cast %eq3A_526 : vector<1000x1xi1> to vector<1000x1xi1>
      %broadcast_in_dim3A_527 = vector.broadcast %broadcast_in_dim3A : vector<1000x1xi1> to vector<1000x128xi1>
      %broadcast_in_dim3A_528 = vector.broadcast %jit3A : f32 to vector<1000x128xf32>
      %select_n3A = arith.select %broadcast_in_dim3A_527, %get3A_3, %broadcast_in_dim3A_528 : vector<1000x128xi1>, vector<1000x128xf32>
      %reduce_sum3A = arith.constant dense<0.000000e+00> : vector<128xf32>
      %reduce_sum3A_529 = vector.multi_reduction <add>, %select_n3A, %reduce_sum3A [0] : vector<1000x128xf32> to vector<128xf32>
      %broadcast_in_dim3A_530 = arith.constant 1.000000e+00 : f32
      %broadcast_in_dim3A_531 = vector.broadcast %broadcast_in_dim3A_530 : f32 to vector<1000x128xf32>
      %jit3A_532 = arith.constant 0.000000e+00 : f32
      %broadcast_in_dim3A_533 = vector.shape_cast %eq3A_526 : vector<1000x1xi1> to vector<1000x1xi1>
      %broadcast_in_dim3A_534 = vector.broadcast %broadcast_in_dim3A_533 : vector<1000x1xi1> to vector<1000x128xi1>
      %broadcast_in_dim3A_535 = vector.broadcast %jit3A_532 : f32 to vector<1000x128xf32>
      %select_n3A_536 = arith.select %broadcast_in_dim3A_534, %broadcast_in_dim3A_531, %broadcast_in_dim3A_535 : vector<1000x128xi1>, vector<1000x128xf32>
      %reduce_sum3A_537 = arith.constant dense<0.000000e+00> : vector<128xf32>
      %reduce_sum3A_538 = vector.multi_reduction <add>, %select_n3A_536, %reduce_sum3A_537 [0] : vector<1000x128xf32> to vector<128xf32>
      %jit3A_539 = arith.constant 0xFF800000 : f32
      %broadcast_in_dim3A_540 = vector.shape_cast %eq3A_526 : vector<1000x1xi1> to vector<1000x1xi1>
      %broadcast_in_dim3A_541 = vector.broadcast %broadcast_in_dim3A_540 : vector<1000x1xi1> to vector<1000x128xi1>
      %broadcast_in_dim3A_542 = vector.broadcast %jit3A_539 : f32 to vector<1000x128xf32>
      %select_n3A_543 = arith.select %broadcast_in_dim3A_541, %get3A_3, %broadcast_in_dim3A_542 : vector<1000x128xi1>, vector<1000x128xf32>
      %reduce_max3A_544 = arith.constant dense<0xFF800000> : vector<128xf32>
      %reduce_max3A_545 = vector.multi_reduction <maximumf>, %select_n3A_543, %reduce_max3A_544 [0] : vector<1000x128xf32> to vector<128xf32>
      %get3A_546 = arith.constant 52 : index
      %get3A_547 = arith.constant 0 : index
      %get3A_548 = vector.load %arg3[%get3A_546, %get3A_547] : memref<64x128xf32, #tpu.memory_space<vmem>>, vector<1x128xf32>
      %broadcast_in_dim3A_549 = vector.shape_cast %reduce_sum3A_529 : vector<128xf32> to vector<1x128xf32>
      %add3A = arith.addf %get3A_548, %broadcast_in_dim3A_549 : vector<1x128xf32>
      %swap3A = arith.constant 52 : index
      %swap3A_550 = arith.constant 0 : index
      %swap3A_551 = vector.load %arg3[%swap3A, %swap3A_550] : memref<64x128xf32, #tpu.memory_space<vmem>>, vector<1x128xf32>
      tpu.vector_store %arg3[%swap3A, %swap3A_550], %add3A {strides = array<i32>} : memref<64x128xf32, #tpu.memory_space<vmem>>, vector<1x128xf32>,
      %get3A_552 = arith.constant 52 : index
      %get3A_553 = arith.constant 0 : index
      %get3A_554 = vector.load %arg4[%get3A_552, %get3A_553] : memref<64x128xf32, #tpu.memory_space<vmem>>, vector<1x128xf32>
      %broadcast_in_dim3A_555 = vector.shape_cast %reduce_sum3A_538 : vector<128xf32> to vector<1x128xf32>
      %add3A_556 = arith.addf %get3A_554, %broadcast_in_dim3A_555 : vector<1x128xf32>
      %swap3A_557 = arith.constant 52 : index
      %swap3A_558 = arith.constant 0 : index
      %swap3A_559 = vector.load %arg4[%swap3A_557, %swap3A_558] : memref<64x128xf32, #tpu.memory_space<vmem>>, vector<1x128xf32>
      tpu.vector_store %arg4[%swap3A_557, %swap3A_558], %add3A_556 {strides = array<i32>} : memref<64x128xf32, #tpu.memory_space<vmem>>, vector<1x128xf32>,
      %get3A_560 = arith.constant 52 : index
      %get3A_561 = arith.constant 0 : index
      %get3A_562 = vector.load %arg5[%get3A_560, %get3A_561] : memref<64x128xf32, #tpu.memory_space<vmem>>, vector<1x128xf32>
      %broadcast_in_dim3A_563 = vector.shape_cast %reduce_max3A_545 : vector<128xf32> to vector<1x128xf32>
      %max3A = arith.maximumf %get3A_562, %broadcast_in_dim3A_563 : vector<1x128xf32>
      %swap3A_564 = arith.constant 52 : index
      %swap3A_565 = arith.constant 0 : index
      %swap3A_566 = vector.load %arg5[%swap3A_564, %swap3A_565] : memref<64x128xf32, #tpu.memory_space<vmem>>, vector<1x128xf32>
      tpu.vector_store %arg5[%swap3A_564, %swap3A_565], %max3A {strides = array<i32>} : memref<64x128xf32, #tpu.memory_space<vmem>>, vector<1x128xf32>,
    } else {
    }
    %le3A_436 = arith.constant 53 : i32
    %le3A_437 = arith.cmpi sle, %reduce_min3A_10, %le3A_436 : i32
    %ge3A_438 = arith.constant 53 : i32
    %ge3A_439 = arith.cmpi sge, %reduce_max3A_14, %ge3A_438 : i32
    %and3A_440 = arith.andi %le3A_437, %ge3A_439 : i1
    %convert_element_type3A_441 = arith.extui %and3A_440 : i1 to i32
    %cond3A_442 = arith.constant 0 : i32
    %cond3A_443 = arith.cmpi ne, %convert_element_type3A_441, %cond3A_442 : i32
    scf.if %cond3A_443 {
      %eq3A_524 = arith.constant 53 : i32
      %eq3A_525 = vector.broadcast %eq3A_524 : i32 to vector<1000x1xi32>
      %eq3A_526 = arith.cmpi eq, %get3A_6, %eq3A_525 : vector<1000x1xi32>
      %jit3A = arith.constant 0.000000e+00 : f32
      %broadcast_in_dim3A = vector.shape_cast %eq3A_526 : vector<1000x1xi1> to vector<1000x1xi1>
      %broadcast_in_dim3A_527 = vector.broadcast %broadcast_in_dim3A : vector<1000x1xi1> to vector<1000x128xi1>
      %broadcast_in_dim3A_528 = vector.broadcast %jit3A : f32 to vector<1000x128xf32>
      %select_n3A = arith.select %broadcast_in_dim3A_527, %get3A_3, %broadcast_in_dim3A_528 : vector<1000x128xi1>, vector<1000x128xf32>
      %reduce_sum3A = arith.constant dense<0.000000e+00> : vector<128xf32>
      %reduce_sum3A_529 = vector.multi_reduction <add>, %select_n3A, %reduce_sum3A [0] : vector<1000x128xf32> to vector<128xf32>
      %broadcast_in_dim3A_530 = arith.constant 1.000000e+00 : f32
      %broadcast_in_dim3A_531 = vector.broadcast %broadcast_in_dim3A_530 : f32 to vector<1000x128xf32>
      %jit3A_532 = arith.constant 0.000000e+00 : f32
      %broadcast_in_dim3A_533 = vector.shape_cast %eq3A_526 : vector<1000x1xi1> to vector<1000x1xi1>
      %broadcast_in_dim3A_534 = vector.broadcast %broadcast_in_dim3A_533 : vector<1000x1xi1> to vector<1000x128xi1>
      %broadcast_in_dim3A_535 = vector.broadcast %jit3A_532 : f32 to vector<1000x128xf32>
      %select_n3A_536 = arith.select %broadcast_in_dim3A_534, %broadcast_in_dim3A_531, %broadcast_in_dim3A_535 : vector<1000x128xi1>, vector<1000x128xf32>
      %reduce_sum3A_537 = arith.constant dense<0.000000e+00> : vector<128xf32>
      %reduce_sum3A_538 = vector.multi_reduction <add>, %select_n3A_536, %reduce_sum3A_537 [0] : vector<1000x128xf32> to vector<128xf32>
      %jit3A_539 = arith.constant 0xFF800000 : f32
      %broadcast_in_dim3A_540 = vector.shape_cast %eq3A_526 : vector<1000x1xi1> to vector<1000x1xi1>
      %broadcast_in_dim3A_541 = vector.broadcast %broadcast_in_dim3A_540 : vector<1000x1xi1> to vector<1000x128xi1>
      %broadcast_in_dim3A_542 = vector.broadcast %jit3A_539 : f32 to vector<1000x128xf32>
      %select_n3A_543 = arith.select %broadcast_in_dim3A_541, %get3A_3, %broadcast_in_dim3A_542 : vector<1000x128xi1>, vector<1000x128xf32>
      %reduce_max3A_544 = arith.constant dense<0xFF800000> : vector<128xf32>
      %reduce_max3A_545 = vector.multi_reduction <maximumf>, %select_n3A_543, %reduce_max3A_544 [0] : vector<1000x128xf32> to vector<128xf32>
      %get3A_546 = arith.constant 53 : index
      %get3A_547 = arith.constant 0 : index
      %get3A_548 = vector.load %arg3[%get3A_546, %get3A_547] : memref<64x128xf32, #tpu.memory_space<vmem>>, vector<1x128xf32>
      %broadcast_in_dim3A_549 = vector.shape_cast %reduce_sum3A_529 : vector<128xf32> to vector<1x128xf32>
      %add3A = arith.addf %get3A_548, %broadcast_in_dim3A_549 : vector<1x128xf32>
      %swap3A = arith.constant 53 : index
      %swap3A_550 = arith.constant 0 : index
      %swap3A_551 = vector.load %arg3[%swap3A, %swap3A_550] : memref<64x128xf32, #tpu.memory_space<vmem>>, vector<1x128xf32>
      tpu.vector_store %arg3[%swap3A, %swap3A_550], %add3A {strides = array<i32>} : memref<64x128xf32, #tpu.memory_space<vmem>>, vector<1x128xf32>,
      %get3A_552 = arith.constant 53 : index
      %get3A_553 = arith.constant 0 : index
      %get3A_554 = vector.load %arg4[%get3A_552, %get3A_553] : memref<64x128xf32, #tpu.memory_space<vmem>>, vector<1x128xf32>
      %broadcast_in_dim3A_555 = vector.shape_cast %reduce_sum3A_538 : vector<128xf32> to vector<1x128xf32>
      %add3A_556 = arith.addf %get3A_554, %broadcast_in_dim3A_555 : vector<1x128xf32>
      %swap3A_557 = arith.constant 53 : index
      %swap3A_558 = arith.constant 0 : index
      %swap3A_559 = vector.load %arg4[%swap3A_557, %swap3A_558] : memref<64x128xf32, #tpu.memory_space<vmem>>, vector<1x128xf32>
      tpu.vector_store %arg4[%swap3A_557, %swap3A_558], %add3A_556 {strides = array<i32>} : memref<64x128xf32, #tpu.memory_space<vmem>>, vector<1x128xf32>,
      %get3A_560 = arith.constant 53 : index
      %get3A_561 = arith.constant 0 : index
      %get3A_562 = vector.load %arg5[%get3A_560, %get3A_561] : memref<64x128xf32, #tpu.memory_space<vmem>>, vector<1x128xf32>
      %broadcast_in_dim3A_563 = vector.shape_cast %reduce_max3A_545 : vector<128xf32> to vector<1x128xf32>
      %max3A = arith.maximumf %get3A_562, %broadcast_in_dim3A_563 : vector<1x128xf32>
      %swap3A_564 = arith.constant 53 : index
      %swap3A_565 = arith.constant 0 : index
      %swap3A_566 = vector.load %arg5[%swap3A_564, %swap3A_565] : memref<64x128xf32, #tpu.memory_space<vmem>>, vector<1x128xf32>
      tpu.vector_store %arg5[%swap3A_564, %swap3A_565], %max3A {strides = array<i32>} : memref<64x128xf32, #tpu.memory_space<vmem>>, vector<1x128xf32>,
    } else {
    }
    %le3A_444 = arith.constant 54 : i32
    %le3A_445 = arith.cmpi sle, %reduce_min3A_10, %le3A_444 : i32
    %ge3A_446 = arith.constant 54 : i32
    %ge3A_447 = arith.cmpi sge, %reduce_max3A_14, %ge3A_446 : i32
    %and3A_448 = arith.andi %le3A_445, %ge3A_447 : i1
    %convert_element_type3A_449 = arith.extui %and3A_448 : i1 to i32
    %cond3A_450 = arith.constant 0 : i32
    %cond3A_451 = arith.cmpi ne, %convert_element_type3A_449, %cond3A_450 : i32
    scf.if %cond3A_451 {
      %eq3A_524 = arith.constant 54 : i32
      %eq3A_525 = vector.broadcast %eq3A_524 : i32 to vector<1000x1xi32>
      %eq3A_526 = arith.cmpi eq, %get3A_6, %eq3A_525 : vector<1000x1xi32>
      %jit3A = arith.constant 0.000000e+00 : f32
      %broadcast_in_dim3A = vector.shape_cast %eq3A_526 : vector<1000x1xi1> to vector<1000x1xi1>
      %broadcast_in_dim3A_527 = vector.broadcast %broadcast_in_dim3A : vector<1000x1xi1> to vector<1000x128xi1>
      %broadcast_in_dim3A_528 = vector.broadcast %jit3A : f32 to vector<1000x128xf32>
      %select_n3A = arith.select %broadcast_in_dim3A_527, %get3A_3, %broadcast_in_dim3A_528 : vector<1000x128xi1>, vector<1000x128xf32>
      %reduce_sum3A = arith.constant dense<0.000000e+00> : vector<128xf32>
      %reduce_sum3A_529 = vector.multi_reduction <add>, %select_n3A, %reduce_sum3A [0] : vector<1000x128xf32> to vector<128xf32>
      %broadcast_in_dim3A_530 = arith.constant 1.000000e+00 : f32
      %broadcast_in_dim3A_531 = vector.broadcast %broadcast_in_dim3A_530 : f32 to vector<1000x128xf32>
      %jit3A_532 = arith.constant 0.000000e+00 : f32
      %broadcast_in_dim3A_533 = vector.shape_cast %eq3A_526 : vector<1000x1xi1> to vector<1000x1xi1>
      %broadcast_in_dim3A_534 = vector.broadcast %broadcast_in_dim3A_533 : vector<1000x1xi1> to vector<1000x128xi1>
      %broadcast_in_dim3A_535 = vector.broadcast %jit3A_532 : f32 to vector<1000x128xf32>
      %select_n3A_536 = arith.select %broadcast_in_dim3A_534, %broadcast_in_dim3A_531, %broadcast_in_dim3A_535 : vector<1000x128xi1>, vector<1000x128xf32>
      %reduce_sum3A_537 = arith.constant dense<0.000000e+00> : vector<128xf32>
      %reduce_sum3A_538 = vector.multi_reduction <add>, %select_n3A_536, %reduce_sum3A_537 [0] : vector<1000x128xf32> to vector<128xf32>
      %jit3A_539 = arith.constant 0xFF800000 : f32
      %broadcast_in_dim3A_540 = vector.shape_cast %eq3A_526 : vector<1000x1xi1> to vector<1000x1xi1>
      %broadcast_in_dim3A_541 = vector.broadcast %broadcast_in_dim3A_540 : vector<1000x1xi1> to vector<1000x128xi1>
      %broadcast_in_dim3A_542 = vector.broadcast %jit3A_539 : f32 to vector<1000x128xf32>
      %select_n3A_543 = arith.select %broadcast_in_dim3A_541, %get3A_3, %broadcast_in_dim3A_542 : vector<1000x128xi1>, vector<1000x128xf32>
      %reduce_max3A_544 = arith.constant dense<0xFF800000> : vector<128xf32>
      %reduce_max3A_545 = vector.multi_reduction <maximumf>, %select_n3A_543, %reduce_max3A_544 [0] : vector<1000x128xf32> to vector<128xf32>
      %get3A_546 = arith.constant 54 : index
      %get3A_547 = arith.constant 0 : index
      %get3A_548 = vector.load %arg3[%get3A_546, %get3A_547] : memref<64x128xf32, #tpu.memory_space<vmem>>, vector<1x128xf32>
      %broadcast_in_dim3A_549 = vector.shape_cast %reduce_sum3A_529 : vector<128xf32> to vector<1x128xf32>
      %add3A = arith.addf %get3A_548, %broadcast_in_dim3A_549 : vector<1x128xf32>
      %swap3A = arith.constant 54 : index
      %swap3A_550 = arith.constant 0 : index
      %swap3A_551 = vector.load %arg3[%swap3A, %swap3A_550] : memref<64x128xf32, #tpu.memory_space<vmem>>, vector<1x128xf32>
      tpu.vector_store %arg3[%swap3A, %swap3A_550], %add3A {strides = array<i32>} : memref<64x128xf32, #tpu.memory_space<vmem>>, vector<1x128xf32>,
      %get3A_552 = arith.constant 54 : index
      %get3A_553 = arith.constant 0 : index
      %get3A_554 = vector.load %arg4[%get3A_552, %get3A_553] : memref<64x128xf32, #tpu.memory_space<vmem>>, vector<1x128xf32>
      %broadcast_in_dim3A_555 = vector.shape_cast %reduce_sum3A_538 : vector<128xf32> to vector<1x128xf32>
      %add3A_556 = arith.addf %get3A_554, %broadcast_in_dim3A_555 : vector<1x128xf32>
      %swap3A_557 = arith.constant 54 : index
      %swap3A_558 = arith.constant 0 : index
      %swap3A_559 = vector.load %arg4[%swap3A_557, %swap3A_558] : memref<64x128xf32, #tpu.memory_space<vmem>>, vector<1x128xf32>
      tpu.vector_store %arg4[%swap3A_557, %swap3A_558], %add3A_556 {strides = array<i32>} : memref<64x128xf32, #tpu.memory_space<vmem>>, vector<1x128xf32>,
      %get3A_560 = arith.constant 54 : index
      %get3A_561 = arith.constant 0 : index
      %get3A_562 = vector.load %arg5[%get3A_560, %get3A_561] : memref<64x128xf32, #tpu.memory_space<vmem>>, vector<1x128xf32>
      %broadcast_in_dim3A_563 = vector.shape_cast %reduce_max3A_545 : vector<128xf32> to vector<1x128xf32>
      %max3A = arith.maximumf %get3A_562, %broadcast_in_dim3A_563 : vector<1x128xf32>
      %swap3A_564 = arith.constant 54 : index
      %swap3A_565 = arith.constant 0 : index
      %swap3A_566 = vector.load %arg5[%swap3A_564, %swap3A_565] : memref<64x128xf32, #tpu.memory_space<vmem>>, vector<1x128xf32>
      tpu.vector_store %arg5[%swap3A_564, %swap3A_565], %max3A {strides = array<i32>} : memref<64x128xf32, #tpu.memory_space<vmem>>, vector<1x128xf32>,
    } else {
    }
    %le3A_452 = arith.constant 55 : i32
    %le3A_453 = arith.cmpi sle, %reduce_min3A_10, %le3A_452 : i32
    %ge3A_454 = arith.constant 55 : i32
    %ge3A_455 = arith.cmpi sge, %reduce_max3A_14, %ge3A_454 : i32
    %and3A_456 = arith.andi %le3A_453, %ge3A_455 : i1
    %convert_element_type3A_457 = arith.extui %and3A_456 : i1 to i32
    %cond3A_458 = arith.constant 0 : i32
    %cond3A_459 = arith.cmpi ne, %convert_element_type3A_457, %cond3A_458 : i32
    scf.if %cond3A_459 {
      %eq3A_524 = arith.constant 55 : i32
      %eq3A_525 = vector.broadcast %eq3A_524 : i32 to vector<1000x1xi32>
      %eq3A_526 = arith.cmpi eq, %get3A_6, %eq3A_525 : vector<1000x1xi32>
      %jit3A = arith.constant 0.000000e+00 : f32
      %broadcast_in_dim3A = vector.shape_cast %eq3A_526 : vector<1000x1xi1> to vector<1000x1xi1>
      %broadcast_in_dim3A_527 = vector.broadcast %broadcast_in_dim3A : vector<1000x1xi1> to vector<1000x128xi1>
      %broadcast_in_dim3A_528 = vector.broadcast %jit3A : f32 to vector<1000x128xf32>
      %select_n3A = arith.select %broadcast_in_dim3A_527, %get3A_3, %broadcast_in_dim3A_528 : vector<1000x128xi1>, vector<1000x128xf32>
      %reduce_sum3A = arith.constant dense<0.000000e+00> : vector<128xf32>
      %reduce_sum3A_529 = vector.multi_reduction <add>, %select_n3A, %reduce_sum3A [0] : vector<1000x128xf32> to vector<128xf32>
      %broadcast_in_dim3A_530 = arith.constant 1.000000e+00 : f32
      %broadcast_in_dim3A_531 = vector.broadcast %broadcast_in_dim3A_530 : f32 to vector<1000x128xf32>
      %jit3A_532 = arith.constant 0.000000e+00 : f32
      %broadcast_in_dim3A_533 = vector.shape_cast %eq3A_526 : vector<1000x1xi1> to vector<1000x1xi1>
      %broadcast_in_dim3A_534 = vector.broadcast %broadcast_in_dim3A_533 : vector<1000x1xi1> to vector<1000x128xi1>
      %broadcast_in_dim3A_535 = vector.broadcast %jit3A_532 : f32 to vector<1000x128xf32>
      %select_n3A_536 = arith.select %broadcast_in_dim3A_534, %broadcast_in_dim3A_531, %broadcast_in_dim3A_535 : vector<1000x128xi1>, vector<1000x128xf32>
      %reduce_sum3A_537 = arith.constant dense<0.000000e+00> : vector<128xf32>
      %reduce_sum3A_538 = vector.multi_reduction <add>, %select_n3A_536, %reduce_sum3A_537 [0] : vector<1000x128xf32> to vector<128xf32>
      %jit3A_539 = arith.constant 0xFF800000 : f32
      %broadcast_in_dim3A_540 = vector.shape_cast %eq3A_526 : vector<1000x1xi1> to vector<1000x1xi1>
      %broadcast_in_dim3A_541 = vector.broadcast %broadcast_in_dim3A_540 : vector<1000x1xi1> to vector<1000x128xi1>
      %broadcast_in_dim3A_542 = vector.broadcast %jit3A_539 : f32 to vector<1000x128xf32>
      %select_n3A_543 = arith.select %broadcast_in_dim3A_541, %get3A_3, %broadcast_in_dim3A_542 : vector<1000x128xi1>, vector<1000x128xf32>
      %reduce_max3A_544 = arith.constant dense<0xFF800000> : vector<128xf32>
      %reduce_max3A_545 = vector.multi_reduction <maximumf>, %select_n3A_543, %reduce_max3A_544 [0] : vector<1000x128xf32> to vector<128xf32>
      %get3A_546 = arith.constant 55 : index
      %get3A_547 = arith.constant 0 : index
      %get3A_548 = vector.load %arg3[%get3A_546, %get3A_547] : memref<64x128xf32, #tpu.memory_space<vmem>>, vector<1x128xf32>
      %broadcast_in_dim3A_549 = vector.shape_cast %reduce_sum3A_529 : vector<128xf32> to vector<1x128xf32>
      %add3A = arith.addf %get3A_548, %broadcast_in_dim3A_549 : vector<1x128xf32>
      %swap3A = arith.constant 55 : index
      %swap3A_550 = arith.constant 0 : index
      %swap3A_551 = vector.load %arg3[%swap3A, %swap3A_550] : memref<64x128xf32, #tpu.memory_space<vmem>>, vector<1x128xf32>
      tpu.vector_store %arg3[%swap3A, %swap3A_550], %add3A {strides = array<i32>} : memref<64x128xf32, #tpu.memory_space<vmem>>, vector<1x128xf32>,
      %get3A_552 = arith.constant 55 : index
      %get3A_553 = arith.constant 0 : index
      %get3A_554 = vector.load %arg4[%get3A_552, %get3A_553] : memref<64x128xf32, #tpu.memory_space<vmem>>, vector<1x128xf32>
      %broadcast_in_dim3A_555 = vector.shape_cast %reduce_sum3A_538 : vector<128xf32> to vector<1x128xf32>
      %add3A_556 = arith.addf %get3A_554, %broadcast_in_dim3A_555 : vector<1x128xf32>
      %swap3A_557 = arith.constant 55 : index
      %swap3A_558 = arith.constant 0 : index
      %swap3A_559 = vector.load %arg4[%swap3A_557, %swap3A_558] : memref<64x128xf32, #tpu.memory_space<vmem>>, vector<1x128xf32>
      tpu.vector_store %arg4[%swap3A_557, %swap3A_558], %add3A_556 {strides = array<i32>} : memref<64x128xf32, #tpu.memory_space<vmem>>, vector<1x128xf32>,
      %get3A_560 = arith.constant 55 : index
      %get3A_561 = arith.constant 0 : index
      %get3A_562 = vector.load %arg5[%get3A_560, %get3A_561] : memref<64x128xf32, #tpu.memory_space<vmem>>, vector<1x128xf32>
      %broadcast_in_dim3A_563 = vector.shape_cast %reduce_max3A_545 : vector<128xf32> to vector<1x128xf32>
      %max3A = arith.maximumf %get3A_562, %broadcast_in_dim3A_563 : vector<1x128xf32>
      %swap3A_564 = arith.constant 55 : index
      %swap3A_565 = arith.constant 0 : index
      %swap3A_566 = vector.load %arg5[%swap3A_564, %swap3A_565] : memref<64x128xf32, #tpu.memory_space<vmem>>, vector<1x128xf32>
      tpu.vector_store %arg5[%swap3A_564, %swap3A_565], %max3A {strides = array<i32>} : memref<64x128xf32, #tpu.memory_space<vmem>>, vector<1x128xf32>,
    } else {
    }
    %le3A_460 = arith.constant 56 : i32
    %le3A_461 = arith.cmpi sle, %reduce_min3A_10, %le3A_460 : i32
    %ge3A_462 = arith.constant 56 : i32
    %ge3A_463 = arith.cmpi sge, %reduce_max3A_14, %ge3A_462 : i32
    %and3A_464 = arith.andi %le3A_461, %ge3A_463 : i1
    %convert_element_type3A_465 = arith.extui %and3A_464 : i1 to i32
    %cond3A_466 = arith.constant 0 : i32
    %cond3A_467 = arith.cmpi ne, %convert_element_type3A_465, %cond3A_466 : i32
    scf.if %cond3A_467 {
      %eq3A_524 = arith.constant 56 : i32
      %eq3A_525 = vector.broadcast %eq3A_524 : i32 to vector<1000x1xi32>
      %eq3A_526 = arith.cmpi eq, %get3A_6, %eq3A_525 : vector<1000x1xi32>
      %jit3A = arith.constant 0.000000e+00 : f32
      %broadcast_in_dim3A = vector.shape_cast %eq3A_526 : vector<1000x1xi1> to vector<1000x1xi1>
      %broadcast_in_dim3A_527 = vector.broadcast %broadcast_in_dim3A : vector<1000x1xi1> to vector<1000x128xi1>
      %broadcast_in_dim3A_528 = vector.broadcast %jit3A : f32 to vector<1000x128xf32>
      %select_n3A = arith.select %broadcast_in_dim3A_527, %get3A_3, %broadcast_in_dim3A_528 : vector<1000x128xi1>, vector<1000x128xf32>
      %reduce_sum3A = arith.constant dense<0.000000e+00> : vector<128xf32>
      %reduce_sum3A_529 = vector.multi_reduction <add>, %select_n3A, %reduce_sum3A [0] : vector<1000x128xf32> to vector<128xf32>
      %broadcast_in_dim3A_530 = arith.constant 1.000000e+00 : f32
      %broadcast_in_dim3A_531 = vector.broadcast %broadcast_in_dim3A_530 : f32 to vector<1000x128xf32>
      %jit3A_532 = arith.constant 0.000000e+00 : f32
      %broadcast_in_dim3A_533 = vector.shape_cast %eq3A_526 : vector<1000x1xi1> to vector<1000x1xi1>
      %broadcast_in_dim3A_534 = vector.broadcast %broadcast_in_dim3A_533 : vector<1000x1xi1> to vector<1000x128xi1>
      %broadcast_in_dim3A_535 = vector.broadcast %jit3A_532 : f32 to vector<1000x128xf32>
      %select_n3A_536 = arith.select %broadcast_in_dim3A_534, %broadcast_in_dim3A_531, %broadcast_in_dim3A_535 : vector<1000x128xi1>, vector<1000x128xf32>
      %reduce_sum3A_537 = arith.constant dense<0.000000e+00> : vector<128xf32>
      %reduce_sum3A_538 = vector.multi_reduction <add>, %select_n3A_536, %reduce_sum3A_537 [0] : vector<1000x128xf32> to vector<128xf32>
      %jit3A_539 = arith.constant 0xFF800000 : f32
      %broadcast_in_dim3A_540 = vector.shape_cast %eq3A_526 : vector<1000x1xi1> to vector<1000x1xi1>
      %broadcast_in_dim3A_541 = vector.broadcast %broadcast_in_dim3A_540 : vector<1000x1xi1> to vector<1000x128xi1>
      %broadcast_in_dim3A_542 = vector.broadcast %jit3A_539 : f32 to vector<1000x128xf32>
      %select_n3A_543 = arith.select %broadcast_in_dim3A_541, %get3A_3, %broadcast_in_dim3A_542 : vector<1000x128xi1>, vector<1000x128xf32>
      %reduce_max3A_544 = arith.constant dense<0xFF800000> : vector<128xf32>
      %reduce_max3A_545 = vector.multi_reduction <maximumf>, %select_n3A_543, %reduce_max3A_544 [0] : vector<1000x128xf32> to vector<128xf32>
      %get3A_546 = arith.constant 56 : index
      %get3A_547 = arith.constant 0 : index
      %get3A_548 = vector.load %arg3[%get3A_546, %get3A_547] : memref<64x128xf32, #tpu.memory_space<vmem>>, vector<1x128xf32>
      %broadcast_in_dim3A_549 = vector.shape_cast %reduce_sum3A_529 : vector<128xf32> to vector<1x128xf32>
      %add3A = arith.addf %get3A_548, %broadcast_in_dim3A_549 : vector<1x128xf32>
      %swap3A = arith.constant 56 : index
      %swap3A_550 = arith.constant 0 : index
      %swap3A_551 = vector.load %arg3[%swap3A, %swap3A_550] : memref<64x128xf32, #tpu.memory_space<vmem>>, vector<1x128xf32>
      tpu.vector_store %arg3[%swap3A, %swap3A_550], %add3A {strides = array<i32>} : memref<64x128xf32, #tpu.memory_space<vmem>>, vector<1x128xf32>,
      %get3A_552 = arith.constant 56 : index
      %get3A_553 = arith.constant 0 : index
      %get3A_554 = vector.load %arg4[%get3A_552, %get3A_553] : memref<64x128xf32, #tpu.memory_space<vmem>>, vector<1x128xf32>
      %broadcast_in_dim3A_555 = vector.shape_cast %reduce_sum3A_538 : vector<128xf32> to vector<1x128xf32>
      %add3A_556 = arith.addf %get3A_554, %broadcast_in_dim3A_555 : vector<1x128xf32>
      %swap3A_557 = arith.constant 56 : index
      %swap3A_558 = arith.constant 0 : index
      %swap3A_559 = vector.load %arg4[%swap3A_557, %swap3A_558] : memref<64x128xf32, #tpu.memory_space<vmem>>, vector<1x128xf32>
      tpu.vector_store %arg4[%swap3A_557, %swap3A_558], %add3A_556 {strides = array<i32>} : memref<64x128xf32, #tpu.memory_space<vmem>>, vector<1x128xf32>,
      %get3A_560 = arith.constant 56 : index
      %get3A_561 = arith.constant 0 : index
      %get3A_562 = vector.load %arg5[%get3A_560, %get3A_561] : memref<64x128xf32, #tpu.memory_space<vmem>>, vector<1x128xf32>
      %broadcast_in_dim3A_563 = vector.shape_cast %reduce_max3A_545 : vector<128xf32> to vector<1x128xf32>
      %max3A = arith.maximumf %get3A_562, %broadcast_in_dim3A_563 : vector<1x128xf32>
      %swap3A_564 = arith.constant 56 : index
      %swap3A_565 = arith.constant 0 : index
      %swap3A_566 = vector.load %arg5[%swap3A_564, %swap3A_565] : memref<64x128xf32, #tpu.memory_space<vmem>>, vector<1x128xf32>
      tpu.vector_store %arg5[%swap3A_564, %swap3A_565], %max3A {strides = array<i32>} : memref<64x128xf32, #tpu.memory_space<vmem>>, vector<1x128xf32>,
    } else {
    }
    %le3A_468 = arith.constant 57 : i32
    %le3A_469 = arith.cmpi sle, %reduce_min3A_10, %le3A_468 : i32
    %ge3A_470 = arith.constant 57 : i32
    %ge3A_471 = arith.cmpi sge, %reduce_max3A_14, %ge3A_470 : i32
    %and3A_472 = arith.andi %le3A_469, %ge3A_471 : i1
    %convert_element_type3A_473 = arith.extui %and3A_472 : i1 to i32
    %cond3A_474 = arith.constant 0 : i32
    %cond3A_475 = arith.cmpi ne, %convert_element_type3A_473, %cond3A_474 : i32
    scf.if %cond3A_475 {
      %eq3A_524 = arith.constant 57 : i32
      %eq3A_525 = vector.broadcast %eq3A_524 : i32 to vector<1000x1xi32>
      %eq3A_526 = arith.cmpi eq, %get3A_6, %eq3A_525 : vector<1000x1xi32>
      %jit3A = arith.constant 0.000000e+00 : f32
      %broadcast_in_dim3A = vector.shape_cast %eq3A_526 : vector<1000x1xi1> to vector<1000x1xi1>
      %broadcast_in_dim3A_527 = vector.broadcast %broadcast_in_dim3A : vector<1000x1xi1> to vector<1000x128xi1>
      %broadcast_in_dim3A_528 = vector.broadcast %jit3A : f32 to vector<1000x128xf32>
      %select_n3A = arith.select %broadcast_in_dim3A_527, %get3A_3, %broadcast_in_dim3A_528 : vector<1000x128xi1>, vector<1000x128xf32>
      %reduce_sum3A = arith.constant dense<0.000000e+00> : vector<128xf32>
      %reduce_sum3A_529 = vector.multi_reduction <add>, %select_n3A, %reduce_sum3A [0] : vector<1000x128xf32> to vector<128xf32>
      %broadcast_in_dim3A_530 = arith.constant 1.000000e+00 : f32
      %broadcast_in_dim3A_531 = vector.broadcast %broadcast_in_dim3A_530 : f32 to vector<1000x128xf32>
      %jit3A_532 = arith.constant 0.000000e+00 : f32
      %broadcast_in_dim3A_533 = vector.shape_cast %eq3A_526 : vector<1000x1xi1> to vector<1000x1xi1>
      %broadcast_in_dim3A_534 = vector.broadcast %broadcast_in_dim3A_533 : vector<1000x1xi1> to vector<1000x128xi1>
      %broadcast_in_dim3A_535 = vector.broadcast %jit3A_532 : f32 to vector<1000x128xf32>
      %select_n3A_536 = arith.select %broadcast_in_dim3A_534, %broadcast_in_dim3A_531, %broadcast_in_dim3A_535 : vector<1000x128xi1>, vector<1000x128xf32>
      %reduce_sum3A_537 = arith.constant dense<0.000000e+00> : vector<128xf32>
      %reduce_sum3A_538 = vector.multi_reduction <add>, %select_n3A_536, %reduce_sum3A_537 [0] : vector<1000x128xf32> to vector<128xf32>
      %jit3A_539 = arith.constant 0xFF800000 : f32
      %broadcast_in_dim3A_540 = vector.shape_cast %eq3A_526 : vector<1000x1xi1> to vector<1000x1xi1>
      %broadcast_in_dim3A_541 = vector.broadcast %broadcast_in_dim3A_540 : vector<1000x1xi1> to vector<1000x128xi1>
      %broadcast_in_dim3A_542 = vector.broadcast %jit3A_539 : f32 to vector<1000x128xf32>
      %select_n3A_543 = arith.select %broadcast_in_dim3A_541, %get3A_3, %broadcast_in_dim3A_542 : vector<1000x128xi1>, vector<1000x128xf32>
      %reduce_max3A_544 = arith.constant dense<0xFF800000> : vector<128xf32>
      %reduce_max3A_545 = vector.multi_reduction <maximumf>, %select_n3A_543, %reduce_max3A_544 [0] : vector<1000x128xf32> to vector<128xf32>
      %get3A_546 = arith.constant 57 : index
      %get3A_547 = arith.constant 0 : index
      %get3A_548 = vector.load %arg3[%get3A_546, %get3A_547] : memref<64x128xf32, #tpu.memory_space<vmem>>, vector<1x128xf32>
      %broadcast_in_dim3A_549 = vector.shape_cast %reduce_sum3A_529 : vector<128xf32> to vector<1x128xf32>
      %add3A = arith.addf %get3A_548, %broadcast_in_dim3A_549 : vector<1x128xf32>
      %swap3A = arith.constant 57 : index
      %swap3A_550 = arith.constant 0 : index
      %swap3A_551 = vector.load %arg3[%swap3A, %swap3A_550] : memref<64x128xf32, #tpu.memory_space<vmem>>, vector<1x128xf32>
      tpu.vector_store %arg3[%swap3A, %swap3A_550], %add3A {strides = array<i32>} : memref<64x128xf32, #tpu.memory_space<vmem>>, vector<1x128xf32>,
      %get3A_552 = arith.constant 57 : index
      %get3A_553 = arith.constant 0 : index
      %get3A_554 = vector.load %arg4[%get3A_552, %get3A_553] : memref<64x128xf32, #tpu.memory_space<vmem>>, vector<1x128xf32>
      %broadcast_in_dim3A_555 = vector.shape_cast %reduce_sum3A_538 : vector<128xf32> to vector<1x128xf32>
      %add3A_556 = arith.addf %get3A_554, %broadcast_in_dim3A_555 : vector<1x128xf32>
      %swap3A_557 = arith.constant 57 : index
      %swap3A_558 = arith.constant 0 : index
      %swap3A_559 = vector.load %arg4[%swap3A_557, %swap3A_558] : memref<64x128xf32, #tpu.memory_space<vmem>>, vector<1x128xf32>
      tpu.vector_store %arg4[%swap3A_557, %swap3A_558], %add3A_556 {strides = array<i32>} : memref<64x128xf32, #tpu.memory_space<vmem>>, vector<1x128xf32>,
      %get3A_560 = arith.constant 57 : index
      %get3A_561 = arith.constant 0 : index
      %get3A_562 = vector.load %arg5[%get3A_560, %get3A_561] : memref<64x128xf32, #tpu.memory_space<vmem>>, vector<1x128xf32>
      %broadcast_in_dim3A_563 = vector.shape_cast %reduce_max3A_545 : vector<128xf32> to vector<1x128xf32>
      %max3A = arith.maximumf %get3A_562, %broadcast_in_dim3A_563 : vector<1x128xf32>
      %swap3A_564 = arith.constant 57 : index
      %swap3A_565 = arith.constant 0 : index
      %swap3A_566 = vector.load %arg5[%swap3A_564, %swap3A_565] : memref<64x128xf32, #tpu.memory_space<vmem>>, vector<1x128xf32>
      tpu.vector_store %arg5[%swap3A_564, %swap3A_565], %max3A {strides = array<i32>} : memref<64x128xf32, #tpu.memory_space<vmem>>, vector<1x128xf32>,
    } else {
    }
    %le3A_476 = arith.constant 58 : i32
    %le3A_477 = arith.cmpi sle, %reduce_min3A_10, %le3A_476 : i32
    %ge3A_478 = arith.constant 58 : i32
    %ge3A_479 = arith.cmpi sge, %reduce_max3A_14, %ge3A_478 : i32
    %and3A_480 = arith.andi %le3A_477, %ge3A_479 : i1
    %convert_element_type3A_481 = arith.extui %and3A_480 : i1 to i32
    %cond3A_482 = arith.constant 0 : i32
    %cond3A_483 = arith.cmpi ne, %convert_element_type3A_481, %cond3A_482 : i32
    scf.if %cond3A_483 {
      %eq3A_524 = arith.constant 58 : i32
      %eq3A_525 = vector.broadcast %eq3A_524 : i32 to vector<1000x1xi32>
      %eq3A_526 = arith.cmpi eq, %get3A_6, %eq3A_525 : vector<1000x1xi32>
      %jit3A = arith.constant 0.000000e+00 : f32
      %broadcast_in_dim3A = vector.shape_cast %eq3A_526 : vector<1000x1xi1> to vector<1000x1xi1>
      %broadcast_in_dim3A_527 = vector.broadcast %broadcast_in_dim3A : vector<1000x1xi1> to vector<1000x128xi1>
      %broadcast_in_dim3A_528 = vector.broadcast %jit3A : f32 to vector<1000x128xf32>
      %select_n3A = arith.select %broadcast_in_dim3A_527, %get3A_3, %broadcast_in_dim3A_528 : vector<1000x128xi1>, vector<1000x128xf32>
      %reduce_sum3A = arith.constant dense<0.000000e+00> : vector<128xf32>
      %reduce_sum3A_529 = vector.multi_reduction <add>, %select_n3A, %reduce_sum3A [0] : vector<1000x128xf32> to vector<128xf32>
      %broadcast_in_dim3A_530 = arith.constant 1.000000e+00 : f32
      %broadcast_in_dim3A_531 = vector.broadcast %broadcast_in_dim3A_530 : f32 to vector<1000x128xf32>
      %jit3A_532 = arith.constant 0.000000e+00 : f32
      %broadcast_in_dim3A_533 = vector.shape_cast %eq3A_526 : vector<1000x1xi1> to vector<1000x1xi1>
      %broadcast_in_dim3A_534 = vector.broadcast %broadcast_in_dim3A_533 : vector<1000x1xi1> to vector<1000x128xi1>
      %broadcast_in_dim3A_535 = vector.broadcast %jit3A_532 : f32 to vector<1000x128xf32>
      %select_n3A_536 = arith.select %broadcast_in_dim3A_534, %broadcast_in_dim3A_531, %broadcast_in_dim3A_535 : vector<1000x128xi1>, vector<1000x128xf32>
      %reduce_sum3A_537 = arith.constant dense<0.000000e+00> : vector<128xf32>
      %reduce_sum3A_538 = vector.multi_reduction <add>, %select_n3A_536, %reduce_sum3A_537 [0] : vector<1000x128xf32> to vector<128xf32>
      %jit3A_539 = arith.constant 0xFF800000 : f32
      %broadcast_in_dim3A_540 = vector.shape_cast %eq3A_526 : vector<1000x1xi1> to vector<1000x1xi1>
      %broadcast_in_dim3A_541 = vector.broadcast %broadcast_in_dim3A_540 : vector<1000x1xi1> to vector<1000x128xi1>
      %broadcast_in_dim3A_542 = vector.broadcast %jit3A_539 : f32 to vector<1000x128xf32>
      %select_n3A_543 = arith.select %broadcast_in_dim3A_541, %get3A_3, %broadcast_in_dim3A_542 : vector<1000x128xi1>, vector<1000x128xf32>
      %reduce_max3A_544 = arith.constant dense<0xFF800000> : vector<128xf32>
      %reduce_max3A_545 = vector.multi_reduction <maximumf>, %select_n3A_543, %reduce_max3A_544 [0] : vector<1000x128xf32> to vector<128xf32>
      %get3A_546 = arith.constant 58 : index
      %get3A_547 = arith.constant 0 : index
      %get3A_548 = vector.load %arg3[%get3A_546, %get3A_547] : memref<64x128xf32, #tpu.memory_space<vmem>>, vector<1x128xf32>
      %broadcast_in_dim3A_549 = vector.shape_cast %reduce_sum3A_529 : vector<128xf32> to vector<1x128xf32>
      %add3A = arith.addf %get3A_548, %broadcast_in_dim3A_549 : vector<1x128xf32>
      %swap3A = arith.constant 58 : index
      %swap3A_550 = arith.constant 0 : index
      %swap3A_551 = vector.load %arg3[%swap3A, %swap3A_550] : memref<64x128xf32, #tpu.memory_space<vmem>>, vector<1x128xf32>
      tpu.vector_store %arg3[%swap3A, %swap3A_550], %add3A {strides = array<i32>} : memref<64x128xf32, #tpu.memory_space<vmem>>, vector<1x128xf32>,
      %get3A_552 = arith.constant 58 : index
      %get3A_553 = arith.constant 0 : index
      %get3A_554 = vector.load %arg4[%get3A_552, %get3A_553] : memref<64x128xf32, #tpu.memory_space<vmem>>, vector<1x128xf32>
      %broadcast_in_dim3A_555 = vector.shape_cast %reduce_sum3A_538 : vector<128xf32> to vector<1x128xf32>
      %add3A_556 = arith.addf %get3A_554, %broadcast_in_dim3A_555 : vector<1x128xf32>
      %swap3A_557 = arith.constant 58 : index
      %swap3A_558 = arith.constant 0 : index
      %swap3A_559 = vector.load %arg4[%swap3A_557, %swap3A_558] : memref<64x128xf32, #tpu.memory_space<vmem>>, vector<1x128xf32>
      tpu.vector_store %arg4[%swap3A_557, %swap3A_558], %add3A_556 {strides = array<i32>} : memref<64x128xf32, #tpu.memory_space<vmem>>, vector<1x128xf32>,
      %get3A_560 = arith.constant 58 : index
      %get3A_561 = arith.constant 0 : index
      %get3A_562 = vector.load %arg5[%get3A_560, %get3A_561] : memref<64x128xf32, #tpu.memory_space<vmem>>, vector<1x128xf32>
      %broadcast_in_dim3A_563 = vector.shape_cast %reduce_max3A_545 : vector<128xf32> to vector<1x128xf32>
      %max3A = arith.maximumf %get3A_562, %broadcast_in_dim3A_563 : vector<1x128xf32>
      %swap3A_564 = arith.constant 58 : index
      %swap3A_565 = arith.constant 0 : index
      %swap3A_566 = vector.load %arg5[%swap3A_564, %swap3A_565] : memref<64x128xf32, #tpu.memory_space<vmem>>, vector<1x128xf32>
      tpu.vector_store %arg5[%swap3A_564, %swap3A_565], %max3A {strides = array<i32>} : memref<64x128xf32, #tpu.memory_space<vmem>>, vector<1x128xf32>,
    } else {
    }
    %le3A_484 = arith.constant 59 : i32
    %le3A_485 = arith.cmpi sle, %reduce_min3A_10, %le3A_484 : i32
    %ge3A_486 = arith.constant 59 : i32
    %ge3A_487 = arith.cmpi sge, %reduce_max3A_14, %ge3A_486 : i32
    %and3A_488 = arith.andi %le3A_485, %ge3A_487 : i1
    %convert_element_type3A_489 = arith.extui %and3A_488 : i1 to i32
    %cond3A_490 = arith.constant 0 : i32
    %cond3A_491 = arith.cmpi ne, %convert_element_type3A_489, %cond3A_490 : i32
    scf.if %cond3A_491 {
      %eq3A_524 = arith.constant 59 : i32
      %eq3A_525 = vector.broadcast %eq3A_524 : i32 to vector<1000x1xi32>
      %eq3A_526 = arith.cmpi eq, %get3A_6, %eq3A_525 : vector<1000x1xi32>
      %jit3A = arith.constant 0.000000e+00 : f32
      %broadcast_in_dim3A = vector.shape_cast %eq3A_526 : vector<1000x1xi1> to vector<1000x1xi1>
      %broadcast_in_dim3A_527 = vector.broadcast %broadcast_in_dim3A : vector<1000x1xi1> to vector<1000x128xi1>
      %broadcast_in_dim3A_528 = vector.broadcast %jit3A : f32 to vector<1000x128xf32>
      %select_n3A = arith.select %broadcast_in_dim3A_527, %get3A_3, %broadcast_in_dim3A_528 : vector<1000x128xi1>, vector<1000x128xf32>
      %reduce_sum3A = arith.constant dense<0.000000e+00> : vector<128xf32>
      %reduce_sum3A_529 = vector.multi_reduction <add>, %select_n3A, %reduce_sum3A [0] : vector<1000x128xf32> to vector<128xf32>
      %broadcast_in_dim3A_530 = arith.constant 1.000000e+00 : f32
      %broadcast_in_dim3A_531 = vector.broadcast %broadcast_in_dim3A_530 : f32 to vector<1000x128xf32>
      %jit3A_532 = arith.constant 0.000000e+00 : f32
      %broadcast_in_dim3A_533 = vector.shape_cast %eq3A_526 : vector<1000x1xi1> to vector<1000x1xi1>
      %broadcast_in_dim3A_534 = vector.broadcast %broadcast_in_dim3A_533 : vector<1000x1xi1> to vector<1000x128xi1>
      %broadcast_in_dim3A_535 = vector.broadcast %jit3A_532 : f32 to vector<1000x128xf32>
      %select_n3A_536 = arith.select %broadcast_in_dim3A_534, %broadcast_in_dim3A_531, %broadcast_in_dim3A_535 : vector<1000x128xi1>, vector<1000x128xf32>
      %reduce_sum3A_537 = arith.constant dense<0.000000e+00> : vector<128xf32>
      %reduce_sum3A_538 = vector.multi_reduction <add>, %select_n3A_536, %reduce_sum3A_537 [0] : vector<1000x128xf32> to vector<128xf32>
      %jit3A_539 = arith.constant 0xFF800000 : f32
      %broadcast_in_dim3A_540 = vector.shape_cast %eq3A_526 : vector<1000x1xi1> to vector<1000x1xi1>
      %broadcast_in_dim3A_541 = vector.broadcast %broadcast_in_dim3A_540 : vector<1000x1xi1> to vector<1000x128xi1>
      %broadcast_in_dim3A_542 = vector.broadcast %jit3A_539 : f32 to vector<1000x128xf32>
      %select_n3A_543 = arith.select %broadcast_in_dim3A_541, %get3A_3, %broadcast_in_dim3A_542 : vector<1000x128xi1>, vector<1000x128xf32>
      %reduce_max3A_544 = arith.constant dense<0xFF800000> : vector<128xf32>
      %reduce_max3A_545 = vector.multi_reduction <maximumf>, %select_n3A_543, %reduce_max3A_544 [0] : vector<1000x128xf32> to vector<128xf32>
      %get3A_546 = arith.constant 59 : index
      %get3A_547 = arith.constant 0 : index
      %get3A_548 = vector.load %arg3[%get3A_546, %get3A_547] : memref<64x128xf32, #tpu.memory_space<vmem>>, vector<1x128xf32>
      %broadcast_in_dim3A_549 = vector.shape_cast %reduce_sum3A_529 : vector<128xf32> to vector<1x128xf32>
      %add3A = arith.addf %get3A_548, %broadcast_in_dim3A_549 : vector<1x128xf32>
      %swap3A = arith.constant 59 : index
      %swap3A_550 = arith.constant 0 : index
      %swap3A_551 = vector.load %arg3[%swap3A, %swap3A_550] : memref<64x128xf32, #tpu.memory_space<vmem>>, vector<1x128xf32>
      tpu.vector_store %arg3[%swap3A, %swap3A_550], %add3A {strides = array<i32>} : memref<64x128xf32, #tpu.memory_space<vmem>>, vector<1x128xf32>,
      %get3A_552 = arith.constant 59 : index
      %get3A_553 = arith.constant 0 : index
      %get3A_554 = vector.load %arg4[%get3A_552, %get3A_553] : memref<64x128xf32, #tpu.memory_space<vmem>>, vector<1x128xf32>
      %broadcast_in_dim3A_555 = vector.shape_cast %reduce_sum3A_538 : vector<128xf32> to vector<1x128xf32>
      %add3A_556 = arith.addf %get3A_554, %broadcast_in_dim3A_555 : vector<1x128xf32>
      %swap3A_557 = arith.constant 59 : index
      %swap3A_558 = arith.constant 0 : index
      %swap3A_559 = vector.load %arg4[%swap3A_557, %swap3A_558] : memref<64x128xf32, #tpu.memory_space<vmem>>, vector<1x128xf32>
      tpu.vector_store %arg4[%swap3A_557, %swap3A_558], %add3A_556 {strides = array<i32>} : memref<64x128xf32, #tpu.memory_space<vmem>>, vector<1x128xf32>,
      %get3A_560 = arith.constant 59 : index
      %get3A_561 = arith.constant 0 : index
      %get3A_562 = vector.load %arg5[%get3A_560, %get3A_561] : memref<64x128xf32, #tpu.memory_space<vmem>>, vector<1x128xf32>
      %broadcast_in_dim3A_563 = vector.shape_cast %reduce_max3A_545 : vector<128xf32> to vector<1x128xf32>
      %max3A = arith.maximumf %get3A_562, %broadcast_in_dim3A_563 : vector<1x128xf32>
      %swap3A_564 = arith.constant 59 : index
      %swap3A_565 = arith.constant 0 : index
      %swap3A_566 = vector.load %arg5[%swap3A_564, %swap3A_565] : memref<64x128xf32, #tpu.memory_space<vmem>>, vector<1x128xf32>
      tpu.vector_store %arg5[%swap3A_564, %swap3A_565], %max3A {strides = array<i32>} : memref<64x128xf32, #tpu.memory_space<vmem>>, vector<1x128xf32>,
    } else {
    }
    %le3A_492 = arith.constant 60 : i32
    %le3A_493 = arith.cmpi sle, %reduce_min3A_10, %le3A_492 : i32
    %ge3A_494 = arith.constant 60 : i32
    %ge3A_495 = arith.cmpi sge, %reduce_max3A_14, %ge3A_494 : i32
    %and3A_496 = arith.andi %le3A_493, %ge3A_495 : i1
    %convert_element_type3A_497 = arith.extui %and3A_496 : i1 to i32
    %cond3A_498 = arith.constant 0 : i32
    %cond3A_499 = arith.cmpi ne, %convert_element_type3A_497, %cond3A_498 : i32
    scf.if %cond3A_499 {
      %eq3A_524 = arith.constant 60 : i32
      %eq3A_525 = vector.broadcast %eq3A_524 : i32 to vector<1000x1xi32>
      %eq3A_526 = arith.cmpi eq, %get3A_6, %eq3A_525 : vector<1000x1xi32>
      %jit3A = arith.constant 0.000000e+00 : f32
      %broadcast_in_dim3A = vector.shape_cast %eq3A_526 : vector<1000x1xi1> to vector<1000x1xi1>
      %broadcast_in_dim3A_527 = vector.broadcast %broadcast_in_dim3A : vector<1000x1xi1> to vector<1000x128xi1>
      %broadcast_in_dim3A_528 = vector.broadcast %jit3A : f32 to vector<1000x128xf32>
      %select_n3A = arith.select %broadcast_in_dim3A_527, %get3A_3, %broadcast_in_dim3A_528 : vector<1000x128xi1>, vector<1000x128xf32>
      %reduce_sum3A = arith.constant dense<0.000000e+00> : vector<128xf32>
      %reduce_sum3A_529 = vector.multi_reduction <add>, %select_n3A, %reduce_sum3A [0] : vector<1000x128xf32> to vector<128xf32>
      %broadcast_in_dim3A_530 = arith.constant 1.000000e+00 : f32
      %broadcast_in_dim3A_531 = vector.broadcast %broadcast_in_dim3A_530 : f32 to vector<1000x128xf32>
      %jit3A_532 = arith.constant 0.000000e+00 : f32
      %broadcast_in_dim3A_533 = vector.shape_cast %eq3A_526 : vector<1000x1xi1> to vector<1000x1xi1>
      %broadcast_in_dim3A_534 = vector.broadcast %broadcast_in_dim3A_533 : vector<1000x1xi1> to vector<1000x128xi1>
      %broadcast_in_dim3A_535 = vector.broadcast %jit3A_532 : f32 to vector<1000x128xf32>
      %select_n3A_536 = arith.select %broadcast_in_dim3A_534, %broadcast_in_dim3A_531, %broadcast_in_dim3A_535 : vector<1000x128xi1>, vector<1000x128xf32>
      %reduce_sum3A_537 = arith.constant dense<0.000000e+00> : vector<128xf32>
      %reduce_sum3A_538 = vector.multi_reduction <add>, %select_n3A_536, %reduce_sum3A_537 [0] : vector<1000x128xf32> to vector<128xf32>
      %jit3A_539 = arith.constant 0xFF800000 : f32
      %broadcast_in_dim3A_540 = vector.shape_cast %eq3A_526 : vector<1000x1xi1> to vector<1000x1xi1>
      %broadcast_in_dim3A_541 = vector.broadcast %broadcast_in_dim3A_540 : vector<1000x1xi1> to vector<1000x128xi1>
      %broadcast_in_dim3A_542 = vector.broadcast %jit3A_539 : f32 to vector<1000x128xf32>
      %select_n3A_543 = arith.select %broadcast_in_dim3A_541, %get3A_3, %broadcast_in_dim3A_542 : vector<1000x128xi1>, vector<1000x128xf32>
      %reduce_max3A_544 = arith.constant dense<0xFF800000> : vector<128xf32>
      %reduce_max3A_545 = vector.multi_reduction <maximumf>, %select_n3A_543, %reduce_max3A_544 [0] : vector<1000x128xf32> to vector<128xf32>
      %get3A_546 = arith.constant 60 : index
      %get3A_547 = arith.constant 0 : index
      %get3A_548 = vector.load %arg3[%get3A_546, %get3A_547] : memref<64x128xf32, #tpu.memory_space<vmem>>, vector<1x128xf32>
      %broadcast_in_dim3A_549 = vector.shape_cast %reduce_sum3A_529 : vector<128xf32> to vector<1x128xf32>
      %add3A = arith.addf %get3A_548, %broadcast_in_dim3A_549 : vector<1x128xf32>
      %swap3A = arith.constant 60 : index
      %swap3A_550 = arith.constant 0 : index
      %swap3A_551 = vector.load %arg3[%swap3A, %swap3A_550] : memref<64x128xf32, #tpu.memory_space<vmem>>, vector<1x128xf32>
      tpu.vector_store %arg3[%swap3A, %swap3A_550], %add3A {strides = array<i32>} : memref<64x128xf32, #tpu.memory_space<vmem>>, vector<1x128xf32>,
      %get3A_552 = arith.constant 60 : index
      %get3A_553 = arith.constant 0 : index
      %get3A_554 = vector.load %arg4[%get3A_552, %get3A_553] : memref<64x128xf32, #tpu.memory_space<vmem>>, vector<1x128xf32>
      %broadcast_in_dim3A_555 = vector.shape_cast %reduce_sum3A_538 : vector<128xf32> to vector<1x128xf32>
      %add3A_556 = arith.addf %get3A_554, %broadcast_in_dim3A_555 : vector<1x128xf32>
      %swap3A_557 = arith.constant 60 : index
      %swap3A_558 = arith.constant 0 : index
      %swap3A_559 = vector.load %arg4[%swap3A_557, %swap3A_558] : memref<64x128xf32, #tpu.memory_space<vmem>>, vector<1x128xf32>
      tpu.vector_store %arg4[%swap3A_557, %swap3A_558], %add3A_556 {strides = array<i32>} : memref<64x128xf32, #tpu.memory_space<vmem>>, vector<1x128xf32>,
      %get3A_560 = arith.constant 60 : index
      %get3A_561 = arith.constant 0 : index
      %get3A_562 = vector.load %arg5[%get3A_560, %get3A_561] : memref<64x128xf32, #tpu.memory_space<vmem>>, vector<1x128xf32>
      %broadcast_in_dim3A_563 = vector.shape_cast %reduce_max3A_545 : vector<128xf32> to vector<1x128xf32>
      %max3A = arith.maximumf %get3A_562, %broadcast_in_dim3A_563 : vector<1x128xf32>
      %swap3A_564 = arith.constant 60 : index
      %swap3A_565 = arith.constant 0 : index
      %swap3A_566 = vector.load %arg5[%swap3A_564, %swap3A_565] : memref<64x128xf32, #tpu.memory_space<vmem>>, vector<1x128xf32>
      tpu.vector_store %arg5[%swap3A_564, %swap3A_565], %max3A {strides = array<i32>} : memref<64x128xf32, #tpu.memory_space<vmem>>, vector<1x128xf32>,
    } else {
    }
    %le3A_500 = arith.constant 61 : i32
    %le3A_501 = arith.cmpi sle, %reduce_min3A_10, %le3A_500 : i32
    %ge3A_502 = arith.constant 61 : i32
    %ge3A_503 = arith.cmpi sge, %reduce_max3A_14, %ge3A_502 : i32
    %and3A_504 = arith.andi %le3A_501, %ge3A_503 : i1
    %convert_element_type3A_505 = arith.extui %and3A_504 : i1 to i32
    %cond3A_506 = arith.constant 0 : i32
    %cond3A_507 = arith.cmpi ne, %convert_element_type3A_505, %cond3A_506 : i32
    scf.if %cond3A_507 {
      %eq3A_524 = arith.constant 61 : i32
      %eq3A_525 = vector.broadcast %eq3A_524 : i32 to vector<1000x1xi32>
      %eq3A_526 = arith.cmpi eq, %get3A_6, %eq3A_525 : vector<1000x1xi32>
      %jit3A = arith.constant 0.000000e+00 : f32
      %broadcast_in_dim3A = vector.shape_cast %eq3A_526 : vector<1000x1xi1> to vector<1000x1xi1>
      %broadcast_in_dim3A_527 = vector.broadcast %broadcast_in_dim3A : vector<1000x1xi1> to vector<1000x128xi1>
      %broadcast_in_dim3A_528 = vector.broadcast %jit3A : f32 to vector<1000x128xf32>
      %select_n3A = arith.select %broadcast_in_dim3A_527, %get3A_3, %broadcast_in_dim3A_528 : vector<1000x128xi1>, vector<1000x128xf32>
      %reduce_sum3A = arith.constant dense<0.000000e+00> : vector<128xf32>
      %reduce_sum3A_529 = vector.multi_reduction <add>, %select_n3A, %reduce_sum3A [0] : vector<1000x128xf32> to vector<128xf32>
      %broadcast_in_dim3A_530 = arith.constant 1.000000e+00 : f32
      %broadcast_in_dim3A_531 = vector.broadcast %broadcast_in_dim3A_530 : f32 to vector<1000x128xf32>
      %jit3A_532 = arith.constant 0.000000e+00 : f32
      %broadcast_in_dim3A_533 = vector.shape_cast %eq3A_526 : vector<1000x1xi1> to vector<1000x1xi1>
      %broadcast_in_dim3A_534 = vector.broadcast %broadcast_in_dim3A_533 : vector<1000x1xi1> to vector<1000x128xi1>
      %broadcast_in_dim3A_535 = vector.broadcast %jit3A_532 : f32 to vector<1000x128xf32>
      %select_n3A_536 = arith.select %broadcast_in_dim3A_534, %broadcast_in_dim3A_531, %broadcast_in_dim3A_535 : vector<1000x128xi1>, vector<1000x128xf32>
      %reduce_sum3A_537 = arith.constant dense<0.000000e+00> : vector<128xf32>
      %reduce_sum3A_538 = vector.multi_reduction <add>, %select_n3A_536, %reduce_sum3A_537 [0] : vector<1000x128xf32> to vector<128xf32>
      %jit3A_539 = arith.constant 0xFF800000 : f32
      %broadcast_in_dim3A_540 = vector.shape_cast %eq3A_526 : vector<1000x1xi1> to vector<1000x1xi1>
      %broadcast_in_dim3A_541 = vector.broadcast %broadcast_in_dim3A_540 : vector<1000x1xi1> to vector<1000x128xi1>
      %broadcast_in_dim3A_542 = vector.broadcast %jit3A_539 : f32 to vector<1000x128xf32>
      %select_n3A_543 = arith.select %broadcast_in_dim3A_541, %get3A_3, %broadcast_in_dim3A_542 : vector<1000x128xi1>, vector<1000x128xf32>
      %reduce_max3A_544 = arith.constant dense<0xFF800000> : vector<128xf32>
      %reduce_max3A_545 = vector.multi_reduction <maximumf>, %select_n3A_543, %reduce_max3A_544 [0] : vector<1000x128xf32> to vector<128xf32>
      %get3A_546 = arith.constant 61 : index
      %get3A_547 = arith.constant 0 : index
      %get3A_548 = vector.load %arg3[%get3A_546, %get3A_547] : memref<64x128xf32, #tpu.memory_space<vmem>>, vector<1x128xf32>
      %broadcast_in_dim3A_549 = vector.shape_cast %reduce_sum3A_529 : vector<128xf32> to vector<1x128xf32>
      %add3A = arith.addf %get3A_548, %broadcast_in_dim3A_549 : vector<1x128xf32>
      %swap3A = arith.constant 61 : index
      %swap3A_550 = arith.constant 0 : index
      %swap3A_551 = vector.load %arg3[%swap3A, %swap3A_550] : memref<64x128xf32, #tpu.memory_space<vmem>>, vector<1x128xf32>
      tpu.vector_store %arg3[%swap3A, %swap3A_550], %add3A {strides = array<i32>} : memref<64x128xf32, #tpu.memory_space<vmem>>, vector<1x128xf32>,
      %get3A_552 = arith.constant 61 : index
      %get3A_553 = arith.constant 0 : index
      %get3A_554 = vector.load %arg4[%get3A_552, %get3A_553] : memref<64x128xf32, #tpu.memory_space<vmem>>, vector<1x128xf32>
      %broadcast_in_dim3A_555 = vector.shape_cast %reduce_sum3A_538 : vector<128xf32> to vector<1x128xf32>
      %add3A_556 = arith.addf %get3A_554, %broadcast_in_dim3A_555 : vector<1x128xf32>
      %swap3A_557 = arith.constant 61 : index
      %swap3A_558 = arith.constant 0 : index
      %swap3A_559 = vector.load %arg4[%swap3A_557, %swap3A_558] : memref<64x128xf32, #tpu.memory_space<vmem>>, vector<1x128xf32>
      tpu.vector_store %arg4[%swap3A_557, %swap3A_558], %add3A_556 {strides = array<i32>} : memref<64x128xf32, #tpu.memory_space<vmem>>, vector<1x128xf32>,
      %get3A_560 = arith.constant 61 : index
      %get3A_561 = arith.constant 0 : index
      %get3A_562 = vector.load %arg5[%get3A_560, %get3A_561] : memref<64x128xf32, #tpu.memory_space<vmem>>, vector<1x128xf32>
      %broadcast_in_dim3A_563 = vector.shape_cast %reduce_max3A_545 : vector<128xf32> to vector<1x128xf32>
      %max3A = arith.maximumf %get3A_562, %broadcast_in_dim3A_563 : vector<1x128xf32>
      %swap3A_564 = arith.constant 61 : index
      %swap3A_565 = arith.constant 0 : index
      %swap3A_566 = vector.load %arg5[%swap3A_564, %swap3A_565] : memref<64x128xf32, #tpu.memory_space<vmem>>, vector<1x128xf32>
      tpu.vector_store %arg5[%swap3A_564, %swap3A_565], %max3A {strides = array<i32>} : memref<64x128xf32, #tpu.memory_space<vmem>>, vector<1x128xf32>,
    } else {
    }
    %le3A_508 = arith.constant 62 : i32
    %le3A_509 = arith.cmpi sle, %reduce_min3A_10, %le3A_508 : i32
    %ge3A_510 = arith.constant 62 : i32
    %ge3A_511 = arith.cmpi sge, %reduce_max3A_14, %ge3A_510 : i32
    %and3A_512 = arith.andi %le3A_509, %ge3A_511 : i1
    %convert_element_type3A_513 = arith.extui %and3A_512 : i1 to i32
    %cond3A_514 = arith.constant 0 : i32
    %cond3A_515 = arith.cmpi ne, %convert_element_type3A_513, %cond3A_514 : i32
    scf.if %cond3A_515 {
      %eq3A_524 = arith.constant 62 : i32
      %eq3A_525 = vector.broadcast %eq3A_524 : i32 to vector<1000x1xi32>
      %eq3A_526 = arith.cmpi eq, %get3A_6, %eq3A_525 : vector<1000x1xi32>
      %jit3A = arith.constant 0.000000e+00 : f32
      %broadcast_in_dim3A = vector.shape_cast %eq3A_526 : vector<1000x1xi1> to vector<1000x1xi1>
      %broadcast_in_dim3A_527 = vector.broadcast %broadcast_in_dim3A : vector<1000x1xi1> to vector<1000x128xi1>
      %broadcast_in_dim3A_528 = vector.broadcast %jit3A : f32 to vector<1000x128xf32>
      %select_n3A = arith.select %broadcast_in_dim3A_527, %get3A_3, %broadcast_in_dim3A_528 : vector<1000x128xi1>, vector<1000x128xf32>
      %reduce_sum3A = arith.constant dense<0.000000e+00> : vector<128xf32>
      %reduce_sum3A_529 = vector.multi_reduction <add>, %select_n3A, %reduce_sum3A [0] : vector<1000x128xf32> to vector<128xf32>
      %broadcast_in_dim3A_530 = arith.constant 1.000000e+00 : f32
      %broadcast_in_dim3A_531 = vector.broadcast %broadcast_in_dim3A_530 : f32 to vector<1000x128xf32>
      %jit3A_532 = arith.constant 0.000000e+00 : f32
      %broadcast_in_dim3A_533 = vector.shape_cast %eq3A_526 : vector<1000x1xi1> to vector<1000x1xi1>
      %broadcast_in_dim3A_534 = vector.broadcast %broadcast_in_dim3A_533 : vector<1000x1xi1> to vector<1000x128xi1>
      %broadcast_in_dim3A_535 = vector.broadcast %jit3A_532 : f32 to vector<1000x128xf32>
      %select_n3A_536 = arith.select %broadcast_in_dim3A_534, %broadcast_in_dim3A_531, %broadcast_in_dim3A_535 : vector<1000x128xi1>, vector<1000x128xf32>
      %reduce_sum3A_537 = arith.constant dense<0.000000e+00> : vector<128xf32>
      %reduce_sum3A_538 = vector.multi_reduction <add>, %select_n3A_536, %reduce_sum3A_537 [0] : vector<1000x128xf32> to vector<128xf32>
      %jit3A_539 = arith.constant 0xFF800000 : f32
      %broadcast_in_dim3A_540 = vector.shape_cast %eq3A_526 : vector<1000x1xi1> to vector<1000x1xi1>
      %broadcast_in_dim3A_541 = vector.broadcast %broadcast_in_dim3A_540 : vector<1000x1xi1> to vector<1000x128xi1>
      %broadcast_in_dim3A_542 = vector.broadcast %jit3A_539 : f32 to vector<1000x128xf32>
      %select_n3A_543 = arith.select %broadcast_in_dim3A_541, %get3A_3, %broadcast_in_dim3A_542 : vector<1000x128xi1>, vector<1000x128xf32>
      %reduce_max3A_544 = arith.constant dense<0xFF800000> : vector<128xf32>
      %reduce_max3A_545 = vector.multi_reduction <maximumf>, %select_n3A_543, %reduce_max3A_544 [0] : vector<1000x128xf32> to vector<128xf32>
      %get3A_546 = arith.constant 62 : index
      %get3A_547 = arith.constant 0 : index
      %get3A_548 = vector.load %arg3[%get3A_546, %get3A_547] : memref<64x128xf32, #tpu.memory_space<vmem>>, vector<1x128xf32>
      %broadcast_in_dim3A_549 = vector.shape_cast %reduce_sum3A_529 : vector<128xf32> to vector<1x128xf32>
      %add3A = arith.addf %get3A_548, %broadcast_in_dim3A_549 : vector<1x128xf32>
      %swap3A = arith.constant 62 : index
      %swap3A_550 = arith.constant 0 : index
      %swap3A_551 = vector.load %arg3[%swap3A, %swap3A_550] : memref<64x128xf32, #tpu.memory_space<vmem>>, vector<1x128xf32>
      tpu.vector_store %arg3[%swap3A, %swap3A_550], %add3A {strides = array<i32>} : memref<64x128xf32, #tpu.memory_space<vmem>>, vector<1x128xf32>,
      %get3A_552 = arith.constant 62 : index
      %get3A_553 = arith.constant 0 : index
      %get3A_554 = vector.load %arg4[%get3A_552, %get3A_553] : memref<64x128xf32, #tpu.memory_space<vmem>>, vector<1x128xf32>
      %broadcast_in_dim3A_555 = vector.shape_cast %reduce_sum3A_538 : vector<128xf32> to vector<1x128xf32>
      %add3A_556 = arith.addf %get3A_554, %broadcast_in_dim3A_555 : vector<1x128xf32>
      %swap3A_557 = arith.constant 62 : index
      %swap3A_558 = arith.constant 0 : index
      %swap3A_559 = vector.load %arg4[%swap3A_557, %swap3A_558] : memref<64x128xf32, #tpu.memory_space<vmem>>, vector<1x128xf32>
      tpu.vector_store %arg4[%swap3A_557, %swap3A_558], %add3A_556 {strides = array<i32>} : memref<64x128xf32, #tpu.memory_space<vmem>>, vector<1x128xf32>,
      %get3A_560 = arith.constant 62 : index
      %get3A_561 = arith.constant 0 : index
      %get3A_562 = vector.load %arg5[%get3A_560, %get3A_561] : memref<64x128xf32, #tpu.memory_space<vmem>>, vector<1x128xf32>
      %broadcast_in_dim3A_563 = vector.shape_cast %reduce_max3A_545 : vector<128xf32> to vector<1x128xf32>
      %max3A = arith.maximumf %get3A_562, %broadcast_in_dim3A_563 : vector<1x128xf32>
      %swap3A_564 = arith.constant 62 : index
      %swap3A_565 = arith.constant 0 : index
      %swap3A_566 = vector.load %arg5[%swap3A_564, %swap3A_565] : memref<64x128xf32, #tpu.memory_space<vmem>>, vector<1x128xf32>
      tpu.vector_store %arg5[%swap3A_564, %swap3A_565], %max3A {strides = array<i32>} : memref<64x128xf32, #tpu.memory_space<vmem>>, vector<1x128xf32>,
    } else {
    }
    %le3A_516 = arith.constant 63 : i32
    %le3A_517 = arith.cmpi sle, %reduce_min3A_10, %le3A_516 : i32
    %ge3A_518 = arith.constant 63 : i32
    %ge3A_519 = arith.cmpi sge, %reduce_max3A_14, %ge3A_518 : i32
    %and3A_520 = arith.andi %le3A_517, %ge3A_519 : i1
    %convert_element_type3A_521 = arith.extui %and3A_520 : i1 to i32
    %cond3A_522 = arith.constant 0 : i32
    %cond3A_523 = arith.cmpi ne, %convert_element_type3A_521, %cond3A_522 : i32
    scf.if %cond3A_523 {
      %eq3A_524 = arith.constant 63 : i32
      %eq3A_525 = vector.broadcast %eq3A_524 : i32 to vector<1000x1xi32>
      %eq3A_526 = arith.cmpi eq, %get3A_6, %eq3A_525 : vector<1000x1xi32>
      %jit3A = arith.constant 0.000000e+00 : f32
      %broadcast_in_dim3A = vector.shape_cast %eq3A_526 : vector<1000x1xi1> to vector<1000x1xi1>
      %broadcast_in_dim3A_527 = vector.broadcast %broadcast_in_dim3A : vector<1000x1xi1> to vector<1000x128xi1>
      %broadcast_in_dim3A_528 = vector.broadcast %jit3A : f32 to vector<1000x128xf32>
      %select_n3A = arith.select %broadcast_in_dim3A_527, %get3A_3, %broadcast_in_dim3A_528 : vector<1000x128xi1>, vector<1000x128xf32>
      %reduce_sum3A = arith.constant dense<0.000000e+00> : vector<128xf32>
      %reduce_sum3A_529 = vector.multi_reduction <add>, %select_n3A, %reduce_sum3A [0] : vector<1000x128xf32> to vector<128xf32>
      %broadcast_in_dim3A_530 = arith.constant 1.000000e+00 : f32
      %broadcast_in_dim3A_531 = vector.broadcast %broadcast_in_dim3A_530 : f32 to vector<1000x128xf32>
      %jit3A_532 = arith.constant 0.000000e+00 : f32
      %broadcast_in_dim3A_533 = vector.shape_cast %eq3A_526 : vector<1000x1xi1> to vector<1000x1xi1>
      %broadcast_in_dim3A_534 = vector.broadcast %broadcast_in_dim3A_533 : vector<1000x1xi1> to vector<1000x128xi1>
      %broadcast_in_dim3A_535 = vector.broadcast %jit3A_532 : f32 to vector<1000x128xf32>
      %select_n3A_536 = arith.select %broadcast_in_dim3A_534, %broadcast_in_dim3A_531, %broadcast_in_dim3A_535 : vector<1000x128xi1>, vector<1000x128xf32>
      %reduce_sum3A_537 = arith.constant dense<0.000000e+00> : vector<128xf32>
      %reduce_sum3A_538 = vector.multi_reduction <add>, %select_n3A_536, %reduce_sum3A_537 [0] : vector<1000x128xf32> to vector<128xf32>
      %jit3A_539 = arith.constant 0xFF800000 : f32
      %broadcast_in_dim3A_540 = vector.shape_cast %eq3A_526 : vector<1000x1xi1> to vector<1000x1xi1>
      %broadcast_in_dim3A_541 = vector.broadcast %broadcast_in_dim3A_540 : vector<1000x1xi1> to vector<1000x128xi1>
      %broadcast_in_dim3A_542 = vector.broadcast %jit3A_539 : f32 to vector<1000x128xf32>
      %select_n3A_543 = arith.select %broadcast_in_dim3A_541, %get3A_3, %broadcast_in_dim3A_542 : vector<1000x128xi1>, vector<1000x128xf32>
      %reduce_max3A_544 = arith.constant dense<0xFF800000> : vector<128xf32>
      %reduce_max3A_545 = vector.multi_reduction <maximumf>, %select_n3A_543, %reduce_max3A_544 [0] : vector<1000x128xf32> to vector<128xf32>
      %get3A_546 = arith.constant 63 : index
      %get3A_547 = arith.constant 0 : index
      %get3A_548 = vector.load %arg3[%get3A_546, %get3A_547] : memref<64x128xf32, #tpu.memory_space<vmem>>, vector<1x128xf32>
      %broadcast_in_dim3A_549 = vector.shape_cast %reduce_sum3A_529 : vector<128xf32> to vector<1x128xf32>
      %add3A = arith.addf %get3A_548, %broadcast_in_dim3A_549 : vector<1x128xf32>
      %swap3A = arith.constant 63 : index
      %swap3A_550 = arith.constant 0 : index
      %swap3A_551 = vector.load %arg3[%swap3A, %swap3A_550] : memref<64x128xf32, #tpu.memory_space<vmem>>, vector<1x128xf32>
      tpu.vector_store %arg3[%swap3A, %swap3A_550], %add3A {strides = array<i32>} : memref<64x128xf32, #tpu.memory_space<vmem>>, vector<1x128xf32>,
      %get3A_552 = arith.constant 63 : index
      %get3A_553 = arith.constant 0 : index
      %get3A_554 = vector.load %arg4[%get3A_552, %get3A_553] : memref<64x128xf32, #tpu.memory_space<vmem>>, vector<1x128xf32>
      %broadcast_in_dim3A_555 = vector.shape_cast %reduce_sum3A_538 : vector<128xf32> to vector<1x128xf32>
      %add3A_556 = arith.addf %get3A_554, %broadcast_in_dim3A_555 : vector<1x128xf32>
      %swap3A_557 = arith.constant 63 : index
      %swap3A_558 = arith.constant 0 : index
      %swap3A_559 = vector.load %arg4[%swap3A_557, %swap3A_558] : memref<64x128xf32, #tpu.memory_space<vmem>>, vector<1x128xf32>
      tpu.vector_store %arg4[%swap3A_557, %swap3A_558], %add3A_556 {strides = array<i32>} : memref<64x128xf32, #tpu.memory_space<vmem>>, vector<1x128xf32>,
      %get3A_560 = arith.constant 63 : index
      %get3A_561 = arith.constant 0 : index
      %get3A_562 = vector.load %arg5[%get3A_560, %get3A_561] : memref<64x128xf32, #tpu.memory_space<vmem>>, vector<1x128xf32>
      %broadcast_in_dim3A_563 = vector.shape_cast %reduce_max3A_545 : vector<128xf32> to vector<1x128xf32>
      %max3A = arith.maximumf %get3A_562, %broadcast_in_dim3A_563 : vector<1x128xf32>
      %swap3A_564 = arith.constant 63 : index
      %swap3A_565 = arith.constant 0 : index
      %swap3A_566 = vector.load %arg5[%swap3A_564, %swap3A_565] : memref<64x128xf32, #tpu.memory_space<vmem>>, vector<1x128xf32>
      tpu.vector_store %arg5[%swap3A_564, %swap3A_565], %max3A {strides = array<i32>} : memref<64x128xf32, #tpu.memory_space<vmem>>, vector<1x128xf32>,
    } else {
    }
    return
  }
  func.func @transform_0(%arg0: i32) -> (i32, i32) {
    %c0_i32 = arith.constant 0 : i32
    %c0_i32_0 = arith.constant 0 : i32
    return %arg0, %c0_i32 : i32, i32
  }
  func.func @transform_1(%arg0: i32) -> (i32, i32) {
    %c0_i32 = arith.constant 0 : i32
    %c0_i32_0 = arith.constant 0 : i32
    return %arg0, %c0_i32 : i32, i32
  }
  func.func @transform_2(%arg0: i32) -> (i32, i32) {
    %c0_i32 = arith.constant 0 : i32
    %c0_i32_0 = arith.constant 0 : i32
    %c0_i32_1 = arith.constant 0 : i32
    return %c0_i32, %c0_i32_0 : i32, i32
  }
  func.func @transform_3(%arg0: i32) -> (i32, i32) {
    %c0_i32 = arith.constant 0 : i32
    %c0_i32_0 = arith.constant 0 : i32
    %c0_i32_1 = arith.constant 0 : i32
    return %c0_i32, %c0_i32_0 : i32, i32
  }
  func.func @transform_4(%arg0: i32) -> (i32, i32) {
    %c0_i32 = arith.constant 0 : i32
    %c0_i32_0 = arith.constant 0 : i32
    %c0_i32_1 = arith.constant 0 : i32
    return %c0_i32, %c0_i32_0 : i32, i32
  }
}

</mosaic_0001>

<sc_bundles>
// kernel: kernel.19.cloned.1.call-start
scs
__scs_entry_jumppad:
0x0: {  	(pc) =	sbr.rel $0x88, $3  }
0x1: {  	(tag) =	ssettag $0x0;
	lr =	simm.s32 $0x1  }
0x2: {  	[smem:$0x3F96] =	sst lr;
	_ =	strace $0xD0000000  }
0x3: {  	_ = 	snop  }
0x4: {  	_ = 	snop  }
0x5: {  	_ = 	snop  }
0x6: {  	_ = 	snop  }
0x7: {  	_ = 	snop  }
__scs_overlays_trampoline_lowered:
0x8: {  	[smem:$0x3FA5] =	sst s0  }
0x9: {  	[smem:$0x3FA6] =	sst s1  }
0xa: {  	[smem:$0x3FA7] =	sst s2  }
0xb: {  	[smem:$0x3FA8] =	sst s3  }
0xc: {  	[smem:$0x3FA9] =	sst s4  }
0xd: {  	[smem:$0x3FAA] =	sst s5  }
0xe: {  	[smem:$0x3FAB] =	sst s6  }
0xf: {  	[smem:$0x3FAC] =	sst s7  }
0x10: {  	[smem:$0x3FAD] =	sst s8  }
0x11: {  	[smem:$0x3FAE] =	sst s9;
	s0 =	simm.s32 @!p0 $0x0  }
0x12: {  	s1 =	sld [smem:$0x3F94];
	s0 =	simm.s32 @p0 $0x1  }
0x13: {  	[smem:$0x3FAF] =	sst s0;
	s0 =	simm.s32 @!p1 $0x0  }
0x14: {  	s2 =	sld [smem:$0x3F93];
	s0 =	simm.s32 @p1 $0x1  }
0x15: {  	[smem:$0x3FB0] =	sst s0;
	s0 =	simm.s32 @!p2 $0x0  }
0x16: {  	s3 =	sld [smem:$0x3FDB];
	s0 =	simm.s32 @p2 $0x1  }
0x17: {  	s4 =	simm.s32 $0x1BF5;
	[smem:$0x3FB2] =	sst s0  }
0x18: {  	s0 =	sld [smem:$0x3F95];
	_ =	swait.ge [sflag:s4], $0x0  }
0x19: {  	s7 =	sld [smem:$0x3F96]  }
0x1a: {  	s8 =	sadd.s32 $0xFFFFE003, lr  }
0x1b: {  	s9 =	sadd.s32 $0xFFFFFEF7, lr;
	s5 =	simm.s32 $0xFFFFFFFF;
	p2 =	slt.u32 s8, $0xFFFFF086  }
0x1c: {  	p1 =	slt.u32 s9, $0xF7A;
	s5 =	simm.s32 @!p2 $0x0  }
0x1d: {  	s5 =	simm.s32 @p1 $0x1;
	p0 =	seq.s32 s7, s2  }
0x1e: {  	s7 =	smul.u32 @!p0 $0xF7A, s2;
	p2 =	seq.s32 @!p0 s5, $0x0  }
0x1f: {  	s9 =	smul.u32 $0xF7A, s1;
	s8 =	simm.s32 @!p0 $0x1BF5;
	p2 =	por !p2, p0  }
0x20: {  	[sflag:s8] =	ssyncset.s32 @!p0 $0xFFFFF086;
	s6 =	sadd.s32 @!p0 s3, s7;
	s7 =	simm.s32 @!p0 $0x108  }
0x21: {  	s3 =	sadd.s32 s3, s9;
	s6 =	sadd.s32 @!p0 $0x88, s6;
	s7 =	simm.s32 @p2 $0x1082  }
0x22: {  	[simem:s7], [sflag:s8] =	dma.local @!p0 [hbm:s6], $0xF7A  }
0x23: {  	s9 =	sor.u32 $0xD0000000, s2;
	s6 =	simm.s32 $0x108;
	_ =	swait.ge @!p0 [sflag:s8], $0x0  }
0x24: {  	s3 =	sadd.s32 $0x88, s3;
	s6 =	simm.s32 @!p1 $0x1082;
	[sflag:s4] =	ssyncset.s32 $0xFFFFF086  }
0x25: {  	[simem:s6], [sflag:s4] =	dma.local [hbm:s3], $0xF7A  }
0x26: {  	[smem:$0x3F96] =	sst s1;
	(tag) =	ssettag s2;
	_ =	strace s9  }
0x27: {  	s1 =	sld [smem:$0x3FA6]  }
0x28: {  	s2 =	sld [smem:$0x3FA7]  }
0x29: {  	s4 =	sld [smem:$0x3FA9]  }
0x2a: {  	p0 =	seq.s32 s5, $0x0;
	s5 =	sld [smem:$0x3FAA]  }
0x2b: {  	s6 =	sld [smem:$0x3FAB]  }
0x2c: {  	s7 =	sld [smem:$0x3FAC]  }
0x2d: {  	s3 =	simm.s32 $0x108;
	s8 =	sld [smem:$0x3FAD]  }
0x2e: {  	s3 =	simm.s32 @!p0 $0x1082;
	s9 =	sld [smem:$0x3FAE]  }
0x2f: {  	lr =	sadd.s32 s0, s3;
	s0 =	sld [smem:$0x3FA5]  }
0x30: {  	s3 =	sld [smem:$0x3FA8]  }
0x31: {  	[smem:$0x3FB1] =	sst s10  }
0x32: {  	s10 =	sld [smem:$0x3FAF];
	_ =	sdelay $0x3  }
0x33: {  	p0 =	seq.s32 s10, $0x1;
	s10 =	sld [smem:$0x3FB1];
	_ =	sdelay $0x3  }
0x34: {  	[smem:$0x3FB1] =	sst s10  }
0x35: {  	s10 =	sld [smem:$0x3FB0];
	_ =	sdelay $0x3  }
0x36: {  	p1 =	seq.s32 s10, $0x1;
	s10 =	sld [smem:$0x3FB1];
	_ =	sdelay $0x3  }
0x37: {  	[smem:$0x3FB1] =	sst s10  }
0x38: {  	s10 =	sld [smem:$0x3FB2]  }
0x39: {  	_ = 	snop;
	(pc) =	sbr.ind lr, $3  }
0x3a: {  	_ = 	snop  }
0x3b: {  	_ = 	snop  }
0x3c: {  	p2 =	seq.s32 s10, $0x1;
	s10 =	sld [smem:$0x3FB1]  }
0x3d: {  	_ =	shalt  }
0x3e: {  	_ =	shalt  }
0x3f: {  	_ =	shalt  }
0x40: {  	_ =	shalt  }
0x41: {  	_ =	shalt  }
0x42: {  	_ =	shalt  }
0x43: {  	_ =	shalt  }
0x44: {  	_ =	shalt  }
0x45: {  	_ =	shalt  }
0x46: {  	_ =	shalt  }
0x47: {  	_ =	shalt  }
0x48: {  	_ =	shalt  }
0x49: {  	_ =	shalt  }
0x4a: {  	_ =	shalt  }
0x4b: {  	_ =	shalt  }
0x4c: {  	_ =	shalt  }
0x4d: {  	_ =	shalt  }
0x4e: {  	_ =	shalt  }
0x4f: {  	_ =	shalt  }
0x50: {  	_ =	shalt  }
0x51: {  	_ =	shalt  }
0x52: {  	_ =	shalt  }
0x53: {  	_ =	shalt  }
0x54: {  	_ =	shalt  }
0x55: {  	_ =	shalt  }
0x56: {  	_ =	shalt  }
0x57: {  	_ =	shalt  }
0x58: {  	_ =	shalt  }
0x59: {  	_ =	shalt  }
0x5a: {  	_ =	shalt  }
0x5b: {  	_ =	shalt  }
0x5c: {  	_ =	shalt  }
0x5d: {  	_ =	shalt  }
0x5e: {  	_ =	shalt  }
0x5f: {  	_ =	shalt  }
0x60: {  	_ =	shalt  }
0x61: {  	_ =	shalt  }
0x62: {  	_ =	shalt  }
0x63: {  	_ =	shalt  }
0x64: {  	_ =	shalt  }
0x65: {  	_ =	shalt  }
0x66: {  	_ =	shalt  }
0x67: {  	_ =	shalt  }
0x68: {  	_ =	shalt  }
0x69: {  	_ =	shalt  }
0x6a: {  	_ =	shalt  }
0x6b: {  	_ =	shalt  }
0x6c: {  	_ =	shalt  }
0x6d: {  	_ =	shalt  }
0x6e: {  	_ =	shalt  }
0x6f: {  	_ =	shalt  }
0x70: {  	_ =	shalt  }
0x71: {  	_ =	shalt  }
0x72: {  	_ =	shalt  }
0x73: {  	_ =	shalt  }
0x74: {  	_ =	shalt  }
0x75: {  	_ =	shalt  }
0x76: {  	_ =	shalt  }
0x77: {  	_ =	shalt  }
0x78: {  	_ =	shalt  }
0x79: {  	_ =	shalt  }
0x7a: {  	_ =	shalt  }
0x7b: {  	_ =	shalt  }
0x7c: {  	_ =	shalt  }
0x7d: {  	_ =	shalt  }
0x7e: {  	_ =	shalt  }
0x7f: {  	_ =	shalt  }
0x80: {  	_ =	shalt  }
0x81: {  	_ =	shalt  }
0x82: {  	_ =	shalt  }
0x83: {  	_ =	shalt  }
0x84: {  	_ =	shalt  }
0x85: {  	_ =	shalt  }
0x86: {  	_ =	shalt  }
0x87: {  	_ =	shalt  }
.Lfunc_end0:
.L_simem_size_0:
called_computation_lowered:
.L_overlay_start_0:
0x88: {  	s2 =	sld [smem:$0x3FD9]  }
0x89: {  	s3 =	sld [smem:$0x3FFE];
	_ =	sdelay $0x1  }
0x8a: {  	s1 =	srdreg.scid  }
0x8b: {  	s0 =	sand.u32 $0x1, s1  }
0x8c: {  	s17 =	sshll.u32 s0, $0xA;
	s2 =	sadd.s32 s3, s2  }
0x8d: {  	s2 =	sadd.s32 s2, s17  }
0x8e: {  	[smem:$0x3FBD] =	sst s2  }
0x8f: {  	_ = 	snop  }
0x90: {  	s2 =	sld [smem:$0x3FC9];
	(tm) =	ssettm $0x1  }
0x91: {  	s18 =	sld [smem:$0x3FFB];
	_ =	sdelay $0x3  }
0x92: {  	_ =	strace s18  }
0x93: {  	s3 =	sld [smem:$0x3FFC];
	_ =	sdelay $0x3  }
0x94: {  	_ =	strace s3  }
0x95: {  	s3 =	sld [smem:$0x3FFD];
	_ =	sdelay $0x3  }
0x96: {  	_ =	strace s3  }
0x97: {  	_ =	strace $0x8FFFFFFF  }
0x98: {  	s19 =	sld [smem:$0x3FDB];
	_ =	sdelay $0x1  }
0x99: {  	s4 =	simm.s32 $_scs_section_size  }
0x9a: {  	s5 =	simm.s32 $_size__tile_overlayer_lowered;
	s6 =	simm.s32 $_tile_overlayer_lowered  }
0x9b: {  	s22 =	simm.s32 $0x1BFF;
	s21 =	sshll.u32 s6, $0x1;
	s3 =	sadd.s32 s4, s19  }
0x9c: {  	s7 =	simm.s32 $0x0;
	s20 =	sshll.u32 s5, $0x1;
	s5 =	sadd.s32 s21, s3  }
0x9d: {  	[timem:s7], [sflag:s22] =	dma.local [hbm:s5], s20  }
0x9e: {  	_ =	swait.ge [sflag:s22], s20  }
0x9f: {  	s4 =	ssub.s32 $0x0, s20;
	[sflag:s22] =	ssyncset.done $0x0  }
0xa0: {  	[sflag:s22] =	ssyncadd.s32 s4;
	_ =	sdelay $0x1  }
0xa1: {  	s23 =	simm.s32 $0x1B8B  }
0xa2: {  	_ =	swait.ge [sflag:s23], $0x1  }
0xa3: {  	[sflag:s23] =	ssyncset.done $0x0  }
0xa4: {  	s25 =	simm.s32 $0x1B8E;
	s24 =	sld [smem:$0x3FFE];
	[sflag:s23] =	ssyncadd.s32 $0xFFFFFFFF  }
0xa5: {  	s26 =	simm.s32 $execute0_lowered;
	[smem:$0x3FD2] =	sst s25  }
0xa6: {  	s5 =	sshll.u32 s26, $0x1;
	_ =	strace $0x80000046;
	[dreg:$0x1] =	wrdreg $0xFFFFFFFF  }
0xa7: {  	s28 =	simm.s32 $_size_execute0_lowered;
	s3 =	sadd.s32 s3, s5;
	[dreg:$0x0] =	wrdreg $0x0  }
0xa8: {  	s5 =	sshll.u32 s28, $0x1;
	[dreg:$0x2] =	wrdreg s3  }
0xa9: {  	[dreg:$0x3] =	wrdreg s5  }
0xaa: {  	[dreg:$0x4] =	wrdreg $0xC0  }
0xab: {  	_ =	task [dreg:s7], $0x5FFFF  }
0xac: {  	[dreg:$0x1] =	wrdreg $0xFFFFFFFF  }
0xad: {  	[dreg:$0x0] =	wrdreg $0x60  }
0xae: {  	[dreg:$0x2] =	wrdreg s2  }
0xaf: {  	[dreg:$0x3] =	wrdreg s24  }
0xb0: {  	[dreg:$0x4] =	wrdreg $0x50000  }
0xb1: {  	[dreg:$0x5] =	wrdreg $0x9  }
0xb2: {  	_ =	task.clear_ibuf [dreg:s7], $0x6FFFF;
	_ =	strace $0x90000046  }
0xb3: {  	s29 =	simm.s32 $0x9;
	_ =	strace $0x80000048  }
0xb4: {  	_ =	swait.ge [sflag:s29], $0x1  }
0xb5: {  	[sflag:s29] =	ssyncadd.s32 $0xFFFFFFFF  }
0xb6: {  	_ =	strace $0x90000048  }
0xb7: {  	_ =	sfence  }
0xb8: {  	s30 =	sld [smem:$0x0];
	_ =	sdelay $0x2  }
0xb9: {  	s31 =	sshll.u32 s1, $0xD;
	s1 =	sshrl.u32 s1, $0x2  }
0xba: {  	s3 =	sand.u32 $0x4000, s31;
	s1 =	sadd.s32 s1, s30  }
0xbb: {  	s0 =	sor.u32 s3, s0;
	s1 =	sshll.u32 s1, $0x11  }
0xbc: {  	s0 =	sor.u32 s1, s0  }
0xbd: {  	s0 =	sadd.s32 $0x8F2B, s0  }
0xbe: {  	[sflag:s0] =	ssyncadd.remote.s32 $0x1  }
0xbf: {  	_ =	sfence.sel $0xFFFF  }
0xc0: {  	[dreg:$0x0] =	wrdreg $0xFFFFFFFF;
	(pc) =	sbr.abs _section_cstart, $3  }
0xc1: {  	[dreg:$0x1] =	wrdreg $0xFFFFFFFF  }
0xc2: {  	_ =	task.clear_ibuf [dreg:s7], $0x2FFFF;
	_ =	strace $0x9FFFFFFF  }
0xc3: {  	(tm) =	ssettm $0x7FFFFFFF  }
tec
execute0_lowered:
.L_overlay_start_1:
0x0: {  	(tag) =	ssettag $0x1  }
0x1: {  	s1 =	rddreg [dreg:$0x0]  }
0x2: {  	s7 =	rddreg [dreg:$0x1]  }
0x3: {  	s0 =	srdreg.scid;
	s3 =	rddreg [dreg:$0x2]  }
0x4: {  	s4 =	simm.s32 $0x0;
	s14 =	simm.s32 $0x1000;
	s6 =	sand.u32 $0x1, s0  }
0x5: {  	s15 =	simm.s32 $0x1;
	s0 =	stileid.u32;
	s8 =	smul.u32 $0x28000, s6  }
0x6: {  	[smem:$0x7FF] =	sst s4;
	s2 =	sshll.u32 s6, $0x4;
	s10 =	smul.u32 $0x50000, s0  }
0x7: {  	s6 =	ssub.s32 $0x2, s6;
	s31 =	sshll.u32 s0, $0x6;
	s17 =	smul.u32 $0x2800, s0  }
0x8: {  	s5 =	sor.u32 s0, s2;
	s2 =	rddreg [dreg:$0x3];
	_ =	strace $0x80000047  }
0x9: {  	s29 =	sshrl.u32 s6, $0x1;
	s5 =	smul.u32 $0xA00, s5;
	s11 =	sadd.s32 s8, s7  }
0xa: {  	s30 =	sshrl.u32 s10, $0x2;
	s12 =	ssub.s32 s6, s29;
	s6 =	sor.u32 $0x1C02, s31  }
0xb: {  	s13 =	sadd.s32 s30, s3;
	s16 =	sadd.s32 $0x32200, s11;
	s11 =	simm.s32 $0x2  }
0xc: {  	s9 =	sadd.s32 s5, s7;
	s5 =	sadd.s32 $0x2FA00, s7;
	s10 =	sshrl.u32 s13, $0x3  }
0xd: {  	s13 =	simm.s32 $0x80;
	s16 =	sadd.s32 s17, s16;
	s7 =	sadd.s32 $0x7A00, s9  }
0xe: {  	s8 =	sadd.s32 $0x1BA00, s9;
	s9 =	smax.u32 s12, $0x1;
	s12 =	simm.s32 $0x800  }
.LBB2_1:
0xf: {  	[spmem:s10], [sflag:s6] =	dma.local [hbm:s5], $0x2800  }
0x10: {  	_ =	swait.ge [sflag:s11], $0x2800  }
0x11: {  	[sflag:s11] =	ssyncset.done $0x0  }
0x12: {  	[sflag:s11] =	ssyncadd.s32 $0xFFFFD800  }
0x13: {  	s17 =	simm.s32 $0x0;
	[bflag:$0x0] =	sbarrier.arrive $0xFFFF  }
.LBB2_2:
0x14: {  	s18 =	sshll.u32 s17, $0x8  }
0x15: {  	s20 =	simm.s32 $0x0;
	s19 =	sadd.s32 s18, s7  }
0x16: {  	[tilespmem:s20], [sflag:$0x2] =	stream.linear.gather [hbm4b:s19+s20], $0x800, $0x38;
	[tilespmem:$0x19000] =	vst v63  }
0x17: {  	_ =	swait.ge [sflag:s11], $0x800  }
0x18: {  	[sflag:s11] =	ssyncset.done $0x0  }
0x19: {  	s18 =	sadd.s32 s18, s8;
	[sflag:s11] =	ssyncadd.s32 $0xFFFFF800  }
0x1a: {  	[tilespmem:s12], [sflag:$0x2] =	stream.linear.gather [hbm4b:s18+s20], $0x800, $0x38;
	[tilespmem:$0x19000] =	vst v63  }
0x1b: {  	_ =	swait.ge [sflag:s11], $0x800  }
0x1c: {  	[sflag:s11] =	ssyncset.done $0x0  }
0x1d: {  	s30 =	simm.s32 $0x0;
	[sflag:s11] =	ssyncadd.s32 $0xFFFFF800  }
0x1e: {  	[tilespmem:s14], [sflag:$0x1] =	stream.indirect.gather [hbm4b:s1+s13], $0x80, s30, s13, $0xb8;
	[tilespmem:$0x19000] =	vst v63  }
0x1f: {  	_ =	swait.ge [sflag:s15], $0x4000  }
0x20: {  	[sflag:s15] =	ssyncset.done $0x0  }
0x21: {  	s31 =	simm.s32 $0x800;
	[sflag:s15] =	ssyncadd.s32 $0xFFFFC000  }
0x22: {  	[spmem:s3] =	stream.indirect.scatter.add.f32 [tilespmem:s14], [sflag:$0x2], $0x80, s31, s13, $0xb8;
	[tilespmem:$0x19000] =	vst v63  }
0x23: {  	_ =	swait.ge [sflag:s11], $0x4000  }
0x24: {  	s19 =	simm.s32 $0x400;
	s18 =	simm.s32 $0x200;
	[sflag:s11] =	ssyncset.done $0x0  }
.LBB2_3:
0x25: {  	s20 =	sshra.s32 s18, $0x2  }
0x26: {  	[sflag:s11] =	ssyncadd.s32 $0xFFFFC000;
	s18 =	smov.u32 s19;
	s21 =	sadd.s32 $0x200, s19  }
0x27: {  	[tilespmem:s14], [sflag:$0x1] =	stream.indirect.gather [hbm4b:s1+s13], $0x80, s20, s13, $0xb8;
	[tilespmem:$0x19000] =	vst v63  }
0x28: {  	p0 =	sne.s32 s19, $0x1E00;
	_ =	swait.ge [sflag:s15], $0x4000  }
.Ltmp0:
0x29: {  	[sflag:s15] =	ssyncset.done $0x0;
	(pc) =	sbr.rel @p0 .LBB2_3-.Ltmp0, $4  }
0x2a: {  	s19 =	sadd.s32 $0x800, s20;
	[sflag:s15] =	ssyncadd.s32 $0xFFFFC000  }
0x2b: {  	[spmem:s3] =	stream.indirect.scatter.add.f32 [tilespmem:s14], [sflag:$0x2], $0x80, s19, s13, $0xb8;
	[tilespmem:$0x19000] =	vst v63  }
0x2c: {  	_ =	swait.ge [sflag:s11], $0x4000  }
0x2d: {  	s19 =	smov.u32 s21;
	[sflag:s11] =	ssyncset.done $0x0  }
0x2e: {  	s18 =	sshra.s32 s18, $0x2;
	[sflag:s11] =	ssyncadd.s32 $0xFFFFC000  }
0x2f: {  	[tilespmem:s14], [sflag:$0x1] =	stream.indirect.gather [hbm4b:s1+s13], $0x80, s18, s13, $0xb8;
	[tilespmem:$0x19000] =	vst v63  }
0x30: {  	s17 =	sadd.s32 $0x1, s17;
	_ =	swait.ge [sflag:s15], $0x4000  }
0x31: {  	p0 =	sne.s32 s17, $0xA;
	[sflag:s15] =	ssyncset.done $0x0  }
.Ltmp1:
0x32: {  	s18 =	sadd.s32 $0x800, s18;
	[sflag:s15] =	ssyncadd.s32 $0xFFFFC000;
	(pc) =	sbr.rel @p0 .LBB2_2-.Ltmp1, $4  }
0x33: {  	[spmem:s3] =	stream.indirect.scatter.add.f32 [tilespmem:s14], [sflag:$0x2], $0x80, s18, s13, $0xb8;
	[tilespmem:$0x19000] =	vst v63  }
0x34: {  	_ =	swait.ge [sflag:s11], $0x4000  }
0x35: {  	[sflag:s11] =	ssyncset.done $0x0  }
0x36: {  	[sflag:s11] =	ssyncadd.s32 $0xFFFFC000  }
0x37: {  	s4 =	sadd.s32 $0x1, s4  }
0x38: {  	p0 =	sne.s32 s4, s9  }
.Ltmp2:
0x39: {  	[bflag:$0x0] =	sbarrier.arrive $0xFFFF;
	(pc) =	sbr.rel @p0 .LBB2_1-.Ltmp2, $4  }
0x3a: {  	[hbm:s16], [sflag:s6] =	dma.local [spmem:s10], $0x2800  }
0x3b: {  	_ =	swait.ge [sflag:s11], $0x2800  }
0x3c: {  	[sflag:s11] =	ssyncset.done $0x0  }
0x3d: {  	[sflag:s11] =	ssyncadd.s32 $0xFFFFD800  }
0x3e: {  	_ =	sfence.sel $0x180000  }
0x3f: {  	[bflag:$0x0] =	sbarrier.arrive $0xFFFF  }
0x40: {  	p0 =	sne.s32 s0, $0x0;
	_ =	strace $0x90000047  }
0x41: {  	s0 =	sadd.s32 @!p0 $0x100000, s2;
	[bflag:$0x2] =	sbarrier.arrive $0xFFFF  }
0x42: {  	[sflag:s0] =	ssyncadd.tile.s32 @!p0 $0x1;
	_ =	shalt  }
.Lfunc_end2:
_tile_overlayer_lowered:
.L_overlay_start_2:
0x43: {  	(tag) =	ssettag $0x2  }
0x44: {  	s0 =	rddreg [dreg:$0x0];
	s2 =	stileid.u32  }
0x45: {  	s1 =	rddreg [dreg:$0x1];
	p0 =	sne.s32 s2, $0x0  }
0x46: {  	s3 =	rddreg [dreg:$0x2];
	[bflag:$0x3] =	sbarrier.arrive $0xFFFF;
	s2 =	simm.s32 @!p0 $0x1C02  }
0x47: {  	[timem:s3], [sflag:s2] =	dma.local @!p0 [hbm:s0], s1  }
0x48: {  	s0 =	simm.s32 @!p0 $0x2  }
0x49: {  	_ =	swait.ge @!p0 [sflag:s0], s1  }
0x4a: {  	s1 =	ssub.s32 @!p0 $0x0, s1;
	[sflag:s0] =	ssyncset.done @!p0 $0x0  }
0x4b: {  	[sflag:s0] =	ssyncadd.s32 @!p0 s1  }
0x4c: {  	[bflag:$0x3] =	sbarrier.arrive $0xFFFF  }
0x4d: {  	_ =	shalt  }

// kernel: kernel.22.cloned.1.call-start
scs
__scs_entry_jumppad:
0x0: {  	(pc) =	sbr.rel $0x88, $3  }
0x1: {  	(tag) =	ssettag $0x0;
	lr =	simm.s32 $0x1  }
0x2: {  	[smem:$0x3F96] =	sst lr;
	_ =	strace $0xD0000000  }
0x3: {  	_ = 	snop  }
0x4: {  	_ = 	snop  }
0x5: {  	_ = 	snop  }
0x6: {  	_ = 	snop  }
0x7: {  	_ = 	snop  }
__scs_overlays_trampoline_lowered:
0x8: {  	[smem:$0x3FA5] =	sst s0  }
0x9: {  	[smem:$0x3FA6] =	sst s1  }
0xa: {  	[smem:$0x3FA7] =	sst s2  }
0xb: {  	[smem:$0x3FA8] =	sst s3  }
0xc: {  	[smem:$0x3FA9] =	sst s4  }
0xd: {  	[smem:$0x3FAA] =	sst s5  }
0xe: {  	[smem:$0x3FAB] =	sst s6  }
0xf: {  	[smem:$0x3FAC] =	sst s7  }
0x10: {  	[smem:$0x3FAD] =	sst s8  }
0x11: {  	[smem:$0x3FAE] =	sst s9;
	s0 =	simm.s32 @!p0 $0x0  }
0x12: {  	s1 =	sld [smem:$0x3F94];
	s0 =	simm.s32 @p0 $0x1  }
0x13: {  	[smem:$0x3FAF] =	sst s0;
	s0 =	simm.s32 @!p1 $0x0  }
0x14: {  	s2 =	sld [smem:$0x3F93];
	s0 =	simm.s32 @p1 $0x1  }
0x15: {  	[smem:$0x3FB0] =	sst s0;
	s0 =	simm.s32 @!p2 $0x0  }
0x16: {  	s3 =	sld [smem:$0x3FDB];
	s0 =	simm.s32 @p2 $0x1  }
0x17: {  	s4 =	simm.s32 $0x1BF5;
	[smem:$0x3FB2] =	sst s0  }
0x18: {  	s0 =	sld [smem:$0x3F95];
	_ =	swait.ge [sflag:s4], $0x0  }
0x19: {  	s7 =	sld [smem:$0x3F96]  }
0x1a: {  	s8 =	sadd.s32 $0xFFFFE003, lr  }
0x1b: {  	s9 =	sadd.s32 $0xFFFFFEF7, lr;
	s5 =	simm.s32 $0xFFFFFFFF;
	p2 =	slt.u32 s8, $0xFFFFF086  }
0x1c: {  	p1 =	slt.u32 s9, $0xF7A;
	s5 =	simm.s32 @!p2 $0x0  }
0x1d: {  	s5 =	simm.s32 @p1 $0x1;
	p0 =	seq.s32 s7, s2  }
0x1e: {  	s7 =	smul.u32 @!p0 $0xF7A, s2;
	p2 =	seq.s32 @!p0 s5, $0x0  }
0x1f: {  	s9 =	smul.u32 $0xF7A, s1;
	s8 =	simm.s32 @!p0 $0x1BF5;
	p2 =	por !p2, p0  }
0x20: {  	[sflag:s8] =	ssyncset.s32 @!p0 $0xFFFFF086;
	s6 =	sadd.s32 @!p0 s3, s7;
	s7 =	simm.s32 @!p0 $0x108  }
0x21: {  	s3 =	sadd.s32 s3, s9;
	s6 =	sadd.s32 @!p0 $0x88, s6;
	s7 =	simm.s32 @p2 $0x1082  }
0x22: {  	[simem:s7], [sflag:s8] =	dma.local @!p0 [hbm:s6], $0xF7A  }
0x23: {  	s9 =	sor.u32 $0xD0000000, s2;
	s6 =	simm.s32 $0x108;
	_ =	swait.ge @!p0 [sflag:s8], $0x0  }
0x24: {  	s3 =	sadd.s32 $0x88, s3;
	s6 =	simm.s32 @!p1 $0x1082;
	[sflag:s4] =	ssyncset.s32 $0xFFFFF086  }
0x25: {  	[simem:s6], [sflag:s4] =	dma.local [hbm:s3], $0xF7A  }
0x26: {  	[smem:$0x3F96] =	sst s1;
	(tag) =	ssettag s2;
	_ =	strace s9  }
0x27: {  	s1 =	sld [smem:$0x3FA6]  }
0x28: {  	s2 =	sld [smem:$0x3FA7]  }
0x29: {  	s4 =	sld [smem:$0x3FA9]  }
0x2a: {  	p0 =	seq.s32 s5, $0x0;
	s5 =	sld [smem:$0x3FAA]  }
0x2b: {  	s6 =	sld [smem:$0x3FAB]  }
0x2c: {  	s7 =	sld [smem:$0x3FAC]  }
0x2d: {  	s3 =	simm.s32 $0x108;
	s8 =	sld [smem:$0x3FAD]  }
0x2e: {  	s3 =	simm.s32 @!p0 $0x1082;
	s9 =	sld [smem:$0x3FAE]  }
0x2f: {  	lr =	sadd.s32 s0, s3;
	s0 =	sld [smem:$0x3FA5]  }
0x30: {  	s3 =	sld [smem:$0x3FA8]  }
0x31: {  	[smem:$0x3FB1] =	sst s10  }
0x32: {  	s10 =	sld [smem:$0x3FAF];
	_ =	sdelay $0x3  }
0x33: {  	p0 =	seq.s32 s10, $0x1;
	s10 =	sld [smem:$0x3FB1];
	_ =	sdelay $0x3  }
0x34: {  	[smem:$0x3FB1] =	sst s10  }
0x35: {  	s10 =	sld [smem:$0x3FB0];
	_ =	sdelay $0x3  }
0x36: {  	p1 =	seq.s32 s10, $0x1;
	s10 =	sld [smem:$0x3FB1];
	_ =	sdelay $0x3  }
0x37: {  	[smem:$0x3FB1] =	sst s10  }
0x38: {  	s10 =	sld [smem:$0x3FB2]  }
0x39: {  	_ = 	snop;
	(pc) =	sbr.ind lr, $3  }
0x3a: {  	_ = 	snop  }
0x3b: {  	_ = 	snop  }
0x3c: {  	p2 =	seq.s32 s10, $0x1;
	s10 =	sld [smem:$0x3FB1]  }
0x3d: {  	_ =	shalt  }
0x3e: {  	_ =	shalt  }
0x3f: {  	_ =	shalt  }
0x40: {  	_ =	shalt  }
0x41: {  	_ =	shalt  }
0x42: {  	_ =	shalt  }
0x43: {  	_ =	shalt  }
0x44: {  	_ =	shalt  }
0x45: {  	_ =	shalt  }
0x46: {  	_ =	shalt  }
0x47: {  	_ =	shalt  }
0x48: {  	_ =	shalt  }
0x49: {  	_ =	shalt  }
0x4a: {  	_ =	shalt  }
0x4b: {  	_ =	shalt  }
0x4c: {  	_ =	shalt  }
0x4d: {  	_ =	shalt  }
0x4e: {  	_ =	shalt  }
0x4f: {  	_ =	shalt  }
0x50: {  	_ =	shalt  }
0x51: {  	_ =	shalt  }
0x52: {  	_ =	shalt  }
0x53: {  	_ =	shalt  }
0x54: {  	_ =	shalt  }
0x55: {  	_ =	shalt  }
0x56: {  	_ =	shalt  }
0x57: {  	_ =	shalt  }
0x58: {  	_ =	shalt  }
0x59: {  	_ =	shalt  }
0x5a: {  	_ =	shalt  }
0x5b: {  	_ =	shalt  }
0x5c: {  	_ =	shalt  }
0x5d: {  	_ =	shalt  }
0x5e: {  	_ =	shalt  }
0x5f: {  	_ =	shalt  }
0x60: {  	_ =	shalt  }
0x61: {  	_ =	shalt  }
0x62: {  	_ =	shalt  }
0x63: {  	_ =	shalt  }
0x64: {  	_ =	shalt  }
0x65: {  	_ =	shalt  }
0x66: {  	_ =	shalt  }
0x67: {  	_ =	shalt  }
0x68: {  	_ =	shalt  }
0x69: {  	_ =	shalt  }
0x6a: {  	_ =	shalt  }
0x6b: {  	_ =	shalt  }
0x6c: {  	_ =	shalt  }
0x6d: {  	_ =	shalt  }
0x6e: {  	_ =	shalt  }
0x6f: {  	_ =	shalt  }
0x70: {  	_ =	shalt  }
0x71: {  	_ =	shalt  }
0x72: {  	_ =	shalt  }
0x73: {  	_ =	shalt  }
0x74: {  	_ =	shalt  }
0x75: {  	_ =	shalt  }
0x76: {  	_ =	shalt  }
0x77: {  	_ =	shalt  }
0x78: {  	_ =	shalt  }
0x79: {  	_ =	shalt  }
0x7a: {  	_ =	shalt  }
0x7b: {  	_ =	shalt  }
0x7c: {  	_ =	shalt  }
0x7d: {  	_ =	shalt  }
0x7e: {  	_ =	shalt  }
0x7f: {  	_ =	shalt  }
0x80: {  	_ =	shalt  }
0x81: {  	_ =	shalt  }
0x82: {  	_ =	shalt  }
0x83: {  	_ =	shalt  }
0x84: {  	_ =	shalt  }
0x85: {  	_ =	shalt  }
0x86: {  	_ =	shalt  }
0x87: {  	_ =	shalt  }
.Lfunc_end0:
.L_simem_size_0:
called_computation.1_lowered:
.L_overlay_start_0:
0x88: {  	s2 =	sld [smem:$0x3FD9]  }
0x89: {  	s3 =	sld [smem:$0x3FFE];
	_ =	sdelay $0x1  }
0x8a: {  	s1 =	srdreg.scid  }
0x8b: {  	s0 =	sand.u32 $0x1, s1  }
0x8c: {  	s16 =	sshll.u32 s0, $0xA;
	s2 =	sadd.s32 s3, s2  }
0x8d: {  	s2 =	sadd.s32 s2, s16  }
0x8e: {  	[smem:$0x3FBD] =	sst s2  }
0x8f: {  	_ = 	snop  }
0x90: {  	(tm) =	ssettm $0x1  }
0x91: {  	s17 =	sld [smem:$0x3FFB];
	_ =	sdelay $0x3  }
0x92: {  	_ =	strace s17  }
0x93: {  	s2 =	sld [smem:$0x3FFC];
	_ =	sdelay $0x3  }
0x94: {  	_ =	strace s2  }
0x95: {  	s2 =	sld [smem:$0x3FFD];
	_ =	sdelay $0x3  }
0x96: {  	_ =	strace s2  }
0x97: {  	_ =	strace $0x8FFFFFFF  }
0x98: {  	s18 =	sld [smem:$0x3FDB];
	_ =	sdelay $0x1  }
0x99: {  	s19 =	simm.s32 $_scs_section_size  }
0x9a: {  	s4 =	simm.s32 $_size__tile_overlayer_lowered;
	s5 =	simm.s32 $_tile_overlayer_lowered  }
0x9b: {  	s22 =	simm.s32 $0x1BFF;
	s21 =	sshll.u32 s5, $0x1;
	s2 =	sadd.s32 s19, s18  }
0x9c: {  	s6 =	simm.s32 $0x0;
	s20 =	sshll.u32 s4, $0x1;
	s4 =	sadd.s32 s21, s2  }
0x9d: {  	[timem:s6], [sflag:s22] =	dma.local [hbm:s4], s20  }
0x9e: {  	_ =	swait.ge [sflag:s22], s20  }
0x9f: {  	s3 =	ssub.s32 $0x0, s20;
	[sflag:s22] =	ssyncset.done $0x0  }
0xa0: {  	[sflag:s22] =	ssyncadd.s32 s3;
	_ =	sdelay $0x1  }
0xa1: {  	s23 =	simm.s32 $0x1B8B  }
0xa2: {  	_ =	swait.ge [sflag:s23], $0x1  }
0xa3: {  	[sflag:s23] =	ssyncset.done $0x0  }
0xa4: {  	s25 =	simm.s32 $0x1B8E;
	s24 =	sld [smem:$0x3FFE];
	[sflag:s23] =	ssyncadd.s32 $0xFFFFFFFF  }
0xa5: {  	s26 =	simm.s32 $execute0_lowered;
	[smem:$0x3FD2] =	sst s25  }
0xa6: {  	s4 =	sshll.u32 s26, $0x1;
	_ =	strace $0x80000049;
	[dreg:$0x1] =	wrdreg $0xFFFFFFFF  }
0xa7: {  	s28 =	simm.s32 $_size_execute0_lowered;
	s2 =	sadd.s32 s2, s4;
	[dreg:$0x0] =	wrdreg $0x0  }
0xa8: {  	s4 =	sshll.u32 s28, $0x1;
	[dreg:$0x2] =	wrdreg s2  }
0xa9: {  	[dreg:$0x3] =	wrdreg s4  }
0xaa: {  	[dreg:$0x4] =	wrdreg $0xC0  }
0xab: {  	_ =	task [dreg:s6], $0x5FFFF  }
0xac: {  	[dreg:$0x1] =	wrdreg $0xFFFFFFFF  }
0xad: {  	[dreg:$0x0] =	wrdreg $0x60  }
0xae: {  	[dreg:$0x2] =	wrdreg s24  }
0xaf: {  	[dreg:$0x3] =	wrdreg $0x50000  }
0xb0: {  	[dreg:$0x4] =	wrdreg $0x9  }
0xb1: {  	_ =	task.clear_ibuf [dreg:s6], $0x5FFFF;
	_ =	strace $0x90000049  }
0xb2: {  	s29 =	simm.s32 $0x9;
	_ =	strace $0x8000004B  }
0xb3: {  	_ =	swait.ge [sflag:s29], $0x1  }
0xb4: {  	[sflag:s29] =	ssyncadd.s32 $0xFFFFFFFF  }
0xb5: {  	_ =	strace $0x9000004B  }
0xb6: {  	_ =	sfence  }
0xb7: {  	s30 =	sld [smem:$0x0];
	_ =	sdelay $0x2  }
0xb8: {  	s31 =	sshll.u32 s1, $0xD;
	s1 =	sshrl.u32 s1, $0x2  }
0xb9: {  	s3 =	sand.u32 $0x4000, s31;
	s1 =	sadd.s32 s1, s30  }
0xba: {  	s0 =	sor.u32 s3, s0;
	s1 =	sshll.u32 s1, $0x11  }
0xbb: {  	s0 =	sor.u32 s1, s0  }
0xbc: {  	s0 =	sadd.s32 $0x8F2B, s0  }
0xbd: {  	[sflag:s0] =	ssyncadd.remote.s32 $0x1  }
0xbe: {  	_ =	sfence.sel $0xFFFF  }
0xbf: {  	[dreg:$0x0] =	wrdreg $0xFFFFFFFF;
	(pc) =	sbr.abs _section_cstart, $3  }
0xc0: {  	[dreg:$0x1] =	wrdreg $0xFFFFFFFF  }
0xc1: {  	_ =	task.clear_ibuf [dreg:s6], $0x2FFFF;
	_ =	strace $0x9FFFFFFF  }
0xc2: {  	(tm) =	ssettm $0x7FFFFFFF  }
0xc3: {  	_ =	shalt  }
tec
execute0_lowered:
.L_overlay_start_1:
0x0: {  	(tag) =	ssettag $0x1  }
0x1: {  	s0 =	srdreg.scid;
	s6 =	rddreg [dreg:$0x0]  }
0x2: {  	s2 =	rddreg [dreg:$0x1];
	s1 =	stileid.u32  }
0x3: {  	s3 =	simm.s32 $0x0;
	s14 =	simm.s32 $0x1000;
	s15 =	simm.s32 $0x1  }
0x4: {  	s7 =	sand.u32 $0x1, s0;
	s0 =	rddreg [dreg:$0x2];
	s10 =	smul.u32 $0x50000, s1  }
0x5: {  	[smem:$0x7FF] =	sst s3;
	s31 =	sshll.u32 s1, $0x6;
	s17 =	smul.u32 $0x2800, s1  }
0x6: {  	s4 =	sshll.u32 s7, $0x4;
	_ =	strace $0x8000004A;
	s29 =	ssub.s32 $0x2, s7  }
0x7: {  	s8 =	smul.u32 $0x28000, s7;
	s4 =	sor.u32 s1, s4;
	s7 =	sshrl.u32 s29, $0x1  }
0x8: {  	s30 =	sshrl.u32 s10, $0x2;
	s5 =	smul.u32 $0xA00, s4;
	s4 =	sadd.s32 $0x32200, s6  }
0x9: {  	s11 =	sadd.s32 s8, s6;
	s12 =	ssub.s32 s29, s7;
	s13 =	sadd.s32 s30, s2  }
0xa: {  	s16 =	sadd.s32 $0x82400, s11;
	s10 =	sshrl.u32 s13, $0x3;
	s11 =	simm.s32 $0x2  }
0xb: {  	s13 =	simm.s32 $0x80;
	s9 =	sadd.s32 s5, s6;
	s5 =	sadd.s32 $0x2FA00, s6  }
0xc: {  	s6 =	sor.u32 $0x1C02, s31;
	s16 =	sadd.s32 s17, s16;
	s7 =	sadd.s32 $0x7A00, s9  }
0xd: {  	s8 =	sadd.s32 $0x1BA00, s9;
	s9 =	smax.u32 s12, $0x1;
	s12 =	simm.s32 $0x800  }
.LBB2_1:
0xe: {  	[spmem:s10], [sflag:s6] =	dma.local [hbm:s5], $0x2800  }
0xf: {  	_ =	swait.ge [sflag:s11], $0x2800  }
0x10: {  	[sflag:s11] =	ssyncset.done $0x0  }
0x11: {  	[sflag:s11] =	ssyncadd.s32 $0xFFFFD800  }
0x12: {  	s17 =	simm.s32 $0x0;
	[bflag:$0x0] =	sbarrier.arrive $0xFFFF  }
.LBB2_2:
0x13: {  	s18 =	sshll.u32 s17, $0x8  }
0x14: {  	s20 =	simm.s32 $0x0;
	s19 =	sadd.s32 s18, s7  }
0x15: {  	[tilespmem:s20], [sflag:$0x2] =	stream.linear.gather [hbm4b:s19+s20], $0x800, $0x38;
	[tilespmem:$0x19000] =	vst v63  }
0x16: {  	_ =	swait.ge [sflag:s11], $0x800  }
0x17: {  	[sflag:s11] =	ssyncset.done $0x0  }
0x18: {  	s18 =	sadd.s32 s18, s8;
	[sflag:s11] =	ssyncadd.s32 $0xFFFFF800  }
0x19: {  	[tilespmem:s12], [sflag:$0x2] =	stream.linear.gather [hbm4b:s18+s20], $0x800, $0x38;
	[tilespmem:$0x19000] =	vst v63  }
0x1a: {  	_ =	swait.ge [sflag:s11], $0x800  }
0x1b: {  	[sflag:s11] =	ssyncset.done $0x0  }
0x1c: {  	s30 =	simm.s32 $0x0;
	[sflag:s11] =	ssyncadd.s32 $0xFFFFF800  }
0x1d: {  	[tilespmem:s14], [sflag:$0x1] =	stream.indirect.gather [hbm4b:s4+s13], $0x80, s30, s13, $0xb8;
	[tilespmem:$0x19000] =	vst v63  }
0x1e: {  	_ =	swait.ge [sflag:s15], $0x4000  }
0x1f: {  	[sflag:s15] =	ssyncset.done $0x0  }
0x20: {  	s31 =	simm.s32 $0x800;
	[sflag:s15] =	ssyncadd.s32 $0xFFFFC000  }
0x21: {  	[spmem:s2] =	stream.indirect.scatter.add.f32 [tilespmem:s14], [sflag:$0x2], $0x80, s31, s13, $0xb8;
	[tilespmem:$0x19000] =	vst v63  }
0x22: {  	_ =	swait.ge [sflag:s11], $0x4000  }
0x23: {  	s19 =	simm.s32 $0x400;
	s18 =	simm.s32 $0x200;
	[sflag:s11] =	ssyncset.done $0x0  }
.LBB2_3:
0x24: {  	s20 =	sshra.s32 s18, $0x2  }
0x25: {  	[sflag:s11] =	ssyncadd.s32 $0xFFFFC000;
	s18 =	smov.u32 s19;
	s21 =	sadd.s32 $0x200, s19  }
0x26: {  	[tilespmem:s14], [sflag:$0x1] =	stream.indirect.gather [hbm4b:s4+s13], $0x80, s20, s13, $0xb8;
	[tilespmem:$0x19000] =	vst v63  }
0x27: {  	p0 =	sne.s32 s19, $0x1E00;
	_ =	swait.ge [sflag:s15], $0x4000  }
.Ltmp0:
0x28: {  	[sflag:s15] =	ssyncset.done $0x0;
	(pc) =	sbr.rel @p0 .LBB2_3-.Ltmp0, $4  }
0x29: {  	s19 =	sadd.s32 $0x800, s20;
	[sflag:s15] =	ssyncadd.s32 $0xFFFFC000  }
0x2a: {  	[spmem:s2] =	stream.indirect.scatter.add.f32 [tilespmem:s14], [sflag:$0x2], $0x80, s19, s13, $0xb8;
	[tilespmem:$0x19000] =	vst v63  }
0x2b: {  	_ =	swait.ge [sflag:s11], $0x4000  }
0x2c: {  	s19 =	smov.u32 s21;
	[sflag:s11] =	ssyncset.done $0x0  }
0x2d: {  	s18 =	sshra.s32 s18, $0x2;
	[sflag:s11] =	ssyncadd.s32 $0xFFFFC000  }
0x2e: {  	[tilespmem:s14], [sflag:$0x1] =	stream.indirect.gather [hbm4b:s4+s13], $0x80, s18, s13, $0xb8;
	[tilespmem:$0x19000] =	vst v63  }
0x2f: {  	s17 =	sadd.s32 $0x1, s17;
	_ =	swait.ge [sflag:s15], $0x4000  }
0x30: {  	p0 =	sne.s32 s17, $0xA;
	[sflag:s15] =	ssyncset.done $0x0  }
.Ltmp1:
0x31: {  	s18 =	sadd.s32 $0x800, s18;
	[sflag:s15] =	ssyncadd.s32 $0xFFFFC000;
	(pc) =	sbr.rel @p0 .LBB2_2-.Ltmp1, $4  }
0x32: {  	[spmem:s2] =	stream.indirect.scatter.add.f32 [tilespmem:s14], [sflag:$0x2], $0x80, s18, s13, $0xb8;
	[tilespmem:$0x19000] =	vst v63  }
0x33: {  	_ =	swait.ge [sflag:s11], $0x4000  }
0x34: {  	[sflag:s11] =	ssyncset.done $0x0  }
0x35: {  	[sflag:s11] =	ssyncadd.s32 $0xFFFFC000  }
0x36: {  	s3 =	sadd.s32 $0x1, s3  }
0x37: {  	p0 =	sne.s32 s3, s9  }
.Ltmp2:
0x38: {  	[bflag:$0x0] =	sbarrier.arrive $0xFFFF;
	(pc) =	sbr.rel @p0 .LBB2_1-.Ltmp2, $4  }
0x39: {  	[hbm:s16], [sflag:s6] =	dma.local [spmem:s10], $0x2800  }
0x3a: {  	_ =	swait.ge [sflag:s11], $0x2800  }
0x3b: {  	[sflag:s11] =	ssyncset.done $0x0  }
0x3c: {  	[sflag:s11] =	ssyncadd.s32 $0xFFFFD800  }
0x3d: {  	_ =	sfence.sel $0x180000  }
0x3e: {  	[bflag:$0x0] =	sbarrier.arrive $0xFFFF  }
0x3f: {  	p0 =	sne.s32 s1, $0x0;
	_ =	strace $0x9000004A  }
0x40: {  	s0 =	sadd.s32 @!p0 $0x100000, s0;
	[bflag:$0x2] =	sbarrier.arrive $0xFFFF  }
0x41: {  	[sflag:s0] =	ssyncadd.tile.s32 @!p0 $0x1;
	_ =	shalt  }
.Lfunc_end2:
_tile_overlayer_lowered:
.L_overlay_start_2:
0x42: {  	(tag) =	ssettag $0x2  }
0x43: {  	s0 =	rddreg [dreg:$0x0];
	s2 =	stileid.u32  }
0x44: {  	s1 =	rddreg [dreg:$0x1];
	p0 =	sne.s32 s2, $0x0  }
0x45: {  	s3 =	rddreg [dreg:$0x2];
	[bflag:$0x3] =	sbarrier.arrive $0xFFFF;
	s2 =	simm.s32 @!p0 $0x1C02  }
0x46: {  	[timem:s3], [sflag:s2] =	dma.local @!p0 [hbm:s0], s1  }
0x47: {  	s0 =	simm.s32 @!p0 $0x2  }
0x48: {  	_ =	swait.ge @!p0 [sflag:s0], s1  }
0x49: {  	s1 =	ssub.s32 @!p0 $0x0, s1;
	[sflag:s0] =	ssyncset.done @!p0 $0x0  }
0x4a: {  	[sflag:s0] =	ssyncadd.s32 @!p0 s1  }
0x4b: {  	[bflag:$0x3] =	sbarrier.arrive $0xFFFF  }
0x4c: {  	_ =	shalt  }

// kernel: kernel.25.cloned.1.call-start
scs
__scs_entry_jumppad:
0x0: {  	(pc) =	sbr.rel $0x88, $3  }
0x1: {  	(tag) =	ssettag $0x0;
	lr =	simm.s32 $0x1  }
0x2: {  	[smem:$0x3F96] =	sst lr;
	_ =	strace $0xD0000000  }
0x3: {  	_ = 	snop  }
0x4: {  	_ = 	snop  }
0x5: {  	_ = 	snop  }
0x6: {  	_ = 	snop  }
0x7: {  	_ = 	snop  }
__scs_overlays_trampoline_lowered:
0x8: {  	[smem:$0x3FA5] =	sst s0  }
0x9: {  	[smem:$0x3FA6] =	sst s1  }
0xa: {  	[smem:$0x3FA7] =	sst s2  }
0xb: {  	[smem:$0x3FA8] =	sst s3  }
0xc: {  	[smem:$0x3FA9] =	sst s4  }
0xd: {  	[smem:$0x3FAA] =	sst s5  }
0xe: {  	[smem:$0x3FAB] =	sst s6  }
0xf: {  	[smem:$0x3FAC] =	sst s7  }
0x10: {  	[smem:$0x3FAD] =	sst s8  }
0x11: {  	[smem:$0x3FAE] =	sst s9;
	s0 =	simm.s32 @!p0 $0x0  }
0x12: {  	s1 =	sld [smem:$0x3F94];
	s0 =	simm.s32 @p0 $0x1  }
0x13: {  	[smem:$0x3FAF] =	sst s0;
	s0 =	simm.s32 @!p1 $0x0  }
0x14: {  	s2 =	sld [smem:$0x3F93];
	s0 =	simm.s32 @p1 $0x1  }
0x15: {  	[smem:$0x3FB0] =	sst s0;
	s0 =	simm.s32 @!p2 $0x0  }
0x16: {  	s3 =	sld [smem:$0x3FDB];
	s0 =	simm.s32 @p2 $0x1  }
0x17: {  	s4 =	simm.s32 $0x1BF5;
	[smem:$0x3FB2] =	sst s0  }
0x18: {  	s0 =	sld [smem:$0x3F95];
	_ =	swait.ge [sflag:s4], $0x0  }
0x19: {  	s7 =	sld [smem:$0x3F96]  }
0x1a: {  	s8 =	sadd.s32 $0xFFFFE003, lr  }
0x1b: {  	s9 =	sadd.s32 $0xFFFFFEF7, lr;
	s5 =	simm.s32 $0xFFFFFFFF;
	p2 =	slt.u32 s8, $0xFFFFF086  }
0x1c: {  	p1 =	slt.u32 s9, $0xF7A;
	s5 =	simm.s32 @!p2 $0x0  }
0x1d: {  	s5 =	simm.s32 @p1 $0x1;
	p0 =	seq.s32 s7, s2  }
0x1e: {  	s7 =	smul.u32 @!p0 $0xF7A, s2;
	p2 =	seq.s32 @!p0 s5, $0x0  }
0x1f: {  	s9 =	smul.u32 $0xF7A, s1;
	s8 =	simm.s32 @!p0 $0x1BF5;
	p2 =	por !p2, p0  }
0x20: {  	[sflag:s8] =	ssyncset.s32 @!p0 $0xFFFFF086;
	s6 =	sadd.s32 @!p0 s3, s7;
	s7 =	simm.s32 @!p0 $0x108  }
0x21: {  	s3 =	sadd.s32 s3, s9;
	s6 =	sadd.s32 @!p0 $0x88, s6;
	s7 =	simm.s32 @p2 $0x1082  }
0x22: {  	[simem:s7], [sflag:s8] =	dma.local @!p0 [hbm:s6], $0xF7A  }
0x23: {  	s9 =	sor.u32 $0xD0000000, s2;
	s6 =	simm.s32 $0x108;
	_ =	swait.ge @!p0 [sflag:s8], $0x0  }
0x24: {  	s3 =	sadd.s32 $0x88, s3;
	s6 =	simm.s32 @!p1 $0x1082;
	[sflag:s4] =	ssyncset.s32 $0xFFFFF086  }
0x25: {  	[simem:s6], [sflag:s4] =	dma.local [hbm:s3], $0xF7A  }
0x26: {  	[smem:$0x3F96] =	sst s1;
	(tag) =	ssettag s2;
	_ =	strace s9  }
0x27: {  	s1 =	sld [smem:$0x3FA6]  }
0x28: {  	s2 =	sld [smem:$0x3FA7]  }
0x29: {  	s4 =	sld [smem:$0x3FA9]  }
0x2a: {  	p0 =	seq.s32 s5, $0x0;
	s5 =	sld [smem:$0x3FAA]  }
0x2b: {  	s6 =	sld [smem:$0x3FAB]  }
0x2c: {  	s7 =	sld [smem:$0x3FAC]  }
0x2d: {  	s3 =	simm.s32 $0x108;
	s8 =	sld [smem:$0x3FAD]  }
0x2e: {  	s3 =	simm.s32 @!p0 $0x1082;
	s9 =	sld [smem:$0x3FAE]  }
0x2f: {  	lr =	sadd.s32 s0, s3;
	s0 =	sld [smem:$0x3FA5]  }
0x30: {  	s3 =	sld [smem:$0x3FA8]  }
0x31: {  	[smem:$0x3FB1] =	sst s10  }
0x32: {  	s10 =	sld [smem:$0x3FAF];
	_ =	sdelay $0x3  }
0x33: {  	p0 =	seq.s32 s10, $0x1;
	s10 =	sld [smem:$0x3FB1];
	_ =	sdelay $0x3  }
0x34: {  	[smem:$0x3FB1] =	sst s10  }
0x35: {  	s10 =	sld [smem:$0x3FB0];
	_ =	sdelay $0x3  }
0x36: {  	p1 =	seq.s32 s10, $0x1;
	s10 =	sld [smem:$0x3FB1];
	_ =	sdelay $0x3  }
0x37: {  	[smem:$0x3FB1] =	sst s10  }
0x38: {  	s10 =	sld [smem:$0x3FB2]  }
0x39: {  	_ = 	snop;
	(pc) =	sbr.ind lr, $3  }
0x3a: {  	_ = 	snop  }
0x3b: {  	_ = 	snop  }
0x3c: {  	p2 =	seq.s32 s10, $0x1;
	s10 =	sld [smem:$0x3FB1]  }
0x3d: {  	_ =	shalt  }
0x3e: {  	_ =	shalt  }
0x3f: {  	_ =	shalt  }
0x40: {  	_ =	shalt  }
0x41: {  	_ =	shalt  }
0x42: {  	_ =	shalt  }
0x43: {  	_ =	shalt  }
0x44: {  	_ =	shalt  }
0x45: {  	_ =	shalt  }
0x46: {  	_ =	shalt  }
0x47: {  	_ =	shalt  }
0x48: {  	_ =	shalt  }
0x49: {  	_ =	shalt  }
0x4a: {  	_ =	shalt  }
0x4b: {  	_ =	shalt  }
0x4c: {  	_ =	shalt  }
0x4d: {  	_ =	shalt  }
0x4e: {  	_ =	shalt  }
0x4f: {  	_ =	shalt  }
0x50: {  	_ =	shalt  }
0x51: {  	_ =	shalt  }
0x52: {  	_ =	shalt  }
0x53: {  	_ =	shalt  }
0x54: {  	_ =	shalt  }
0x55: {  	_ =	shalt  }
0x56: {  	_ =	shalt  }
0x57: {  	_ =	shalt  }
0x58: {  	_ =	shalt  }
0x59: {  	_ =	shalt  }
0x5a: {  	_ =	shalt  }
0x5b: {  	_ =	shalt  }
0x5c: {  	_ =	shalt  }
0x5d: {  	_ =	shalt  }
0x5e: {  	_ =	shalt  }
0x5f: {  	_ =	shalt  }
0x60: {  	_ =	shalt  }
0x61: {  	_ =	shalt  }
0x62: {  	_ =	shalt  }
0x63: {  	_ =	shalt  }
0x64: {  	_ =	shalt  }
0x65: {  	_ =	shalt  }
0x66: {  	_ =	shalt  }
0x67: {  	_ =	shalt  }
0x68: {  	_ =	shalt  }
0x69: {  	_ =	shalt  }
0x6a: {  	_ =	shalt  }
0x6b: {  	_ =	shalt  }
0x6c: {  	_ =	shalt  }
0x6d: {  	_ =	shalt  }
0x6e: {  	_ =	shalt  }
0x6f: {  	_ =	shalt  }
0x70: {  	_ =	shalt  }
0x71: {  	_ =	shalt  }
0x72: {  	_ =	shalt  }
0x73: {  	_ =	shalt  }
0x74: {  	_ =	shalt  }
0x75: {  	_ =	shalt  }
0x76: {  	_ =	shalt  }
0x77: {  	_ =	shalt  }
0x78: {  	_ =	shalt  }
0x79: {  	_ =	shalt  }
0x7a: {  	_ =	shalt  }
0x7b: {  	_ =	shalt  }
0x7c: {  	_ =	shalt  }
0x7d: {  	_ =	shalt  }
0x7e: {  	_ =	shalt  }
0x7f: {  	_ =	shalt  }
0x80: {  	_ =	shalt  }
0x81: {  	_ =	shalt  }
0x82: {  	_ =	shalt  }
0x83: {  	_ =	shalt  }
0x84: {  	_ =	shalt  }
0x85: {  	_ =	shalt  }
0x86: {  	_ =	shalt  }
0x87: {  	_ =	shalt  }
.Lfunc_end0:
.L_simem_size_0:
called_computation.2_lowered:
.L_overlay_start_0:
0x88: {  	s2 =	sld [smem:$0x3FD9]  }
0x89: {  	s3 =	sld [smem:$0x3FFE];
	_ =	sdelay $0x1  }
0x8a: {  	s1 =	srdreg.scid  }
0x8b: {  	s0 =	sand.u32 $0x1, s1  }
0x8c: {  	s16 =	sshll.u32 s0, $0xA;
	s2 =	sadd.s32 s3, s2  }
0x8d: {  	s2 =	sadd.s32 s2, s16  }
0x8e: {  	[smem:$0x3FBD] =	sst s2  }
0x8f: {  	_ = 	snop  }
0x90: {  	(tm) =	ssettm $0x1  }
0x91: {  	s17 =	sld [smem:$0x3FFB];
	_ =	sdelay $0x3  }
0x92: {  	_ =	strace s17  }
0x93: {  	s2 =	sld [smem:$0x3FFC];
	_ =	sdelay $0x3  }
0x94: {  	_ =	strace s2  }
0x95: {  	s2 =	sld [smem:$0x3FFD];
	_ =	sdelay $0x3  }
0x96: {  	_ =	strace s2  }
0x97: {  	_ =	strace $0x8FFFFFFF  }
0x98: {  	s18 =	sld [smem:$0x3FDB];
	_ =	sdelay $0x1  }
0x99: {  	s19 =	simm.s32 $_scs_section_size  }
0x9a: {  	s4 =	simm.s32 $_size__tile_overlayer_lowered;
	s5 =	simm.s32 $_tile_overlayer_lowered  }
0x9b: {  	s22 =	simm.s32 $0x1BFF;
	s21 =	sshll.u32 s5, $0x1;
	s2 =	sadd.s32 s19, s18  }
0x9c: {  	s6 =	simm.s32 $0x0;
	s20 =	sshll.u32 s4, $0x1;
	s4 =	sadd.s32 s21, s2  }
0x9d: {  	[timem:s6], [sflag:s22] =	dma.local [hbm:s4], s20  }
0x9e: {  	_ =	swait.ge [sflag:s22], s20  }
0x9f: {  	s3 =	ssub.s32 $0x0, s20;
	[sflag:s22] =	ssyncset.done $0x0  }
0xa0: {  	[sflag:s22] =	ssyncadd.s32 s3;
	_ =	sdelay $0x1  }
0xa1: {  	s23 =	simm.s32 $0x1B8B  }
0xa2: {  	_ =	swait.ge [sflag:s23], $0x1  }
0xa3: {  	[sflag:s23] =	ssyncset.done $0x0  }
0xa4: {  	s25 =	simm.s32 $0x1B8E;
	s24 =	sld [smem:$0x3FFE];
	[sflag:s23] =	ssyncadd.s32 $0xFFFFFFFF  }
0xa5: {  	s26 =	simm.s32 $execute0_lowered;
	[smem:$0x3FD2] =	sst s25  }
0xa6: {  	s4 =	sshll.u32 s26, $0x1;
	_ =	strace $0x8000004C;
	[dreg:$0x1] =	wrdreg $0xFFFFFFFF  }
0xa7: {  	s28 =	simm.s32 $_size_execute0_lowered;
	s2 =	sadd.s32 s2, s4;
	[dreg:$0x0] =	wrdreg $0x0  }
0xa8: {  	s4 =	sshll.u32 s28, $0x1;
	[dreg:$0x2] =	wrdreg s2  }
0xa9: {  	[dreg:$0x3] =	wrdreg s4  }
0xaa: {  	[dreg:$0x4] =	wrdreg $0xC0  }
0xab: {  	_ =	task [dreg:s6], $0x5FFFF  }
0xac: {  	[dreg:$0x1] =	wrdreg $0xFFFFFFFF  }
0xad: {  	[dreg:$0x0] =	wrdreg $0x60  }
0xae: {  	[dreg:$0x2] =	wrdreg s24  }
0xaf: {  	[dreg:$0x3] =	wrdreg $0x50000  }
0xb0: {  	[dreg:$0x4] =	wrdreg $0x9  }
0xb1: {  	_ =	task.clear_ibuf [dreg:s6], $0x5FFFF;
	_ =	strace $0x9000004C  }
0xb2: {  	s29 =	simm.s32 $0x9;
	_ =	strace $0x8000004E  }
0xb3: {  	_ =	swait.ge [sflag:s29], $0x1  }
0xb4: {  	[sflag:s29] =	ssyncadd.s32 $0xFFFFFFFF  }
0xb5: {  	_ =	strace $0x9000004E  }
0xb6: {  	_ =	sfence  }
0xb7: {  	s30 =	sld [smem:$0x0];
	_ =	sdelay $0x2  }
0xb8: {  	s31 =	sshll.u32 s1, $0xD;
	s1 =	sshrl.u32 s1, $0x2  }
0xb9: {  	s3 =	sand.u32 $0x4000, s31;
	s1 =	sadd.s32 s1, s30  }
0xba: {  	s0 =	sor.u32 s3, s0;
	s1 =	sshll.u32 s1, $0x11  }
0xbb: {  	s0 =	sor.u32 s1, s0  }
0xbc: {  	s0 =	sadd.s32 $0x8F2B, s0  }
0xbd: {  	[sflag:s0] =	ssyncadd.remote.s32 $0x1  }
0xbe: {  	_ =	sfence.sel $0xFFFF  }
0xbf: {  	[dreg:$0x0] =	wrdreg $0xFFFFFFFF;
	(pc) =	sbr.abs _section_cstart, $3  }
0xc0: {  	[dreg:$0x1] =	wrdreg $0xFFFFFFFF  }
0xc1: {  	_ =	task.clear_ibuf [dreg:s6], $0x2FFFF;
	_ =	strace $0x9FFFFFFF  }
0xc2: {  	(tm) =	ssettm $0x7FFFFFFF  }
0xc3: {  	_ =	shalt  }
tec
execute0_lowered:
.L_overlay_start_1:
0x0: {  	(tag) =	ssettag $0x1  }
0x1: {  	s0 =	srdreg.scid;
	s6 =	rddreg [dreg:$0x0]  }
0x2: {  	s2 =	rddreg [dreg:$0x1];
	s1 =	stileid.u32  }
0x3: {  	s3 =	simm.s32 $0x0;
	s14 =	simm.s32 $0x1000;
	s15 =	simm.s32 $0x1  }
0x4: {  	s7 =	sand.u32 $0x1, s0;
	s0 =	rddreg [dreg:$0x2];
	s10 =	smul.u32 $0x50000, s1  }
0x5: {  	[smem:$0x7FF] =	sst s3;
	s31 =	sshll.u32 s1, $0x6;
	s17 =	smul.u32 $0x2800, s1  }
0x6: {  	s4 =	sshll.u32 s7, $0x4;
	_ =	strace $0x8000004D;
	s29 =	ssub.s32 $0x2, s7  }
0x7: {  	s8 =	smul.u32 $0x28000, s7;
	s4 =	sor.u32 s1, s4;
	s7 =	sshrl.u32 s29, $0x1  }
0x8: {  	s30 =	sshrl.u32 s10, $0x2;
	s5 =	smul.u32 $0xA00, s4;
	s4 =	sadd.s32 $0x32200, s6  }
0x9: {  	s11 =	sadd.s32 s8, s6;
	s12 =	ssub.s32 s29, s7;
	s13 =	sadd.s32 s30, s2  }
0xa: {  	s16 =	sadd.s32 $0x82400, s11;
	s10 =	sshrl.u32 s13, $0x3;
	s11 =	simm.s32 $0x2  }
0xb: {  	s13 =	simm.s32 $0x80;
	s9 =	sadd.s32 s5, s6;
	s5 =	sadd.s32 $0x2FA00, s6  }
0xc: {  	s6 =	sor.u32 $0x1C02, s31;
	s16 =	sadd.s32 s17, s16;
	s7 =	sadd.s32 $0x7A00, s9  }
0xd: {  	s8 =	sadd.s32 $0x1BA00, s9;
	s9 =	smax.u32 s12, $0x1;
	s12 =	simm.s32 $0x800  }
.LBB2_1:
0xe: {  	[spmem:s10], [sflag:s6] =	dma.local [hbm:s5], $0x2800  }
0xf: {  	_ =	swait.ge [sflag:s11], $0x2800  }
0x10: {  	[sflag:s11] =	ssyncset.done $0x0  }
0x11: {  	[sflag:s11] =	ssyncadd.s32 $0xFFFFD800  }
0x12: {  	s17 =	simm.s32 $0x0;
	[bflag:$0x0] =	sbarrier.arrive $0xFFFF  }
.LBB2_2:
0x13: {  	s18 =	sshll.u32 s17, $0x8  }
0x14: {  	s20 =	simm.s32 $0x0;
	s19 =	sadd.s32 s18, s7  }
0x15: {  	[tilespmem:s20], [sflag:$0x2] =	stream.linear.gather [hbm4b:s19+s20], $0x800, $0x38;
	[tilespmem:$0x19000] =	vst v63  }
0x16: {  	_ =	swait.ge [sflag:s11], $0x800  }
0x17: {  	[sflag:s11] =	ssyncset.done $0x0  }
0x18: {  	s18 =	sadd.s32 s18, s8;
	[sflag:s11] =	ssyncadd.s32 $0xFFFFF800  }
0x19: {  	[tilespmem:s12], [sflag:$0x2] =	stream.linear.gather [hbm4b:s18+s20], $0x800, $0x38;
	[tilespmem:$0x19000] =	vst v63  }
0x1a: {  	_ =	swait.ge [sflag:s11], $0x800  }
0x1b: {  	[sflag:s11] =	ssyncset.done $0x0  }
0x1c: {  	s30 =	simm.s32 $0x0;
	[sflag:s11] =	ssyncadd.s32 $0xFFFFF800  }
0x1d: {  	[tilespmem:s14], [sflag:$0x1] =	stream.indirect.gather [hbm4b:s4+s13], $0x80, s30, s13, $0xb8;
	[tilespmem:$0x19000] =	vst v63  }
0x1e: {  	_ =	swait.ge [sflag:s15], $0x4000  }
0x1f: {  	[sflag:s15] =	ssyncset.done $0x0  }
0x20: {  	s31 =	simm.s32 $0x800;
	[sflag:s15] =	ssyncadd.s32 $0xFFFFC000  }
0x21: {  	[spmem:s2] =	stream.indirect.scatter.add.f32 [tilespmem:s14], [sflag:$0x2], $0x80, s31, s13, $0xb8;
	[tilespmem:$0x19000] =	vst v63  }
0x22: {  	_ =	swait.ge [sflag:s11], $0x4000  }
0x23: {  	s19 =	simm.s32 $0x400;
	s18 =	simm.s32 $0x200;
	[sflag:s11] =	ssyncset.done $0x0  }
.LBB2_3:
0x24: {  	s20 =	sshra.s32 s18, $0x2  }
0x25: {  	[sflag:s11] =	ssyncadd.s32 $0xFFFFC000;
	s18 =	smov.u32 s19;
	s21 =	sadd.s32 $0x200, s19  }
0x26: {  	[tilespmem:s14], [sflag:$0x1] =	stream.indirect.gather [hbm4b:s4+s13], $0x80, s20, s13, $0xb8;
	[tilespmem:$0x19000] =	vst v63  }
0x27: {  	p0 =	sne.s32 s19, $0x1E00;
	_ =	swait.ge [sflag:s15], $0x4000  }
.Ltmp0:
0x28: {  	[sflag:s15] =	ssyncset.done $0x0;
	(pc) =	sbr.rel @p0 .LBB2_3-.Ltmp0, $4  }
0x29: {  	s19 =	sadd.s32 $0x800, s20;
	[sflag:s15] =	ssyncadd.s32 $0xFFFFC000  }
0x2a: {  	[spmem:s2] =	stream.indirect.scatter.add.f32 [tilespmem:s14], [sflag:$0x2], $0x80, s19, s13, $0xb8;
	[tilespmem:$0x19000] =	vst v63  }
0x2b: {  	_ =	swait.ge [sflag:s11], $0x4000  }
0x2c: {  	s19 =	smov.u32 s21;
	[sflag:s11] =	ssyncset.done $0x0  }
0x2d: {  	s18 =	sshra.s32 s18, $0x2;
	[sflag:s11] =	ssyncadd.s32 $0xFFFFC000  }
0x2e: {  	[tilespmem:s14], [sflag:$0x1] =	stream.indirect.gather [hbm4b:s4+s13], $0x80, s18, s13, $0xb8;
	[tilespmem:$0x19000] =	vst v63  }
0x2f: {  	s17 =	sadd.s32 $0x1, s17;
	_ =	swait.ge [sflag:s15], $0x4000  }
0x30: {  	p0 =	sne.s32 s17, $0xA;
	[sflag:s15] =	ssyncset.done $0x0  }
.Ltmp1:
0x31: {  	s18 =	sadd.s32 $0x800, s18;
	[sflag:s15] =	ssyncadd.s32 $0xFFFFC000;
	(pc) =	sbr.rel @p0 .LBB2_2-.Ltmp1, $4  }
0x32: {  	[spmem:s2] =	stream.indirect.scatter.add.f32 [tilespmem:s14], [sflag:$0x2], $0x80, s18, s13, $0xb8;
	[tilespmem:$0x19000] =	vst v63  }
0x33: {  	_ =	swait.ge [sflag:s11], $0x4000  }
0x34: {  	[sflag:s11] =	ssyncset.done $0x0  }
0x35: {  	[sflag:s11] =	ssyncadd.s32 $0xFFFFC000  }
0x36: {  	s3 =	sadd.s32 $0x1, s3  }
0x37: {  	p0 =	sne.s32 s3, s9  }
.Ltmp2:
0x38: {  	[bflag:$0x0] =	sbarrier.arrive $0xFFFF;
	(pc) =	sbr.rel @p0 .LBB2_1-.Ltmp2, $4  }
0x39: {  	[hbm:s16], [sflag:s6] =	dma.local [spmem:s10], $0x2800  }
0x3a: {  	_ =	swait.ge [sflag:s11], $0x2800  }
0x3b: {  	[sflag:s11] =	ssyncset.done $0x0  }
0x3c: {  	[sflag:s11] =	ssyncadd.s32 $0xFFFFD800  }
0x3d: {  	_ =	sfence.sel $0x180000  }
0x3e: {  	[bflag:$0x0] =	sbarrier.arrive $0xFFFF  }
0x3f: {  	p0 =	sne.s32 s1, $0x0;
	_ =	strace $0x9000004D  }
0x40: {  	s0 =	sadd.s32 @!p0 $0x100000, s0;
	[bflag:$0x2] =	sbarrier.arrive $0xFFFF  }
0x41: {  	[sflag:s0] =	ssyncadd.tile.s32 @!p0 $0x1;
	_ =	shalt  }
.Lfunc_end2:
_tile_overlayer_lowered:
.L_overlay_start_2:
0x42: {  	(tag) =	ssettag $0x2  }
0x43: {  	s0 =	rddreg [dreg:$0x0];
	s2 =	stileid.u32  }
0x44: {  	s1 =	rddreg [dreg:$0x1];
	p0 =	sne.s32 s2, $0x0  }
0x45: {  	s3 =	rddreg [dreg:$0x2];
	[bflag:$0x3] =	sbarrier.arrive $0xFFFF;
	s2 =	simm.s32 @!p0 $0x1C02  }
0x46: {  	[timem:s3], [sflag:s2] =	dma.local @!p0 [hbm:s0], s1  }
0x47: {  	s0 =	simm.s32 @!p0 $0x2  }
0x48: {  	_ =	swait.ge @!p0 [sflag:s0], s1  }
0x49: {  	s1 =	ssub.s32 @!p0 $0x0, s1;
	[sflag:s0] =	ssyncset.done @!p0 $0x0  }
0x4a: {  	[sflag:s0] =	ssyncadd.s32 @!p0 s1  }
0x4b: {  	[bflag:$0x3] =	sbarrier.arrive $0xFFFF  }
0x4c: {  	_ =	shalt  }

// kernel: kernel.28.cloned.1.call-start
scs
__scs_entry_jumppad:
0x0: {  	(pc) =	sbr.rel $0x88, $3  }
0x1: {  	(tag) =	ssettag $0x0;
	lr =	simm.s32 $0x1  }
0x2: {  	[smem:$0x3F96] =	sst lr;
	_ =	strace $0xD0000000  }
0x3: {  	_ = 	snop  }
0x4: {  	_ = 	snop  }
0x5: {  	_ = 	snop  }
0x6: {  	_ = 	snop  }
0x7: {  	_ = 	snop  }
__scs_overlays_trampoline_lowered:
0x8: {  	[smem:$0x3FA5] =	sst s0  }
0x9: {  	[smem:$0x3FA6] =	sst s1  }
0xa: {  	[smem:$0x3FA7] =	sst s2  }
0xb: {  	[smem:$0x3FA8] =	sst s3  }
0xc: {  	[smem:$0x3FA9] =	sst s4  }
0xd: {  	[smem:$0x3FAA] =	sst s5  }
0xe: {  	[smem:$0x3FAB] =	sst s6  }
0xf: {  	[smem:$0x3FAC] =	sst s7  }
0x10: {  	[smem:$0x3FAD] =	sst s8  }
0x11: {  	[smem:$0x3FAE] =	sst s9;
	s0 =	simm.s32 @!p0 $0x0  }
0x12: {  	s1 =	sld [smem:$0x3F94];
	s0 =	simm.s32 @p0 $0x1  }
0x13: {  	[smem:$0x3FAF] =	sst s0;
	s0 =	simm.s32 @!p1 $0x0  }
0x14: {  	s2 =	sld [smem:$0x3F93];
	s0 =	simm.s32 @p1 $0x1  }
0x15: {  	[smem:$0x3FB0] =	sst s0;
	s0 =	simm.s32 @!p2 $0x0  }
0x16: {  	s3 =	sld [smem:$0x3FDB];
	s0 =	simm.s32 @p2 $0x1  }
0x17: {  	s4 =	simm.s32 $0x1BF5;
	[smem:$0x3FB2] =	sst s0  }
0x18: {  	s0 =	sld [smem:$0x3F95];
	_ =	swait.ge [sflag:s4], $0x0  }
0x19: {  	s7 =	sld [smem:$0x3F96]  }
0x1a: {  	s8 =	sadd.s32 $0xFFFFE003, lr  }
0x1b: {  	s9 =	sadd.s32 $0xFFFFFEF7, lr;
	s5 =	simm.s32 $0xFFFFFFFF;
	p2 =	slt.u32 s8, $0xFFFFF086  }
0x1c: {  	p1 =	slt.u32 s9, $0xF7A;
	s5 =	simm.s32 @!p2 $0x0  }
0x1d: {  	s5 =	simm.s32 @p1 $0x1;
	p0 =	seq.s32 s7, s2  }
0x1e: {  	s7 =	smul.u32 @!p0 $0xF7A, s2;
	p2 =	seq.s32 @!p0 s5, $0x0  }
0x1f: {  	s9 =	smul.u32 $0xF7A, s1;
	s8 =	simm.s32 @!p0 $0x1BF5;
	p2 =	por !p2, p0  }
0x20: {  	[sflag:s8] =	ssyncset.s32 @!p0 $0xFFFFF086;
	s6 =	sadd.s32 @!p0 s3, s7;
	s7 =	simm.s32 @!p0 $0x108  }
0x21: {  	s3 =	sadd.s32 s3, s9;
	s6 =	sadd.s32 @!p0 $0x88, s6;
	s7 =	simm.s32 @p2 $0x1082  }
0x22: {  	[simem:s7], [sflag:s8] =	dma.local @!p0 [hbm:s6], $0xF7A  }
0x23: {  	s9 =	sor.u32 $0xD0000000, s2;
	s6 =	simm.s32 $0x108;
	_ =	swait.ge @!p0 [sflag:s8], $0x0  }
0x24: {  	s3 =	sadd.s32 $0x88, s3;
	s6 =	simm.s32 @!p1 $0x1082;
	[sflag:s4] =	ssyncset.s32 $0xFFFFF086  }
0x25: {  	[simem:s6], [sflag:s4] =	dma.local [hbm:s3], $0xF7A  }
0x26: {  	[smem:$0x3F96] =	sst s1;
	(tag) =	ssettag s2;
	_ =	strace s9  }
0x27: {  	s1 =	sld [smem:$0x3FA6]  }
0x28: {  	s2 =	sld [smem:$0x3FA7]  }
0x29: {  	s4 =	sld [smem:$0x3FA9]  }
0x2a: {  	p0 =	seq.s32 s5, $0x0;
	s5 =	sld [smem:$0x3FAA]  }
0x2b: {  	s6 =	sld [smem:$0x3FAB]  }
0x2c: {  	s7 =	sld [smem:$0x3FAC]  }
0x2d: {  	s3 =	simm.s32 $0x108;
	s8 =	sld [smem:$0x3FAD]  }
0x2e: {  	s3 =	simm.s32 @!p0 $0x1082;
	s9 =	sld [smem:$0x3FAE]  }
0x2f: {  	lr =	sadd.s32 s0, s3;
	s0 =	sld [smem:$0x3FA5]  }
0x30: {  	s3 =	sld [smem:$0x3FA8]  }
0x31: {  	[smem:$0x3FB1] =	sst s10  }
0x32: {  	s10 =	sld [smem:$0x3FAF];
	_ =	sdelay $0x3  }
0x33: {  	p0 =	seq.s32 s10, $0x1;
	s10 =	sld [smem:$0x3FB1];
	_ =	sdelay $0x3  }
0x34: {  	[smem:$0x3FB1] =	sst s10  }
0x35: {  	s10 =	sld [smem:$0x3FB0];
	_ =	sdelay $0x3  }
0x36: {  	p1 =	seq.s32 s10, $0x1;
	s10 =	sld [smem:$0x3FB1];
	_ =	sdelay $0x3  }
0x37: {  	[smem:$0x3FB1] =	sst s10  }
0x38: {  	s10 =	sld [smem:$0x3FB2]  }
0x39: {  	_ = 	snop;
	(pc) =	sbr.ind lr, $3  }
0x3a: {  	_ = 	snop  }
0x3b: {  	_ = 	snop  }
0x3c: {  	p2 =	seq.s32 s10, $0x1;
	s10 =	sld [smem:$0x3FB1]  }
0x3d: {  	_ =	shalt  }
0x3e: {  	_ =	shalt  }
0x3f: {  	_ =	shalt  }
0x40: {  	_ =	shalt  }
0x41: {  	_ =	shalt  }
0x42: {  	_ =	shalt  }
0x43: {  	_ =	shalt  }
0x44: {  	_ =	shalt  }
0x45: {  	_ =	shalt  }
0x46: {  	_ =	shalt  }
0x47: {  	_ =	shalt  }
0x48: {  	_ =	shalt  }
0x49: {  	_ =	shalt  }
0x4a: {  	_ =	shalt  }
0x4b: {  	_ =	shalt  }
0x4c: {  	_ =	shalt  }
0x4d: {  	_ =	shalt  }
0x4e: {  	_ =	shalt  }
0x4f: {  	_ =	shalt  }
0x50: {  	_ =	shalt  }
0x51: {  	_ =	shalt  }
0x52: {  	_ =	shalt  }
0x53: {  	_ =	shalt  }
0x54: {  	_ =	shalt  }
0x55: {  	_ =	shalt  }
0x56: {  	_ =	shalt  }
0x57: {  	_ =	shalt  }
0x58: {  	_ =	shalt  }
0x59: {  	_ =	shalt  }
0x5a: {  	_ =	shalt  }
0x5b: {  	_ =	shalt  }
0x5c: {  	_ =	shalt  }
0x5d: {  	_ =	shalt  }
0x5e: {  	_ =	shalt  }
0x5f: {  	_ =	shalt  }
0x60: {  	_ =	shalt  }
0x61: {  	_ =	shalt  }
0x62: {  	_ =	shalt  }
0x63: {  	_ =	shalt  }
0x64: {  	_ =	shalt  }
0x65: {  	_ =	shalt  }
0x66: {  	_ =	shalt  }
0x67: {  	_ =	shalt  }
0x68: {  	_ =	shalt  }
0x69: {  	_ =	shalt  }
0x6a: {  	_ =	shalt  }
0x6b: {  	_ =	shalt  }
0x6c: {  	_ =	shalt  }
0x6d: {  	_ =	shalt  }
0x6e: {  	_ =	shalt  }
0x6f: {  	_ =	shalt  }
0x70: {  	_ =	shalt  }
0x71: {  	_ =	shalt  }
0x72: {  	_ =	shalt  }
0x73: {  	_ =	shalt  }
0x74: {  	_ =	shalt  }
0x75: {  	_ =	shalt  }
0x76: {  	_ =	shalt  }
0x77: {  	_ =	shalt  }
0x78: {  	_ =	shalt  }
0x79: {  	_ =	shalt  }
0x7a: {  	_ =	shalt  }
0x7b: {  	_ =	shalt  }
0x7c: {  	_ =	shalt  }
0x7d: {  	_ =	shalt  }
0x7e: {  	_ =	shalt  }
0x7f: {  	_ =	shalt  }
0x80: {  	_ =	shalt  }
0x81: {  	_ =	shalt  }
0x82: {  	_ =	shalt  }
0x83: {  	_ =	shalt  }
0x84: {  	_ =	shalt  }
0x85: {  	_ =	shalt  }
0x86: {  	_ =	shalt  }
0x87: {  	_ =	shalt  }
.Lfunc_end0:
.L_simem_size_0:
called_computation.3_lowered:
.L_overlay_start_0:
0x88: {  	s2 =	sld [smem:$0x3FD9]  }
0x89: {  	s3 =	sld [smem:$0x3FFE];
	_ =	sdelay $0x1  }
0x8a: {  	s1 =	srdreg.scid  }
0x8b: {  	s0 =	sand.u32 $0x1, s1  }
0x8c: {  	s16 =	sshll.u32 s0, $0xA;
	s2 =	sadd.s32 s3, s2  }
0x8d: {  	s2 =	sadd.s32 s2, s16  }
0x8e: {  	[smem:$0x3FBD] =	sst s2  }
0x8f: {  	_ = 	snop  }
0x90: {  	(tm) =	ssettm $0x1  }
0x91: {  	s17 =	sld [smem:$0x3FFB];
	_ =	sdelay $0x3  }
0x92: {  	_ =	strace s17  }
0x93: {  	s2 =	sld [smem:$0x3FFC];
	_ =	sdelay $0x3  }
0x94: {  	_ =	strace s2  }
0x95: {  	s2 =	sld [smem:$0x3FFD];
	_ =	sdelay $0x3  }
0x96: {  	_ =	strace s2  }
0x97: {  	_ =	strace $0x8FFFFFFF  }
0x98: {  	s18 =	sld [smem:$0x3FDB];
	_ =	sdelay $0x1  }
0x99: {  	s19 =	simm.s32 $_scs_section_size  }
0x9a: {  	s4 =	simm.s32 $_size__tile_overlayer_lowered;
	s5 =	simm.s32 $_tile_overlayer_lowered  }
0x9b: {  	s22 =	simm.s32 $0x1BFF;
	s21 =	sshll.u32 s5, $0x1;
	s2 =	sadd.s32 s19, s18  }
0x9c: {  	s6 =	simm.s32 $0x0;
	s20 =	sshll.u32 s4, $0x1;
	s4 =	sadd.s32 s21, s2  }
0x9d: {  	[timem:s6], [sflag:s22] =	dma.local [hbm:s4], s20  }
0x9e: {  	_ =	swait.ge [sflag:s22], s20  }
0x9f: {  	s3 =	ssub.s32 $0x0, s20;
	[sflag:s22] =	ssyncset.done $0x0  }
0xa0: {  	[sflag:s22] =	ssyncadd.s32 s3;
	_ =	sdelay $0x1  }
0xa1: {  	s23 =	simm.s32 $0x1B8B  }
0xa2: {  	_ =	swait.ge [sflag:s23], $0x1  }
0xa3: {  	[sflag:s23] =	ssyncset.done $0x0  }
0xa4: {  	s25 =	simm.s32 $0x1B8E;
	s24 =	sld [smem:$0x3FFE];
	[sflag:s23] =	ssyncadd.s32 $0xFFFFFFFF  }
0xa5: {  	s26 =	simm.s32 $execute0_lowered;
	[smem:$0x3FD2] =	sst s25  }
0xa6: {  	s4 =	sshll.u32 s26, $0x1;
	_ =	strace $0x8000004F;
	[dreg:$0x1] =	wrdreg $0xFFFFFFFF  }
0xa7: {  	s28 =	simm.s32 $_size_execute0_lowered;
	s2 =	sadd.s32 s2, s4;
	[dreg:$0x0] =	wrdreg $0x0  }
0xa8: {  	s4 =	sshll.u32 s28, $0x1;
	[dreg:$0x2] =	wrdreg s2  }
0xa9: {  	[dreg:$0x3] =	wrdreg s4  }
0xaa: {  	[dreg:$0x4] =	wrdreg $0xC0  }
0xab: {  	_ =	task [dreg:s6], $0x5FFFF  }
0xac: {  	[dreg:$0x1] =	wrdreg $0xFFFFFFFF  }
0xad: {  	[dreg:$0x0] =	wrdreg $0x60  }
0xae: {  	[dreg:$0x2] =	wrdreg s24  }
0xaf: {  	[dreg:$0x3] =	wrdreg $0x50000  }
0xb0: {  	[dreg:$0x4] =	wrdreg $0x9  }
0xb1: {  	_ =	task.clear_ibuf [dreg:s6], $0x5FFFF;
	_ =	strace $0x9000004F  }
0xb2: {  	s29 =	simm.s32 $0x9;
	_ =	strace $0x80000051  }
0xb3: {  	_ =	swait.ge [sflag:s29], $0x1  }
0xb4: {  	[sflag:s29] =	ssyncadd.s32 $0xFFFFFFFF  }
0xb5: {  	_ =	strace $0x90000051  }
0xb6: {  	_ =	sfence  }
0xb7: {  	s30 =	sld [smem:$0x0];
	_ =	sdelay $0x2  }
0xb8: {  	s31 =	sshll.u32 s1, $0xD;
	s1 =	sshrl.u32 s1, $0x2  }
0xb9: {  	s3 =	sand.u32 $0x4000, s31;
	s1 =	sadd.s32 s1, s30  }
0xba: {  	s0 =	sor.u32 s3, s0;
	s1 =	sshll.u32 s1, $0x11  }
0xbb: {  	s0 =	sor.u32 s1, s0  }
0xbc: {  	s0 =	sadd.s32 $0x8F2B, s0  }
0xbd: {  	[sflag:s0] =	ssyncadd.remote.s32 $0x1  }
0xbe: {  	_ =	sfence.sel $0xFFFF  }
0xbf: {  	[dreg:$0x0] =	wrdreg $0xFFFFFFFF;
	(pc) =	sbr.abs _section_cstart, $3  }
0xc0: {  	[dreg:$0x1] =	wrdreg $0xFFFFFFFF  }
0xc1: {  	_ =	task.clear_ibuf [dreg:s6], $0x2FFFF;
	_ =	strace $0x9FFFFFFF  }
0xc2: {  	(tm) =	ssettm $0x7FFFFFFF  }
0xc3: {  	_ =	shalt  }
tec
execute0_lowered:
.L_overlay_start_1:
0x0: {  	(tag) =	ssettag $0x1  }
0x1: {  	s0 =	srdreg.scid;
	s6 =	rddreg [dreg:$0x0]  }
0x2: {  	s2 =	rddreg [dreg:$0x1];
	s1 =	stileid.u32  }
0x3: {  	s3 =	simm.s32 $0x0;
	s14 =	simm.s32 $0x1000;
	s15 =	simm.s32 $0x1  }
0x4: {  	s7 =	sand.u32 $0x1, s0;
	s0 =	rddreg [dreg:$0x2];
	s10 =	smul.u32 $0x50000, s1  }
0x5: {  	[smem:$0x7FF] =	sst s3;
	s31 =	sshll.u32 s1, $0x6;
	s17 =	smul.u32 $0x2800, s1  }
0x6: {  	s4 =	sshll.u32 s7, $0x4;
	_ =	strace $0x80000050;
	s29 =	ssub.s32 $0x2, s7  }
0x7: {  	s8 =	smul.u32 $0x28000, s7;
	s4 =	sor.u32 s1, s4;
	s7 =	sshrl.u32 s29, $0x1  }
0x8: {  	s30 =	sshrl.u32 s10, $0x2;
	s5 =	smul.u32 $0xA00, s4;
	s4 =	sadd.s32 $0x32200, s6  }
0x9: {  	s11 =	sadd.s32 s8, s6;
	s12 =	ssub.s32 s29, s7;
	s13 =	sadd.s32 s30, s2  }
0xa: {  	s16 =	sadd.s32 $0x82400, s11;
	s10 =	sshrl.u32 s13, $0x3;
	s11 =	simm.s32 $0x2  }
0xb: {  	s13 =	simm.s32 $0x80;
	s9 =	sadd.s32 s5, s6;
	s5 =	sadd.s32 $0x2FA00, s6  }
0xc: {  	s6 =	sor.u32 $0x1C02, s31;
	s16 =	sadd.s32 s17, s16;
	s7 =	sadd.s32 $0x7A00, s9  }
0xd: {  	s8 =	sadd.s32 $0x1BA00, s9;
	s9 =	smax.u32 s12, $0x1;
	s12 =	simm.s32 $0x800  }
.LBB2_1:
0xe: {  	[spmem:s10], [sflag:s6] =	dma.local [hbm:s5], $0x2800  }
0xf: {  	_ =	swait.ge [sflag:s11], $0x2800  }
0x10: {  	[sflag:s11] =	ssyncset.done $0x0  }
0x11: {  	[sflag:s11] =	ssyncadd.s32 $0xFFFFD800  }
0x12: {  	s17 =	simm.s32 $0x0;
	[bflag:$0x0] =	sbarrier.arrive $0xFFFF  }
.LBB2_2:
0x13: {  	s18 =	sshll.u32 s17, $0x8  }
0x14: {  	s20 =	simm.s32 $0x0;
	s19 =	sadd.s32 s18, s7  }
0x15: {  	[tilespmem:s20], [sflag:$0x2] =	stream.linear.gather [hbm4b:s19+s20], $0x800, $0x38;
	[tilespmem:$0x19000] =	vst v63  }
0x16: {  	_ =	swait.ge [sflag:s11], $0x800  }
0x17: {  	[sflag:s11] =	ssyncset.done $0x0  }
0x18: {  	s18 =	sadd.s32 s18, s8;
	[sflag:s11] =	ssyncadd.s32 $0xFFFFF800  }
0x19: {  	[tilespmem:s12], [sflag:$0x2] =	stream.linear.gather [hbm4b:s18+s20], $0x800, $0x38;
	[tilespmem:$0x19000] =	vst v63  }
0x1a: {  	_ =	swait.ge [sflag:s11], $0x800  }
0x1b: {  	[sflag:s11] =	ssyncset.done $0x0  }
0x1c: {  	s30 =	simm.s32 $0x0;
	[sflag:s11] =	ssyncadd.s32 $0xFFFFF800  }
0x1d: {  	[tilespmem:s14], [sflag:$0x1] =	stream.indirect.gather [hbm4b:s4+s13], $0x80, s30, s13, $0xb8;
	[tilespmem:$0x19000] =	vst v63  }
0x1e: {  	_ =	swait.ge [sflag:s15], $0x4000  }
0x1f: {  	[sflag:s15] =	ssyncset.done $0x0  }
0x20: {  	s31 =	simm.s32 $0x800;
	[sflag:s15] =	ssyncadd.s32 $0xFFFFC000  }
0x21: {  	[spmem:s2] =	stream.indirect.scatter.add.f32 [tilespmem:s14], [sflag:$0x2], $0x80, s31, s13, $0xb8;
	[tilespmem:$0x19000] =	vst v63  }
0x22: {  	_ =	swait.ge [sflag:s11], $0x4000  }
0x23: {  	s19 =	simm.s32 $0x400;
	s18 =	simm.s32 $0x200;
	[sflag:s11] =	ssyncset.done $0x0  }
.LBB2_3:
0x24: {  	s20 =	sshra.s32 s18, $0x2  }
0x25: {  	[sflag:s11] =	ssyncadd.s32 $0xFFFFC000;
	s18 =	smov.u32 s19;
	s21 =	sadd.s32 $0x200, s19  }
0x26: {  	[tilespmem:s14], [sflag:$0x1] =	stream.indirect.gather [hbm4b:s4+s13], $0x80, s20, s13, $0xb8;
	[tilespmem:$0x19000] =	vst v63  }
0x27: {  	p0 =	sne.s32 s19, $0x1E00;
	_ =	swait.ge [sflag:s15], $0x4000  }
.Ltmp0:
0x28: {  	[sflag:s15] =	ssyncset.done $0x0;
	(pc) =	sbr.rel @p0 .LBB2_3-.Ltmp0, $4  }
0x29: {  	s19 =	sadd.s32 $0x800, s20;
	[sflag:s15] =	ssyncadd.s32 $0xFFFFC000  }
0x2a: {  	[spmem:s2] =	stream.indirect.scatter.add.f32 [tilespmem:s14], [sflag:$0x2], $0x80, s19, s13, $0xb8;
	[tilespmem:$0x19000] =	vst v63  }
0x2b: {  	_ =	swait.ge [sflag:s11], $0x4000  }
0x2c: {  	s19 =	smov.u32 s21;
	[sflag:s11] =	ssyncset.done $0x0  }
0x2d: {  	s18 =	sshra.s32 s18, $0x2;
	[sflag:s11] =	ssyncadd.s32 $0xFFFFC000  }
0x2e: {  	[tilespmem:s14], [sflag:$0x1] =	stream.indirect.gather [hbm4b:s4+s13], $0x80, s18, s13, $0xb8;
	[tilespmem:$0x19000] =	vst v63  }
0x2f: {  	s17 =	sadd.s32 $0x1, s17;
	_ =	swait.ge [sflag:s15], $0x4000  }
0x30: {  	p0 =	sne.s32 s17, $0xA;
	[sflag:s15] =	ssyncset.done $0x0  }
.Ltmp1:
0x31: {  	s18 =	sadd.s32 $0x800, s18;
	[sflag:s15] =	ssyncadd.s32 $0xFFFFC000;
	(pc) =	sbr.rel @p0 .LBB2_2-.Ltmp1, $4  }
0x32: {  	[spmem:s2] =	stream.indirect.scatter.add.f32 [tilespmem:s14], [sflag:$0x2], $0x80, s18, s13, $0xb8;
	[tilespmem:$0x19000] =	vst v63  }
0x33: {  	_ =	swait.ge [sflag:s11], $0x4000  }
0x34: {  	[sflag:s11] =	ssyncset.done $0x0  }
0x35: {  	[sflag:s11] =	ssyncadd.s32 $0xFFFFC000  }
0x36: {  	s3 =	sadd.s32 $0x1, s3  }
0x37: {  	p0 =	sne.s32 s3, s9  }
.Ltmp2:
0x38: {  	[bflag:$0x0] =	sbarrier.arrive $0xFFFF;
	(pc) =	sbr.rel @p0 .LBB2_1-.Ltmp2, $4  }
0x39: {  	[hbm:s16], [sflag:s6] =	dma.local [spmem:s10], $0x2800  }
0x3a: {  	_ =	swait.ge [sflag:s11], $0x2800  }
0x3b: {  	[sflag:s11] =	ssyncset.done $0x0  }
0x3c: {  	[sflag:s11] =	ssyncadd.s32 $0xFFFFD800  }
0x3d: {  	_ =	sfence.sel $0x180000  }
0x3e: {  	[bflag:$0x0] =	sbarrier.arrive $0xFFFF  }
0x3f: {  	p0 =	sne.s32 s1, $0x0;
	_ =	strace $0x90000050  }
0x40: {  	s0 =	sadd.s32 @!p0 $0x100000, s0;
	[bflag:$0x2] =	sbarrier.arrive $0xFFFF  }
0x41: {  	[sflag:s0] =	ssyncadd.tile.s32 @!p0 $0x1;
	_ =	shalt  }
.Lfunc_end2:
_tile_overlayer_lowered:
.L_overlay_start_2:
0x42: {  	(tag) =	ssettag $0x2  }
0x43: {  	s0 =	rddreg [dreg:$0x0];
	s2 =	stileid.u32  }
0x44: {  	s1 =	rddreg [dreg:$0x1];
	p0 =	sne.s32 s2, $0x0  }
0x45: {  	s3 =	rddreg [dreg:$0x2];
	[bflag:$0x3] =	sbarrier.arrive $0xFFFF;
	s2 =	simm.s32 @!p0 $0x1C02  }
0x46: {  	[timem:s3], [sflag:s2] =	dma.local @!p0 [hbm:s0], s1  }
0x47: {  	s0 =	simm.s32 @!p0 $0x2  }
0x48: {  	_ =	swait.ge @!p0 [sflag:s0], s1  }
0x49: {  	s1 =	ssub.s32 @!p0 $0x0, s1;
	[sflag:s0] =	ssyncset.done @!p0 $0x0  }
0x4a: {  	[sflag:s0] =	ssyncadd.s32 @!p0 s1  }
0x4b: {  	[bflag:$0x3] =	sbarrier.arrive $0xFFFF  }
0x4c: {  	_ =	shalt  }

// kernel: kernel.31.cloned.1.call-start
scs
__scs_entry_jumppad:
0x0: {  	(pc) =	sbr.rel $0x88, $3  }
0x1: {  	(tag) =	ssettag $0x0;
	lr =	simm.s32 $0x1  }
0x2: {  	[smem:$0x3F96] =	sst lr;
	_ =	strace $0xD0000000  }
0x3: {  	_ = 	snop  }
0x4: {  	_ = 	snop  }
0x5: {  	_ = 	snop  }
0x6: {  	_ = 	snop  }
0x7: {  	_ = 	snop  }
__scs_overlays_trampoline_lowered:
0x8: {  	[smem:$0x3FA5] =	sst s0  }
0x9: {  	[smem:$0x3FA6] =	sst s1  }
0xa: {  	[smem:$0x3FA7] =	sst s2  }
0xb: {  	[smem:$0x3FA8] =	sst s3  }
0xc: {  	[smem:$0x3FA9] =	sst s4  }
0xd: {  	[smem:$0x3FAA] =	sst s5  }
0xe: {  	[smem:$0x3FAB] =	sst s6  }
0xf: {  	[smem:$0x3FAC] =	sst s7  }
0x10: {  	[smem:$0x3FAD] =	sst s8  }
0x11: {  	[smem:$0x3FAE] =	sst s9;
	s0 =	simm.s32 @!p0 $0x0  }
0x12: {  	s1 =	sld [smem:$0x3F94];
	s0 =	simm.s32 @p0 $0x1  }
0x13: {  	[smem:$0x3FAF] =	sst s0;
	s0 =	simm.s32 @!p1 $0x0  }
0x14: {  	s2 =	sld [smem:$0x3F93];
	s0 =	simm.s32 @p1 $0x1  }
0x15: {  	[smem:$0x3FB0] =	sst s0;
	s0 =	simm.s32 @!p2 $0x0  }
0x16: {  	s3 =	sld [smem:$0x3FDB];
	s0 =	simm.s32 @p2 $0x1  }
0x17: {  	s4 =	simm.s32 $0x1BF5;
	[smem:$0x3FB2] =	sst s0  }
0x18: {  	s0 =	sld [smem:$0x3F95];
	_ =	swait.ge [sflag:s4], $0x0  }
0x19: {  	s7 =	sld [smem:$0x3F96]  }
0x1a: {  	s8 =	sadd.s32 $0xFFFFE003, lr  }
0x1b: {  	s9 =	sadd.s32 $0xFFFFFEF7, lr;
	s5 =	simm.s32 $0xFFFFFFFF;
	p2 =	slt.u32 s8, $0xFFFFF086  }
0x1c: {  	p1 =	slt.u32 s9, $0xF7A;
	s5 =	simm.s32 @!p2 $0x0  }
0x1d: {  	s5 =	simm.s32 @p1 $0x1;
	p0 =	seq.s32 s7, s2  }
0x1e: {  	s7 =	smul.u32 @!p0 $0xF7A, s2;
	p2 =	seq.s32 @!p0 s5, $0x0  }
0x1f: {  	s9 =	smul.u32 $0xF7A, s1;
	s8 =	simm.s32 @!p0 $0x1BF5;
	p2 =	por !p2, p0  }
0x20: {  	[sflag:s8] =	ssyncset.s32 @!p0 $0xFFFFF086;
	s6 =	sadd.s32 @!p0 s3, s7;
	s7 =	simm.s32 @!p0 $0x108  }
0x21: {  	s3 =	sadd.s32 s3, s9;
	s6 =	sadd.s32 @!p0 $0x88, s6;
	s7 =	simm.s32 @p2 $0x1082  }
0x22: {  	[simem:s7], [sflag:s8] =	dma.local @!p0 [hbm:s6], $0xF7A  }
0x23: {  	s9 =	sor.u32 $0xD0000000, s2;
	s6 =	simm.s32 $0x108;
	_ =	swait.ge @!p0 [sflag:s8], $0x0  }
0x24: {  	s3 =	sadd.s32 $0x88, s3;
	s6 =	simm.s32 @!p1 $0x1082;
	[sflag:s4] =	ssyncset.s32 $0xFFFFF086  }
0x25: {  	[simem:s6], [sflag:s4] =	dma.local [hbm:s3], $0xF7A  }
0x26: {  	[smem:$0x3F96] =	sst s1;
	(tag) =	ssettag s2;
	_ =	strace s9  }
0x27: {  	s1 =	sld [smem:$0x3FA6]  }
0x28: {  	s2 =	sld [smem:$0x3FA7]  }
0x29: {  	s4 =	sld [smem:$0x3FA9]  }
0x2a: {  	p0 =	seq.s32 s5, $0x0;
	s5 =	sld [smem:$0x3FAA]  }
0x2b: {  	s6 =	sld [smem:$0x3FAB]  }
0x2c: {  	s7 =	sld [smem:$0x3FAC]  }
0x2d: {  	s3 =	simm.s32 $0x108;
	s8 =	sld [smem:$0x3FAD]  }
0x2e: {  	s3 =	simm.s32 @!p0 $0x1082;
	s9 =	sld [smem:$0x3FAE]  }
0x2f: {  	lr =	sadd.s32 s0, s3;
	s0 =	sld [smem:$0x3FA5]  }
0x30: {  	s3 =	sld [smem:$0x3FA8]  }
0x31: {  	[smem:$0x3FB1] =	sst s10  }
0x32: {  	s10 =	sld [smem:$0x3FAF];
	_ =	sdelay $0x3  }
0x33: {  	p0 =	seq.s32 s10, $0x1;
	s10 =	sld [smem:$0x3FB1];
	_ =	sdelay $0x3  }
0x34: {  	[smem:$0x3FB1] =	sst s10  }
0x35: {  	s10 =	sld [smem:$0x3FB0];
	_ =	sdelay $0x3  }
0x36: {  	p1 =	seq.s32 s10, $0x1;
	s10 =	sld [smem:$0x3FB1];
	_ =	sdelay $0x3  }
0x37: {  	[smem:$0x3FB1] =	sst s10  }
0x38: {  	s10 =	sld [smem:$0x3FB2]  }
0x39: {  	_ = 	snop;
	(pc) =	sbr.ind lr, $3  }
0x3a: {  	_ = 	snop  }
0x3b: {  	_ = 	snop  }
0x3c: {  	p2 =	seq.s32 s10, $0x1;
	s10 =	sld [smem:$0x3FB1]  }
0x3d: {  	_ =	shalt  }
0x3e: {  	_ =	shalt  }
0x3f: {  	_ =	shalt  }
0x40: {  	_ =	shalt  }
0x41: {  	_ =	shalt  }
0x42: {  	_ =	shalt  }
0x43: {  	_ =	shalt  }
0x44: {  	_ =	shalt  }
0x45: {  	_ =	shalt  }
0x46: {  	_ =	shalt  }
0x47: {  	_ =	shalt  }
0x48: {  	_ =	shalt  }
0x49: {  	_ =	shalt  }
0x4a: {  	_ =	shalt  }
0x4b: {  	_ =	shalt  }
0x4c: {  	_ =	shalt  }
0x4d: {  	_ =	shalt  }
0x4e: {  	_ =	shalt  }
0x4f: {  	_ =	shalt  }
0x50: {  	_ =	shalt  }
0x51: {  	_ =	shalt  }
0x52: {  	_ =	shalt  }
0x53: {  	_ =	shalt  }
0x54: {  	_ =	shalt  }
0x55: {  	_ =	shalt  }
0x56: {  	_ =	shalt  }
0x57: {  	_ =	shalt  }
0x58: {  	_ =	shalt  }
0x59: {  	_ =	shalt  }
0x5a: {  	_ =	shalt  }
0x5b: {  	_ =	shalt  }
0x5c: {  	_ =	shalt  }
0x5d: {  	_ =	shalt  }
0x5e: {  	_ =	shalt  }
0x5f: {  	_ =	shalt  }
0x60: {  	_ =	shalt  }
0x61: {  	_ =	shalt  }
0x62: {  	_ =	shalt  }
0x63: {  	_ =	shalt  }
0x64: {  	_ =	shalt  }
0x65: {  	_ =	shalt  }
0x66: {  	_ =	shalt  }
0x67: {  	_ =	shalt  }
0x68: {  	_ =	shalt  }
0x69: {  	_ =	shalt  }
0x6a: {  	_ =	shalt  }
0x6b: {  	_ =	shalt  }
0x6c: {  	_ =	shalt  }
0x6d: {  	_ =	shalt  }
0x6e: {  	_ =	shalt  }
0x6f: {  	_ =	shalt  }
0x70: {  	_ =	shalt  }
0x71: {  	_ =	shalt  }
0x72: {  	_ =	shalt  }
0x73: {  	_ =	shalt  }
0x74: {  	_ =	shalt  }
0x75: {  	_ =	shalt  }
0x76: {  	_ =	shalt  }
0x77: {  	_ =	shalt  }
0x78: {  	_ =	shalt  }
0x79: {  	_ =	shalt  }
0x7a: {  	_ =	shalt  }
0x7b: {  	_ =	shalt  }
0x7c: {  	_ =	shalt  }
0x7d: {  	_ =	shalt  }
0x7e: {  	_ =	shalt  }
0x7f: {  	_ =	shalt  }
0x80: {  	_ =	shalt  }
0x81: {  	_ =	shalt  }
0x82: {  	_ =	shalt  }
0x83: {  	_ =	shalt  }
0x84: {  	_ =	shalt  }
0x85: {  	_ =	shalt  }
0x86: {  	_ =	shalt  }
0x87: {  	_ =	shalt  }
.Lfunc_end0:
.L_simem_size_0:
called_computation.4_lowered:
.L_overlay_start_0:
0x88: {  	s2 =	sld [smem:$0x3FD9]  }
0x89: {  	s3 =	sld [smem:$0x3FFE];
	_ =	sdelay $0x1  }
0x8a: {  	s1 =	srdreg.scid  }
0x8b: {  	s0 =	sand.u32 $0x1, s1  }
0x8c: {  	s16 =	sshll.u32 s0, $0xA;
	s2 =	sadd.s32 s3, s2  }
0x8d: {  	s2 =	sadd.s32 s2, s16  }
0x8e: {  	[smem:$0x3FBD] =	sst s2  }
0x8f: {  	_ = 	snop  }
0x90: {  	(tm) =	ssettm $0x1  }
0x91: {  	s17 =	sld [smem:$0x3FFB];
	_ =	sdelay $0x3  }
0x92: {  	_ =	strace s17  }
0x93: {  	s2 =	sld [smem:$0x3FFC];
	_ =	sdelay $0x3  }
0x94: {  	_ =	strace s2  }
0x95: {  	s2 =	sld [smem:$0x3FFD];
	_ =	sdelay $0x3  }
0x96: {  	_ =	strace s2  }
0x97: {  	_ =	strace $0x8FFFFFFF  }
0x98: {  	s18 =	sld [smem:$0x3FDB];
	_ =	sdelay $0x1  }
0x99: {  	s19 =	simm.s32 $_scs_section_size  }
0x9a: {  	s4 =	simm.s32 $_size__tile_overlayer_lowered;
	s5 =	simm.s32 $_tile_overlayer_lowered  }
0x9b: {  	s22 =	simm.s32 $0x1BFF;
	s21 =	sshll.u32 s5, $0x1;
	s2 =	sadd.s32 s19, s18  }
0x9c: {  	s6 =	simm.s32 $0x0;
	s20 =	sshll.u32 s4, $0x1;
	s4 =	sadd.s32 s21, s2  }
0x9d: {  	[timem:s6], [sflag:s22] =	dma.local [hbm:s4], s20  }
0x9e: {  	_ =	swait.ge [sflag:s22], s20  }
0x9f: {  	s3 =	ssub.s32 $0x0, s20;
	[sflag:s22] =	ssyncset.done $0x0  }
0xa0: {  	[sflag:s22] =	ssyncadd.s32 s3;
	_ =	sdelay $0x1  }
0xa1: {  	s23 =	simm.s32 $0x1B8B  }
0xa2: {  	_ =	swait.ge [sflag:s23], $0x1  }
0xa3: {  	[sflag:s23] =	ssyncset.done $0x0  }
0xa4: {  	s25 =	simm.s32 $0x1B8E;
	s24 =	sld [smem:$0x3FFE];
	[sflag:s23] =	ssyncadd.s32 $0xFFFFFFFF  }
0xa5: {  	s26 =	simm.s32 $execute0_lowered;
	[smem:$0x3FD2] =	sst s25  }
0xa6: {  	s4 =	sshll.u32 s26, $0x1;
	_ =	strace $0x80000052;
	[dreg:$0x1] =	wrdreg $0xFFFFFFFF  }
0xa7: {  	s28 =	simm.s32 $_size_execute0_lowered;
	s2 =	sadd.s32 s2, s4;
	[dreg:$0x0] =	wrdreg $0x0  }
0xa8: {  	s4 =	sshll.u32 s28, $0x1;
	[dreg:$0x2] =	wrdreg s2  }
0xa9: {  	[dreg:$0x3] =	wrdreg s4  }
0xaa: {  	[dreg:$0x4] =	wrdreg $0xC0  }
0xab: {  	_ =	task [dreg:s6], $0x5FFFF  }
0xac: {  	[dreg:$0x1] =	wrdreg $0xFFFFFFFF  }
0xad: {  	[dreg:$0x0] =	wrdreg $0x60  }
0xae: {  	[dreg:$0x2] =	wrdreg s24  }
0xaf: {  	[dreg:$0x3] =	wrdreg $0x50000  }
0xb0: {  	[dreg:$0x4] =	wrdreg $0x9  }
0xb1: {  	_ =	task.clear_ibuf [dreg:s6], $0x5FFFF;
	_ =	strace $0x90000052  }
0xb2: {  	s29 =	simm.s32 $0x9;
	_ =	strace $0x80000054  }
0xb3: {  	_ =	swait.ge [sflag:s29], $0x1  }
0xb4: {  	[sflag:s29] =	ssyncadd.s32 $0xFFFFFFFF  }
0xb5: {  	_ =	strace $0x90000054  }
0xb6: {  	_ =	sfence  }
0xb7: {  	s30 =	sld [smem:$0x0];
	_ =	sdelay $0x2  }
0xb8: {  	s31 =	sshll.u32 s1, $0xD;
	s1 =	sshrl.u32 s1, $0x2  }
0xb9: {  	s3 =	sand.u32 $0x4000, s31;
	s1 =	sadd.s32 s1, s30  }
0xba: {  	s0 =	sor.u32 s3, s0;
	s1 =	sshll.u32 s1, $0x11  }
0xbb: {  	s0 =	sor.u32 s1, s0  }
0xbc: {  	s0 =	sadd.s32 $0x8F2B, s0  }
0xbd: {  	[sflag:s0] =	ssyncadd.remote.s32 $0x1  }
0xbe: {  	_ =	sfence.sel $0xFFFF  }
0xbf: {  	[dreg:$0x0] =	wrdreg $0xFFFFFFFF;
	(pc) =	sbr.abs _section_cstart, $3  }
0xc0: {  	[dreg:$0x1] =	wrdreg $0xFFFFFFFF  }
0xc1: {  	_ =	task.clear_ibuf [dreg:s6], $0x2FFFF;
	_ =	strace $0x9FFFFFFF  }
0xc2: {  	(tm) =	ssettm $0x7FFFFFFF  }
0xc3: {  	_ =	shalt  }
tec
execute0_lowered:
.L_overlay_start_1:
0x0: {  	(tag) =	ssettag $0x1  }
0x1: {  	s0 =	srdreg.scid;
	s6 =	rddreg [dreg:$0x0]  }
0x2: {  	s2 =	rddreg [dreg:$0x1];
	s1 =	stileid.u32  }
0x3: {  	s3 =	simm.s32 $0x0;
	s14 =	simm.s32 $0x1000;
	s15 =	simm.s32 $0x1  }
0x4: {  	s7 =	sand.u32 $0x1, s0;
	s0 =	rddreg [dreg:$0x2];
	s10 =	smul.u32 $0x50000, s1  }
0x5: {  	[smem:$0x7FF] =	sst s3;
	s31 =	sshll.u32 s1, $0x6;
	s17 =	smul.u32 $0x2800, s1  }
0x6: {  	s4 =	sshll.u32 s7, $0x4;
	_ =	strace $0x80000053;
	s29 =	ssub.s32 $0x2, s7  }
0x7: {  	s8 =	smul.u32 $0x28000, s7;
	s4 =	sor.u32 s1, s4;
	s7 =	sshrl.u32 s29, $0x1  }
0x8: {  	s30 =	sshrl.u32 s10, $0x2;
	s5 =	smul.u32 $0xA00, s4;
	s4 =	sadd.s32 $0x32200, s6  }
0x9: {  	s11 =	sadd.s32 s8, s6;
	s12 =	ssub.s32 s29, s7;
	s13 =	sadd.s32 s30, s2  }
0xa: {  	s16 =	sadd.s32 $0x82400, s11;
	s10 =	sshrl.u32 s13, $0x3;
	s11 =	simm.s32 $0x2  }
0xb: {  	s13 =	simm.s32 $0x80;
	s9 =	sadd.s32 s5, s6;
	s5 =	sadd.s32 $0x2FA00, s6  }
0xc: {  	s6 =	sor.u32 $0x1C02, s31;
	s16 =	sadd.s32 s17, s16;
	s7 =	sadd.s32 $0x7A00, s9  }
0xd: {  	s8 =	sadd.s32 $0x1BA00, s9;
	s9 =	smax.u32 s12, $0x1;
	s12 =	simm.s32 $0x800  }
.LBB2_1:
0xe: {  	[spmem:s10], [sflag:s6] =	dma.local [hbm:s5], $0x2800  }
0xf: {  	_ =	swait.ge [sflag:s11], $0x2800  }
0x10: {  	[sflag:s11] =	ssyncset.done $0x0  }
0x11: {  	[sflag:s11] =	ssyncadd.s32 $0xFFFFD800  }
0x12: {  	s17 =	simm.s32 $0x0;
	[bflag:$0x0] =	sbarrier.arrive $0xFFFF  }
.LBB2_2:
0x13: {  	s18 =	sshll.u32 s17, $0x8  }
0x14: {  	s20 =	simm.s32 $0x0;
	s19 =	sadd.s32 s18, s7  }
0x15: {  	[tilespmem:s20], [sflag:$0x2] =	stream.linear.gather [hbm4b:s19+s20], $0x800, $0x38;
	[tilespmem:$0x19000] =	vst v63  }
0x16: {  	_ =	swait.ge [sflag:s11], $0x800  }
0x17: {  	[sflag:s11] =	ssyncset.done $0x0  }
0x18: {  	s18 =	sadd.s32 s18, s8;
	[sflag:s11] =	ssyncadd.s32 $0xFFFFF800  }
0x19: {  	[tilespmem:s12], [sflag:$0x2] =	stream.linear.gather [hbm4b:s18+s20], $0x800, $0x38;
	[tilespmem:$0x19000] =	vst v63  }
0x1a: {  	_ =	swait.ge [sflag:s11], $0x800  }
0x1b: {  	[sflag:s11] =	ssyncset.done $0x0  }
0x1c: {  	s30 =	simm.s32 $0x0;
	[sflag:s11] =	ssyncadd.s32 $0xFFFFF800  }
0x1d: {  	[tilespmem:s14], [sflag:$0x1] =	stream.indirect.gather [hbm4b:s4+s13], $0x80, s30, s13, $0xb8;
	[tilespmem:$0x19000] =	vst v63  }
0x1e: {  	_ =	swait.ge [sflag:s15], $0x4000  }
0x1f: {  	[sflag:s15] =	ssyncset.done $0x0  }
0x20: {  	s31 =	simm.s32 $0x800;
	[sflag:s15] =	ssyncadd.s32 $0xFFFFC000  }
0x21: {  	[spmem:s2] =	stream.indirect.scatter.add.f32 [tilespmem:s14], [sflag:$0x2], $0x80, s31, s13, $0xb8;
	[tilespmem:$0x19000] =	vst v63  }
0x22: {  	_ =	swait.ge [sflag:s11], $0x4000  }
0x23: {  	s19 =	simm.s32 $0x400;
	s18 =	simm.s32 $0x200;
	[sflag:s11] =	ssyncset.done $0x0  }
.LBB2_3:
0x24: {  	s20 =	sshra.s32 s18, $0x2  }
0x25: {  	[sflag:s11] =	ssyncadd.s32 $0xFFFFC000;
	s18 =	smov.u32 s19;
	s21 =	sadd.s32 $0x200, s19  }
0x26: {  	[tilespmem:s14], [sflag:$0x1] =	stream.indirect.gather [hbm4b:s4+s13], $0x80, s20, s13, $0xb8;
	[tilespmem:$0x19000] =	vst v63  }
0x27: {  	p0 =	sne.s32 s19, $0x1E00;
	_ =	swait.ge [sflag:s15], $0x4000  }
.Ltmp0:
0x28: {  	[sflag:s15] =	ssyncset.done $0x0;
	(pc) =	sbr.rel @p0 .LBB2_3-.Ltmp0, $4  }
0x29: {  	s19 =	sadd.s32 $0x800, s20;
	[sflag:s15] =	ssyncadd.s32 $0xFFFFC000  }
0x2a: {  	[spmem:s2] =	stream.indirect.scatter.add.f32 [tilespmem:s14], [sflag:$0x2], $0x80, s19, s13, $0xb8;
	[tilespmem:$0x19000] =	vst v63  }
0x2b: {  	_ =	swait.ge [sflag:s11], $0x4000  }
0x2c: {  	s19 =	smov.u32 s21;
	[sflag:s11] =	ssyncset.done $0x0  }
0x2d: {  	s18 =	sshra.s32 s18, $0x2;
	[sflag:s11] =	ssyncadd.s32 $0xFFFFC000  }
0x2e: {  	[tilespmem:s14], [sflag:$0x1] =	stream.indirect.gather [hbm4b:s4+s13], $0x80, s18, s13, $0xb8;
	[tilespmem:$0x19000] =	vst v63  }
0x2f: {  	s17 =	sadd.s32 $0x1, s17;
	_ =	swait.ge [sflag:s15], $0x4000  }
0x30: {  	p0 =	sne.s32 s17, $0xA;
	[sflag:s15] =	ssyncset.done $0x0  }
.Ltmp1:
0x31: {  	s18 =	sadd.s32 $0x800, s18;
	[sflag:s15] =	ssyncadd.s32 $0xFFFFC000;
	(pc) =	sbr.rel @p0 .LBB2_2-.Ltmp1, $4  }
0x32: {  	[spmem:s2] =	stream.indirect.scatter.add.f32 [tilespmem:s14], [sflag:$0x2], $0x80, s18, s13, $0xb8;
	[tilespmem:$0x19000] =	vst v63  }
0x33: {  	_ =	swait.ge [sflag:s11], $0x4000  }
0x34: {  	[sflag:s11] =	ssyncset.done $0x0  }
0x35: {  	[sflag:s11] =	ssyncadd.s32 $0xFFFFC000  }
0x36: {  	s3 =	sadd.s32 $0x1, s3  }
0x37: {  	p0 =	sne.s32 s3, s9  }
.Ltmp2:
0x38: {  	[bflag:$0x0] =	sbarrier.arrive $0xFFFF;
	(pc) =	sbr.rel @p0 .LBB2_1-.Ltmp2, $4  }
0x39: {  	[hbm:s16], [sflag:s6] =	dma.local [spmem:s10], $0x2800  }
0x3a: {  	_ =	swait.ge [sflag:s11], $0x2800  }
0x3b: {  	[sflag:s11] =	ssyncset.done $0x0  }
0x3c: {  	[sflag:s11] =	ssyncadd.s32 $0xFFFFD800  }
0x3d: {  	_ =	sfence.sel $0x180000  }
0x3e: {  	[bflag:$0x0] =	sbarrier.arrive $0xFFFF  }
0x3f: {  	p0 =	sne.s32 s1, $0x0;
	_ =	strace $0x90000053  }
0x40: {  	s0 =	sadd.s32 @!p0 $0x100000, s0;
	[bflag:$0x2] =	sbarrier.arrive $0xFFFF  }
0x41: {  	[sflag:s0] =	ssyncadd.tile.s32 @!p0 $0x1;
	_ =	shalt  }
.Lfunc_end2:
_tile_overlayer_lowered:
.L_overlay_start_2:
0x42: {  	(tag) =	ssettag $0x2  }
0x43: {  	s0 =	rddreg [dreg:$0x0];
	s2 =	stileid.u32  }
0x44: {  	s1 =	rddreg [dreg:$0x1];
	p0 =	sne.s32 s2, $0x0  }
0x45: {  	s3 =	rddreg [dreg:$0x2];
	[bflag:$0x3] =	sbarrier.arrive $0xFFFF;
	s2 =	simm.s32 @!p0 $0x1C02  }
0x46: {  	[timem:s3], [sflag:s2] =	dma.local @!p0 [hbm:s0], s1  }
0x47: {  	s0 =	simm.s32 @!p0 $0x2  }
0x48: {  	_ =	swait.ge @!p0 [sflag:s0], s1  }
0x49: {  	s1 =	ssub.s32 @!p0 $0x0, s1;
	[sflag:s0] =	ssyncset.done @!p0 $0x0  }
0x4a: {  	[sflag:s0] =	ssyncadd.s32 @!p0 s1  }
0x4b: {  	[bflag:$0x3] =	sbarrier.arrive $0xFFFF  }
0x4c: {  	_ =	shalt  }

</sc_bundles>
